<compile_context>
chip_gen: v7x
topology: tpu7x:2x2x1
jax: 0.10.2.dev20260603
libtpu: 0.0.44.dev20260713+nightly
codegen_flags: <defaults>
</compile_context>

<pallas_src>
import functools

import jax
import jax.numpy as jnp
from jax import lax
from jax.experimental import pallas as pl
from jax.experimental.pallas import tpu as pltpu
from jax.experimental.pallas import tpu_sc as plsc

NC = 2
NS = 16
LANES = 16
NW = NC * NS

CH = 80


def _sc_spmm(emb, src, dst, w, zeros):
    N, D = emb.shape
    E = src.shape[0]
    epw = E // NW
    n_chunks = epw // CH
    Np = zeros.shape[0]
    rows_per_tile = Np // NS

    mesh = plsc.VectorSubcoreMesh(core_axis_name="c", subcore_axis_name="s")

    assert n_chunks % 2 == 1

    @functools.partial(
        pl.kernel,
        out_type=jax.ShapeDtypeStruct((NC, Np, D), jnp.float32),
        mesh=mesh,
        compiler_params=pltpu.CompilerParams(needs_layout_passes=False,
                                             use_tc_tiling_on_sc=False),
        scratch_types=[
            pltpu.VMEM_SHARED((Np, D), jnp.float32),
            pltpu.VMEM((epw,), jnp.int32),
            pltpu.VMEM((epw,), jnp.float32),
            pltpu.VMEM((CH,), jnp.int32),
            pltpu.VMEM((CH,), jnp.int32),
            pltpu.VMEM((CH, D), jnp.float32),
            pltpu.VMEM((CH, D), jnp.float32),
            pltpu.SemaphoreType.DMA,
            pltpu.SemaphoreType.DMA,
            pltpu.SemaphoreType.DMA,
            pltpu.SemaphoreType.DMA,
        ],
    )
    def spmm(emb_hbm, src_hbm, dst_hbm, w_hbm, zeros_hbm, parts_hbm,
             agg_sh, src_v, w_v, dbuf0, dbuf1, rows0, rows1,
             gsem0, gsem1, dsem0, dsem1):
        c = lax.axis_index("c")
        s = lax.axis_index("s")
        wid = s * NC + c
        r0 = s * rows_per_tile
        pltpu.sync_copy(zeros_hbm.at[pl.ds(r0, rows_per_tile)],
                        agg_sh.at[pl.ds(r0, rows_per_tile)])
        pltpu.sync_copy(src_hbm.at[wid], src_v)
        pltpu.sync_copy(w_hbm.at[wid], w_v)
        plsc.subcore_barrier()

        rows = (rows0, rows1)
        gsems = (gsem0, gsem1)
        dbufs = (dbuf0, dbuf1)
        dsems = (dsem0, dsem1)

        def issue_chunk(i, b):
            pltpu.async_copy(dst_hbm.at[wid, i], dbufs[b], dsems[b])
            pltpu.async_copy(emb_hbm.at[src_v.at[pl.ds(i * CH, CH)]],
                             rows[b], gsems[b])

        def wait_gather(b):
            pltpu.make_async_copy(emb_hbm.at[src_v.at[pl.ds(0, CH)]],
                                  rows[b], gsems[b]).wait()

        def mul_chunk(i, b):
            rbuf = rows[b]

            def group_body(g, _):
                w16 = w_v[pl.ds(i * CH + g * LANES, LANES)]
                for el in range(LANES):
                    wb = w16[el]
                    e = g * LANES + el
                    for k in range(D // LANES):
                        sl = pl.ds(k * LANES, LANES)
                        rbuf[e, sl] = rbuf[e, sl] * wb
                return 0

            lax.fori_loop(0, CH // LANES, group_body, 0)

        def scatter_chunk(b):
            pltpu.make_async_copy(dst_hbm.at[wid, 0], dbufs[b], dsems[b]).wait()
            pltpu.sync_copy(rows[b], agg_sh.at[dbufs[b]], add=True)

        issue_chunk(0, 0)

        @pl.loop(0, n_chunks - 1, step=2)
        def _(t):
            issue_chunk(t + 1, 1)
            wait_gather(0)
            mul_chunk(t, 0)
            scatter_chunk(0)
            issue_chunk(t + 2, 0)
            wait_gather(1)
            mul_chunk(t + 1, 1)
            scatter_chunk(1)

        wait_gather(0)
        mul_chunk(n_chunks - 1, 0)
        scatter_chunk(0)

        plsc.subcore_barrier()
        pltpu.sync_copy(agg_sh.at[pl.ds(r0, rows_per_tile)],
                        parts_hbm.at[c, pl.ds(r0, rows_per_tile)])

    return spmm(emb, src.reshape(NW, epw), dst.reshape(NW, n_chunks, CH),
                w.reshape(NW, epw), zeros)


def _tc_dense(emb, parts, W1, b1, W2, b2):
    N, D = emb.shape
    BM = 2000
    dn = (((1,), (1,)), ((), ()))

    def body(emb_ref, parts_ref, w1_ref, b1_ref, w2_ref, b2_ref, out_ref):
        x = emb_ref[...]
        agg = parts_ref[0] + parts_ref[1]
        w1 = w1_ref[...]
        w2 = w2_ref[...]
        b1v = b1_ref[...]
        b2v = b2_ref[...]
        self_emb = lax.dot_general(x, w1, dn, preferred_element_type=jnp.float32) + b1v
        neigh = lax.dot_general(agg, w2, dn, preferred_element_type=jnp.float32) + b2v
        inter = lax.dot_general(neigh * x, w2, dn,
                                preferred_element_type=jnp.float32) + b2v
        o = self_emb + neigh + inter
        out_ref[...] = jnp.where(o >= 0, o, 0.2 * o)

    return pl.pallas_call(
        body,
        grid=(N // BM,),
        in_specs=[
            pl.BlockSpec((BM, D), lambda i: (i, 0)),
            pl.BlockSpec((NC, BM, D), lambda i: (0, i, 0)),
            pl.BlockSpec((D, D), lambda i: (0, 0)),
            pl.BlockSpec((1, D), lambda i: (0, 0)),
            pl.BlockSpec((D, D), lambda i: (0, 0)),
            pl.BlockSpec((1, D), lambda i: (0, 0)),
        ],
        out_specs=pl.BlockSpec((BM, D), lambda i: (i, 0)),
        out_shape=jax.ShapeDtypeStruct((N, D), jnp.float32),
    )(emb, parts, W1, b1.reshape(1, D), W2, b2.reshape(1, D))


def kernel(embeddings, adj_edge_index, adj_edge_weight, W1, b1, W2, b2):
    N, D = embeddings.shape
    src = adj_edge_index[0]
    dst = adj_edge_index[1]
    Np = -(-N // (8 * NS)) * (8 * NS)
    zeros = jnp.zeros((Np, D), jnp.float32)
    parts = _sc_spmm(embeddings, src, dst, adj_edge_weight, zeros)
    return _tc_dense(embeddings, parts, W1, b1, W2, b2)

# --- scband reference (transcript-rebuilt; emitter-appended) ---
"""Pipeline reference for scband-ngcflayer-4982162063610 (READ-ONLY COPY).

The authoritative reference and input builder live on the scoring server;
editing this copy changes nothing except your own understanding.
"""

import jax, jax.numpy as jnp
import numpy as np

N = 10000
E = 320000
D = 128


def setup_inputs(seed: int = 0) -> dict:
    key = jax.random.key(seed)
    k0, k1, k2, k3, k4, k5, k6 = jax.random.split(key, 7)
    embeddings = jax.random.normal(k0, (N, D), dtype=jnp.float32)
    # sparse adjacency in COO form: row 0 = src, row 1 = dst
    adj_edge_index = jax.random.randint(k1, (2, E), 0, N, dtype=jnp.int32)
    adj_edge_weight = jax.random.uniform(k2, (E,), dtype=jnp.float32)
    # learned parameters of NGCFLayer (nn.Linear stores weight as [out, in])
    limit = float(np.sqrt(6.0 / (D + D)))  # xavier_uniform
    W1 = jax.random.uniform(k3, (D, D), minval=-limit, maxval=limit, dtype=jnp.float32)
    b1 = jnp.zeros((D,), dtype=jnp.float32)
    W2 = jax.random.uniform(k4, (D, D), minval=-limit, maxval=limit, dtype=jnp.float32)
    b2 = jnp.zeros((D,), dtype=jnp.float32)
    return {
        'embeddings': embeddings,
        'adj_edge_index': adj_edge_index,
        'adj_edge_weight': adj_edge_weight,
        'W1': W1, 'b1': b1, 'W2': W2, 'b2': b2,
    }


def reference(embeddings, adj_edge_index, adj_edge_weight, W1, b1, W2, b2):
    # self transform: W1(embeddings)
    self_emb = embeddings @ W1.T + b1
    # sparse.mm(adj, embeddings) -> gather from src, weight, scatter-add to dst
    src = adj_edge_index[0]
    dst = adj_edge_index[1]
    msgs = embeddings[src] * adj_edge_weight[:, None]
    agg = jnp.zeros_like(embeddings).at[dst].add(msgs)
    neighbor_emb = agg @ W2.T + b2
    # interaction term: W2(neighbor_emb * embeddings)
    interact_emb = (neighbor_emb * embeddings) @ W2.T + b2
    out = self_emb + neighbor_emb + interact_emb
    # LeakyReLU(negative_slope=0.2); eval mode so message dropout is identity
    out = jnp.where(out >= 0, out, 0.2 * out)
    return out

if __name__ == "__main__":
    import jax
    _d = setup_inputs()
    print(jax.jit(kernel)(*tuple(_d.values())))

</pallas_src>

<mosaic_0001>
#map = affine_map<(d0, d1) -> (0, 0)>
#map1 = affine_map<(d0, d1) -> (0, 0, 0)>
module attributes {stable_mosaic.version = 14 : i64} {
  func.func @spmm(%arg0: i32, %arg1: i32, %arg2: memref<10000x128xf32, #tpu.memory_space<hbm>>, %arg3: memref<32x10000xi32, #tpu.memory_space<hbm>>, %arg4: memref<32x125x80xi32, #tpu.memory_space<hbm>>, %arg5: memref<32x10000xf32, #tpu.memory_space<hbm>>, %arg6: memref<10112x128xf32, #tpu.memory_space<hbm>>, %arg7: memref<2x10112x128xf32, #tpu.memory_space<hbm>>, %arg8: memref<10112x128xf32, #tpu.memory_space<vmem_shared>>, %arg9: memref<10000xi32, #tpu.memory_space<vmem>>, %arg10: memref<10000xf32, #tpu.memory_space<vmem>>, %arg11: memref<80xi32, #tpu.memory_space<vmem>>, %arg12: memref<80xi32, #tpu.memory_space<vmem>>, %arg13: memref<80x128xf32, #tpu.memory_space<vmem>>, %arg14: memref<80x128xf32, #tpu.memory_space<vmem>>, %arg15: memref<!tpu.dma_semaphore, #tpu.memory_space<semaphore_mem>>, %arg16: memref<!tpu.dma_semaphore, #tpu.memory_space<semaphore_mem>>, %arg17: memref<!tpu.dma_semaphore, #tpu.memory_space<semaphore_mem>>, %arg18: memref<!tpu.dma_semaphore, #tpu.memory_space<semaphore_mem>>) attributes {dimension_semantics = [#tpu.dimension_semantics<core_parallel>, #tpu.dimension_semantics<subcore_parallel>], iteration_bounds = array<i64: 2, 16>, scalar_prefetch = 0 : i64, scratch_operands = 11 : i64, tpu.core_type = #tpu.core_type<sc_vector_subcore>, window_params = [{transform_indices = #map}, {transform_indices = #map}, {transform_indices = #map1}, {transform_indices = #map}, {transform_indices = #map}, {transform_indices = #map1}]} {
    %mul3A = arith.constant 2 : i32
    %mul3A_0 = arith.muli %arg1, %mul3A : i32
    %add3A = arith.addi %mul3A_0, %arg0 : i32
    %mul3A_1 = arith.constant 632 : i32
    %mul3A_2 = arith.muli %arg1, %mul3A_1 : i32
    "tpu.region"() ({
      %run_scoped3A = tpu.sem_alloc : memref<!tpu.dma_semaphore, #tpu.memory_space<semaphore_mem>>
      %dma_start3A_37 = arith.constant 0 : i32
      %dma_start3A_38 = tpu.memref_slice %arg8[%mul3A_2, %dma_start3A_37] : memref<10112x128xf32, #tpu.memory_space<vmem_shared>> -> memref<632x128xf32, #tpu.memory_space<vmem_shared>>
      %dma_start3A_39 = arith.constant 0 : i32
      %dma_start3A_40 = tpu.memref_slice %arg6[%mul3A_2, %dma_start3A_39] : memref<10112x128xf32, #tpu.memory_space<hbm>> -> memref<632x128xf32, #tpu.memory_space<hbm>>
      tpu.enqueue_dma source(%dma_start3A_40 : memref<632x128xf32, #tpu.memory_space<hbm>>) target(%dma_start3A_38 : memref<632x128xf32, #tpu.memory_space<vmem_shared>>) target_semaphore(%run_scoped3A : memref<!tpu.dma_semaphore, #tpu.memory_space<semaphore_mem>>)
      %dma_wait3A_41 = arith.constant 0 : i32
      %dma_wait3A_42 = tpu.memref_slice %arg8[%mul3A_2, %dma_wait3A_41] : memref<10112x128xf32, #tpu.memory_space<vmem_shared>> -> memref<632x128xf32, #tpu.memory_space<vmem_shared>>
      %dma_wait3A_43 = arith.constant 0 : i32
      %dma_wait3A_44 = tpu.memref_slice %arg6[%mul3A_2, %dma_wait3A_43] : memref<10112x128xf32, #tpu.memory_space<hbm>> -> memref<632x128xf32, #tpu.memory_space<hbm>>
      tpu.wait_dma2 semaphore(%run_scoped3A : memref<!tpu.dma_semaphore, #tpu.memory_space<semaphore_mem>>) src(%dma_wait3A_44 : memref<632x128xf32, #tpu.memory_space<hbm>>) dst(%dma_wait3A_42 : memref<632x128xf32, #tpu.memory_space<vmem_shared>>)
      tpu.yield
    }) : () -> ()
    "tpu.region"() ({
      %run_scoped3A = tpu.sem_alloc : memref<!tpu.dma_semaphore, #tpu.memory_space<semaphore_mem>>
      %dma_start3A_37 = arith.constant 0 : i32
      %dma_start3A_38 = tpu.memref_slice %arg3[%add3A, %dma_start3A_37] : memref<32x10000xi32, #tpu.memory_space<hbm>> -> memref<1x10000xi32, #tpu.memory_space<hbm>>
      %dma_start3A_39 = tpu.memref_squeeze %dma_start3A_38 : memref<1x10000xi32, #tpu.memory_space<hbm>> -> memref<10000xi32, #tpu.memory_space<hbm>>
      %dma_start3A_40 = arith.constant 0 : i32
      %dma_start3A_41 = tpu.memref_slice %arg3[%add3A, %dma_start3A_40] : memref<32x10000xi32, #tpu.memory_space<hbm>> -> memref<1x10000xi32, #tpu.memory_space<hbm>>
      %dma_start3A_42 = tpu.memref_squeeze %dma_start3A_41 : memref<1x10000xi32, #tpu.memory_space<hbm>> -> memref<10000xi32, #tpu.memory_space<hbm>>
      tpu.enqueue_dma source(%dma_start3A_42 : memref<10000xi32, #tpu.memory_space<hbm>>) target(%arg9 : memref<10000xi32, #tpu.memory_space<vmem>>) target_semaphore(%run_scoped3A : memref<!tpu.dma_semaphore, #tpu.memory_space<semaphore_mem>>)
      %dma_wait3A_43 = arith.constant 0 : i32
      %dma_wait3A_44 = tpu.memref_slice %arg3[%add3A, %dma_wait3A_43] : memref<32x10000xi32, #tpu.memory_space<hbm>> -> memref<1x10000xi32, #tpu.memory_space<hbm>>
      %dma_wait3A_45 = tpu.memref_squeeze %dma_wait3A_44 : memref<1x10000xi32, #tpu.memory_space<hbm>> -> memref<10000xi32, #tpu.memory_space<hbm>>
      %dma_wait3A_46 = arith.constant 0 : i32
      %dma_wait3A_47 = tpu.memref_slice %arg3[%add3A, %dma_wait3A_46] : memref<32x10000xi32, #tpu.memory_space<hbm>> -> memref<1x10000xi32, #tpu.memory_space<hbm>>
      %dma_wait3A_48 = tpu.memref_squeeze %dma_wait3A_47 : memref<1x10000xi32, #tpu.memory_space<hbm>> -> memref<10000xi32, #tpu.memory_space<hbm>>
      tpu.wait_dma2 semaphore(%run_scoped3A : memref<!tpu.dma_semaphore, #tpu.memory_space<semaphore_mem>>) src(%dma_wait3A_48 : memref<10000xi32, #tpu.memory_space<hbm>>) dst(%arg9 : memref<10000xi32, #tpu.memory_space<vmem>>)
      tpu.yield
    }) : () -> ()
    "tpu.region"() ({
      %run_scoped3A = tpu.sem_alloc : memref<!tpu.dma_semaphore, #tpu.memory_space<semaphore_mem>>
      %dma_start3A_37 = arith.constant 0 : i32
      %dma_start3A_38 = tpu.memref_slice %arg5[%add3A, %dma_start3A_37] : memref<32x10000xf32, #tpu.memory_space<hbm>> -> memref<1x10000xf32, #tpu.memory_space<hbm>>
      %dma_start3A_39 = tpu.memref_squeeze %dma_start3A_38 : memref<1x10000xf32, #tpu.memory_space<hbm>> -> memref<10000xf32, #tpu.memory_space<hbm>>
      %dma_start3A_40 = arith.constant 0 : i32
      %dma_start3A_41 = tpu.memref_slice %arg5[%add3A, %dma_start3A_40] : memref<32x10000xf32, #tpu.memory_space<hbm>> -> memref<1x10000xf32, #tpu.memory_space<hbm>>
      %dma_start3A_42 = tpu.memref_squeeze %dma_start3A_41 : memref<1x10000xf32, #tpu.memory_space<hbm>> -> memref<10000xf32, #tpu.memory_space<hbm>>
      tpu.enqueue_dma source(%dma_start3A_42 : memref<10000xf32, #tpu.memory_space<hbm>>) target(%arg10 : memref<10000xf32, #tpu.memory_space<vmem>>) target_semaphore(%run_scoped3A : memref<!tpu.dma_semaphore, #tpu.memory_space<semaphore_mem>>)
      %dma_wait3A_43 = arith.constant 0 : i32
      %dma_wait3A_44 = tpu.memref_slice %arg5[%add3A, %dma_wait3A_43] : memref<32x10000xf32, #tpu.memory_space<hbm>> -> memref<1x10000xf32, #tpu.memory_space<hbm>>
      %dma_wait3A_45 = tpu.memref_squeeze %dma_wait3A_44 : memref<1x10000xf32, #tpu.memory_space<hbm>> -> memref<10000xf32, #tpu.memory_space<hbm>>
      %dma_wait3A_46 = arith.constant 0 : i32
      %dma_wait3A_47 = tpu.memref_slice %arg5[%add3A, %dma_wait3A_46] : memref<32x10000xf32, #tpu.memory_space<hbm>> -> memref<1x10000xf32, #tpu.memory_space<hbm>>
      %dma_wait3A_48 = tpu.memref_squeeze %dma_wait3A_47 : memref<1x10000xf32, #tpu.memory_space<hbm>> -> memref<10000xf32, #tpu.memory_space<hbm>>
      tpu.wait_dma2 semaphore(%run_scoped3A : memref<!tpu.dma_semaphore, #tpu.memory_space<semaphore_mem>>) src(%dma_wait3A_48 : memref<10000xf32, #tpu.memory_space<hbm>>) dst(%arg10 : memref<10000xf32, #tpu.memory_space<vmem>>)
      tpu.yield
    }) : () -> ()
    %barrier3A = arith.constant 0 : index
    tpu.barrier barrier_id(%barrier3A)
    %dma_start3A = arith.constant 0 : i32
    %dma_start3A_3 = arith.constant 0 : i32
    %dma_start3A_4 = tpu.memref_slice %arg4[%add3A, %dma_start3A, %dma_start3A_3] : memref<32x125x80xi32, #tpu.memory_space<hbm>> -> memref<1x1x80xi32, #tpu.memory_space<hbm>>
    %dma_start3A_5 = tpu.memref_squeeze %dma_start3A_4 : memref<1x1x80xi32, #tpu.memory_space<hbm>> -> memref<80xi32, #tpu.memory_space<hbm>>
    %dma_start3A_6 = arith.constant 0 : i32
    %dma_start3A_7 = tpu.memref_slice %arg4[%add3A, %dma_start3A, %dma_start3A_6] : memref<32x125x80xi32, #tpu.memory_space<hbm>> -> memref<1x1x80xi32, #tpu.memory_space<hbm>>
    %dma_start3A_8 = tpu.memref_squeeze %dma_start3A_7 : memref<1x1x80xi32, #tpu.memory_space<hbm>> -> memref<80xi32, #tpu.memory_space<hbm>>
    tpu.enqueue_dma source(%dma_start3A_8 : memref<80xi32, #tpu.memory_space<hbm>>) target(%arg11 : memref<80xi32, #tpu.memory_space<vmem>>) target_semaphore(%arg17 : memref<!tpu.dma_semaphore, #tpu.memory_space<semaphore_mem>>)
    %dma_start3A_9 = arith.constant 0 : i32
    %dma_start3A_10 = tpu.memref_slice %arg9[%dma_start3A_9] : memref<10000xi32, #tpu.memory_space<vmem>> -> memref<80xi32, #tpu.memory_space<vmem>>
    %dma_start3A_11 = arith.constant 0 : i32
    %dma_start3A_12 = arith.constant 0 : i32
    %dma_start3A_13 = tpu.memref_slice %arg2[%dma_start3A_11, %dma_start3A_12] : memref<10000x128xf32, #tpu.memory_space<hbm>> -> memref<10000x128xf32, #tpu.memory_space<hbm>>
    tpu.enqueue_indirect_dma source(%dma_start3A_13 : memref<10000x128xf32, #tpu.memory_space<hbm>>) target(%arg13 : memref<80x128xf32, #tpu.memory_space<vmem>>) offsets(%dma_start3A_10 : memref<80xi32, #tpu.memory_space<vmem>>) semaphore(%arg15 : memref<!tpu.dma_semaphore, #tpu.memory_space<semaphore_mem>>)
    %scan3A = arith.constant 0 : i32
    %scan3A_14 = arith.constant 62 : i32
    %scan3A_15 = arith.addi %scan3A, %scan3A_14 : i32
    %scan3A_16 = arith.constant 1 : i32
    scf.for %scan3A_37 = %scan3A to %scan3A_15 step %scan3A_16  : i32 {
      %mul3A_38 = arith.constant 2 : i32
      %mul3A_39 = arith.muli %scan3A_37, %mul3A_38 : i32
      %add3A_40 = arith.constant 0 : i32
      %add3A_41 = arith.addi %add3A_40, %mul3A_39 : i32
      %add3A_42 = arith.constant 1 : i32
      %add3A_43 = arith.addi %add3A_41, %add3A_42 : i32
      %dma_start3A_44 = arith.constant 0 : i32
      %dma_start3A_45 = tpu.memref_slice %arg4[%add3A, %add3A_43, %dma_start3A_44] : memref<32x125x80xi32, #tpu.memory_space<hbm>> -> memref<1x1x80xi32, #tpu.memory_space<hbm>>
      %dma_start3A_46 = tpu.memref_squeeze %dma_start3A_45 : memref<1x1x80xi32, #tpu.memory_space<hbm>> -> memref<80xi32, #tpu.memory_space<hbm>>
      %dma_start3A_47 = arith.constant 0 : i32
      %dma_start3A_48 = tpu.memref_slice %arg4[%add3A, %add3A_43, %dma_start3A_47] : memref<32x125x80xi32, #tpu.memory_space<hbm>> -> memref<1x1x80xi32, #tpu.memory_space<hbm>>
      %dma_start3A_49 = tpu.memref_squeeze %dma_start3A_48 : memref<1x1x80xi32, #tpu.memory_space<hbm>> -> memref<80xi32, #tpu.memory_space<hbm>>
      tpu.enqueue_dma source(%dma_start3A_49 : memref<80xi32, #tpu.memory_space<hbm>>) target(%arg12 : memref<80xi32, #tpu.memory_space<vmem>>) target_semaphore(%arg18 : memref<!tpu.dma_semaphore, #tpu.memory_space<semaphore_mem>>)
      %mul3A_50 = arith.constant 80 : i32
      %mul3A_51 = arith.muli %add3A_43, %mul3A_50 : i32
      %dma_start3A_52 = tpu.memref_slice %arg9[%mul3A_51] : memref<10000xi32, #tpu.memory_space<vmem>> -> memref<80xi32, #tpu.memory_space<vmem>>
      %dma_start3A_53 = arith.constant 0 : i32
      %dma_start3A_54 = arith.constant 0 : i32
      %dma_start3A_55 = tpu.memref_slice %arg2[%dma_start3A_53, %dma_start3A_54] : memref<10000x128xf32, #tpu.memory_space<hbm>> -> memref<10000x128xf32, #tpu.memory_space<hbm>>
      tpu.enqueue_indirect_dma source(%dma_start3A_55 : memref<10000x128xf32, #tpu.memory_space<hbm>>) target(%arg14 : memref<80x128xf32, #tpu.memory_space<vmem>>) offsets(%dma_start3A_52 : memref<80xi32, #tpu.memory_space<vmem>>) semaphore(%arg16 : memref<!tpu.dma_semaphore, #tpu.memory_space<semaphore_mem>>)
      %dma_wait3A_56 = arith.constant 0 : i32
      %dma_wait3A_57 = tpu.memref_slice %arg9[%dma_wait3A_56] : memref<10000xi32, #tpu.memory_space<vmem>> -> memref<80xi32, #tpu.memory_space<vmem>>
      %dma_wait3A_58 = arith.constant 0 : i32
      %dma_wait3A_59 = arith.constant 0 : i32
      %dma_wait3A_60 = tpu.memref_slice %arg2[%dma_wait3A_58, %dma_wait3A_59] : memref<10000x128xf32, #tpu.memory_space<hbm>> -> memref<10000x128xf32, #tpu.memory_space<hbm>>
      tpu.wait_indirect_dma semaphore(%arg15 : memref<!tpu.dma_semaphore, #tpu.memory_space<semaphore_mem>>) src(%dma_wait3A_60 : memref<10000x128xf32, #tpu.memory_space<hbm>>) dst(%arg13 : memref<80x128xf32, #tpu.memory_space<vmem>>)
      %scan3A_61 = arith.constant 0 : i32
      %scan3A_62 = arith.constant 0 : i32
      %scan3A_63 = arith.constant 5 : i32
      %scan3A_64 = arith.addi %scan3A_62, %scan3A_63 : i32
      %scan3A_65 = arith.constant 1 : i32
      %scan3A_66 = scf.for %scan3A_110 = %scan3A_62 to %scan3A_64 step %scan3A_65 iter_args(%scan3A_111 = %scan3A_61) -> (i32)  : i32 {
        %mul3A_112 = arith.constant 80 : i32
        %mul3A_113 = arith.muli %add3A_41, %mul3A_112 : i32
        %mul3A_114 = arith.constant 16 : i32
        %mul3A_115 = arith.muli %scan3A_110, %mul3A_114 : i32
        %add3A_116 = arith.addi %mul3A_113, %mul3A_115 : i32
        %get3A = arith.index_cast %add3A_116 : i32 to index
        %get3A_117 = tpu.vector_load %arg10[%get3A] {strides = array<i32>} : memref<10000xf32, #tpu.memory_space<vmem>>, vector<16xf32>,
        %slice3A = vector.extract_strided_slice %get3A_117 {offsets = [0], sizes = [1], strides = [1]} : vector<16xf32> to vector<1xf32>
        %squeeze3A = vector.extract %slice3A[0] : f32 from vector<1xf32>
        %mul3A_118 = arith.constant 16 : i32
        %mul3A_119 = arith.muli %scan3A_110, %mul3A_118 : i32
        %add3A_120 = arith.constant 0 : i32
        %add3A_121 = arith.addi %mul3A_119, %add3A_120 : i32
        %get3A_122 = arith.index_cast %add3A_121 : i32 to index
        %get3A_123 = arith.constant 0 : index
        %get3A_124 = tpu.vector_load %arg13[%get3A_122, %get3A_123] {strides = array<i32>} : memref<80x128xf32, #tpu.memory_space<vmem>>, vector<16xf32>,
        %mul3A_125 = vector.broadcast %squeeze3A : f32 to vector<16xf32>
        %mul3A_126 = arith.mulf %get3A_124, %mul3A_125 : vector<16xf32>
        %swap3A = arith.index_cast %add3A_121 : i32 to index
        %swap3A_127 = arith.constant 0 : index
        %swap3A_128 = tpu.vector_load %arg13[%swap3A, %swap3A_127] {strides = array<i32>} : memref<80x128xf32, #tpu.memory_space<vmem>>, vector<16xf32>,
        tpu.vector_store %arg13[%swap3A, %swap3A_127], %mul3A_126 {strides = array<i32>} : memref<80x128xf32, #tpu.memory_space<vmem>>, vector<16xf32>,
        %get3A_129 = arith.index_cast %add3A_121 : i32 to index
        %get3A_130 = arith.constant 16 : index
        %get3A_131 = tpu.vector_load %arg13[%get3A_129, %get3A_130] {strides = array<i32>} : memref<80x128xf32, #tpu.memory_space<vmem>>, vector<16xf32>,
        %mul3A_132 = vector.broadcast %squeeze3A : f32 to vector<16xf32>
        %mul3A_133 = arith.mulf %get3A_131, %mul3A_132 : vector<16xf32>
        %swap3A_134 = arith.index_cast %add3A_121 : i32 to index
        %swap3A_135 = arith.constant 16 : index
        %swap3A_136 = tpu.vector_load %arg13[%swap3A_134, %swap3A_135] {strides = array<i32>} : memref<80x128xf32, #tpu.memory_space<vmem>>, vector<16xf32>,
        tpu.vector_store %arg13[%swap3A_134, %swap3A_135], %mul3A_133 {strides = array<i32>} : memref<80x128xf32, #tpu.memory_space<vmem>>, vector<16xf32>,
        %get3A_137 = arith.index_cast %add3A_121 : i32 to index
        %get3A_138 = arith.constant 32 : index
        %get3A_139 = tpu.vector_load %arg13[%get3A_137, %get3A_138] {strides = array<i32>} : memref<80x128xf32, #tpu.memory_space<vmem>>, vector<16xf32>,
        %mul3A_140 = vector.broadcast %squeeze3A : f32 to vector<16xf32>
        %mul3A_141 = arith.mulf %get3A_139, %mul3A_140 : vector<16xf32>
        %swap3A_142 = arith.index_cast %add3A_121 : i32 to index
        %swap3A_143 = arith.constant 32 : index
        %swap3A_144 = tpu.vector_load %arg13[%swap3A_142, %swap3A_143] {strides = array<i32>} : memref<80x128xf32, #tpu.memory_space<vmem>>, vector<16xf32>,
        tpu.vector_store %arg13[%swap3A_142, %swap3A_143], %mul3A_141 {strides = array<i32>} : memref<80x128xf32, #tpu.memory_space<vmem>>, vector<16xf32>,
        %get3A_145 = arith.index_cast %add3A_121 : i32 to index
        %get3A_146 = arith.constant 48 : index
        %get3A_147 = tpu.vector_load %arg13[%get3A_145, %get3A_146] {strides = array<i32>} : memref<80x128xf32, #tpu.memory_space<vmem>>, vector<16xf32>,
        %mul3A_148 = vector.broadcast %squeeze3A : f32 to vector<16xf32>
        %mul3A_149 = arith.mulf %get3A_147, %mul3A_148 : vector<16xf32>
        %swap3A_150 = arith.index_cast %add3A_121 : i32 to index
        %swap3A_151 = arith.constant 48 : index
        %swap3A_152 = tpu.vector_load %arg13[%swap3A_150, %swap3A_151] {strides = array<i32>} : memref<80x128xf32, #tpu.memory_space<vmem>>, vector<16xf32>,
        tpu.vector_store %arg13[%swap3A_150, %swap3A_151], %mul3A_149 {strides = array<i32>} : memref<80x128xf32, #tpu.memory_space<vmem>>, vector<16xf32>,
        %get3A_153 = arith.index_cast %add3A_121 : i32 to index
        %get3A_154 = arith.constant 64 : index
        %get3A_155 = tpu.vector_load %arg13[%get3A_153, %get3A_154] {strides = array<i32>} : memref<80x128xf32, #tpu.memory_space<vmem>>, vector<16xf32>,
        %mul3A_156 = vector.broadcast %squeeze3A : f32 to vector<16xf32>
        %mul3A_157 = arith.mulf %get3A_155, %mul3A_156 : vector<16xf32>
        %swap3A_158 = arith.index_cast %add3A_121 : i32 to index
        %swap3A_159 = arith.constant 64 : index
        %swap3A_160 = tpu.vector_load %arg13[%swap3A_158, %swap3A_159] {strides = array<i32>} : memref<80x128xf32, #tpu.memory_space<vmem>>, vector<16xf32>,
        tpu.vector_store %arg13[%swap3A_158, %swap3A_159], %mul3A_157 {strides = array<i32>} : memref<80x128xf32, #tpu.memory_space<vmem>>, vector<16xf32>,
        %get3A_161 = arith.index_cast %add3A_121 : i32 to index
        %get3A_162 = arith.constant 80 : index
        %get3A_163 = tpu.vector_load %arg13[%get3A_161, %get3A_162] {strides = array<i32>} : memref<80x128xf32, #tpu.memory_space<vmem>>, vector<16xf32>,
        %mul3A_164 = vector.broadcast %squeeze3A : f32 to vector<16xf32>
        %mul3A_165 = arith.mulf %get3A_163, %mul3A_164 : vector<16xf32>
        %swap3A_166 = arith.index_cast %add3A_121 : i32 to index
        %swap3A_167 = arith.constant 80 : index
        %swap3A_168 = tpu.vector_load %arg13[%swap3A_166, %swap3A_167] {strides = array<i32>} : memref<80x128xf32, #tpu.memory_space<vmem>>, vector<16xf32>,
        tpu.vector_store %arg13[%swap3A_166, %swap3A_167], %mul3A_165 {strides = array<i32>} : memref<80x128xf32, #tpu.memory_space<vmem>>, vector<16xf32>,
        %get3A_169 = arith.index_cast %add3A_121 : i32 to index
        %get3A_170 = arith.constant 96 : index
        %get3A_171 = tpu.vector_load %arg13[%get3A_169, %get3A_170] {strides = array<i32>} : memref<80x128xf32, #tpu.memory_space<vmem>>, vector<16xf32>,
        %mul3A_172 = vector.broadcast %squeeze3A : f32 to vector<16xf32>
        %mul3A_173 = arith.mulf %get3A_171, %mul3A_172 : vector<16xf32>
        %swap3A_174 = arith.index_cast %add3A_121 : i32 to index
        %swap3A_175 = arith.constant 96 : index
        %swap3A_176 = tpu.vector_load %arg13[%swap3A_174, %swap3A_175] {strides = array<i32>} : memref<80x128xf32, #tpu.memory_space<vmem>>, vector<16xf32>,
        tpu.vector_store %arg13[%swap3A_174, %swap3A_175], %mul3A_173 {strides = array<i32>} : memref<80x128xf32, #tpu.memory_space<vmem>>, vector<16xf32>,
        %get3A_177 = arith.index_cast %add3A_121 : i32 to index
        %get3A_178 = arith.constant 112 : index
        %get3A_179 = tpu.vector_load %arg13[%get3A_177, %get3A_178] {strides = array<i32>} : memref<80x128xf32, #tpu.memory_space<vmem>>, vector<16xf32>,
        %mul3A_180 = vector.broadcast %squeeze3A : f32 to vector<16xf32>
        %mul3A_181 = arith.mulf %get3A_179, %mul3A_180 : vector<16xf32>
        %swap3A_182 = arith.index_cast %add3A_121 : i32 to index
        %swap3A_183 = arith.constant 112 : index
        %swap3A_184 = tpu.vector_load %arg13[%swap3A_182, %swap3A_183] {strides = array<i32>} : memref<80x128xf32, #tpu.memory_space<vmem>>, vector<16xf32>,
        tpu.vector_store %arg13[%swap3A_182, %swap3A_183], %mul3A_181 {strides = array<i32>} : memref<80x128xf32, #tpu.memory_space<vmem>>, vector<16xf32>,
        %slice3A_185 = vector.extract_strided_slice %get3A_117 {offsets = [1], sizes = [1], strides = [1]} : vector<16xf32> to vector<1xf32>
        %squeeze3A_186 = vector.extract %slice3A_185[0] : f32 from vector<1xf32>
        %mul3A_187 = arith.constant 16 : i32
        %mul3A_188 = arith.muli %scan3A_110, %mul3A_187 : i32
        %add3A_189 = arith.constant 1 : i32
        %add3A_190 = arith.addi %mul3A_188, %add3A_189 : i32
        %get3A_191 = arith.index_cast %add3A_190 : i32 to index
        %get3A_192 = arith.constant 0 : index
        %get3A_193 = tpu.vector_load %arg13[%get3A_191, %get3A_192] {strides = array<i32>} : memref<80x128xf32, #tpu.memory_space<vmem>>, vector<16xf32>,
        %mul3A_194 = vector.broadcast %squeeze3A_186 : f32 to vector<16xf32>
        %mul3A_195 = arith.mulf %get3A_193, %mul3A_194 : vector<16xf32>
        %swap3A_196 = arith.index_cast %add3A_190 : i32 to index
        %swap3A_197 = arith.constant 0 : index
        %swap3A_198 = tpu.vector_load %arg13[%swap3A_196, %swap3A_197] {strides = array<i32>} : memref<80x128xf32, #tpu.memory_space<vmem>>, vector<16xf32>,
        tpu.vector_store %arg13[%swap3A_196, %swap3A_197], %mul3A_195 {strides = array<i32>} : memref<80x128xf32, #tpu.memory_space<vmem>>, vector<16xf32>,
        %get3A_199 = arith.index_cast %add3A_190 : i32 to index
        %get3A_200 = arith.constant 16 : index
        %get3A_201 = tpu.vector_load %arg13[%get3A_199, %get3A_200] {strides = array<i32>} : memref<80x128xf32, #tpu.memory_space<vmem>>, vector<16xf32>,
        %mul3A_202 = vector.broadcast %squeeze3A_186 : f32 to vector<16xf32>
        %mul3A_203 = arith.mulf %get3A_201, %mul3A_202 : vector<16xf32>
        %swap3A_204 = arith.index_cast %add3A_190 : i32 to index
        %swap3A_205 = arith.constant 16 : index
        %swap3A_206 = tpu.vector_load %arg13[%swap3A_204, %swap3A_205] {strides = array<i32>} : memref<80x128xf32, #tpu.memory_space<vmem>>, vector<16xf32>,
        tpu.vector_store %arg13[%swap3A_204, %swap3A_205], %mul3A_203 {strides = array<i32>} : memref<80x128xf32, #tpu.memory_space<vmem>>, vector<16xf32>,
        %get3A_207 = arith.index_cast %add3A_190 : i32 to index
        %get3A_208 = arith.constant 32 : index
        %get3A_209 = tpu.vector_load %arg13[%get3A_207, %get3A_208] {strides = array<i32>} : memref<80x128xf32, #tpu.memory_space<vmem>>, vector<16xf32>,
        %mul3A_210 = vector.broadcast %squeeze3A_186 : f32 to vector<16xf32>
        %mul3A_211 = arith.mulf %get3A_209, %mul3A_210 : vector<16xf32>
        %swap3A_212 = arith.index_cast %add3A_190 : i32 to index
        %swap3A_213 = arith.constant 32 : index
        %swap3A_214 = tpu.vector_load %arg13[%swap3A_212, %swap3A_213] {strides = array<i32>} : memref<80x128xf32, #tpu.memory_space<vmem>>, vector<16xf32>,
        tpu.vector_store %arg13[%swap3A_212, %swap3A_213], %mul3A_211 {strides = array<i32>} : memref<80x128xf32, #tpu.memory_space<vmem>>, vector<16xf32>,
        %get3A_215 = arith.index_cast %add3A_190 : i32 to index
        %get3A_216 = arith.constant 48 : index
        %get3A_217 = tpu.vector_load %arg13[%get3A_215, %get3A_216] {strides = array<i32>} : memref<80x128xf32, #tpu.memory_space<vmem>>, vector<16xf32>,
        %mul3A_218 = vector.broadcast %squeeze3A_186 : f32 to vector<16xf32>
        %mul3A_219 = arith.mulf %get3A_217, %mul3A_218 : vector<16xf32>
        %swap3A_220 = arith.index_cast %add3A_190 : i32 to index
        %swap3A_221 = arith.constant 48 : index
        %swap3A_222 = tpu.vector_load %arg13[%swap3A_220, %swap3A_221] {strides = array<i32>} : memref<80x128xf32, #tpu.memory_space<vmem>>, vector<16xf32>,
        tpu.vector_store %arg13[%swap3A_220, %swap3A_221], %mul3A_219 {strides = array<i32>} : memref<80x128xf32, #tpu.memory_space<vmem>>, vector<16xf32>,
        %get3A_223 = arith.index_cast %add3A_190 : i32 to index
        %get3A_224 = arith.constant 64 : index
        %get3A_225 = tpu.vector_load %arg13[%get3A_223, %get3A_224] {strides = array<i32>} : memref<80x128xf32, #tpu.memory_space<vmem>>, vector<16xf32>,
        %mul3A_226 = vector.broadcast %squeeze3A_186 : f32 to vector<16xf32>
        %mul3A_227 = arith.mulf %get3A_225, %mul3A_226 : vector<16xf32>
        %swap3A_228 = arith.index_cast %add3A_190 : i32 to index
        %swap3A_229 = arith.constant 64 : index
        %swap3A_230 = tpu.vector_load %arg13[%swap3A_228, %swap3A_229] {strides = array<i32>} : memref<80x128xf32, #tpu.memory_space<vmem>>, vector<16xf32>,
        tpu.vector_store %arg13[%swap3A_228, %swap3A_229], %mul3A_227 {strides = array<i32>} : memref<80x128xf32, #tpu.memory_space<vmem>>, vector<16xf32>,
        %get3A_231 = arith.index_cast %add3A_190 : i32 to index
        %get3A_232 = arith.constant 80 : index
        %get3A_233 = tpu.vector_load %arg13[%get3A_231, %get3A_232] {strides = array<i32>} : memref<80x128xf32, #tpu.memory_space<vmem>>, vector<16xf32>,
        %mul3A_234 = vector.broadcast %squeeze3A_186 : f32 to vector<16xf32>
        %mul3A_235 = arith.mulf %get3A_233, %mul3A_234 : vector<16xf32>
        %swap3A_236 = arith.index_cast %add3A_190 : i32 to index
        %swap3A_237 = arith.constant 80 : index
        %swap3A_238 = tpu.vector_load %arg13[%swap3A_236, %swap3A_237] {strides = array<i32>} : memref<80x128xf32, #tpu.memory_space<vmem>>, vector<16xf32>,
        tpu.vector_store %arg13[%swap3A_236, %swap3A_237], %mul3A_235 {strides = array<i32>} : memref<80x128xf32, #tpu.memory_space<vmem>>, vector<16xf32>,
        %get3A_239 = arith.index_cast %add3A_190 : i32 to index
        %get3A_240 = arith.constant 96 : index
        %get3A_241 = tpu.vector_load %arg13[%get3A_239, %get3A_240] {strides = array<i32>} : memref<80x128xf32, #tpu.memory_space<vmem>>, vector<16xf32>,
        %mul3A_242 = vector.broadcast %squeeze3A_186 : f32 to vector<16xf32>
        %mul3A_243 = arith.mulf %get3A_241, %mul3A_242 : vector<16xf32>
        %swap3A_244 = arith.index_cast %add3A_190 : i32 to index
        %swap3A_245 = arith.constant 96 : index
        %swap3A_246 = tpu.vector_load %arg13[%swap3A_244, %swap3A_245] {strides = array<i32>} : memref<80x128xf32, #tpu.memory_space<vmem>>, vector<16xf32>,
        tpu.vector_store %arg13[%swap3A_244, %swap3A_245], %mul3A_243 {strides = array<i32>} : memref<80x128xf32, #tpu.memory_space<vmem>>, vector<16xf32>,
        %get3A_247 = arith.index_cast %add3A_190 : i32 to index
        %get3A_248 = arith.constant 112 : index
        %get3A_249 = tpu.vector_load %arg13[%get3A_247, %get3A_248] {strides = array<i32>} : memref<80x128xf32, #tpu.memory_space<vmem>>, vector<16xf32>,
        %mul3A_250 = vector.broadcast %squeeze3A_186 : f32 to vector<16xf32>
        %mul3A_251 = arith.mulf %get3A_249, %mul3A_250 : vector<16xf32>
        %swap3A_252 = arith.index_cast %add3A_190 : i32 to index
        %swap3A_253 = arith.constant 112 : index
        %swap3A_254 = tpu.vector_load %arg13[%swap3A_252, %swap3A_253] {strides = array<i32>} : memref<80x128xf32, #tpu.memory_space<vmem>>, vector<16xf32>,
        tpu.vector_store %arg13[%swap3A_252, %swap3A_253], %mul3A_251 {strides = array<i32>} : memref<80x128xf32, #tpu.memory_space<vmem>>, vector<16xf32>,
        %slice3A_255 = vector.extract_strided_slice %get3A_117 {offsets = [2], sizes = [1], strides = [1]} : vector<16xf32> to vector<1xf32>
        %squeeze3A_256 = vector.extract %slice3A_255[0] : f32 from vector<1xf32>
        %mul3A_257 = arith.constant 16 : i32
        %mul3A_258 = arith.muli %scan3A_110, %mul3A_257 : i32
        %add3A_259 = arith.constant 2 : i32
        %add3A_260 = arith.addi %mul3A_258, %add3A_259 : i32
        %get3A_261 = arith.index_cast %add3A_260 : i32 to index
        %get3A_262 = arith.constant 0 : index
        %get3A_263 = tpu.vector_load %arg13[%get3A_261, %get3A_262] {strides = array<i32>} : memref<80x128xf32, #tpu.memory_space<vmem>>, vector<16xf32>,
        %mul3A_264 = vector.broadcast %squeeze3A_256 : f32 to vector<16xf32>
        %mul3A_265 = arith.mulf %get3A_263, %mul3A_264 : vector<16xf32>
        %swap3A_266 = arith.index_cast %add3A_260 : i32 to index
        %swap3A_267 = arith.constant 0 : index
        %swap3A_268 = tpu.vector_load %arg13[%swap3A_266, %swap3A_267] {strides = array<i32>} : memref<80x128xf32, #tpu.memory_space<vmem>>, vector<16xf32>,
        tpu.vector_store %arg13[%swap3A_266, %swap3A_267], %mul3A_265 {strides = array<i32>} : memref<80x128xf32, #tpu.memory_space<vmem>>, vector<16xf32>,
        %get3A_269 = arith.index_cast %add3A_260 : i32 to index
        %get3A_270 = arith.constant 16 : index
        %get3A_271 = tpu.vector_load %arg13[%get3A_269, %get3A_270] {strides = array<i32>} : memref<80x128xf32, #tpu.memory_space<vmem>>, vector<16xf32>,
        %mul3A_272 = vector.broadcast %squeeze3A_256 : f32 to vector<16xf32>
        %mul3A_273 = arith.mulf %get3A_271, %mul3A_272 : vector<16xf32>
        %swap3A_274 = arith.index_cast %add3A_260 : i32 to index
        %swap3A_275 = arith.constant 16 : index
        %swap3A_276 = tpu.vector_load %arg13[%swap3A_274, %swap3A_275] {strides = array<i32>} : memref<80x128xf32, #tpu.memory_space<vmem>>, vector<16xf32>,
        tpu.vector_store %arg13[%swap3A_274, %swap3A_275], %mul3A_273 {strides = array<i32>} : memref<80x128xf32, #tpu.memory_space<vmem>>, vector<16xf32>,
        %get3A_277 = arith.index_cast %add3A_260 : i32 to index
        %get3A_278 = arith.constant 32 : index
        %get3A_279 = tpu.vector_load %arg13[%get3A_277, %get3A_278] {strides = array<i32>} : memref<80x128xf32, #tpu.memory_space<vmem>>, vector<16xf32>,
        %mul3A_280 = vector.broadcast %squeeze3A_256 : f32 to vector<16xf32>
        %mul3A_281 = arith.mulf %get3A_279, %mul3A_280 : vector<16xf32>
        %swap3A_282 = arith.index_cast %add3A_260 : i32 to index
        %swap3A_283 = arith.constant 32 : index
        %swap3A_284 = tpu.vector_load %arg13[%swap3A_282, %swap3A_283] {strides = array<i32>} : memref<80x128xf32, #tpu.memory_space<vmem>>, vector<16xf32>,
        tpu.vector_store %arg13[%swap3A_282, %swap3A_283], %mul3A_281 {strides = array<i32>} : memref<80x128xf32, #tpu.memory_space<vmem>>, vector<16xf32>,
        %get3A_285 = arith.index_cast %add3A_260 : i32 to index
        %get3A_286 = arith.constant 48 : index
        %get3A_287 = tpu.vector_load %arg13[%get3A_285, %get3A_286] {strides = array<i32>} : memref<80x128xf32, #tpu.memory_space<vmem>>, vector<16xf32>,
        %mul3A_288 = vector.broadcast %squeeze3A_256 : f32 to vector<16xf32>
        %mul3A_289 = arith.mulf %get3A_287, %mul3A_288 : vector<16xf32>
        %swap3A_290 = arith.index_cast %add3A_260 : i32 to index
        %swap3A_291 = arith.constant 48 : index
        %swap3A_292 = tpu.vector_load %arg13[%swap3A_290, %swap3A_291] {strides = array<i32>} : memref<80x128xf32, #tpu.memory_space<vmem>>, vector<16xf32>,
        tpu.vector_store %arg13[%swap3A_290, %swap3A_291], %mul3A_289 {strides = array<i32>} : memref<80x128xf32, #tpu.memory_space<vmem>>, vector<16xf32>,
        %get3A_293 = arith.index_cast %add3A_260 : i32 to index
        %get3A_294 = arith.constant 64 : index
        %get3A_295 = tpu.vector_load %arg13[%get3A_293, %get3A_294] {strides = array<i32>} : memref<80x128xf32, #tpu.memory_space<vmem>>, vector<16xf32>,
        %mul3A_296 = vector.broadcast %squeeze3A_256 : f32 to vector<16xf32>
        %mul3A_297 = arith.mulf %get3A_295, %mul3A_296 : vector<16xf32>
        %swap3A_298 = arith.index_cast %add3A_260 : i32 to index
        %swap3A_299 = arith.constant 64 : index
        %swap3A_300 = tpu.vector_load %arg13[%swap3A_298, %swap3A_299] {strides = array<i32>} : memref<80x128xf32, #tpu.memory_space<vmem>>, vector<16xf32>,
        tpu.vector_store %arg13[%swap3A_298, %swap3A_299], %mul3A_297 {strides = array<i32>} : memref<80x128xf32, #tpu.memory_space<vmem>>, vector<16xf32>,
        %get3A_301 = arith.index_cast %add3A_260 : i32 to index
        %get3A_302 = arith.constant 80 : index
        %get3A_303 = tpu.vector_load %arg13[%get3A_301, %get3A_302] {strides = array<i32>} : memref<80x128xf32, #tpu.memory_space<vmem>>, vector<16xf32>,
        %mul3A_304 = vector.broadcast %squeeze3A_256 : f32 to vector<16xf32>
        %mul3A_305 = arith.mulf %get3A_303, %mul3A_304 : vector<16xf32>
        %swap3A_306 = arith.index_cast %add3A_260 : i32 to index
        %swap3A_307 = arith.constant 80 : index
        %swap3A_308 = tpu.vector_load %arg13[%swap3A_306, %swap3A_307] {strides = array<i32>} : memref<80x128xf32, #tpu.memory_space<vmem>>, vector<16xf32>,
        tpu.vector_store %arg13[%swap3A_306, %swap3A_307], %mul3A_305 {strides = array<i32>} : memref<80x128xf32, #tpu.memory_space<vmem>>, vector<16xf32>,
        %get3A_309 = arith.index_cast %add3A_260 : i32 to index
        %get3A_310 = arith.constant 96 : index
        %get3A_311 = tpu.vector_load %arg13[%get3A_309, %get3A_310] {strides = array<i32>} : memref<80x128xf32, #tpu.memory_space<vmem>>, vector<16xf32>,
        %mul3A_312 = vector.broadcast %squeeze3A_256 : f32 to vector<16xf32>
        %mul3A_313 = arith.mulf %get3A_311, %mul3A_312 : vector<16xf32>
        %swap3A_314 = arith.index_cast %add3A_260 : i32 to index
        %swap3A_315 = arith.constant 96 : index
        %swap3A_316 = tpu.vector_load %arg13[%swap3A_314, %swap3A_315] {strides = array<i32>} : memref<80x128xf32, #tpu.memory_space<vmem>>, vector<16xf32>,
        tpu.vector_store %arg13[%swap3A_314, %swap3A_315], %mul3A_313 {strides = array<i32>} : memref<80x128xf32, #tpu.memory_space<vmem>>, vector<16xf32>,
        %get3A_317 = arith.index_cast %add3A_260 : i32 to index
        %get3A_318 = arith.constant 112 : index
        %get3A_319 = tpu.vector_load %arg13[%get3A_317, %get3A_318] {strides = array<i32>} : memref<80x128xf32, #tpu.memory_space<vmem>>, vector<16xf32>,
        %mul3A_320 = vector.broadcast %squeeze3A_256 : f32 to vector<16xf32>
        %mul3A_321 = arith.mulf %get3A_319, %mul3A_320 : vector<16xf32>
        %swap3A_322 = arith.index_cast %add3A_260 : i32 to index
        %swap3A_323 = arith.constant 112 : index
        %swap3A_324 = tpu.vector_load %arg13[%swap3A_322, %swap3A_323] {strides = array<i32>} : memref<80x128xf32, #tpu.memory_space<vmem>>, vector<16xf32>,
        tpu.vector_store %arg13[%swap3A_322, %swap3A_323], %mul3A_321 {strides = array<i32>} : memref<80x128xf32, #tpu.memory_space<vmem>>, vector<16xf32>,
        %slice3A_325 = vector.extract_strided_slice %get3A_117 {offsets = [3], sizes = [1], strides = [1]} : vector<16xf32> to vector<1xf32>
        %squeeze3A_326 = vector.extract %slice3A_325[0] : f32 from vector<1xf32>
        %mul3A_327 = arith.constant 16 : i32
        %mul3A_328 = arith.muli %scan3A_110, %mul3A_327 : i32
        %add3A_329 = arith.constant 3 : i32
        %add3A_330 = arith.addi %mul3A_328, %add3A_329 : i32
        %get3A_331 = arith.index_cast %add3A_330 : i32 to index
        %get3A_332 = arith.constant 0 : index
        %get3A_333 = tpu.vector_load %arg13[%get3A_331, %get3A_332] {strides = array<i32>} : memref<80x128xf32, #tpu.memory_space<vmem>>, vector<16xf32>,
        %mul3A_334 = vector.broadcast %squeeze3A_326 : f32 to vector<16xf32>
        %mul3A_335 = arith.mulf %get3A_333, %mul3A_334 : vector<16xf32>
        %swap3A_336 = arith.index_cast %add3A_330 : i32 to index
        %swap3A_337 = arith.constant 0 : index
        %swap3A_338 = tpu.vector_load %arg13[%swap3A_336, %swap3A_337] {strides = array<i32>} : memref<80x128xf32, #tpu.memory_space<vmem>>, vector<16xf32>,
        tpu.vector_store %arg13[%swap3A_336, %swap3A_337], %mul3A_335 {strides = array<i32>} : memref<80x128xf32, #tpu.memory_space<vmem>>, vector<16xf32>,
        %get3A_339 = arith.index_cast %add3A_330 : i32 to index
        %get3A_340 = arith.constant 16 : index
        %get3A_341 = tpu.vector_load %arg13[%get3A_339, %get3A_340] {strides = array<i32>} : memref<80x128xf32, #tpu.memory_space<vmem>>, vector<16xf32>,
        %mul3A_342 = vector.broadcast %squeeze3A_326 : f32 to vector<16xf32>
        %mul3A_343 = arith.mulf %get3A_341, %mul3A_342 : vector<16xf32>
        %swap3A_344 = arith.index_cast %add3A_330 : i32 to index
        %swap3A_345 = arith.constant 16 : index
        %swap3A_346 = tpu.vector_load %arg13[%swap3A_344, %swap3A_345] {strides = array<i32>} : memref<80x128xf32, #tpu.memory_space<vmem>>, vector<16xf32>,
        tpu.vector_store %arg13[%swap3A_344, %swap3A_345], %mul3A_343 {strides = array<i32>} : memref<80x128xf32, #tpu.memory_space<vmem>>, vector<16xf32>,
        %get3A_347 = arith.index_cast %add3A_330 : i32 to index
        %get3A_348 = arith.constant 32 : index
        %get3A_349 = tpu.vector_load %arg13[%get3A_347, %get3A_348] {strides = array<i32>} : memref<80x128xf32, #tpu.memory_space<vmem>>, vector<16xf32>,
        %mul3A_350 = vector.broadcast %squeeze3A_326 : f32 to vector<16xf32>
        %mul3A_351 = arith.mulf %get3A_349, %mul3A_350 : vector<16xf32>
        %swap3A_352 = arith.index_cast %add3A_330 : i32 to index
        %swap3A_353 = arith.constant 32 : index
        %swap3A_354 = tpu.vector_load %arg13[%swap3A_352, %swap3A_353] {strides = array<i32>} : memref<80x128xf32, #tpu.memory_space<vmem>>, vector<16xf32>,
        tpu.vector_store %arg13[%swap3A_352, %swap3A_353], %mul3A_351 {strides = array<i32>} : memref<80x128xf32, #tpu.memory_space<vmem>>, vector<16xf32>,
        %get3A_355 = arith.index_cast %add3A_330 : i32 to index
        %get3A_356 = arith.constant 48 : index
        %get3A_357 = tpu.vector_load %arg13[%get3A_355, %get3A_356] {strides = array<i32>} : memref<80x128xf32, #tpu.memory_space<vmem>>, vector<16xf32>,
        %mul3A_358 = vector.broadcast %squeeze3A_326 : f32 to vector<16xf32>
        %mul3A_359 = arith.mulf %get3A_357, %mul3A_358 : vector<16xf32>
        %swap3A_360 = arith.index_cast %add3A_330 : i32 to index
        %swap3A_361 = arith.constant 48 : index
        %swap3A_362 = tpu.vector_load %arg13[%swap3A_360, %swap3A_361] {strides = array<i32>} : memref<80x128xf32, #tpu.memory_space<vmem>>, vector<16xf32>,
        tpu.vector_store %arg13[%swap3A_360, %swap3A_361], %mul3A_359 {strides = array<i32>} : memref<80x128xf32, #tpu.memory_space<vmem>>, vector<16xf32>,
        %get3A_363 = arith.index_cast %add3A_330 : i32 to index
        %get3A_364 = arith.constant 64 : index
        %get3A_365 = tpu.vector_load %arg13[%get3A_363, %get3A_364] {strides = array<i32>} : memref<80x128xf32, #tpu.memory_space<vmem>>, vector<16xf32>,
        %mul3A_366 = vector.broadcast %squeeze3A_326 : f32 to vector<16xf32>
        %mul3A_367 = arith.mulf %get3A_365, %mul3A_366 : vector<16xf32>
        %swap3A_368 = arith.index_cast %add3A_330 : i32 to index
        %swap3A_369 = arith.constant 64 : index
        %swap3A_370 = tpu.vector_load %arg13[%swap3A_368, %swap3A_369] {strides = array<i32>} : memref<80x128xf32, #tpu.memory_space<vmem>>, vector<16xf32>,
        tpu.vector_store %arg13[%swap3A_368, %swap3A_369], %mul3A_367 {strides = array<i32>} : memref<80x128xf32, #tpu.memory_space<vmem>>, vector<16xf32>,
        %get3A_371 = arith.index_cast %add3A_330 : i32 to index
        %get3A_372 = arith.constant 80 : index
        %get3A_373 = tpu.vector_load %arg13[%get3A_371, %get3A_372] {strides = array<i32>} : memref<80x128xf32, #tpu.memory_space<vmem>>, vector<16xf32>,
        %mul3A_374 = vector.broadcast %squeeze3A_326 : f32 to vector<16xf32>
        %mul3A_375 = arith.mulf %get3A_373, %mul3A_374 : vector<16xf32>
        %swap3A_376 = arith.index_cast %add3A_330 : i32 to index
        %swap3A_377 = arith.constant 80 : index
        %swap3A_378 = tpu.vector_load %arg13[%swap3A_376, %swap3A_377] {strides = array<i32>} : memref<80x128xf32, #tpu.memory_space<vmem>>, vector<16xf32>,
        tpu.vector_store %arg13[%swap3A_376, %swap3A_377], %mul3A_375 {strides = array<i32>} : memref<80x128xf32, #tpu.memory_space<vmem>>, vector<16xf32>,
        %get3A_379 = arith.index_cast %add3A_330 : i32 to index
        %get3A_380 = arith.constant 96 : index
        %get3A_381 = tpu.vector_load %arg13[%get3A_379, %get3A_380] {strides = array<i32>} : memref<80x128xf32, #tpu.memory_space<vmem>>, vector<16xf32>,
        %mul3A_382 = vector.broadcast %squeeze3A_326 : f32 to vector<16xf32>
        %mul3A_383 = arith.mulf %get3A_381, %mul3A_382 : vector<16xf32>
        %swap3A_384 = arith.index_cast %add3A_330 : i32 to index
        %swap3A_385 = arith.constant 96 : index
        %swap3A_386 = tpu.vector_load %arg13[%swap3A_384, %swap3A_385] {strides = array<i32>} : memref<80x128xf32, #tpu.memory_space<vmem>>, vector<16xf32>,
        tpu.vector_store %arg13[%swap3A_384, %swap3A_385], %mul3A_383 {strides = array<i32>} : memref<80x128xf32, #tpu.memory_space<vmem>>, vector<16xf32>,
        %get3A_387 = arith.index_cast %add3A_330 : i32 to index
        %get3A_388 = arith.constant 112 : index
        %get3A_389 = tpu.vector_load %arg13[%get3A_387, %get3A_388] {strides = array<i32>} : memref<80x128xf32, #tpu.memory_space<vmem>>, vector<16xf32>,
        %mul3A_390 = vector.broadcast %squeeze3A_326 : f32 to vector<16xf32>
        %mul3A_391 = arith.mulf %get3A_389, %mul3A_390 : vector<16xf32>
        %swap3A_392 = arith.index_cast %add3A_330 : i32 to index
        %swap3A_393 = arith.constant 112 : index
        %swap3A_394 = tpu.vector_load %arg13[%swap3A_392, %swap3A_393] {strides = array<i32>} : memref<80x128xf32, #tpu.memory_space<vmem>>, vector<16xf32>,
        tpu.vector_store %arg13[%swap3A_392, %swap3A_393], %mul3A_391 {strides = array<i32>} : memref<80x128xf32, #tpu.memory_space<vmem>>, vector<16xf32>,
        %slice3A_395 = vector.extract_strided_slice %get3A_117 {offsets = [4], sizes = [1], strides = [1]} : vector<16xf32> to vector<1xf32>
        %squeeze3A_396 = vector.extract %slice3A_395[0] : f32 from vector<1xf32>
        %mul3A_397 = arith.constant 16 : i32
        %mul3A_398 = arith.muli %scan3A_110, %mul3A_397 : i32
        %add3A_399 = arith.constant 4 : i32
        %add3A_400 = arith.addi %mul3A_398, %add3A_399 : i32
        %get3A_401 = arith.index_cast %add3A_400 : i32 to index
        %get3A_402 = arith.constant 0 : index
        %get3A_403 = tpu.vector_load %arg13[%get3A_401, %get3A_402] {strides = array<i32>} : memref<80x128xf32, #tpu.memory_space<vmem>>, vector<16xf32>,
        %mul3A_404 = vector.broadcast %squeeze3A_396 : f32 to vector<16xf32>
        %mul3A_405 = arith.mulf %get3A_403, %mul3A_404 : vector<16xf32>
        %swap3A_406 = arith.index_cast %add3A_400 : i32 to index
        %swap3A_407 = arith.constant 0 : index
        %swap3A_408 = tpu.vector_load %arg13[%swap3A_406, %swap3A_407] {strides = array<i32>} : memref<80x128xf32, #tpu.memory_space<vmem>>, vector<16xf32>,
        tpu.vector_store %arg13[%swap3A_406, %swap3A_407], %mul3A_405 {strides = array<i32>} : memref<80x128xf32, #tpu.memory_space<vmem>>, vector<16xf32>,
        %get3A_409 = arith.index_cast %add3A_400 : i32 to index
        %get3A_410 = arith.constant 16 : index
        %get3A_411 = tpu.vector_load %arg13[%get3A_409, %get3A_410] {strides = array<i32>} : memref<80x128xf32, #tpu.memory_space<vmem>>, vector<16xf32>,
        %mul3A_412 = vector.broadcast %squeeze3A_396 : f32 to vector<16xf32>
        %mul3A_413 = arith.mulf %get3A_411, %mul3A_412 : vector<16xf32>
        %swap3A_414 = arith.index_cast %add3A_400 : i32 to index
        %swap3A_415 = arith.constant 16 : index
        %swap3A_416 = tpu.vector_load %arg13[%swap3A_414, %swap3A_415] {strides = array<i32>} : memref<80x128xf32, #tpu.memory_space<vmem>>, vector<16xf32>,
        tpu.vector_store %arg13[%swap3A_414, %swap3A_415], %mul3A_413 {strides = array<i32>} : memref<80x128xf32, #tpu.memory_space<vmem>>, vector<16xf32>,
        %get3A_417 = arith.index_cast %add3A_400 : i32 to index
        %get3A_418 = arith.constant 32 : index
        %get3A_419 = tpu.vector_load %arg13[%get3A_417, %get3A_418] {strides = array<i32>} : memref<80x128xf32, #tpu.memory_space<vmem>>, vector<16xf32>,
        %mul3A_420 = vector.broadcast %squeeze3A_396 : f32 to vector<16xf32>
        %mul3A_421 = arith.mulf %get3A_419, %mul3A_420 : vector<16xf32>
        %swap3A_422 = arith.index_cast %add3A_400 : i32 to index
        %swap3A_423 = arith.constant 32 : index
        %swap3A_424 = tpu.vector_load %arg13[%swap3A_422, %swap3A_423] {strides = array<i32>} : memref<80x128xf32, #tpu.memory_space<vmem>>, vector<16xf32>,
        tpu.vector_store %arg13[%swap3A_422, %swap3A_423], %mul3A_421 {strides = array<i32>} : memref<80x128xf32, #tpu.memory_space<vmem>>, vector<16xf32>,
        %get3A_425 = arith.index_cast %add3A_400 : i32 to index
        %get3A_426 = arith.constant 48 : index
        %get3A_427 = tpu.vector_load %arg13[%get3A_425, %get3A_426] {strides = array<i32>} : memref<80x128xf32, #tpu.memory_space<vmem>>, vector<16xf32>,
        %mul3A_428 = vector.broadcast %squeeze3A_396 : f32 to vector<16xf32>
        %mul3A_429 = arith.mulf %get3A_427, %mul3A_428 : vector<16xf32>
        %swap3A_430 = arith.index_cast %add3A_400 : i32 to index
        %swap3A_431 = arith.constant 48 : index
        %swap3A_432 = tpu.vector_load %arg13[%swap3A_430, %swap3A_431] {strides = array<i32>} : memref<80x128xf32, #tpu.memory_space<vmem>>, vector<16xf32>,
        tpu.vector_store %arg13[%swap3A_430, %swap3A_431], %mul3A_429 {strides = array<i32>} : memref<80x128xf32, #tpu.memory_space<vmem>>, vector<16xf32>,
        %get3A_433 = arith.index_cast %add3A_400 : i32 to index
        %get3A_434 = arith.constant 64 : index
        %get3A_435 = tpu.vector_load %arg13[%get3A_433, %get3A_434] {strides = array<i32>} : memref<80x128xf32, #tpu.memory_space<vmem>>, vector<16xf32>,
        %mul3A_436 = vector.broadcast %squeeze3A_396 : f32 to vector<16xf32>
        %mul3A_437 = arith.mulf %get3A_435, %mul3A_436 : vector<16xf32>
        %swap3A_438 = arith.index_cast %add3A_400 : i32 to index
        %swap3A_439 = arith.constant 64 : index
        %swap3A_440 = tpu.vector_load %arg13[%swap3A_438, %swap3A_439] {strides = array<i32>} : memref<80x128xf32, #tpu.memory_space<vmem>>, vector<16xf32>,
        tpu.vector_store %arg13[%swap3A_438, %swap3A_439], %mul3A_437 {strides = array<i32>} : memref<80x128xf32, #tpu.memory_space<vmem>>, vector<16xf32>,
        %get3A_441 = arith.index_cast %add3A_400 : i32 to index
        %get3A_442 = arith.constant 80 : index
        %get3A_443 = tpu.vector_load %arg13[%get3A_441, %get3A_442] {strides = array<i32>} : memref<80x128xf32, #tpu.memory_space<vmem>>, vector<16xf32>,
        %mul3A_444 = vector.broadcast %squeeze3A_396 : f32 to vector<16xf32>
        %mul3A_445 = arith.mulf %get3A_443, %mul3A_444 : vector<16xf32>
        %swap3A_446 = arith.index_cast %add3A_400 : i32 to index
        %swap3A_447 = arith.constant 80 : index
        %swap3A_448 = tpu.vector_load %arg13[%swap3A_446, %swap3A_447] {strides = array<i32>} : memref<80x128xf32, #tpu.memory_space<vmem>>, vector<16xf32>,
        tpu.vector_store %arg13[%swap3A_446, %swap3A_447], %mul3A_445 {strides = array<i32>} : memref<80x128xf32, #tpu.memory_space<vmem>>, vector<16xf32>,
        %get3A_449 = arith.index_cast %add3A_400 : i32 to index
        %get3A_450 = arith.constant 96 : index
        %get3A_451 = tpu.vector_load %arg13[%get3A_449, %get3A_450] {strides = array<i32>} : memref<80x128xf32, #tpu.memory_space<vmem>>, vector<16xf32>,
        %mul3A_452 = vector.broadcast %squeeze3A_396 : f32 to vector<16xf32>
        %mul3A_453 = arith.mulf %get3A_451, %mul3A_452 : vector<16xf32>
        %swap3A_454 = arith.index_cast %add3A_400 : i32 to index
        %swap3A_455 = arith.constant 96 : index
        %swap3A_456 = tpu.vector_load %arg13[%swap3A_454, %swap3A_455] {strides = array<i32>} : memref<80x128xf32, #tpu.memory_space<vmem>>, vector<16xf32>,
        tpu.vector_store %arg13[%swap3A_454, %swap3A_455], %mul3A_453 {strides = array<i32>} : memref<80x128xf32, #tpu.memory_space<vmem>>, vector<16xf32>,
        %get3A_457 = arith.index_cast %add3A_400 : i32 to index
        %get3A_458 = arith.constant 112 : index
        %get3A_459 = tpu.vector_load %arg13[%get3A_457, %get3A_458] {strides = array<i32>} : memref<80x128xf32, #tpu.memory_space<vmem>>, vector<16xf32>,
        %mul3A_460 = vector.broadcast %squeeze3A_396 : f32 to vector<16xf32>
        %mul3A_461 = arith.mulf %get3A_459, %mul3A_460 : vector<16xf32>
        %swap3A_462 = arith.index_cast %add3A_400 : i32 to index
        %swap3A_463 = arith.constant 112 : index
        %swap3A_464 = tpu.vector_load %arg13[%swap3A_462, %swap3A_463] {strides = array<i32>} : memref<80x128xf32, #tpu.memory_space<vmem>>, vector<16xf32>,
        tpu.vector_store %arg13[%swap3A_462, %swap3A_463], %mul3A_461 {strides = array<i32>} : memref<80x128xf32, #tpu.memory_space<vmem>>, vector<16xf32>,
        %slice3A_465 = vector.extract_strided_slice %get3A_117 {offsets = [5], sizes = [1], strides = [1]} : vector<16xf32> to vector<1xf32>
        %squeeze3A_466 = vector.extract %slice3A_465[0] : f32 from vector<1xf32>
        %mul3A_467 = arith.constant 16 : i32
        %mul3A_468 = arith.muli %scan3A_110, %mul3A_467 : i32
        %add3A_469 = arith.constant 5 : i32
        %add3A_470 = arith.addi %mul3A_468, %add3A_469 : i32
        %get3A_471 = arith.index_cast %add3A_470 : i32 to index
        %get3A_472 = arith.constant 0 : index
        %get3A_473 = tpu.vector_load %arg13[%get3A_471, %get3A_472] {strides = array<i32>} : memref<80x128xf32, #tpu.memory_space<vmem>>, vector<16xf32>,
        %mul3A_474 = vector.broadcast %squeeze3A_466 : f32 to vector<16xf32>
        %mul3A_475 = arith.mulf %get3A_473, %mul3A_474 : vector<16xf32>
        %swap3A_476 = arith.index_cast %add3A_470 : i32 to index
        %swap3A_477 = arith.constant 0 : index
        %swap3A_478 = tpu.vector_load %arg13[%swap3A_476, %swap3A_477] {strides = array<i32>} : memref<80x128xf32, #tpu.memory_space<vmem>>, vector<16xf32>,
        tpu.vector_store %arg13[%swap3A_476, %swap3A_477], %mul3A_475 {strides = array<i32>} : memref<80x128xf32, #tpu.memory_space<vmem>>, vector<16xf32>,
        %get3A_479 = arith.index_cast %add3A_470 : i32 to index
        %get3A_480 = arith.constant 16 : index
        %get3A_481 = tpu.vector_load %arg13[%get3A_479, %get3A_480] {strides = array<i32>} : memref<80x128xf32, #tpu.memory_space<vmem>>, vector<16xf32>,
        %mul3A_482 = vector.broadcast %squeeze3A_466 : f32 to vector<16xf32>
        %mul3A_483 = arith.mulf %get3A_481, %mul3A_482 : vector<16xf32>
        %swap3A_484 = arith.index_cast %add3A_470 : i32 to index
        %swap3A_485 = arith.constant 16 : index
        %swap3A_486 = tpu.vector_load %arg13[%swap3A_484, %swap3A_485] {strides = array<i32>} : memref<80x128xf32, #tpu.memory_space<vmem>>, vector<16xf32>,
        tpu.vector_store %arg13[%swap3A_484, %swap3A_485], %mul3A_483 {strides = array<i32>} : memref<80x128xf32, #tpu.memory_space<vmem>>, vector<16xf32>,
        %get3A_487 = arith.index_cast %add3A_470 : i32 to index
        %get3A_488 = arith.constant 32 : index
        %get3A_489 = tpu.vector_load %arg13[%get3A_487, %get3A_488] {strides = array<i32>} : memref<80x128xf32, #tpu.memory_space<vmem>>, vector<16xf32>,
        %mul3A_490 = vector.broadcast %squeeze3A_466 : f32 to vector<16xf32>
        %mul3A_491 = arith.mulf %get3A_489, %mul3A_490 : vector<16xf32>
        %swap3A_492 = arith.index_cast %add3A_470 : i32 to index
        %swap3A_493 = arith.constant 32 : index
        %swap3A_494 = tpu.vector_load %arg13[%swap3A_492, %swap3A_493] {strides = array<i32>} : memref<80x128xf32, #tpu.memory_space<vmem>>, vector<16xf32>,
        tpu.vector_store %arg13[%swap3A_492, %swap3A_493], %mul3A_491 {strides = array<i32>} : memref<80x128xf32, #tpu.memory_space<vmem>>, vector<16xf32>,
        %get3A_495 = arith.index_cast %add3A_470 : i32 to index
        %get3A_496 = arith.constant 48 : index
        %get3A_497 = tpu.vector_load %arg13[%get3A_495, %get3A_496] {strides = array<i32>} : memref<80x128xf32, #tpu.memory_space<vmem>>, vector<16xf32>,
        %mul3A_498 = vector.broadcast %squeeze3A_466 : f32 to vector<16xf32>
        %mul3A_499 = arith.mulf %get3A_497, %mul3A_498 : vector<16xf32>
        %swap3A_500 = arith.index_cast %add3A_470 : i32 to index
        %swap3A_501 = arith.constant 48 : index
        %swap3A_502 = tpu.vector_load %arg13[%swap3A_500, %swap3A_501] {strides = array<i32>} : memref<80x128xf32, #tpu.memory_space<vmem>>, vector<16xf32>,
        tpu.vector_store %arg13[%swap3A_500, %swap3A_501], %mul3A_499 {strides = array<i32>} : memref<80x128xf32, #tpu.memory_space<vmem>>, vector<16xf32>,
        %get3A_503 = arith.index_cast %add3A_470 : i32 to index
        %get3A_504 = arith.constant 64 : index
        %get3A_505 = tpu.vector_load %arg13[%get3A_503, %get3A_504] {strides = array<i32>} : memref<80x128xf32, #tpu.memory_space<vmem>>, vector<16xf32>,
        %mul3A_506 = vector.broadcast %squeeze3A_466 : f32 to vector<16xf32>
        %mul3A_507 = arith.mulf %get3A_505, %mul3A_506 : vector<16xf32>
        %swap3A_508 = arith.index_cast %add3A_470 : i32 to index
        %swap3A_509 = arith.constant 64 : index
        %swap3A_510 = tpu.vector_load %arg13[%swap3A_508, %swap3A_509] {strides = array<i32>} : memref<80x128xf32, #tpu.memory_space<vmem>>, vector<16xf32>,
        tpu.vector_store %arg13[%swap3A_508, %swap3A_509], %mul3A_507 {strides = array<i32>} : memref<80x128xf32, #tpu.memory_space<vmem>>, vector<16xf32>,
        %get3A_511 = arith.index_cast %add3A_470 : i32 to index
        %get3A_512 = arith.constant 80 : index
        %get3A_513 = tpu.vector_load %arg13[%get3A_511, %get3A_512] {strides = array<i32>} : memref<80x128xf32, #tpu.memory_space<vmem>>, vector<16xf32>,
        %mul3A_514 = vector.broadcast %squeeze3A_466 : f32 to vector<16xf32>
        %mul3A_515 = arith.mulf %get3A_513, %mul3A_514 : vector<16xf32>
        %swap3A_516 = arith.index_cast %add3A_470 : i32 to index
        %swap3A_517 = arith.constant 80 : index
        %swap3A_518 = tpu.vector_load %arg13[%swap3A_516, %swap3A_517] {strides = array<i32>} : memref<80x128xf32, #tpu.memory_space<vmem>>, vector<16xf32>,
        tpu.vector_store %arg13[%swap3A_516, %swap3A_517], %mul3A_515 {strides = array<i32>} : memref<80x128xf32, #tpu.memory_space<vmem>>, vector<16xf32>,
        %get3A_519 = arith.index_cast %add3A_470 : i32 to index
        %get3A_520 = arith.constant 96 : index
        %get3A_521 = tpu.vector_load %arg13[%get3A_519, %get3A_520] {strides = array<i32>} : memref<80x128xf32, #tpu.memory_space<vmem>>, vector<16xf32>,
        %mul3A_522 = vector.broadcast %squeeze3A_466 : f32 to vector<16xf32>
        %mul3A_523 = arith.mulf %get3A_521, %mul3A_522 : vector<16xf32>
        %swap3A_524 = arith.index_cast %add3A_470 : i32 to index
        %swap3A_525 = arith.constant 96 : index
        %swap3A_526 = tpu.vector_load %arg13[%swap3A_524, %swap3A_525] {strides = array<i32>} : memref<80x128xf32, #tpu.memory_space<vmem>>, vector<16xf32>,
        tpu.vector_store %arg13[%swap3A_524, %swap3A_525], %mul3A_523 {strides = array<i32>} : memref<80x128xf32, #tpu.memory_space<vmem>>, vector<16xf32>,
        %get3A_527 = arith.index_cast %add3A_470 : i32 to index
        %get3A_528 = arith.constant 112 : index
        %get3A_529 = tpu.vector_load %arg13[%get3A_527, %get3A_528] {strides = array<i32>} : memref<80x128xf32, #tpu.memory_space<vmem>>, vector<16xf32>,
        %mul3A_530 = vector.broadcast %squeeze3A_466 : f32 to vector<16xf32>
        %mul3A_531 = arith.mulf %get3A_529, %mul3A_530 : vector<16xf32>
        %swap3A_532 = arith.index_cast %add3A_470 : i32 to index
        %swap3A_533 = arith.constant 112 : index
        %swap3A_534 = tpu.vector_load %arg13[%swap3A_532, %swap3A_533] {strides = array<i32>} : memref<80x128xf32, #tpu.memory_space<vmem>>, vector<16xf32>,
        tpu.vector_store %arg13[%swap3A_532, %swap3A_533], %mul3A_531 {strides = array<i32>} : memref<80x128xf32, #tpu.memory_space<vmem>>, vector<16xf32>,
        %slice3A_535 = vector.extract_strided_slice %get3A_117 {offsets = [6], sizes = [1], strides = [1]} : vector<16xf32> to vector<1xf32>
        %squeeze3A_536 = vector.extract %slice3A_535[0] : f32 from vector<1xf32>
        %mul3A_537 = arith.constant 16 : i32
        %mul3A_538 = arith.muli %scan3A_110, %mul3A_537 : i32
        %add3A_539 = arith.constant 6 : i32
        %add3A_540 = arith.addi %mul3A_538, %add3A_539 : i32
        %get3A_541 = arith.index_cast %add3A_540 : i32 to index
        %get3A_542 = arith.constant 0 : index
        %get3A_543 = tpu.vector_load %arg13[%get3A_541, %get3A_542] {strides = array<i32>} : memref<80x128xf32, #tpu.memory_space<vmem>>, vector<16xf32>,
        %mul3A_544 = vector.broadcast %squeeze3A_536 : f32 to vector<16xf32>
        %mul3A_545 = arith.mulf %get3A_543, %mul3A_544 : vector<16xf32>
        %swap3A_546 = arith.index_cast %add3A_540 : i32 to index
        %swap3A_547 = arith.constant 0 : index
        %swap3A_548 = tpu.vector_load %arg13[%swap3A_546, %swap3A_547] {strides = array<i32>} : memref<80x128xf32, #tpu.memory_space<vmem>>, vector<16xf32>,
        tpu.vector_store %arg13[%swap3A_546, %swap3A_547], %mul3A_545 {strides = array<i32>} : memref<80x128xf32, #tpu.memory_space<vmem>>, vector<16xf32>,
        %get3A_549 = arith.index_cast %add3A_540 : i32 to index
        %get3A_550 = arith.constant 16 : index
        %get3A_551 = tpu.vector_load %arg13[%get3A_549, %get3A_550] {strides = array<i32>} : memref<80x128xf32, #tpu.memory_space<vmem>>, vector<16xf32>,
        %mul3A_552 = vector.broadcast %squeeze3A_536 : f32 to vector<16xf32>
        %mul3A_553 = arith.mulf %get3A_551, %mul3A_552 : vector<16xf32>
        %swap3A_554 = arith.index_cast %add3A_540 : i32 to index
        %swap3A_555 = arith.constant 16 : index
        %swap3A_556 = tpu.vector_load %arg13[%swap3A_554, %swap3A_555] {strides = array<i32>} : memref<80x128xf32, #tpu.memory_space<vmem>>, vector<16xf32>,
        tpu.vector_store %arg13[%swap3A_554, %swap3A_555], %mul3A_553 {strides = array<i32>} : memref<80x128xf32, #tpu.memory_space<vmem>>, vector<16xf32>,
        %get3A_557 = arith.index_cast %add3A_540 : i32 to index
        %get3A_558 = arith.constant 32 : index
        %get3A_559 = tpu.vector_load %arg13[%get3A_557, %get3A_558] {strides = array<i32>} : memref<80x128xf32, #tpu.memory_space<vmem>>, vector<16xf32>,
        %mul3A_560 = vector.broadcast %squeeze3A_536 : f32 to vector<16xf32>
        %mul3A_561 = arith.mulf %get3A_559, %mul3A_560 : vector<16xf32>
        %swap3A_562 = arith.index_cast %add3A_540 : i32 to index
        %swap3A_563 = arith.constant 32 : index
        %swap3A_564 = tpu.vector_load %arg13[%swap3A_562, %swap3A_563] {strides = array<i32>} : memref<80x128xf32, #tpu.memory_space<vmem>>, vector<16xf32>,
        tpu.vector_store %arg13[%swap3A_562, %swap3A_563], %mul3A_561 {strides = array<i32>} : memref<80x128xf32, #tpu.memory_space<vmem>>, vector<16xf32>,
        %get3A_565 = arith.index_cast %add3A_540 : i32 to index
        %get3A_566 = arith.constant 48 : index
        %get3A_567 = tpu.vector_load %arg13[%get3A_565, %get3A_566] {strides = array<i32>} : memref<80x128xf32, #tpu.memory_space<vmem>>, vector<16xf32>,
        %mul3A_568 = vector.broadcast %squeeze3A_536 : f32 to vector<16xf32>
        %mul3A_569 = arith.mulf %get3A_567, %mul3A_568 : vector<16xf32>
        %swap3A_570 = arith.index_cast %add3A_540 : i32 to index
        %swap3A_571 = arith.constant 48 : index
        %swap3A_572 = tpu.vector_load %arg13[%swap3A_570, %swap3A_571] {strides = array<i32>} : memref<80x128xf32, #tpu.memory_space<vmem>>, vector<16xf32>,
        tpu.vector_store %arg13[%swap3A_570, %swap3A_571], %mul3A_569 {strides = array<i32>} : memref<80x128xf32, #tpu.memory_space<vmem>>, vector<16xf32>,
        %get3A_573 = arith.index_cast %add3A_540 : i32 to index
        %get3A_574 = arith.constant 64 : index
        %get3A_575 = tpu.vector_load %arg13[%get3A_573, %get3A_574] {strides = array<i32>} : memref<80x128xf32, #tpu.memory_space<vmem>>, vector<16xf32>,
        %mul3A_576 = vector.broadcast %squeeze3A_536 : f32 to vector<16xf32>
        %mul3A_577 = arith.mulf %get3A_575, %mul3A_576 : vector<16xf32>
        %swap3A_578 = arith.index_cast %add3A_540 : i32 to index
        %swap3A_579 = arith.constant 64 : index
        %swap3A_580 = tpu.vector_load %arg13[%swap3A_578, %swap3A_579] {strides = array<i32>} : memref<80x128xf32, #tpu.memory_space<vmem>>, vector<16xf32>,
        tpu.vector_store %arg13[%swap3A_578, %swap3A_579], %mul3A_577 {strides = array<i32>} : memref<80x128xf32, #tpu.memory_space<vmem>>, vector<16xf32>,
        %get3A_581 = arith.index_cast %add3A_540 : i32 to index
        %get3A_582 = arith.constant 80 : index
        %get3A_583 = tpu.vector_load %arg13[%get3A_581, %get3A_582] {strides = array<i32>} : memref<80x128xf32, #tpu.memory_space<vmem>>, vector<16xf32>,
        %mul3A_584 = vector.broadcast %squeeze3A_536 : f32 to vector<16xf32>
        %mul3A_585 = arith.mulf %get3A_583, %mul3A_584 : vector<16xf32>
        %swap3A_586 = arith.index_cast %add3A_540 : i32 to index
        %swap3A_587 = arith.constant 80 : index
        %swap3A_588 = tpu.vector_load %arg13[%swap3A_586, %swap3A_587] {strides = array<i32>} : memref<80x128xf32, #tpu.memory_space<vmem>>, vector<16xf32>,
        tpu.vector_store %arg13[%swap3A_586, %swap3A_587], %mul3A_585 {strides = array<i32>} : memref<80x128xf32, #tpu.memory_space<vmem>>, vector<16xf32>,
        %get3A_589 = arith.index_cast %add3A_540 : i32 to index
        %get3A_590 = arith.constant 96 : index
        %get3A_591 = tpu.vector_load %arg13[%get3A_589, %get3A_590] {strides = array<i32>} : memref<80x128xf32, #tpu.memory_space<vmem>>, vector<16xf32>,
        %mul3A_592 = vector.broadcast %squeeze3A_536 : f32 to vector<16xf32>
        %mul3A_593 = arith.mulf %get3A_591, %mul3A_592 : vector<16xf32>
        %swap3A_594 = arith.index_cast %add3A_540 : i32 to index
        %swap3A_595 = arith.constant 96 : index
        %swap3A_596 = tpu.vector_load %arg13[%swap3A_594, %swap3A_595] {strides = array<i32>} : memref<80x128xf32, #tpu.memory_space<vmem>>, vector<16xf32>,
        tpu.vector_store %arg13[%swap3A_594, %swap3A_595], %mul3A_593 {strides = array<i32>} : memref<80x128xf32, #tpu.memory_space<vmem>>, vector<16xf32>,
        %get3A_597 = arith.index_cast %add3A_540 : i32 to index
        %get3A_598 = arith.constant 112 : index
        %get3A_599 = tpu.vector_load %arg13[%get3A_597, %get3A_598] {strides = array<i32>} : memref<80x128xf32, #tpu.memory_space<vmem>>, vector<16xf32>,
        %mul3A_600 = vector.broadcast %squeeze3A_536 : f32 to vector<16xf32>
        %mul3A_601 = arith.mulf %get3A_599, %mul3A_600 : vector<16xf32>
        %swap3A_602 = arith.index_cast %add3A_540 : i32 to index
        %swap3A_603 = arith.constant 112 : index
        %swap3A_604 = tpu.vector_load %arg13[%swap3A_602, %swap3A_603] {strides = array<i32>} : memref<80x128xf32, #tpu.memory_space<vmem>>, vector<16xf32>,
        tpu.vector_store %arg13[%swap3A_602, %swap3A_603], %mul3A_601 {strides = array<i32>} : memref<80x128xf32, #tpu.memory_space<vmem>>, vector<16xf32>,
        %slice3A_605 = vector.extract_strided_slice %get3A_117 {offsets = [7], sizes = [1], strides = [1]} : vector<16xf32> to vector<1xf32>
        %squeeze3A_606 = vector.extract %slice3A_605[0] : f32 from vector<1xf32>
        %mul3A_607 = arith.constant 16 : i32
        %mul3A_608 = arith.muli %scan3A_110, %mul3A_607 : i32
        %add3A_609 = arith.constant 7 : i32
        %add3A_610 = arith.addi %mul3A_608, %add3A_609 : i32
        %get3A_611 = arith.index_cast %add3A_610 : i32 to index
        %get3A_612 = arith.constant 0 : index
        %get3A_613 = tpu.vector_load %arg13[%get3A_611, %get3A_612] {strides = array<i32>} : memref<80x128xf32, #tpu.memory_space<vmem>>, vector<16xf32>,
        %mul3A_614 = vector.broadcast %squeeze3A_606 : f32 to vector<16xf32>
        %mul3A_615 = arith.mulf %get3A_613, %mul3A_614 : vector<16xf32>
        %swap3A_616 = arith.index_cast %add3A_610 : i32 to index
        %swap3A_617 = arith.constant 0 : index
        %swap3A_618 = tpu.vector_load %arg13[%swap3A_616, %swap3A_617] {strides = array<i32>} : memref<80x128xf32, #tpu.memory_space<vmem>>, vector<16xf32>,
        tpu.vector_store %arg13[%swap3A_616, %swap3A_617], %mul3A_615 {strides = array<i32>} : memref<80x128xf32, #tpu.memory_space<vmem>>, vector<16xf32>,
        %get3A_619 = arith.index_cast %add3A_610 : i32 to index
        %get3A_620 = arith.constant 16 : index
        %get3A_621 = tpu.vector_load %arg13[%get3A_619, %get3A_620] {strides = array<i32>} : memref<80x128xf32, #tpu.memory_space<vmem>>, vector<16xf32>,
        %mul3A_622 = vector.broadcast %squeeze3A_606 : f32 to vector<16xf32>
        %mul3A_623 = arith.mulf %get3A_621, %mul3A_622 : vector<16xf32>
        %swap3A_624 = arith.index_cast %add3A_610 : i32 to index
        %swap3A_625 = arith.constant 16 : index
        %swap3A_626 = tpu.vector_load %arg13[%swap3A_624, %swap3A_625] {strides = array<i32>} : memref<80x128xf32, #tpu.memory_space<vmem>>, vector<16xf32>,
        tpu.vector_store %arg13[%swap3A_624, %swap3A_625], %mul3A_623 {strides = array<i32>} : memref<80x128xf32, #tpu.memory_space<vmem>>, vector<16xf32>,
        %get3A_627 = arith.index_cast %add3A_610 : i32 to index
        %get3A_628 = arith.constant 32 : index
        %get3A_629 = tpu.vector_load %arg13[%get3A_627, %get3A_628] {strides = array<i32>} : memref<80x128xf32, #tpu.memory_space<vmem>>, vector<16xf32>,
        %mul3A_630 = vector.broadcast %squeeze3A_606 : f32 to vector<16xf32>
        %mul3A_631 = arith.mulf %get3A_629, %mul3A_630 : vector<16xf32>
        %swap3A_632 = arith.index_cast %add3A_610 : i32 to index
        %swap3A_633 = arith.constant 32 : index
        %swap3A_634 = tpu.vector_load %arg13[%swap3A_632, %swap3A_633] {strides = array<i32>} : memref<80x128xf32, #tpu.memory_space<vmem>>, vector<16xf32>,
        tpu.vector_store %arg13[%swap3A_632, %swap3A_633], %mul3A_631 {strides = array<i32>} : memref<80x128xf32, #tpu.memory_space<vmem>>, vector<16xf32>,
        %get3A_635 = arith.index_cast %add3A_610 : i32 to index
        %get3A_636 = arith.constant 48 : index
        %get3A_637 = tpu.vector_load %arg13[%get3A_635, %get3A_636] {strides = array<i32>} : memref<80x128xf32, #tpu.memory_space<vmem>>, vector<16xf32>,
        %mul3A_638 = vector.broadcast %squeeze3A_606 : f32 to vector<16xf32>
        %mul3A_639 = arith.mulf %get3A_637, %mul3A_638 : vector<16xf32>
        %swap3A_640 = arith.index_cast %add3A_610 : i32 to index
        %swap3A_641 = arith.constant 48 : index
        %swap3A_642 = tpu.vector_load %arg13[%swap3A_640, %swap3A_641] {strides = array<i32>} : memref<80x128xf32, #tpu.memory_space<vmem>>, vector<16xf32>,
        tpu.vector_store %arg13[%swap3A_640, %swap3A_641], %mul3A_639 {strides = array<i32>} : memref<80x128xf32, #tpu.memory_space<vmem>>, vector<16xf32>,
        %get3A_643 = arith.index_cast %add3A_610 : i32 to index
        %get3A_644 = arith.constant 64 : index
        %get3A_645 = tpu.vector_load %arg13[%get3A_643, %get3A_644] {strides = array<i32>} : memref<80x128xf32, #tpu.memory_space<vmem>>, vector<16xf32>,
        %mul3A_646 = vector.broadcast %squeeze3A_606 : f32 to vector<16xf32>
        %mul3A_647 = arith.mulf %get3A_645, %mul3A_646 : vector<16xf32>
        %swap3A_648 = arith.index_cast %add3A_610 : i32 to index
        %swap3A_649 = arith.constant 64 : index
        %swap3A_650 = tpu.vector_load %arg13[%swap3A_648, %swap3A_649] {strides = array<i32>} : memref<80x128xf32, #tpu.memory_space<vmem>>, vector<16xf32>,
        tpu.vector_store %arg13[%swap3A_648, %swap3A_649], %mul3A_647 {strides = array<i32>} : memref<80x128xf32, #tpu.memory_space<vmem>>, vector<16xf32>,
        %get3A_651 = arith.index_cast %add3A_610 : i32 to index
        %get3A_652 = arith.constant 80 : index
        %get3A_653 = tpu.vector_load %arg13[%get3A_651, %get3A_652] {strides = array<i32>} : memref<80x128xf32, #tpu.memory_space<vmem>>, vector<16xf32>,
        %mul3A_654 = vector.broadcast %squeeze3A_606 : f32 to vector<16xf32>
        %mul3A_655 = arith.mulf %get3A_653, %mul3A_654 : vector<16xf32>
        %swap3A_656 = arith.index_cast %add3A_610 : i32 to index
        %swap3A_657 = arith.constant 80 : index
        %swap3A_658 = tpu.vector_load %arg13[%swap3A_656, %swap3A_657] {strides = array<i32>} : memref<80x128xf32, #tpu.memory_space<vmem>>, vector<16xf32>,
        tpu.vector_store %arg13[%swap3A_656, %swap3A_657], %mul3A_655 {strides = array<i32>} : memref<80x128xf32, #tpu.memory_space<vmem>>, vector<16xf32>,
        %get3A_659 = arith.index_cast %add3A_610 : i32 to index
        %get3A_660 = arith.constant 96 : index
        %get3A_661 = tpu.vector_load %arg13[%get3A_659, %get3A_660] {strides = array<i32>} : memref<80x128xf32, #tpu.memory_space<vmem>>, vector<16xf32>,
        %mul3A_662 = vector.broadcast %squeeze3A_606 : f32 to vector<16xf32>
        %mul3A_663 = arith.mulf %get3A_661, %mul3A_662 : vector<16xf32>
        %swap3A_664 = arith.index_cast %add3A_610 : i32 to index
        %swap3A_665 = arith.constant 96 : index
        %swap3A_666 = tpu.vector_load %arg13[%swap3A_664, %swap3A_665] {strides = array<i32>} : memref<80x128xf32, #tpu.memory_space<vmem>>, vector<16xf32>,
        tpu.vector_store %arg13[%swap3A_664, %swap3A_665], %mul3A_663 {strides = array<i32>} : memref<80x128xf32, #tpu.memory_space<vmem>>, vector<16xf32>,
        %get3A_667 = arith.index_cast %add3A_610 : i32 to index
        %get3A_668 = arith.constant 112 : index
        %get3A_669 = tpu.vector_load %arg13[%get3A_667, %get3A_668] {strides = array<i32>} : memref<80x128xf32, #tpu.memory_space<vmem>>, vector<16xf32>,
        %mul3A_670 = vector.broadcast %squeeze3A_606 : f32 to vector<16xf32>
        %mul3A_671 = arith.mulf %get3A_669, %mul3A_670 : vector<16xf32>
        %swap3A_672 = arith.index_cast %add3A_610 : i32 to index
        %swap3A_673 = arith.constant 112 : index
        %swap3A_674 = tpu.vector_load %arg13[%swap3A_672, %swap3A_673] {strides = array<i32>} : memref<80x128xf32, #tpu.memory_space<vmem>>, vector<16xf32>,
        tpu.vector_store %arg13[%swap3A_672, %swap3A_673], %mul3A_671 {strides = array<i32>} : memref<80x128xf32, #tpu.memory_space<vmem>>, vector<16xf32>,
        %slice3A_675 = vector.extract_strided_slice %get3A_117 {offsets = [8], sizes = [1], strides = [1]} : vector<16xf32> to vector<1xf32>
        %squeeze3A_676 = vector.extract %slice3A_675[0] : f32 from vector<1xf32>
        %mul3A_677 = arith.constant 16 : i32
        %mul3A_678 = arith.muli %scan3A_110, %mul3A_677 : i32
        %add3A_679 = arith.constant 8 : i32
        %add3A_680 = arith.addi %mul3A_678, %add3A_679 : i32
        %get3A_681 = arith.index_cast %add3A_680 : i32 to index
        %get3A_682 = arith.constant 0 : index
        %get3A_683 = tpu.vector_load %arg13[%get3A_681, %get3A_682] {strides = array<i32>} : memref<80x128xf32, #tpu.memory_space<vmem>>, vector<16xf32>,
        %mul3A_684 = vector.broadcast %squeeze3A_676 : f32 to vector<16xf32>
        %mul3A_685 = arith.mulf %get3A_683, %mul3A_684 : vector<16xf32>
        %swap3A_686 = arith.index_cast %add3A_680 : i32 to index
        %swap3A_687 = arith.constant 0 : index
        %swap3A_688 = tpu.vector_load %arg13[%swap3A_686, %swap3A_687] {strides = array<i32>} : memref<80x128xf32, #tpu.memory_space<vmem>>, vector<16xf32>,
        tpu.vector_store %arg13[%swap3A_686, %swap3A_687], %mul3A_685 {strides = array<i32>} : memref<80x128xf32, #tpu.memory_space<vmem>>, vector<16xf32>,
        %get3A_689 = arith.index_cast %add3A_680 : i32 to index
        %get3A_690 = arith.constant 16 : index
        %get3A_691 = tpu.vector_load %arg13[%get3A_689, %get3A_690] {strides = array<i32>} : memref<80x128xf32, #tpu.memory_space<vmem>>, vector<16xf32>,
        %mul3A_692 = vector.broadcast %squeeze3A_676 : f32 to vector<16xf32>
        %mul3A_693 = arith.mulf %get3A_691, %mul3A_692 : vector<16xf32>
        %swap3A_694 = arith.index_cast %add3A_680 : i32 to index
        %swap3A_695 = arith.constant 16 : index
        %swap3A_696 = tpu.vector_load %arg13[%swap3A_694, %swap3A_695] {strides = array<i32>} : memref<80x128xf32, #tpu.memory_space<vmem>>, vector<16xf32>,
        tpu.vector_store %arg13[%swap3A_694, %swap3A_695], %mul3A_693 {strides = array<i32>} : memref<80x128xf32, #tpu.memory_space<vmem>>, vector<16xf32>,
        %get3A_697 = arith.index_cast %add3A_680 : i32 to index
        %get3A_698 = arith.constant 32 : index
        %get3A_699 = tpu.vector_load %arg13[%get3A_697, %get3A_698] {strides = array<i32>} : memref<80x128xf32, #tpu.memory_space<vmem>>, vector<16xf32>,
        %mul3A_700 = vector.broadcast %squeeze3A_676 : f32 to vector<16xf32>
        %mul3A_701 = arith.mulf %get3A_699, %mul3A_700 : vector<16xf32>
        %swap3A_702 = arith.index_cast %add3A_680 : i32 to index
        %swap3A_703 = arith.constant 32 : index
        %swap3A_704 = tpu.vector_load %arg13[%swap3A_702, %swap3A_703] {strides = array<i32>} : memref<80x128xf32, #tpu.memory_space<vmem>>, vector<16xf32>,
        tpu.vector_store %arg13[%swap3A_702, %swap3A_703], %mul3A_701 {strides = array<i32>} : memref<80x128xf32, #tpu.memory_space<vmem>>, vector<16xf32>,
        %get3A_705 = arith.index_cast %add3A_680 : i32 to index
        %get3A_706 = arith.constant 48 : index
        %get3A_707 = tpu.vector_load %arg13[%get3A_705, %get3A_706] {strides = array<i32>} : memref<80x128xf32, #tpu.memory_space<vmem>>, vector<16xf32>,
        %mul3A_708 = vector.broadcast %squeeze3A_676 : f32 to vector<16xf32>
        %mul3A_709 = arith.mulf %get3A_707, %mul3A_708 : vector<16xf32>
        %swap3A_710 = arith.index_cast %add3A_680 : i32 to index
        %swap3A_711 = arith.constant 48 : index
        %swap3A_712 = tpu.vector_load %arg13[%swap3A_710, %swap3A_711] {strides = array<i32>} : memref<80x128xf32, #tpu.memory_space<vmem>>, vector<16xf32>,
        tpu.vector_store %arg13[%swap3A_710, %swap3A_711], %mul3A_709 {strides = array<i32>} : memref<80x128xf32, #tpu.memory_space<vmem>>, vector<16xf32>,
        %get3A_713 = arith.index_cast %add3A_680 : i32 to index
        %get3A_714 = arith.constant 64 : index
        %get3A_715 = tpu.vector_load %arg13[%get3A_713, %get3A_714] {strides = array<i32>} : memref<80x128xf32, #tpu.memory_space<vmem>>, vector<16xf32>,
        %mul3A_716 = vector.broadcast %squeeze3A_676 : f32 to vector<16xf32>
        %mul3A_717 = arith.mulf %get3A_715, %mul3A_716 : vector<16xf32>
        %swap3A_718 = arith.index_cast %add3A_680 : i32 to index
        %swap3A_719 = arith.constant 64 : index
        %swap3A_720 = tpu.vector_load %arg13[%swap3A_718, %swap3A_719] {strides = array<i32>} : memref<80x128xf32, #tpu.memory_space<vmem>>, vector<16xf32>,
        tpu.vector_store %arg13[%swap3A_718, %swap3A_719], %mul3A_717 {strides = array<i32>} : memref<80x128xf32, #tpu.memory_space<vmem>>, vector<16xf32>,
        %get3A_721 = arith.index_cast %add3A_680 : i32 to index
        %get3A_722 = arith.constant 80 : index
        %get3A_723 = tpu.vector_load %arg13[%get3A_721, %get3A_722] {strides = array<i32>} : memref<80x128xf32, #tpu.memory_space<vmem>>, vector<16xf32>,
        %mul3A_724 = vector.broadcast %squeeze3A_676 : f32 to vector<16xf32>
        %mul3A_725 = arith.mulf %get3A_723, %mul3A_724 : vector<16xf32>
        %swap3A_726 = arith.index_cast %add3A_680 : i32 to index
        %swap3A_727 = arith.constant 80 : index
        %swap3A_728 = tpu.vector_load %arg13[%swap3A_726, %swap3A_727] {strides = array<i32>} : memref<80x128xf32, #tpu.memory_space<vmem>>, vector<16xf32>,
        tpu.vector_store %arg13[%swap3A_726, %swap3A_727], %mul3A_725 {strides = array<i32>} : memref<80x128xf32, #tpu.memory_space<vmem>>, vector<16xf32>,
        %get3A_729 = arith.index_cast %add3A_680 : i32 to index
        %get3A_730 = arith.constant 96 : index
        %get3A_731 = tpu.vector_load %arg13[%get3A_729, %get3A_730] {strides = array<i32>} : memref<80x128xf32, #tpu.memory_space<vmem>>, vector<16xf32>,
        %mul3A_732 = vector.broadcast %squeeze3A_676 : f32 to vector<16xf32>
        %mul3A_733 = arith.mulf %get3A_731, %mul3A_732 : vector<16xf32>
        %swap3A_734 = arith.index_cast %add3A_680 : i32 to index
        %swap3A_735 = arith.constant 96 : index
        %swap3A_736 = tpu.vector_load %arg13[%swap3A_734, %swap3A_735] {strides = array<i32>} : memref<80x128xf32, #tpu.memory_space<vmem>>, vector<16xf32>,
        tpu.vector_store %arg13[%swap3A_734, %swap3A_735], %mul3A_733 {strides = array<i32>} : memref<80x128xf32, #tpu.memory_space<vmem>>, vector<16xf32>,
        %get3A_737 = arith.index_cast %add3A_680 : i32 to index
        %get3A_738 = arith.constant 112 : index
        %get3A_739 = tpu.vector_load %arg13[%get3A_737, %get3A_738] {strides = array<i32>} : memref<80x128xf32, #tpu.memory_space<vmem>>, vector<16xf32>,
        %mul3A_740 = vector.broadcast %squeeze3A_676 : f32 to vector<16xf32>
        %mul3A_741 = arith.mulf %get3A_739, %mul3A_740 : vector<16xf32>
        %swap3A_742 = arith.index_cast %add3A_680 : i32 to index
        %swap3A_743 = arith.constant 112 : index
        %swap3A_744 = tpu.vector_load %arg13[%swap3A_742, %swap3A_743] {strides = array<i32>} : memref<80x128xf32, #tpu.memory_space<vmem>>, vector<16xf32>,
        tpu.vector_store %arg13[%swap3A_742, %swap3A_743], %mul3A_741 {strides = array<i32>} : memref<80x128xf32, #tpu.memory_space<vmem>>, vector<16xf32>,
        %slice3A_745 = vector.extract_strided_slice %get3A_117 {offsets = [9], sizes = [1], strides = [1]} : vector<16xf32> to vector<1xf32>
        %squeeze3A_746 = vector.extract %slice3A_745[0] : f32 from vector<1xf32>
        %mul3A_747 = arith.constant 16 : i32
        %mul3A_748 = arith.muli %scan3A_110, %mul3A_747 : i32
        %add3A_749 = arith.constant 9 : i32
        %add3A_750 = arith.addi %mul3A_748, %add3A_749 : i32
        %get3A_751 = arith.index_cast %add3A_750 : i32 to index
        %get3A_752 = arith.constant 0 : index
        %get3A_753 = tpu.vector_load %arg13[%get3A_751, %get3A_752] {strides = array<i32>} : memref<80x128xf32, #tpu.memory_space<vmem>>, vector<16xf32>,
        %mul3A_754 = vector.broadcast %squeeze3A_746 : f32 to vector<16xf32>
        %mul3A_755 = arith.mulf %get3A_753, %mul3A_754 : vector<16xf32>
        %swap3A_756 = arith.index_cast %add3A_750 : i32 to index
        %swap3A_757 = arith.constant 0 : index
        %swap3A_758 = tpu.vector_load %arg13[%swap3A_756, %swap3A_757] {strides = array<i32>} : memref<80x128xf32, #tpu.memory_space<vmem>>, vector<16xf32>,
        tpu.vector_store %arg13[%swap3A_756, %swap3A_757], %mul3A_755 {strides = array<i32>} : memref<80x128xf32, #tpu.memory_space<vmem>>, vector<16xf32>,
        %get3A_759 = arith.index_cast %add3A_750 : i32 to index
        %get3A_760 = arith.constant 16 : index
        %get3A_761 = tpu.vector_load %arg13[%get3A_759, %get3A_760] {strides = array<i32>} : memref<80x128xf32, #tpu.memory_space<vmem>>, vector<16xf32>,
        %mul3A_762 = vector.broadcast %squeeze3A_746 : f32 to vector<16xf32>
        %mul3A_763 = arith.mulf %get3A_761, %mul3A_762 : vector<16xf32>
        %swap3A_764 = arith.index_cast %add3A_750 : i32 to index
        %swap3A_765 = arith.constant 16 : index
        %swap3A_766 = tpu.vector_load %arg13[%swap3A_764, %swap3A_765] {strides = array<i32>} : memref<80x128xf32, #tpu.memory_space<vmem>>, vector<16xf32>,
        tpu.vector_store %arg13[%swap3A_764, %swap3A_765], %mul3A_763 {strides = array<i32>} : memref<80x128xf32, #tpu.memory_space<vmem>>, vector<16xf32>,
        %get3A_767 = arith.index_cast %add3A_750 : i32 to index
        %get3A_768 = arith.constant 32 : index
        %get3A_769 = tpu.vector_load %arg13[%get3A_767, %get3A_768] {strides = array<i32>} : memref<80x128xf32, #tpu.memory_space<vmem>>, vector<16xf32>,
        %mul3A_770 = vector.broadcast %squeeze3A_746 : f32 to vector<16xf32>
        %mul3A_771 = arith.mulf %get3A_769, %mul3A_770 : vector<16xf32>
        %swap3A_772 = arith.index_cast %add3A_750 : i32 to index
        %swap3A_773 = arith.constant 32 : index
        %swap3A_774 = tpu.vector_load %arg13[%swap3A_772, %swap3A_773] {strides = array<i32>} : memref<80x128xf32, #tpu.memory_space<vmem>>, vector<16xf32>,
        tpu.vector_store %arg13[%swap3A_772, %swap3A_773], %mul3A_771 {strides = array<i32>} : memref<80x128xf32, #tpu.memory_space<vmem>>, vector<16xf32>,
        %get3A_775 = arith.index_cast %add3A_750 : i32 to index
        %get3A_776 = arith.constant 48 : index
        %get3A_777 = tpu.vector_load %arg13[%get3A_775, %get3A_776] {strides = array<i32>} : memref<80x128xf32, #tpu.memory_space<vmem>>, vector<16xf32>,
        %mul3A_778 = vector.broadcast %squeeze3A_746 : f32 to vector<16xf32>
        %mul3A_779 = arith.mulf %get3A_777, %mul3A_778 : vector<16xf32>
        %swap3A_780 = arith.index_cast %add3A_750 : i32 to index
        %swap3A_781 = arith.constant 48 : index
        %swap3A_782 = tpu.vector_load %arg13[%swap3A_780, %swap3A_781] {strides = array<i32>} : memref<80x128xf32, #tpu.memory_space<vmem>>, vector<16xf32>,
        tpu.vector_store %arg13[%swap3A_780, %swap3A_781], %mul3A_779 {strides = array<i32>} : memref<80x128xf32, #tpu.memory_space<vmem>>, vector<16xf32>,
        %get3A_783 = arith.index_cast %add3A_750 : i32 to index
        %get3A_784 = arith.constant 64 : index
        %get3A_785 = tpu.vector_load %arg13[%get3A_783, %get3A_784] {strides = array<i32>} : memref<80x128xf32, #tpu.memory_space<vmem>>, vector<16xf32>,
        %mul3A_786 = vector.broadcast %squeeze3A_746 : f32 to vector<16xf32>
        %mul3A_787 = arith.mulf %get3A_785, %mul3A_786 : vector<16xf32>
        %swap3A_788 = arith.index_cast %add3A_750 : i32 to index
        %swap3A_789 = arith.constant 64 : index
        %swap3A_790 = tpu.vector_load %arg13[%swap3A_788, %swap3A_789] {strides = array<i32>} : memref<80x128xf32, #tpu.memory_space<vmem>>, vector<16xf32>,
        tpu.vector_store %arg13[%swap3A_788, %swap3A_789], %mul3A_787 {strides = array<i32>} : memref<80x128xf32, #tpu.memory_space<vmem>>, vector<16xf32>,
        %get3A_791 = arith.index_cast %add3A_750 : i32 to index
        %get3A_792 = arith.constant 80 : index
        %get3A_793 = tpu.vector_load %arg13[%get3A_791, %get3A_792] {strides = array<i32>} : memref<80x128xf32, #tpu.memory_space<vmem>>, vector<16xf32>,
        %mul3A_794 = vector.broadcast %squeeze3A_746 : f32 to vector<16xf32>
        %mul3A_795 = arith.mulf %get3A_793, %mul3A_794 : vector<16xf32>
        %swap3A_796 = arith.index_cast %add3A_750 : i32 to index
        %swap3A_797 = arith.constant 80 : index
        %swap3A_798 = tpu.vector_load %arg13[%swap3A_796, %swap3A_797] {strides = array<i32>} : memref<80x128xf32, #tpu.memory_space<vmem>>, vector<16xf32>,
        tpu.vector_store %arg13[%swap3A_796, %swap3A_797], %mul3A_795 {strides = array<i32>} : memref<80x128xf32, #tpu.memory_space<vmem>>, vector<16xf32>,
        %get3A_799 = arith.index_cast %add3A_750 : i32 to index
        %get3A_800 = arith.constant 96 : index
        %get3A_801 = tpu.vector_load %arg13[%get3A_799, %get3A_800] {strides = array<i32>} : memref<80x128xf32, #tpu.memory_space<vmem>>, vector<16xf32>,
        %mul3A_802 = vector.broadcast %squeeze3A_746 : f32 to vector<16xf32>
        %mul3A_803 = arith.mulf %get3A_801, %mul3A_802 : vector<16xf32>
        %swap3A_804 = arith.index_cast %add3A_750 : i32 to index
        %swap3A_805 = arith.constant 96 : index
        %swap3A_806 = tpu.vector_load %arg13[%swap3A_804, %swap3A_805] {strides = array<i32>} : memref<80x128xf32, #tpu.memory_space<vmem>>, vector<16xf32>,
        tpu.vector_store %arg13[%swap3A_804, %swap3A_805], %mul3A_803 {strides = array<i32>} : memref<80x128xf32, #tpu.memory_space<vmem>>, vector<16xf32>,
        %get3A_807 = arith.index_cast %add3A_750 : i32 to index
        %get3A_808 = arith.constant 112 : index
        %get3A_809 = tpu.vector_load %arg13[%get3A_807, %get3A_808] {strides = array<i32>} : memref<80x128xf32, #tpu.memory_space<vmem>>, vector<16xf32>,
        %mul3A_810 = vector.broadcast %squeeze3A_746 : f32 to vector<16xf32>
        %mul3A_811 = arith.mulf %get3A_809, %mul3A_810 : vector<16xf32>
        %swap3A_812 = arith.index_cast %add3A_750 : i32 to index
        %swap3A_813 = arith.constant 112 : index
        %swap3A_814 = tpu.vector_load %arg13[%swap3A_812, %swap3A_813] {strides = array<i32>} : memref<80x128xf32, #tpu.memory_space<vmem>>, vector<16xf32>,
        tpu.vector_store %arg13[%swap3A_812, %swap3A_813], %mul3A_811 {strides = array<i32>} : memref<80x128xf32, #tpu.memory_space<vmem>>, vector<16xf32>,
        %slice3A_815 = vector.extract_strided_slice %get3A_117 {offsets = [10], sizes = [1], strides = [1]} : vector<16xf32> to vector<1xf32>
        %squeeze3A_816 = vector.extract %slice3A_815[0] : f32 from vector<1xf32>
        %mul3A_817 = arith.constant 16 : i32
        %mul3A_818 = arith.muli %scan3A_110, %mul3A_817 : i32
        %add3A_819 = arith.constant 10 : i32
        %add3A_820 = arith.addi %mul3A_818, %add3A_819 : i32
        %get3A_821 = arith.index_cast %add3A_820 : i32 to index
        %get3A_822 = arith.constant 0 : index
        %get3A_823 = tpu.vector_load %arg13[%get3A_821, %get3A_822] {strides = array<i32>} : memref<80x128xf32, #tpu.memory_space<vmem>>, vector<16xf32>,
        %mul3A_824 = vector.broadcast %squeeze3A_816 : f32 to vector<16xf32>
        %mul3A_825 = arith.mulf %get3A_823, %mul3A_824 : vector<16xf32>
        %swap3A_826 = arith.index_cast %add3A_820 : i32 to index
        %swap3A_827 = arith.constant 0 : index
        %swap3A_828 = tpu.vector_load %arg13[%swap3A_826, %swap3A_827] {strides = array<i32>} : memref<80x128xf32, #tpu.memory_space<vmem>>, vector<16xf32>,
        tpu.vector_store %arg13[%swap3A_826, %swap3A_827], %mul3A_825 {strides = array<i32>} : memref<80x128xf32, #tpu.memory_space<vmem>>, vector<16xf32>,
        %get3A_829 = arith.index_cast %add3A_820 : i32 to index
        %get3A_830 = arith.constant 16 : index
        %get3A_831 = tpu.vector_load %arg13[%get3A_829, %get3A_830] {strides = array<i32>} : memref<80x128xf32, #tpu.memory_space<vmem>>, vector<16xf32>,
        %mul3A_832 = vector.broadcast %squeeze3A_816 : f32 to vector<16xf32>
        %mul3A_833 = arith.mulf %get3A_831, %mul3A_832 : vector<16xf32>
        %swap3A_834 = arith.index_cast %add3A_820 : i32 to index
        %swap3A_835 = arith.constant 16 : index
        %swap3A_836 = tpu.vector_load %arg13[%swap3A_834, %swap3A_835] {strides = array<i32>} : memref<80x128xf32, #tpu.memory_space<vmem>>, vector<16xf32>,
        tpu.vector_store %arg13[%swap3A_834, %swap3A_835], %mul3A_833 {strides = array<i32>} : memref<80x128xf32, #tpu.memory_space<vmem>>, vector<16xf32>,
        %get3A_837 = arith.index_cast %add3A_820 : i32 to index
        %get3A_838 = arith.constant 32 : index
        %get3A_839 = tpu.vector_load %arg13[%get3A_837, %get3A_838] {strides = array<i32>} : memref<80x128xf32, #tpu.memory_space<vmem>>, vector<16xf32>,
        %mul3A_840 = vector.broadcast %squeeze3A_816 : f32 to vector<16xf32>
        %mul3A_841 = arith.mulf %get3A_839, %mul3A_840 : vector<16xf32>
        %swap3A_842 = arith.index_cast %add3A_820 : i32 to index
        %swap3A_843 = arith.constant 32 : index
        %swap3A_844 = tpu.vector_load %arg13[%swap3A_842, %swap3A_843] {strides = array<i32>} : memref<80x128xf32, #tpu.memory_space<vmem>>, vector<16xf32>,
        tpu.vector_store %arg13[%swap3A_842, %swap3A_843], %mul3A_841 {strides = array<i32>} : memref<80x128xf32, #tpu.memory_space<vmem>>, vector<16xf32>,
        %get3A_845 = arith.index_cast %add3A_820 : i32 to index
        %get3A_846 = arith.constant 48 : index
        %get3A_847 = tpu.vector_load %arg13[%get3A_845, %get3A_846] {strides = array<i32>} : memref<80x128xf32, #tpu.memory_space<vmem>>, vector<16xf32>,
        %mul3A_848 = vector.broadcast %squeeze3A_816 : f32 to vector<16xf32>
        %mul3A_849 = arith.mulf %get3A_847, %mul3A_848 : vector<16xf32>
        %swap3A_850 = arith.index_cast %add3A_820 : i32 to index
        %swap3A_851 = arith.constant 48 : index
        %swap3A_852 = tpu.vector_load %arg13[%swap3A_850, %swap3A_851] {strides = array<i32>} : memref<80x128xf32, #tpu.memory_space<vmem>>, vector<16xf32>,
        tpu.vector_store %arg13[%swap3A_850, %swap3A_851], %mul3A_849 {strides = array<i32>} : memref<80x128xf32, #tpu.memory_space<vmem>>, vector<16xf32>,
        %get3A_853 = arith.index_cast %add3A_820 : i32 to index
        %get3A_854 = arith.constant 64 : index
        %get3A_855 = tpu.vector_load %arg13[%get3A_853, %get3A_854] {strides = array<i32>} : memref<80x128xf32, #tpu.memory_space<vmem>>, vector<16xf32>,
        %mul3A_856 = vector.broadcast %squeeze3A_816 : f32 to vector<16xf32>
        %mul3A_857 = arith.mulf %get3A_855, %mul3A_856 : vector<16xf32>
        %swap3A_858 = arith.index_cast %add3A_820 : i32 to index
        %swap3A_859 = arith.constant 64 : index
        %swap3A_860 = tpu.vector_load %arg13[%swap3A_858, %swap3A_859] {strides = array<i32>} : memref<80x128xf32, #tpu.memory_space<vmem>>, vector<16xf32>,
        tpu.vector_store %arg13[%swap3A_858, %swap3A_859], %mul3A_857 {strides = array<i32>} : memref<80x128xf32, #tpu.memory_space<vmem>>, vector<16xf32>,
        %get3A_861 = arith.index_cast %add3A_820 : i32 to index
        %get3A_862 = arith.constant 80 : index
        %get3A_863 = tpu.vector_load %arg13[%get3A_861, %get3A_862] {strides = array<i32>} : memref<80x128xf32, #tpu.memory_space<vmem>>, vector<16xf32>,
        %mul3A_864 = vector.broadcast %squeeze3A_816 : f32 to vector<16xf32>
        %mul3A_865 = arith.mulf %get3A_863, %mul3A_864 : vector<16xf32>
        %swap3A_866 = arith.index_cast %add3A_820 : i32 to index
        %swap3A_867 = arith.constant 80 : index
        %swap3A_868 = tpu.vector_load %arg13[%swap3A_866, %swap3A_867] {strides = array<i32>} : memref<80x128xf32, #tpu.memory_space<vmem>>, vector<16xf32>,
        tpu.vector_store %arg13[%swap3A_866, %swap3A_867], %mul3A_865 {strides = array<i32>} : memref<80x128xf32, #tpu.memory_space<vmem>>, vector<16xf32>,
        %get3A_869 = arith.index_cast %add3A_820 : i32 to index
        %get3A_870 = arith.constant 96 : index
        %get3A_871 = tpu.vector_load %arg13[%get3A_869, %get3A_870] {strides = array<i32>} : memref<80x128xf32, #tpu.memory_space<vmem>>, vector<16xf32>,
        %mul3A_872 = vector.broadcast %squeeze3A_816 : f32 to vector<16xf32>
        %mul3A_873 = arith.mulf %get3A_871, %mul3A_872 : vector<16xf32>
        %swap3A_874 = arith.index_cast %add3A_820 : i32 to index
        %swap3A_875 = arith.constant 96 : index
        %swap3A_876 = tpu.vector_load %arg13[%swap3A_874, %swap3A_875] {strides = array<i32>} : memref<80x128xf32, #tpu.memory_space<vmem>>, vector<16xf32>,
        tpu.vector_store %arg13[%swap3A_874, %swap3A_875], %mul3A_873 {strides = array<i32>} : memref<80x128xf32, #tpu.memory_space<vmem>>, vector<16xf32>,
        %get3A_877 = arith.index_cast %add3A_820 : i32 to index
        %get3A_878 = arith.constant 112 : index
        %get3A_879 = tpu.vector_load %arg13[%get3A_877, %get3A_878] {strides = array<i32>} : memref<80x128xf32, #tpu.memory_space<vmem>>, vector<16xf32>,
        %mul3A_880 = vector.broadcast %squeeze3A_816 : f32 to vector<16xf32>
        %mul3A_881 = arith.mulf %get3A_879, %mul3A_880 : vector<16xf32>
        %swap3A_882 = arith.index_cast %add3A_820 : i32 to index
        %swap3A_883 = arith.constant 112 : index
        %swap3A_884 = tpu.vector_load %arg13[%swap3A_882, %swap3A_883] {strides = array<i32>} : memref<80x128xf32, #tpu.memory_space<vmem>>, vector<16xf32>,
        tpu.vector_store %arg13[%swap3A_882, %swap3A_883], %mul3A_881 {strides = array<i32>} : memref<80x128xf32, #tpu.memory_space<vmem>>, vector<16xf32>,
        %slice3A_885 = vector.extract_strided_slice %get3A_117 {offsets = [11], sizes = [1], strides = [1]} : vector<16xf32> to vector<1xf32>
        %squeeze3A_886 = vector.extract %slice3A_885[0] : f32 from vector<1xf32>
        %mul3A_887 = arith.constant 16 : i32
        %mul3A_888 = arith.muli %scan3A_110, %mul3A_887 : i32
        %add3A_889 = arith.constant 11 : i32
        %add3A_890 = arith.addi %mul3A_888, %add3A_889 : i32
        %get3A_891 = arith.index_cast %add3A_890 : i32 to index
        %get3A_892 = arith.constant 0 : index
        %get3A_893 = tpu.vector_load %arg13[%get3A_891, %get3A_892] {strides = array<i32>} : memref<80x128xf32, #tpu.memory_space<vmem>>, vector<16xf32>,
        %mul3A_894 = vector.broadcast %squeeze3A_886 : f32 to vector<16xf32>
        %mul3A_895 = arith.mulf %get3A_893, %mul3A_894 : vector<16xf32>
        %swap3A_896 = arith.index_cast %add3A_890 : i32 to index
        %swap3A_897 = arith.constant 0 : index
        %swap3A_898 = tpu.vector_load %arg13[%swap3A_896, %swap3A_897] {strides = array<i32>} : memref<80x128xf32, #tpu.memory_space<vmem>>, vector<16xf32>,
        tpu.vector_store %arg13[%swap3A_896, %swap3A_897], %mul3A_895 {strides = array<i32>} : memref<80x128xf32, #tpu.memory_space<vmem>>, vector<16xf32>,
        %get3A_899 = arith.index_cast %add3A_890 : i32 to index
        %get3A_900 = arith.constant 16 : index
        %get3A_901 = tpu.vector_load %arg13[%get3A_899, %get3A_900] {strides = array<i32>} : memref<80x128xf32, #tpu.memory_space<vmem>>, vector<16xf32>,
        %mul3A_902 = vector.broadcast %squeeze3A_886 : f32 to vector<16xf32>
        %mul3A_903 = arith.mulf %get3A_901, %mul3A_902 : vector<16xf32>
        %swap3A_904 = arith.index_cast %add3A_890 : i32 to index
        %swap3A_905 = arith.constant 16 : index
        %swap3A_906 = tpu.vector_load %arg13[%swap3A_904, %swap3A_905] {strides = array<i32>} : memref<80x128xf32, #tpu.memory_space<vmem>>, vector<16xf32>,
        tpu.vector_store %arg13[%swap3A_904, %swap3A_905], %mul3A_903 {strides = array<i32>} : memref<80x128xf32, #tpu.memory_space<vmem>>, vector<16xf32>,
        %get3A_907 = arith.index_cast %add3A_890 : i32 to index
        %get3A_908 = arith.constant 32 : index
        %get3A_909 = tpu.vector_load %arg13[%get3A_907, %get3A_908] {strides = array<i32>} : memref<80x128xf32, #tpu.memory_space<vmem>>, vector<16xf32>,
        %mul3A_910 = vector.broadcast %squeeze3A_886 : f32 to vector<16xf32>
        %mul3A_911 = arith.mulf %get3A_909, %mul3A_910 : vector<16xf32>
        %swap3A_912 = arith.index_cast %add3A_890 : i32 to index
        %swap3A_913 = arith.constant 32 : index
        %swap3A_914 = tpu.vector_load %arg13[%swap3A_912, %swap3A_913] {strides = array<i32>} : memref<80x128xf32, #tpu.memory_space<vmem>>, vector<16xf32>,
        tpu.vector_store %arg13[%swap3A_912, %swap3A_913], %mul3A_911 {strides = array<i32>} : memref<80x128xf32, #tpu.memory_space<vmem>>, vector<16xf32>,
        %get3A_915 = arith.index_cast %add3A_890 : i32 to index
        %get3A_916 = arith.constant 48 : index
        %get3A_917 = tpu.vector_load %arg13[%get3A_915, %get3A_916] {strides = array<i32>} : memref<80x128xf32, #tpu.memory_space<vmem>>, vector<16xf32>,
        %mul3A_918 = vector.broadcast %squeeze3A_886 : f32 to vector<16xf32>
        %mul3A_919 = arith.mulf %get3A_917, %mul3A_918 : vector<16xf32>
        %swap3A_920 = arith.index_cast %add3A_890 : i32 to index
        %swap3A_921 = arith.constant 48 : index
        %swap3A_922 = tpu.vector_load %arg13[%swap3A_920, %swap3A_921] {strides = array<i32>} : memref<80x128xf32, #tpu.memory_space<vmem>>, vector<16xf32>,
        tpu.vector_store %arg13[%swap3A_920, %swap3A_921], %mul3A_919 {strides = array<i32>} : memref<80x128xf32, #tpu.memory_space<vmem>>, vector<16xf32>,
        %get3A_923 = arith.index_cast %add3A_890 : i32 to index
        %get3A_924 = arith.constant 64 : index
        %get3A_925 = tpu.vector_load %arg13[%get3A_923, %get3A_924] {strides = array<i32>} : memref<80x128xf32, #tpu.memory_space<vmem>>, vector<16xf32>,
        %mul3A_926 = vector.broadcast %squeeze3A_886 : f32 to vector<16xf32>
        %mul3A_927 = arith.mulf %get3A_925, %mul3A_926 : vector<16xf32>
        %swap3A_928 = arith.index_cast %add3A_890 : i32 to index
        %swap3A_929 = arith.constant 64 : index
        %swap3A_930 = tpu.vector_load %arg13[%swap3A_928, %swap3A_929] {strides = array<i32>} : memref<80x128xf32, #tpu.memory_space<vmem>>, vector<16xf32>,
        tpu.vector_store %arg13[%swap3A_928, %swap3A_929], %mul3A_927 {strides = array<i32>} : memref<80x128xf32, #tpu.memory_space<vmem>>, vector<16xf32>,
        %get3A_931 = arith.index_cast %add3A_890 : i32 to index
        %get3A_932 = arith.constant 80 : index
        %get3A_933 = tpu.vector_load %arg13[%get3A_931, %get3A_932] {strides = array<i32>} : memref<80x128xf32, #tpu.memory_space<vmem>>, vector<16xf32>,
        %mul3A_934 = vector.broadcast %squeeze3A_886 : f32 to vector<16xf32>
        %mul3A_935 = arith.mulf %get3A_933, %mul3A_934 : vector<16xf32>
        %swap3A_936 = arith.index_cast %add3A_890 : i32 to index
        %swap3A_937 = arith.constant 80 : index
        %swap3A_938 = tpu.vector_load %arg13[%swap3A_936, %swap3A_937] {strides = array<i32>} : memref<80x128xf32, #tpu.memory_space<vmem>>, vector<16xf32>,
        tpu.vector_store %arg13[%swap3A_936, %swap3A_937], %mul3A_935 {strides = array<i32>} : memref<80x128xf32, #tpu.memory_space<vmem>>, vector<16xf32>,
        %get3A_939 = arith.index_cast %add3A_890 : i32 to index
        %get3A_940 = arith.constant 96 : index
        %get3A_941 = tpu.vector_load %arg13[%get3A_939, %get3A_940] {strides = array<i32>} : memref<80x128xf32, #tpu.memory_space<vmem>>, vector<16xf32>,
        %mul3A_942 = vector.broadcast %squeeze3A_886 : f32 to vector<16xf32>
        %mul3A_943 = arith.mulf %get3A_941, %mul3A_942 : vector<16xf32>
        %swap3A_944 = arith.index_cast %add3A_890 : i32 to index
        %swap3A_945 = arith.constant 96 : index
        %swap3A_946 = tpu.vector_load %arg13[%swap3A_944, %swap3A_945] {strides = array<i32>} : memref<80x128xf32, #tpu.memory_space<vmem>>, vector<16xf32>,
        tpu.vector_store %arg13[%swap3A_944, %swap3A_945], %mul3A_943 {strides = array<i32>} : memref<80x128xf32, #tpu.memory_space<vmem>>, vector<16xf32>,
        %get3A_947 = arith.index_cast %add3A_890 : i32 to index
        %get3A_948 = arith.constant 112 : index
        %get3A_949 = tpu.vector_load %arg13[%get3A_947, %get3A_948] {strides = array<i32>} : memref<80x128xf32, #tpu.memory_space<vmem>>, vector<16xf32>,
        %mul3A_950 = vector.broadcast %squeeze3A_886 : f32 to vector<16xf32>
        %mul3A_951 = arith.mulf %get3A_949, %mul3A_950 : vector<16xf32>
        %swap3A_952 = arith.index_cast %add3A_890 : i32 to index
        %swap3A_953 = arith.constant 112 : index
        %swap3A_954 = tpu.vector_load %arg13[%swap3A_952, %swap3A_953] {strides = array<i32>} : memref<80x128xf32, #tpu.memory_space<vmem>>, vector<16xf32>,
        tpu.vector_store %arg13[%swap3A_952, %swap3A_953], %mul3A_951 {strides = array<i32>} : memref<80x128xf32, #tpu.memory_space<vmem>>, vector<16xf32>,
        %slice3A_955 = vector.extract_strided_slice %get3A_117 {offsets = [12], sizes = [1], strides = [1]} : vector<16xf32> to vector<1xf32>
        %squeeze3A_956 = vector.extract %slice3A_955[0] : f32 from vector<1xf32>
        %mul3A_957 = arith.constant 16 : i32
        %mul3A_958 = arith.muli %scan3A_110, %mul3A_957 : i32
        %add3A_959 = arith.constant 12 : i32
        %add3A_960 = arith.addi %mul3A_958, %add3A_959 : i32
        %get3A_961 = arith.index_cast %add3A_960 : i32 to index
        %get3A_962 = arith.constant 0 : index
        %get3A_963 = tpu.vector_load %arg13[%get3A_961, %get3A_962] {strides = array<i32>} : memref<80x128xf32, #tpu.memory_space<vmem>>, vector<16xf32>,
        %mul3A_964 = vector.broadcast %squeeze3A_956 : f32 to vector<16xf32>
        %mul3A_965 = arith.mulf %get3A_963, %mul3A_964 : vector<16xf32>
        %swap3A_966 = arith.index_cast %add3A_960 : i32 to index
        %swap3A_967 = arith.constant 0 : index
        %swap3A_968 = tpu.vector_load %arg13[%swap3A_966, %swap3A_967] {strides = array<i32>} : memref<80x128xf32, #tpu.memory_space<vmem>>, vector<16xf32>,
        tpu.vector_store %arg13[%swap3A_966, %swap3A_967], %mul3A_965 {strides = array<i32>} : memref<80x128xf32, #tpu.memory_space<vmem>>, vector<16xf32>,
        %get3A_969 = arith.index_cast %add3A_960 : i32 to index
        %get3A_970 = arith.constant 16 : index
        %get3A_971 = tpu.vector_load %arg13[%get3A_969, %get3A_970] {strides = array<i32>} : memref<80x128xf32, #tpu.memory_space<vmem>>, vector<16xf32>,
        %mul3A_972 = vector.broadcast %squeeze3A_956 : f32 to vector<16xf32>
        %mul3A_973 = arith.mulf %get3A_971, %mul3A_972 : vector<16xf32>
        %swap3A_974 = arith.index_cast %add3A_960 : i32 to index
        %swap3A_975 = arith.constant 16 : index
        %swap3A_976 = tpu.vector_load %arg13[%swap3A_974, %swap3A_975] {strides = array<i32>} : memref<80x128xf32, #tpu.memory_space<vmem>>, vector<16xf32>,
        tpu.vector_store %arg13[%swap3A_974, %swap3A_975], %mul3A_973 {strides = array<i32>} : memref<80x128xf32, #tpu.memory_space<vmem>>, vector<16xf32>,
        %get3A_977 = arith.index_cast %add3A_960 : i32 to index
        %get3A_978 = arith.constant 32 : index
        %get3A_979 = tpu.vector_load %arg13[%get3A_977, %get3A_978] {strides = array<i32>} : memref<80x128xf32, #tpu.memory_space<vmem>>, vector<16xf32>,
        %mul3A_980 = vector.broadcast %squeeze3A_956 : f32 to vector<16xf32>
        %mul3A_981 = arith.mulf %get3A_979, %mul3A_980 : vector<16xf32>
        %swap3A_982 = arith.index_cast %add3A_960 : i32 to index
        %swap3A_983 = arith.constant 32 : index
        %swap3A_984 = tpu.vector_load %arg13[%swap3A_982, %swap3A_983] {strides = array<i32>} : memref<80x128xf32, #tpu.memory_space<vmem>>, vector<16xf32>,
        tpu.vector_store %arg13[%swap3A_982, %swap3A_983], %mul3A_981 {strides = array<i32>} : memref<80x128xf32, #tpu.memory_space<vmem>>, vector<16xf32>,
        %get3A_985 = arith.index_cast %add3A_960 : i32 to index
        %get3A_986 = arith.constant 48 : index
        %get3A_987 = tpu.vector_load %arg13[%get3A_985, %get3A_986] {strides = array<i32>} : memref<80x128xf32, #tpu.memory_space<vmem>>, vector<16xf32>,
        %mul3A_988 = vector.broadcast %squeeze3A_956 : f32 to vector<16xf32>
        %mul3A_989 = arith.mulf %get3A_987, %mul3A_988 : vector<16xf32>
        %swap3A_990 = arith.index_cast %add3A_960 : i32 to index
        %swap3A_991 = arith.constant 48 : index
        %swap3A_992 = tpu.vector_load %arg13[%swap3A_990, %swap3A_991] {strides = array<i32>} : memref<80x128xf32, #tpu.memory_space<vmem>>, vector<16xf32>,
        tpu.vector_store %arg13[%swap3A_990, %swap3A_991], %mul3A_989 {strides = array<i32>} : memref<80x128xf32, #tpu.memory_space<vmem>>, vector<16xf32>,
        %get3A_993 = arith.index_cast %add3A_960 : i32 to index
        %get3A_994 = arith.constant 64 : index
        %get3A_995 = tpu.vector_load %arg13[%get3A_993, %get3A_994] {strides = array<i32>} : memref<80x128xf32, #tpu.memory_space<vmem>>, vector<16xf32>,
        %mul3A_996 = vector.broadcast %squeeze3A_956 : f32 to vector<16xf32>
        %mul3A_997 = arith.mulf %get3A_995, %mul3A_996 : vector<16xf32>
        %swap3A_998 = arith.index_cast %add3A_960 : i32 to index
        %swap3A_999 = arith.constant 64 : index
        %swap3A_1000 = tpu.vector_load %arg13[%swap3A_998, %swap3A_999] {strides = array<i32>} : memref<80x128xf32, #tpu.memory_space<vmem>>, vector<16xf32>,
        tpu.vector_store %arg13[%swap3A_998, %swap3A_999], %mul3A_997 {strides = array<i32>} : memref<80x128xf32, #tpu.memory_space<vmem>>, vector<16xf32>,
        %get3A_1001 = arith.index_cast %add3A_960 : i32 to index
        %get3A_1002 = arith.constant 80 : index
        %get3A_1003 = tpu.vector_load %arg13[%get3A_1001, %get3A_1002] {strides = array<i32>} : memref<80x128xf32, #tpu.memory_space<vmem>>, vector<16xf32>,
        %mul3A_1004 = vector.broadcast %squeeze3A_956 : f32 to vector<16xf32>
        %mul3A_1005 = arith.mulf %get3A_1003, %mul3A_1004 : vector<16xf32>
        %swap3A_1006 = arith.index_cast %add3A_960 : i32 to index
        %swap3A_1007 = arith.constant 80 : index
        %swap3A_1008 = tpu.vector_load %arg13[%swap3A_1006, %swap3A_1007] {strides = array<i32>} : memref<80x128xf32, #tpu.memory_space<vmem>>, vector<16xf32>,
        tpu.vector_store %arg13[%swap3A_1006, %swap3A_1007], %mul3A_1005 {strides = array<i32>} : memref<80x128xf32, #tpu.memory_space<vmem>>, vector<16xf32>,
        %get3A_1009 = arith.index_cast %add3A_960 : i32 to index
        %get3A_1010 = arith.constant 96 : index
        %get3A_1011 = tpu.vector_load %arg13[%get3A_1009, %get3A_1010] {strides = array<i32>} : memref<80x128xf32, #tpu.memory_space<vmem>>, vector<16xf32>,
        %mul3A_1012 = vector.broadcast %squeeze3A_956 : f32 to vector<16xf32>
        %mul3A_1013 = arith.mulf %get3A_1011, %mul3A_1012 : vector<16xf32>
        %swap3A_1014 = arith.index_cast %add3A_960 : i32 to index
        %swap3A_1015 = arith.constant 96 : index
        %swap3A_1016 = tpu.vector_load %arg13[%swap3A_1014, %swap3A_1015] {strides = array<i32>} : memref<80x128xf32, #tpu.memory_space<vmem>>, vector<16xf32>,
        tpu.vector_store %arg13[%swap3A_1014, %swap3A_1015], %mul3A_1013 {strides = array<i32>} : memref<80x128xf32, #tpu.memory_space<vmem>>, vector<16xf32>,
        %get3A_1017 = arith.index_cast %add3A_960 : i32 to index
        %get3A_1018 = arith.constant 112 : index
        %get3A_1019 = tpu.vector_load %arg13[%get3A_1017, %get3A_1018] {strides = array<i32>} : memref<80x128xf32, #tpu.memory_space<vmem>>, vector<16xf32>,
        %mul3A_1020 = vector.broadcast %squeeze3A_956 : f32 to vector<16xf32>
        %mul3A_1021 = arith.mulf %get3A_1019, %mul3A_1020 : vector<16xf32>
        %swap3A_1022 = arith.index_cast %add3A_960 : i32 to index
        %swap3A_1023 = arith.constant 112 : index
        %swap3A_1024 = tpu.vector_load %arg13[%swap3A_1022, %swap3A_1023] {strides = array<i32>} : memref<80x128xf32, #tpu.memory_space<vmem>>, vector<16xf32>,
        tpu.vector_store %arg13[%swap3A_1022, %swap3A_1023], %mul3A_1021 {strides = array<i32>} : memref<80x128xf32, #tpu.memory_space<vmem>>, vector<16xf32>,
        %slice3A_1025 = vector.extract_strided_slice %get3A_117 {offsets = [13], sizes = [1], strides = [1]} : vector<16xf32> to vector<1xf32>
        %squeeze3A_1026 = vector.extract %slice3A_1025[0] : f32 from vector<1xf32>
        %mul3A_1027 = arith.constant 16 : i32
        %mul3A_1028 = arith.muli %scan3A_110, %mul3A_1027 : i32
        %add3A_1029 = arith.constant 13 : i32
        %add3A_1030 = arith.addi %mul3A_1028, %add3A_1029 : i32
        %get3A_1031 = arith.index_cast %add3A_1030 : i32 to index
        %get3A_1032 = arith.constant 0 : index
        %get3A_1033 = tpu.vector_load %arg13[%get3A_1031, %get3A_1032] {strides = array<i32>} : memref<80x128xf32, #tpu.memory_space<vmem>>, vector<16xf32>,
        %mul3A_1034 = vector.broadcast %squeeze3A_1026 : f32 to vector<16xf32>
        %mul3A_1035 = arith.mulf %get3A_1033, %mul3A_1034 : vector<16xf32>
        %swap3A_1036 = arith.index_cast %add3A_1030 : i32 to index
        %swap3A_1037 = arith.constant 0 : index
        %swap3A_1038 = tpu.vector_load %arg13[%swap3A_1036, %swap3A_1037] {strides = array<i32>} : memref<80x128xf32, #tpu.memory_space<vmem>>, vector<16xf32>,
        tpu.vector_store %arg13[%swap3A_1036, %swap3A_1037], %mul3A_1035 {strides = array<i32>} : memref<80x128xf32, #tpu.memory_space<vmem>>, vector<16xf32>,
        %get3A_1039 = arith.index_cast %add3A_1030 : i32 to index
        %get3A_1040 = arith.constant 16 : index
        %get3A_1041 = tpu.vector_load %arg13[%get3A_1039, %get3A_1040] {strides = array<i32>} : memref<80x128xf32, #tpu.memory_space<vmem>>, vector<16xf32>,
        %mul3A_1042 = vector.broadcast %squeeze3A_1026 : f32 to vector<16xf32>
        %mul3A_1043 = arith.mulf %get3A_1041, %mul3A_1042 : vector<16xf32>
        %swap3A_1044 = arith.index_cast %add3A_1030 : i32 to index
        %swap3A_1045 = arith.constant 16 : index
        %swap3A_1046 = tpu.vector_load %arg13[%swap3A_1044, %swap3A_1045] {strides = array<i32>} : memref<80x128xf32, #tpu.memory_space<vmem>>, vector<16xf32>,
        tpu.vector_store %arg13[%swap3A_1044, %swap3A_1045], %mul3A_1043 {strides = array<i32>} : memref<80x128xf32, #tpu.memory_space<vmem>>, vector<16xf32>,
        %get3A_1047 = arith.index_cast %add3A_1030 : i32 to index
        %get3A_1048 = arith.constant 32 : index
        %get3A_1049 = tpu.vector_load %arg13[%get3A_1047, %get3A_1048] {strides = array<i32>} : memref<80x128xf32, #tpu.memory_space<vmem>>, vector<16xf32>,
        %mul3A_1050 = vector.broadcast %squeeze3A_1026 : f32 to vector<16xf32>
        %mul3A_1051 = arith.mulf %get3A_1049, %mul3A_1050 : vector<16xf32>
        %swap3A_1052 = arith.index_cast %add3A_1030 : i32 to index
        %swap3A_1053 = arith.constant 32 : index
        %swap3A_1054 = tpu.vector_load %arg13[%swap3A_1052, %swap3A_1053] {strides = array<i32>} : memref<80x128xf32, #tpu.memory_space<vmem>>, vector<16xf32>,
        tpu.vector_store %arg13[%swap3A_1052, %swap3A_1053], %mul3A_1051 {strides = array<i32>} : memref<80x128xf32, #tpu.memory_space<vmem>>, vector<16xf32>,
        %get3A_1055 = arith.index_cast %add3A_1030 : i32 to index
        %get3A_1056 = arith.constant 48 : index
        %get3A_1057 = tpu.vector_load %arg13[%get3A_1055, %get3A_1056] {strides = array<i32>} : memref<80x128xf32, #tpu.memory_space<vmem>>, vector<16xf32>,
        %mul3A_1058 = vector.broadcast %squeeze3A_1026 : f32 to vector<16xf32>
        %mul3A_1059 = arith.mulf %get3A_1057, %mul3A_1058 : vector<16xf32>
        %swap3A_1060 = arith.index_cast %add3A_1030 : i32 to index
        %swap3A_1061 = arith.constant 48 : index
        %swap3A_1062 = tpu.vector_load %arg13[%swap3A_1060, %swap3A_1061] {strides = array<i32>} : memref<80x128xf32, #tpu.memory_space<vmem>>, vector<16xf32>,
        tpu.vector_store %arg13[%swap3A_1060, %swap3A_1061], %mul3A_1059 {strides = array<i32>} : memref<80x128xf32, #tpu.memory_space<vmem>>, vector<16xf32>,
        %get3A_1063 = arith.index_cast %add3A_1030 : i32 to index
        %get3A_1064 = arith.constant 64 : index
        %get3A_1065 = tpu.vector_load %arg13[%get3A_1063, %get3A_1064] {strides = array<i32>} : memref<80x128xf32, #tpu.memory_space<vmem>>, vector<16xf32>,
        %mul3A_1066 = vector.broadcast %squeeze3A_1026 : f32 to vector<16xf32>
        %mul3A_1067 = arith.mulf %get3A_1065, %mul3A_1066 : vector<16xf32>
        %swap3A_1068 = arith.index_cast %add3A_1030 : i32 to index
        %swap3A_1069 = arith.constant 64 : index
        %swap3A_1070 = tpu.vector_load %arg13[%swap3A_1068, %swap3A_1069] {strides = array<i32>} : memref<80x128xf32, #tpu.memory_space<vmem>>, vector<16xf32>,
        tpu.vector_store %arg13[%swap3A_1068, %swap3A_1069], %mul3A_1067 {strides = array<i32>} : memref<80x128xf32, #tpu.memory_space<vmem>>, vector<16xf32>,
        %get3A_1071 = arith.index_cast %add3A_1030 : i32 to index
        %get3A_1072 = arith.constant 80 : index
        %get3A_1073 = tpu.vector_load %arg13[%get3A_1071, %get3A_1072] {strides = array<i32>} : memref<80x128xf32, #tpu.memory_space<vmem>>, vector<16xf32>,
        %mul3A_1074 = vector.broadcast %squeeze3A_1026 : f32 to vector<16xf32>
        %mul3A_1075 = arith.mulf %get3A_1073, %mul3A_1074 : vector<16xf32>
        %swap3A_1076 = arith.index_cast %add3A_1030 : i32 to index
        %swap3A_1077 = arith.constant 80 : index
        %swap3A_1078 = tpu.vector_load %arg13[%swap3A_1076, %swap3A_1077] {strides = array<i32>} : memref<80x128xf32, #tpu.memory_space<vmem>>, vector<16xf32>,
        tpu.vector_store %arg13[%swap3A_1076, %swap3A_1077], %mul3A_1075 {strides = array<i32>} : memref<80x128xf32, #tpu.memory_space<vmem>>, vector<16xf32>,
        %get3A_1079 = arith.index_cast %add3A_1030 : i32 to index
        %get3A_1080 = arith.constant 96 : index
        %get3A_1081 = tpu.vector_load %arg13[%get3A_1079, %get3A_1080] {strides = array<i32>} : memref<80x128xf32, #tpu.memory_space<vmem>>, vector<16xf32>,
        %mul3A_1082 = vector.broadcast %squeeze3A_1026 : f32 to vector<16xf32>
        %mul3A_1083 = arith.mulf %get3A_1081, %mul3A_1082 : vector<16xf32>
        %swap3A_1084 = arith.index_cast %add3A_1030 : i32 to index
        %swap3A_1085 = arith.constant 96 : index
        %swap3A_1086 = tpu.vector_load %arg13[%swap3A_1084, %swap3A_1085] {strides = array<i32>} : memref<80x128xf32, #tpu.memory_space<vmem>>, vector<16xf32>,
        tpu.vector_store %arg13[%swap3A_1084, %swap3A_1085], %mul3A_1083 {strides = array<i32>} : memref<80x128xf32, #tpu.memory_space<vmem>>, vector<16xf32>,
        %get3A_1087 = arith.index_cast %add3A_1030 : i32 to index
        %get3A_1088 = arith.constant 112 : index
        %get3A_1089 = tpu.vector_load %arg13[%get3A_1087, %get3A_1088] {strides = array<i32>} : memref<80x128xf32, #tpu.memory_space<vmem>>, vector<16xf32>,
        %mul3A_1090 = vector.broadcast %squeeze3A_1026 : f32 to vector<16xf32>
        %mul3A_1091 = arith.mulf %get3A_1089, %mul3A_1090 : vector<16xf32>
        %swap3A_1092 = arith.index_cast %add3A_1030 : i32 to index
        %swap3A_1093 = arith.constant 112 : index
        %swap3A_1094 = tpu.vector_load %arg13[%swap3A_1092, %swap3A_1093] {strides = array<i32>} : memref<80x128xf32, #tpu.memory_space<vmem>>, vector<16xf32>,
        tpu.vector_store %arg13[%swap3A_1092, %swap3A_1093], %mul3A_1091 {strides = array<i32>} : memref<80x128xf32, #tpu.memory_space<vmem>>, vector<16xf32>,
        %slice3A_1095 = vector.extract_strided_slice %get3A_117 {offsets = [14], sizes = [1], strides = [1]} : vector<16xf32> to vector<1xf32>
        %squeeze3A_1096 = vector.extract %slice3A_1095[0] : f32 from vector<1xf32>
        %mul3A_1097 = arith.constant 16 : i32
        %mul3A_1098 = arith.muli %scan3A_110, %mul3A_1097 : i32
        %add3A_1099 = arith.constant 14 : i32
        %add3A_1100 = arith.addi %mul3A_1098, %add3A_1099 : i32
        %get3A_1101 = arith.index_cast %add3A_1100 : i32 to index
        %get3A_1102 = arith.constant 0 : index
        %get3A_1103 = tpu.vector_load %arg13[%get3A_1101, %get3A_1102] {strides = array<i32>} : memref<80x128xf32, #tpu.memory_space<vmem>>, vector<16xf32>,
        %mul3A_1104 = vector.broadcast %squeeze3A_1096 : f32 to vector<16xf32>
        %mul3A_1105 = arith.mulf %get3A_1103, %mul3A_1104 : vector<16xf32>
        %swap3A_1106 = arith.index_cast %add3A_1100 : i32 to index
        %swap3A_1107 = arith.constant 0 : index
        %swap3A_1108 = tpu.vector_load %arg13[%swap3A_1106, %swap3A_1107] {strides = array<i32>} : memref<80x128xf32, #tpu.memory_space<vmem>>, vector<16xf32>,
        tpu.vector_store %arg13[%swap3A_1106, %swap3A_1107], %mul3A_1105 {strides = array<i32>} : memref<80x128xf32, #tpu.memory_space<vmem>>, vector<16xf32>,
        %get3A_1109 = arith.index_cast %add3A_1100 : i32 to index
        %get3A_1110 = arith.constant 16 : index
        %get3A_1111 = tpu.vector_load %arg13[%get3A_1109, %get3A_1110] {strides = array<i32>} : memref<80x128xf32, #tpu.memory_space<vmem>>, vector<16xf32>,
        %mul3A_1112 = vector.broadcast %squeeze3A_1096 : f32 to vector<16xf32>
        %mul3A_1113 = arith.mulf %get3A_1111, %mul3A_1112 : vector<16xf32>
        %swap3A_1114 = arith.index_cast %add3A_1100 : i32 to index
        %swap3A_1115 = arith.constant 16 : index
        %swap3A_1116 = tpu.vector_load %arg13[%swap3A_1114, %swap3A_1115] {strides = array<i32>} : memref<80x128xf32, #tpu.memory_space<vmem>>, vector<16xf32>,
        tpu.vector_store %arg13[%swap3A_1114, %swap3A_1115], %mul3A_1113 {strides = array<i32>} : memref<80x128xf32, #tpu.memory_space<vmem>>, vector<16xf32>,
        %get3A_1117 = arith.index_cast %add3A_1100 : i32 to index
        %get3A_1118 = arith.constant 32 : index
        %get3A_1119 = tpu.vector_load %arg13[%get3A_1117, %get3A_1118] {strides = array<i32>} : memref<80x128xf32, #tpu.memory_space<vmem>>, vector<16xf32>,
        %mul3A_1120 = vector.broadcast %squeeze3A_1096 : f32 to vector<16xf32>
        %mul3A_1121 = arith.mulf %get3A_1119, %mul3A_1120 : vector<16xf32>
        %swap3A_1122 = arith.index_cast %add3A_1100 : i32 to index
        %swap3A_1123 = arith.constant 32 : index
        %swap3A_1124 = tpu.vector_load %arg13[%swap3A_1122, %swap3A_1123] {strides = array<i32>} : memref<80x128xf32, #tpu.memory_space<vmem>>, vector<16xf32>,
        tpu.vector_store %arg13[%swap3A_1122, %swap3A_1123], %mul3A_1121 {strides = array<i32>} : memref<80x128xf32, #tpu.memory_space<vmem>>, vector<16xf32>,
        %get3A_1125 = arith.index_cast %add3A_1100 : i32 to index
        %get3A_1126 = arith.constant 48 : index
        %get3A_1127 = tpu.vector_load %arg13[%get3A_1125, %get3A_1126] {strides = array<i32>} : memref<80x128xf32, #tpu.memory_space<vmem>>, vector<16xf32>,
        %mul3A_1128 = vector.broadcast %squeeze3A_1096 : f32 to vector<16xf32>
        %mul3A_1129 = arith.mulf %get3A_1127, %mul3A_1128 : vector<16xf32>
        %swap3A_1130 = arith.index_cast %add3A_1100 : i32 to index
        %swap3A_1131 = arith.constant 48 : index
        %swap3A_1132 = tpu.vector_load %arg13[%swap3A_1130, %swap3A_1131] {strides = array<i32>} : memref<80x128xf32, #tpu.memory_space<vmem>>, vector<16xf32>,
        tpu.vector_store %arg13[%swap3A_1130, %swap3A_1131], %mul3A_1129 {strides = array<i32>} : memref<80x128xf32, #tpu.memory_space<vmem>>, vector<16xf32>,
        %get3A_1133 = arith.index_cast %add3A_1100 : i32 to index
        %get3A_1134 = arith.constant 64 : index
        %get3A_1135 = tpu.vector_load %arg13[%get3A_1133, %get3A_1134] {strides = array<i32>} : memref<80x128xf32, #tpu.memory_space<vmem>>, vector<16xf32>,
        %mul3A_1136 = vector.broadcast %squeeze3A_1096 : f32 to vector<16xf32>
        %mul3A_1137 = arith.mulf %get3A_1135, %mul3A_1136 : vector<16xf32>
        %swap3A_1138 = arith.index_cast %add3A_1100 : i32 to index
        %swap3A_1139 = arith.constant 64 : index
        %swap3A_1140 = tpu.vector_load %arg13[%swap3A_1138, %swap3A_1139] {strides = array<i32>} : memref<80x128xf32, #tpu.memory_space<vmem>>, vector<16xf32>,
        tpu.vector_store %arg13[%swap3A_1138, %swap3A_1139], %mul3A_1137 {strides = array<i32>} : memref<80x128xf32, #tpu.memory_space<vmem>>, vector<16xf32>,
        %get3A_1141 = arith.index_cast %add3A_1100 : i32 to index
        %get3A_1142 = arith.constant 80 : index
        %get3A_1143 = tpu.vector_load %arg13[%get3A_1141, %get3A_1142] {strides = array<i32>} : memref<80x128xf32, #tpu.memory_space<vmem>>, vector<16xf32>,
        %mul3A_1144 = vector.broadcast %squeeze3A_1096 : f32 to vector<16xf32>
        %mul3A_1145 = arith.mulf %get3A_1143, %mul3A_1144 : vector<16xf32>
        %swap3A_1146 = arith.index_cast %add3A_1100 : i32 to index
        %swap3A_1147 = arith.constant 80 : index
        %swap3A_1148 = tpu.vector_load %arg13[%swap3A_1146, %swap3A_1147] {strides = array<i32>} : memref<80x128xf32, #tpu.memory_space<vmem>>, vector<16xf32>,
        tpu.vector_store %arg13[%swap3A_1146, %swap3A_1147], %mul3A_1145 {strides = array<i32>} : memref<80x128xf32, #tpu.memory_space<vmem>>, vector<16xf32>,
        %get3A_1149 = arith.index_cast %add3A_1100 : i32 to index
        %get3A_1150 = arith.constant 96 : index
        %get3A_1151 = tpu.vector_load %arg13[%get3A_1149, %get3A_1150] {strides = array<i32>} : memref<80x128xf32, #tpu.memory_space<vmem>>, vector<16xf32>,
        %mul3A_1152 = vector.broadcast %squeeze3A_1096 : f32 to vector<16xf32>
        %mul3A_1153 = arith.mulf %get3A_1151, %mul3A_1152 : vector<16xf32>
        %swap3A_1154 = arith.index_cast %add3A_1100 : i32 to index
        %swap3A_1155 = arith.constant 96 : index
        %swap3A_1156 = tpu.vector_load %arg13[%swap3A_1154, %swap3A_1155] {strides = array<i32>} : memref<80x128xf32, #tpu.memory_space<vmem>>, vector<16xf32>,
        tpu.vector_store %arg13[%swap3A_1154, %swap3A_1155], %mul3A_1153 {strides = array<i32>} : memref<80x128xf32, #tpu.memory_space<vmem>>, vector<16xf32>,
        %get3A_1157 = arith.index_cast %add3A_1100 : i32 to index
        %get3A_1158 = arith.constant 112 : index
        %get3A_1159 = tpu.vector_load %arg13[%get3A_1157, %get3A_1158] {strides = array<i32>} : memref<80x128xf32, #tpu.memory_space<vmem>>, vector<16xf32>,
        %mul3A_1160 = vector.broadcast %squeeze3A_1096 : f32 to vector<16xf32>
        %mul3A_1161 = arith.mulf %get3A_1159, %mul3A_1160 : vector<16xf32>
        %swap3A_1162 = arith.index_cast %add3A_1100 : i32 to index
        %swap3A_1163 = arith.constant 112 : index
        %swap3A_1164 = tpu.vector_load %arg13[%swap3A_1162, %swap3A_1163] {strides = array<i32>} : memref<80x128xf32, #tpu.memory_space<vmem>>, vector<16xf32>,
        tpu.vector_store %arg13[%swap3A_1162, %swap3A_1163], %mul3A_1161 {strides = array<i32>} : memref<80x128xf32, #tpu.memory_space<vmem>>, vector<16xf32>,
        %slice3A_1165 = vector.extract_strided_slice %get3A_117 {offsets = [15], sizes = [1], strides = [1]} : vector<16xf32> to vector<1xf32>
        %squeeze3A_1166 = vector.extract %slice3A_1165[0] : f32 from vector<1xf32>
        %mul3A_1167 = arith.constant 16 : i32
        %mul3A_1168 = arith.muli %scan3A_110, %mul3A_1167 : i32
        %add3A_1169 = arith.constant 15 : i32
        %add3A_1170 = arith.addi %mul3A_1168, %add3A_1169 : i32
        %get3A_1171 = arith.index_cast %add3A_1170 : i32 to index
        %get3A_1172 = arith.constant 0 : index
        %get3A_1173 = tpu.vector_load %arg13[%get3A_1171, %get3A_1172] {strides = array<i32>} : memref<80x128xf32, #tpu.memory_space<vmem>>, vector<16xf32>,
        %mul3A_1174 = vector.broadcast %squeeze3A_1166 : f32 to vector<16xf32>
        %mul3A_1175 = arith.mulf %get3A_1173, %mul3A_1174 : vector<16xf32>
        %swap3A_1176 = arith.index_cast %add3A_1170 : i32 to index
        %swap3A_1177 = arith.constant 0 : index
        %swap3A_1178 = tpu.vector_load %arg13[%swap3A_1176, %swap3A_1177] {strides = array<i32>} : memref<80x128xf32, #tpu.memory_space<vmem>>, vector<16xf32>,
        tpu.vector_store %arg13[%swap3A_1176, %swap3A_1177], %mul3A_1175 {strides = array<i32>} : memref<80x128xf32, #tpu.memory_space<vmem>>, vector<16xf32>,
        %get3A_1179 = arith.index_cast %add3A_1170 : i32 to index
        %get3A_1180 = arith.constant 16 : index
        %get3A_1181 = tpu.vector_load %arg13[%get3A_1179, %get3A_1180] {strides = array<i32>} : memref<80x128xf32, #tpu.memory_space<vmem>>, vector<16xf32>,
        %mul3A_1182 = vector.broadcast %squeeze3A_1166 : f32 to vector<16xf32>
        %mul3A_1183 = arith.mulf %get3A_1181, %mul3A_1182 : vector<16xf32>
        %swap3A_1184 = arith.index_cast %add3A_1170 : i32 to index
        %swap3A_1185 = arith.constant 16 : index
        %swap3A_1186 = tpu.vector_load %arg13[%swap3A_1184, %swap3A_1185] {strides = array<i32>} : memref<80x128xf32, #tpu.memory_space<vmem>>, vector<16xf32>,
        tpu.vector_store %arg13[%swap3A_1184, %swap3A_1185], %mul3A_1183 {strides = array<i32>} : memref<80x128xf32, #tpu.memory_space<vmem>>, vector<16xf32>,
        %get3A_1187 = arith.index_cast %add3A_1170 : i32 to index
        %get3A_1188 = arith.constant 32 : index
        %get3A_1189 = tpu.vector_load %arg13[%get3A_1187, %get3A_1188] {strides = array<i32>} : memref<80x128xf32, #tpu.memory_space<vmem>>, vector<16xf32>,
        %mul3A_1190 = vector.broadcast %squeeze3A_1166 : f32 to vector<16xf32>
        %mul3A_1191 = arith.mulf %get3A_1189, %mul3A_1190 : vector<16xf32>
        %swap3A_1192 = arith.index_cast %add3A_1170 : i32 to index
        %swap3A_1193 = arith.constant 32 : index
        %swap3A_1194 = tpu.vector_load %arg13[%swap3A_1192, %swap3A_1193] {strides = array<i32>} : memref<80x128xf32, #tpu.memory_space<vmem>>, vector<16xf32>,
        tpu.vector_store %arg13[%swap3A_1192, %swap3A_1193], %mul3A_1191 {strides = array<i32>} : memref<80x128xf32, #tpu.memory_space<vmem>>, vector<16xf32>,
        %get3A_1195 = arith.index_cast %add3A_1170 : i32 to index
        %get3A_1196 = arith.constant 48 : index
        %get3A_1197 = tpu.vector_load %arg13[%get3A_1195, %get3A_1196] {strides = array<i32>} : memref<80x128xf32, #tpu.memory_space<vmem>>, vector<16xf32>,
        %mul3A_1198 = vector.broadcast %squeeze3A_1166 : f32 to vector<16xf32>
        %mul3A_1199 = arith.mulf %get3A_1197, %mul3A_1198 : vector<16xf32>
        %swap3A_1200 = arith.index_cast %add3A_1170 : i32 to index
        %swap3A_1201 = arith.constant 48 : index
        %swap3A_1202 = tpu.vector_load %arg13[%swap3A_1200, %swap3A_1201] {strides = array<i32>} : memref<80x128xf32, #tpu.memory_space<vmem>>, vector<16xf32>,
        tpu.vector_store %arg13[%swap3A_1200, %swap3A_1201], %mul3A_1199 {strides = array<i32>} : memref<80x128xf32, #tpu.memory_space<vmem>>, vector<16xf32>,
        %get3A_1203 = arith.index_cast %add3A_1170 : i32 to index
        %get3A_1204 = arith.constant 64 : index
        %get3A_1205 = tpu.vector_load %arg13[%get3A_1203, %get3A_1204] {strides = array<i32>} : memref<80x128xf32, #tpu.memory_space<vmem>>, vector<16xf32>,
        %mul3A_1206 = vector.broadcast %squeeze3A_1166 : f32 to vector<16xf32>
        %mul3A_1207 = arith.mulf %get3A_1205, %mul3A_1206 : vector<16xf32>
        %swap3A_1208 = arith.index_cast %add3A_1170 : i32 to index
        %swap3A_1209 = arith.constant 64 : index
        %swap3A_1210 = tpu.vector_load %arg13[%swap3A_1208, %swap3A_1209] {strides = array<i32>} : memref<80x128xf32, #tpu.memory_space<vmem>>, vector<16xf32>,
        tpu.vector_store %arg13[%swap3A_1208, %swap3A_1209], %mul3A_1207 {strides = array<i32>} : memref<80x128xf32, #tpu.memory_space<vmem>>, vector<16xf32>,
        %get3A_1211 = arith.index_cast %add3A_1170 : i32 to index
        %get3A_1212 = arith.constant 80 : index
        %get3A_1213 = tpu.vector_load %arg13[%get3A_1211, %get3A_1212] {strides = array<i32>} : memref<80x128xf32, #tpu.memory_space<vmem>>, vector<16xf32>,
        %mul3A_1214 = vector.broadcast %squeeze3A_1166 : f32 to vector<16xf32>
        %mul3A_1215 = arith.mulf %get3A_1213, %mul3A_1214 : vector<16xf32>
        %swap3A_1216 = arith.index_cast %add3A_1170 : i32 to index
        %swap3A_1217 = arith.constant 80 : index
        %swap3A_1218 = tpu.vector_load %arg13[%swap3A_1216, %swap3A_1217] {strides = array<i32>} : memref<80x128xf32, #tpu.memory_space<vmem>>, vector<16xf32>,
        tpu.vector_store %arg13[%swap3A_1216, %swap3A_1217], %mul3A_1215 {strides = array<i32>} : memref<80x128xf32, #tpu.memory_space<vmem>>, vector<16xf32>,
        %get3A_1219 = arith.index_cast %add3A_1170 : i32 to index
        %get3A_1220 = arith.constant 96 : index
        %get3A_1221 = tpu.vector_load %arg13[%get3A_1219, %get3A_1220] {strides = array<i32>} : memref<80x128xf32, #tpu.memory_space<vmem>>, vector<16xf32>,
        %mul3A_1222 = vector.broadcast %squeeze3A_1166 : f32 to vector<16xf32>
        %mul3A_1223 = arith.mulf %get3A_1221, %mul3A_1222 : vector<16xf32>
        %swap3A_1224 = arith.index_cast %add3A_1170 : i32 to index
        %swap3A_1225 = arith.constant 96 : index
        %swap3A_1226 = tpu.vector_load %arg13[%swap3A_1224, %swap3A_1225] {strides = array<i32>} : memref<80x128xf32, #tpu.memory_space<vmem>>, vector<16xf32>,
        tpu.vector_store %arg13[%swap3A_1224, %swap3A_1225], %mul3A_1223 {strides = array<i32>} : memref<80x128xf32, #tpu.memory_space<vmem>>, vector<16xf32>,
        %get3A_1227 = arith.index_cast %add3A_1170 : i32 to index
        %get3A_1228 = arith.constant 112 : index
        %get3A_1229 = tpu.vector_load %arg13[%get3A_1227, %get3A_1228] {strides = array<i32>} : memref<80x128xf32, #tpu.memory_space<vmem>>, vector<16xf32>,
        %mul3A_1230 = vector.broadcast %squeeze3A_1166 : f32 to vector<16xf32>
        %mul3A_1231 = arith.mulf %get3A_1229, %mul3A_1230 : vector<16xf32>
        %swap3A_1232 = arith.index_cast %add3A_1170 : i32 to index
        %swap3A_1233 = arith.constant 112 : index
        %swap3A_1234 = tpu.vector_load %arg13[%swap3A_1232, %swap3A_1233] {strides = array<i32>} : memref<80x128xf32, #tpu.memory_space<vmem>>, vector<16xf32>,
        tpu.vector_store %arg13[%swap3A_1232, %swap3A_1233], %mul3A_1231 {strides = array<i32>} : memref<80x128xf32, #tpu.memory_space<vmem>>, vector<16xf32>,
        %scan3A_1235 = arith.constant 0 : i32
        scf.yield %scan3A_1235 : i32
      }
      %scan3A_67 = arith.constant 5 : i32
      %dma_wait3A_68 = arith.constant 0 : i32
      %dma_wait3A_69 = arith.constant 0 : i32
      %dma_wait3A_70 = tpu.memref_slice %arg4[%add3A, %dma_wait3A_68, %dma_wait3A_69] : memref<32x125x80xi32, #tpu.memory_space<hbm>> -> memref<1x1x80xi32, #tpu.memory_space<hbm>>
      %dma_wait3A_71 = tpu.memref_squeeze %dma_wait3A_70 : memref<1x1x80xi32, #tpu.memory_space<hbm>> -> memref<80xi32, #tpu.memory_space<hbm>>
      %dma_wait3A_72 = arith.constant 0 : i32
      %dma_wait3A_73 = tpu.memref_slice %arg4[%add3A, %dma_wait3A_68, %dma_wait3A_72] : memref<32x125x80xi32, #tpu.memory_space<hbm>> -> memref<1x1x80xi32, #tpu.memory_space<hbm>>
      %dma_wait3A_74 = tpu.memref_squeeze %dma_wait3A_73 : memref<1x1x80xi32, #tpu.memory_space<hbm>> -> memref<80xi32, #tpu.memory_space<hbm>>
      tpu.wait_dma2 semaphore(%arg17 : memref<!tpu.dma_semaphore, #tpu.memory_space<semaphore_mem>>) src(%dma_wait3A_74 : memref<80xi32, #tpu.memory_space<hbm>>) dst(%arg11 : memref<80xi32, #tpu.memory_space<vmem>>)
      "tpu.region"() ({
        %run_scoped3A = tpu.sem_alloc : memref<!tpu.dma_semaphore, #tpu.memory_space<semaphore_mem>>
        %dma_start3A_110 = arith.constant 0 : i32
        %dma_start3A_111 = arith.constant 0 : i32
        %dma_start3A_112 = tpu.memref_slice %arg8[%dma_start3A_110, %dma_start3A_111] : memref<10112x128xf32, #tpu.memory_space<vmem_shared>> -> memref<10112x128xf32, #tpu.memory_space<vmem_shared>>
        tpu.enqueue_indirect_dma source(%arg13 : memref<80x128xf32, #tpu.memory_space<vmem>>) target(%dma_start3A_112 : memref<10112x128xf32, #tpu.memory_space<vmem_shared>>) offsets(%arg11 : memref<80xi32, #tpu.memory_space<vmem>>) semaphore(%run_scoped3A : memref<!tpu.dma_semaphore, #tpu.memory_space<semaphore_mem>>) {add = true}
        %dma_wait3A_113 = arith.constant 0 : i32
        %dma_wait3A_114 = arith.constant 0 : i32
        %dma_wait3A_115 = tpu.memref_slice %arg8[%dma_wait3A_113, %dma_wait3A_114] : memref<10112x128xf32, #tpu.memory_space<vmem_shared>> -> memref<10112x128xf32, #tpu.memory_space<vmem_shared>>
        tpu.wait_indirect_dma semaphore(%run_scoped3A : memref<!tpu.dma_semaphore, #tpu.memory_space<semaphore_mem>>) src(%arg13 : memref<80x128xf32, #tpu.memory_space<vmem>>) dst(%dma_wait3A_115 : memref<10112x128xf32, #tpu.memory_space<vmem_shared>>)
        tpu.yield
      }) : () -> ()
      %add3A_75 = arith.constant 2 : i32
      %add3A_76 = arith.addi %add3A_41, %add3A_75 : i32
      %dma_start3A_77 = arith.constant 0 : i32
      %dma_start3A_78 = tpu.memref_slice %arg4[%add3A, %add3A_76, %dma_start3A_77] : memref<32x125x80xi32, #tpu.memory_space<hbm>> -> memref<1x1x80xi32, #tpu.memory_space<hbm>>
      %dma_start3A_79 = tpu.memref_squeeze %dma_start3A_78 : memref<1x1x80xi32, #tpu.memory_space<hbm>> -> memref<80xi32, #tpu.memory_space<hbm>>
      %dma_start3A_80 = arith.constant 0 : i32
      %dma_start3A_81 = tpu.memref_slice %arg4[%add3A, %add3A_76, %dma_start3A_80] : memref<32x125x80xi32, #tpu.memory_space<hbm>> -> memref<1x1x80xi32, #tpu.memory_space<hbm>>
      %dma_start3A_82 = tpu.memref_squeeze %dma_start3A_81 : memref<1x1x80xi32, #tpu.memory_space<hbm>> -> memref<80xi32, #tpu.memory_space<hbm>>
      tpu.enqueue_dma source(%dma_start3A_82 : memref<80xi32, #tpu.memory_space<hbm>>) target(%arg11 : memref<80xi32, #tpu.memory_space<vmem>>) target_semaphore(%arg17 : memref<!tpu.dma_semaphore, #tpu.memory_space<semaphore_mem>>)
      %mul3A_83 = arith.constant 80 : i32
      %mul3A_84 = arith.muli %add3A_76, %mul3A_83 : i32
      %dma_start3A_85 = tpu.memref_slice %arg9[%mul3A_84] : memref<10000xi32, #tpu.memory_space<vmem>> -> memref<80xi32, #tpu.memory_space<vmem>>
      %dma_start3A_86 = arith.constant 0 : i32
      %dma_start3A_87 = arith.constant 0 : i32
      %dma_start3A_88 = tpu.memref_slice %arg2[%dma_start3A_86, %dma_start3A_87] : memref<10000x128xf32, #tpu.memory_space<hbm>> -> memref<10000x128xf32, #tpu.memory_space<hbm>>
      tpu.enqueue_indirect_dma source(%dma_start3A_88 : memref<10000x128xf32, #tpu.memory_space<hbm>>) target(%arg13 : memref<80x128xf32, #tpu.memory_space<vmem>>) offsets(%dma_start3A_85 : memref<80xi32, #tpu.memory_space<vmem>>) semaphore(%arg15 : memref<!tpu.dma_semaphore, #tpu.memory_space<semaphore_mem>>)
      %dma_wait3A_89 = arith.constant 0 : i32
      %dma_wait3A_90 = tpu.memref_slice %arg9[%dma_wait3A_89] : memref<10000xi32, #tpu.memory_space<vmem>> -> memref<80xi32, #tpu.memory_space<vmem>>
      %dma_wait3A_91 = arith.constant 0 : i32
      %dma_wait3A_92 = arith.constant 0 : i32
      %dma_wait3A_93 = tpu.memref_slice %arg2[%dma_wait3A_91, %dma_wait3A_92] : memref<10000x128xf32, #tpu.memory_space<hbm>> -> memref<10000x128xf32, #tpu.memory_space<hbm>>
      tpu.wait_indirect_dma semaphore(%arg16 : memref<!tpu.dma_semaphore, #tpu.memory_space<semaphore_mem>>) src(%dma_wait3A_93 : memref<10000x128xf32, #tpu.memory_space<hbm>>) dst(%arg14 : memref<80x128xf32, #tpu.memory_space<vmem>>)
      %add3A_94 = arith.constant 1 : i32
      %add3A_95 = arith.addi %add3A_41, %add3A_94 : i32
      %scan3A_96 = arith.constant 0 : i32
      %scan3A_97 = arith.constant 0 : i32
      %scan3A_98 = arith.constant 5 : i32
      %scan3A_99 = arith.addi %scan3A_97, %scan3A_98 : i32
      %scan3A_100 = arith.constant 1 : i32
      %scan3A_101 = scf.for %scan3A_110 = %scan3A_97 to %scan3A_99 step %scan3A_100 iter_args(%scan3A_111 = %scan3A_96) -> (i32)  : i32 {
        %mul3A_112 = arith.constant 80 : i32
        %mul3A_113 = arith.muli %add3A_95, %mul3A_112 : i32
        %mul3A_114 = arith.constant 16 : i32
        %mul3A_115 = arith.muli %scan3A_110, %mul3A_114 : i32
        %add3A_116 = arith.addi %mul3A_113, %mul3A_115 : i32
        %get3A = arith.index_cast %add3A_116 : i32 to index
        %get3A_117 = tpu.vector_load %arg10[%get3A] {strides = array<i32>} : memref<10000xf32, #tpu.memory_space<vmem>>, vector<16xf32>,
        %slice3A = vector.extract_strided_slice %get3A_117 {offsets = [0], sizes = [1], strides = [1]} : vector<16xf32> to vector<1xf32>
        %squeeze3A = vector.extract %slice3A[0] : f32 from vector<1xf32>
        %mul3A_118 = arith.constant 16 : i32
        %mul3A_119 = arith.muli %scan3A_110, %mul3A_118 : i32
        %add3A_120 = arith.constant 0 : i32
        %add3A_121 = arith.addi %mul3A_119, %add3A_120 : i32
        %get3A_122 = arith.index_cast %add3A_121 : i32 to index
        %get3A_123 = arith.constant 0 : index
        %get3A_124 = tpu.vector_load %arg14[%get3A_122, %get3A_123] {strides = array<i32>} : memref<80x128xf32, #tpu.memory_space<vmem>>, vector<16xf32>,
        %mul3A_125 = vector.broadcast %squeeze3A : f32 to vector<16xf32>
        %mul3A_126 = arith.mulf %get3A_124, %mul3A_125 : vector<16xf32>
        %swap3A = arith.index_cast %add3A_121 : i32 to index
        %swap3A_127 = arith.constant 0 : index
        %swap3A_128 = tpu.vector_load %arg14[%swap3A, %swap3A_127] {strides = array<i32>} : memref<80x128xf32, #tpu.memory_space<vmem>>, vector<16xf32>,
        tpu.vector_store %arg14[%swap3A, %swap3A_127], %mul3A_126 {strides = array<i32>} : memref<80x128xf32, #tpu.memory_space<vmem>>, vector<16xf32>,
        %get3A_129 = arith.index_cast %add3A_121 : i32 to index
        %get3A_130 = arith.constant 16 : index
        %get3A_131 = tpu.vector_load %arg14[%get3A_129, %get3A_130] {strides = array<i32>} : memref<80x128xf32, #tpu.memory_space<vmem>>, vector<16xf32>,
        %mul3A_132 = vector.broadcast %squeeze3A : f32 to vector<16xf32>
        %mul3A_133 = arith.mulf %get3A_131, %mul3A_132 : vector<16xf32>
        %swap3A_134 = arith.index_cast %add3A_121 : i32 to index
        %swap3A_135 = arith.constant 16 : index
        %swap3A_136 = tpu.vector_load %arg14[%swap3A_134, %swap3A_135] {strides = array<i32>} : memref<80x128xf32, #tpu.memory_space<vmem>>, vector<16xf32>,
        tpu.vector_store %arg14[%swap3A_134, %swap3A_135], %mul3A_133 {strides = array<i32>} : memref<80x128xf32, #tpu.memory_space<vmem>>, vector<16xf32>,
        %get3A_137 = arith.index_cast %add3A_121 : i32 to index
        %get3A_138 = arith.constant 32 : index
        %get3A_139 = tpu.vector_load %arg14[%get3A_137, %get3A_138] {strides = array<i32>} : memref<80x128xf32, #tpu.memory_space<vmem>>, vector<16xf32>,
        %mul3A_140 = vector.broadcast %squeeze3A : f32 to vector<16xf32>
        %mul3A_141 = arith.mulf %get3A_139, %mul3A_140 : vector<16xf32>
        %swap3A_142 = arith.index_cast %add3A_121 : i32 to index
        %swap3A_143 = arith.constant 32 : index
        %swap3A_144 = tpu.vector_load %arg14[%swap3A_142, %swap3A_143] {strides = array<i32>} : memref<80x128xf32, #tpu.memory_space<vmem>>, vector<16xf32>,
        tpu.vector_store %arg14[%swap3A_142, %swap3A_143], %mul3A_141 {strides = array<i32>} : memref<80x128xf32, #tpu.memory_space<vmem>>, vector<16xf32>,
        %get3A_145 = arith.index_cast %add3A_121 : i32 to index
        %get3A_146 = arith.constant 48 : index
        %get3A_147 = tpu.vector_load %arg14[%get3A_145, %get3A_146] {strides = array<i32>} : memref<80x128xf32, #tpu.memory_space<vmem>>, vector<16xf32>,
        %mul3A_148 = vector.broadcast %squeeze3A : f32 to vector<16xf32>
        %mul3A_149 = arith.mulf %get3A_147, %mul3A_148 : vector<16xf32>
        %swap3A_150 = arith.index_cast %add3A_121 : i32 to index
        %swap3A_151 = arith.constant 48 : index
        %swap3A_152 = tpu.vector_load %arg14[%swap3A_150, %swap3A_151] {strides = array<i32>} : memref<80x128xf32, #tpu.memory_space<vmem>>, vector<16xf32>,
        tpu.vector_store %arg14[%swap3A_150, %swap3A_151], %mul3A_149 {strides = array<i32>} : memref<80x128xf32, #tpu.memory_space<vmem>>, vector<16xf32>,
        %get3A_153 = arith.index_cast %add3A_121 : i32 to index
        %get3A_154 = arith.constant 64 : index
        %get3A_155 = tpu.vector_load %arg14[%get3A_153, %get3A_154] {strides = array<i32>} : memref<80x128xf32, #tpu.memory_space<vmem>>, vector<16xf32>,
        %mul3A_156 = vector.broadcast %squeeze3A : f32 to vector<16xf32>
        %mul3A_157 = arith.mulf %get3A_155, %mul3A_156 : vector<16xf32>
        %swap3A_158 = arith.index_cast %add3A_121 : i32 to index
        %swap3A_159 = arith.constant 64 : index
        %swap3A_160 = tpu.vector_load %arg14[%swap3A_158, %swap3A_159] {strides = array<i32>} : memref<80x128xf32, #tpu.memory_space<vmem>>, vector<16xf32>,
        tpu.vector_store %arg14[%swap3A_158, %swap3A_159], %mul3A_157 {strides = array<i32>} : memref<80x128xf32, #tpu.memory_space<vmem>>, vector<16xf32>,
        %get3A_161 = arith.index_cast %add3A_121 : i32 to index
        %get3A_162 = arith.constant 80 : index
        %get3A_163 = tpu.vector_load %arg14[%get3A_161, %get3A_162] {strides = array<i32>} : memref<80x128xf32, #tpu.memory_space<vmem>>, vector<16xf32>,
        %mul3A_164 = vector.broadcast %squeeze3A : f32 to vector<16xf32>
        %mul3A_165 = arith.mulf %get3A_163, %mul3A_164 : vector<16xf32>
        %swap3A_166 = arith.index_cast %add3A_121 : i32 to index
        %swap3A_167 = arith.constant 80 : index
        %swap3A_168 = tpu.vector_load %arg14[%swap3A_166, %swap3A_167] {strides = array<i32>} : memref<80x128xf32, #tpu.memory_space<vmem>>, vector<16xf32>,
        tpu.vector_store %arg14[%swap3A_166, %swap3A_167], %mul3A_165 {strides = array<i32>} : memref<80x128xf32, #tpu.memory_space<vmem>>, vector<16xf32>,
        %get3A_169 = arith.index_cast %add3A_121 : i32 to index
        %get3A_170 = arith.constant 96 : index
        %get3A_171 = tpu.vector_load %arg14[%get3A_169, %get3A_170] {strides = array<i32>} : memref<80x128xf32, #tpu.memory_space<vmem>>, vector<16xf32>,
        %mul3A_172 = vector.broadcast %squeeze3A : f32 to vector<16xf32>
        %mul3A_173 = arith.mulf %get3A_171, %mul3A_172 : vector<16xf32>
        %swap3A_174 = arith.index_cast %add3A_121 : i32 to index
        %swap3A_175 = arith.constant 96 : index
        %swap3A_176 = tpu.vector_load %arg14[%swap3A_174, %swap3A_175] {strides = array<i32>} : memref<80x128xf32, #tpu.memory_space<vmem>>, vector<16xf32>,
        tpu.vector_store %arg14[%swap3A_174, %swap3A_175], %mul3A_173 {strides = array<i32>} : memref<80x128xf32, #tpu.memory_space<vmem>>, vector<16xf32>,
        %get3A_177 = arith.index_cast %add3A_121 : i32 to index
        %get3A_178 = arith.constant 112 : index
        %get3A_179 = tpu.vector_load %arg14[%get3A_177, %get3A_178] {strides = array<i32>} : memref<80x128xf32, #tpu.memory_space<vmem>>, vector<16xf32>,
        %mul3A_180 = vector.broadcast %squeeze3A : f32 to vector<16xf32>
        %mul3A_181 = arith.mulf %get3A_179, %mul3A_180 : vector<16xf32>
        %swap3A_182 = arith.index_cast %add3A_121 : i32 to index
        %swap3A_183 = arith.constant 112 : index
        %swap3A_184 = tpu.vector_load %arg14[%swap3A_182, %swap3A_183] {strides = array<i32>} : memref<80x128xf32, #tpu.memory_space<vmem>>, vector<16xf32>,
        tpu.vector_store %arg14[%swap3A_182, %swap3A_183], %mul3A_181 {strides = array<i32>} : memref<80x128xf32, #tpu.memory_space<vmem>>, vector<16xf32>,
        %slice3A_185 = vector.extract_strided_slice %get3A_117 {offsets = [1], sizes = [1], strides = [1]} : vector<16xf32> to vector<1xf32>
        %squeeze3A_186 = vector.extract %slice3A_185[0] : f32 from vector<1xf32>
        %mul3A_187 = arith.constant 16 : i32
        %mul3A_188 = arith.muli %scan3A_110, %mul3A_187 : i32
        %add3A_189 = arith.constant 1 : i32
        %add3A_190 = arith.addi %mul3A_188, %add3A_189 : i32
        %get3A_191 = arith.index_cast %add3A_190 : i32 to index
        %get3A_192 = arith.constant 0 : index
        %get3A_193 = tpu.vector_load %arg14[%get3A_191, %get3A_192] {strides = array<i32>} : memref<80x128xf32, #tpu.memory_space<vmem>>, vector<16xf32>,
        %mul3A_194 = vector.broadcast %squeeze3A_186 : f32 to vector<16xf32>
        %mul3A_195 = arith.mulf %get3A_193, %mul3A_194 : vector<16xf32>
        %swap3A_196 = arith.index_cast %add3A_190 : i32 to index
        %swap3A_197 = arith.constant 0 : index
        %swap3A_198 = tpu.vector_load %arg14[%swap3A_196, %swap3A_197] {strides = array<i32>} : memref<80x128xf32, #tpu.memory_space<vmem>>, vector<16xf32>,
        tpu.vector_store %arg14[%swap3A_196, %swap3A_197], %mul3A_195 {strides = array<i32>} : memref<80x128xf32, #tpu.memory_space<vmem>>, vector<16xf32>,
        %get3A_199 = arith.index_cast %add3A_190 : i32 to index
        %get3A_200 = arith.constant 16 : index
        %get3A_201 = tpu.vector_load %arg14[%get3A_199, %get3A_200] {strides = array<i32>} : memref<80x128xf32, #tpu.memory_space<vmem>>, vector<16xf32>,
        %mul3A_202 = vector.broadcast %squeeze3A_186 : f32 to vector<16xf32>
        %mul3A_203 = arith.mulf %get3A_201, %mul3A_202 : vector<16xf32>
        %swap3A_204 = arith.index_cast %add3A_190 : i32 to index
        %swap3A_205 = arith.constant 16 : index
        %swap3A_206 = tpu.vector_load %arg14[%swap3A_204, %swap3A_205] {strides = array<i32>} : memref<80x128xf32, #tpu.memory_space<vmem>>, vector<16xf32>,
        tpu.vector_store %arg14[%swap3A_204, %swap3A_205], %mul3A_203 {strides = array<i32>} : memref<80x128xf32, #tpu.memory_space<vmem>>, vector<16xf32>,
        %get3A_207 = arith.index_cast %add3A_190 : i32 to index
        %get3A_208 = arith.constant 32 : index
        %get3A_209 = tpu.vector_load %arg14[%get3A_207, %get3A_208] {strides = array<i32>} : memref<80x128xf32, #tpu.memory_space<vmem>>, vector<16xf32>,
        %mul3A_210 = vector.broadcast %squeeze3A_186 : f32 to vector<16xf32>
        %mul3A_211 = arith.mulf %get3A_209, %mul3A_210 : vector<16xf32>
        %swap3A_212 = arith.index_cast %add3A_190 : i32 to index
        %swap3A_213 = arith.constant 32 : index
        %swap3A_214 = tpu.vector_load %arg14[%swap3A_212, %swap3A_213] {strides = array<i32>} : memref<80x128xf32, #tpu.memory_space<vmem>>, vector<16xf32>,
        tpu.vector_store %arg14[%swap3A_212, %swap3A_213], %mul3A_211 {strides = array<i32>} : memref<80x128xf32, #tpu.memory_space<vmem>>, vector<16xf32>,
        %get3A_215 = arith.index_cast %add3A_190 : i32 to index
        %get3A_216 = arith.constant 48 : index
        %get3A_217 = tpu.vector_load %arg14[%get3A_215, %get3A_216] {strides = array<i32>} : memref<80x128xf32, #tpu.memory_space<vmem>>, vector<16xf32>,
        %mul3A_218 = vector.broadcast %squeeze3A_186 : f32 to vector<16xf32>
        %mul3A_219 = arith.mulf %get3A_217, %mul3A_218 : vector<16xf32>
        %swap3A_220 = arith.index_cast %add3A_190 : i32 to index
        %swap3A_221 = arith.constant 48 : index
        %swap3A_222 = tpu.vector_load %arg14[%swap3A_220, %swap3A_221] {strides = array<i32>} : memref<80x128xf32, #tpu.memory_space<vmem>>, vector<16xf32>,
        tpu.vector_store %arg14[%swap3A_220, %swap3A_221], %mul3A_219 {strides = array<i32>} : memref<80x128xf32, #tpu.memory_space<vmem>>, vector<16xf32>,
        %get3A_223 = arith.index_cast %add3A_190 : i32 to index
        %get3A_224 = arith.constant 64 : index
        %get3A_225 = tpu.vector_load %arg14[%get3A_223, %get3A_224] {strides = array<i32>} : memref<80x128xf32, #tpu.memory_space<vmem>>, vector<16xf32>,
        %mul3A_226 = vector.broadcast %squeeze3A_186 : f32 to vector<16xf32>
        %mul3A_227 = arith.mulf %get3A_225, %mul3A_226 : vector<16xf32>
        %swap3A_228 = arith.index_cast %add3A_190 : i32 to index
        %swap3A_229 = arith.constant 64 : index
        %swap3A_230 = tpu.vector_load %arg14[%swap3A_228, %swap3A_229] {strides = array<i32>} : memref<80x128xf32, #tpu.memory_space<vmem>>, vector<16xf32>,
        tpu.vector_store %arg14[%swap3A_228, %swap3A_229], %mul3A_227 {strides = array<i32>} : memref<80x128xf32, #tpu.memory_space<vmem>>, vector<16xf32>,
        %get3A_231 = arith.index_cast %add3A_190 : i32 to index
        %get3A_232 = arith.constant 80 : index
        %get3A_233 = tpu.vector_load %arg14[%get3A_231, %get3A_232] {strides = array<i32>} : memref<80x128xf32, #tpu.memory_space<vmem>>, vector<16xf32>,
        %mul3A_234 = vector.broadcast %squeeze3A_186 : f32 to vector<16xf32>
        %mul3A_235 = arith.mulf %get3A_233, %mul3A_234 : vector<16xf32>
        %swap3A_236 = arith.index_cast %add3A_190 : i32 to index
        %swap3A_237 = arith.constant 80 : index
        %swap3A_238 = tpu.vector_load %arg14[%swap3A_236, %swap3A_237] {strides = array<i32>} : memref<80x128xf32, #tpu.memory_space<vmem>>, vector<16xf32>,
        tpu.vector_store %arg14[%swap3A_236, %swap3A_237], %mul3A_235 {strides = array<i32>} : memref<80x128xf32, #tpu.memory_space<vmem>>, vector<16xf32>,
        %get3A_239 = arith.index_cast %add3A_190 : i32 to index
        %get3A_240 = arith.constant 96 : index
        %get3A_241 = tpu.vector_load %arg14[%get3A_239, %get3A_240] {strides = array<i32>} : memref<80x128xf32, #tpu.memory_space<vmem>>, vector<16xf32>,
        %mul3A_242 = vector.broadcast %squeeze3A_186 : f32 to vector<16xf32>
        %mul3A_243 = arith.mulf %get3A_241, %mul3A_242 : vector<16xf32>
        %swap3A_244 = arith.index_cast %add3A_190 : i32 to index
        %swap3A_245 = arith.constant 96 : index
        %swap3A_246 = tpu.vector_load %arg14[%swap3A_244, %swap3A_245] {strides = array<i32>} : memref<80x128xf32, #tpu.memory_space<vmem>>, vector<16xf32>,
        tpu.vector_store %arg14[%swap3A_244, %swap3A_245], %mul3A_243 {strides = array<i32>} : memref<80x128xf32, #tpu.memory_space<vmem>>, vector<16xf32>,
        %get3A_247 = arith.index_cast %add3A_190 : i32 to index
        %get3A_248 = arith.constant 112 : index
        %get3A_249 = tpu.vector_load %arg14[%get3A_247, %get3A_248] {strides = array<i32>} : memref<80x128xf32, #tpu.memory_space<vmem>>, vector<16xf32>,
        %mul3A_250 = vector.broadcast %squeeze3A_186 : f32 to vector<16xf32>
        %mul3A_251 = arith.mulf %get3A_249, %mul3A_250 : vector<16xf32>
        %swap3A_252 = arith.index_cast %add3A_190 : i32 to index
        %swap3A_253 = arith.constant 112 : index
        %swap3A_254 = tpu.vector_load %arg14[%swap3A_252, %swap3A_253] {strides = array<i32>} : memref<80x128xf32, #tpu.memory_space<vmem>>, vector<16xf32>,
        tpu.vector_store %arg14[%swap3A_252, %swap3A_253], %mul3A_251 {strides = array<i32>} : memref<80x128xf32, #tpu.memory_space<vmem>>, vector<16xf32>,
        %slice3A_255 = vector.extract_strided_slice %get3A_117 {offsets = [2], sizes = [1], strides = [1]} : vector<16xf32> to vector<1xf32>
        %squeeze3A_256 = vector.extract %slice3A_255[0] : f32 from vector<1xf32>
        %mul3A_257 = arith.constant 16 : i32
        %mul3A_258 = arith.muli %scan3A_110, %mul3A_257 : i32
        %add3A_259 = arith.constant 2 : i32
        %add3A_260 = arith.addi %mul3A_258, %add3A_259 : i32
        %get3A_261 = arith.index_cast %add3A_260 : i32 to index
        %get3A_262 = arith.constant 0 : index
        %get3A_263 = tpu.vector_load %arg14[%get3A_261, %get3A_262] {strides = array<i32>} : memref<80x128xf32, #tpu.memory_space<vmem>>, vector<16xf32>,
        %mul3A_264 = vector.broadcast %squeeze3A_256 : f32 to vector<16xf32>
        %mul3A_265 = arith.mulf %get3A_263, %mul3A_264 : vector<16xf32>
        %swap3A_266 = arith.index_cast %add3A_260 : i32 to index
        %swap3A_267 = arith.constant 0 : index
        %swap3A_268 = tpu.vector_load %arg14[%swap3A_266, %swap3A_267] {strides = array<i32>} : memref<80x128xf32, #tpu.memory_space<vmem>>, vector<16xf32>,
        tpu.vector_store %arg14[%swap3A_266, %swap3A_267], %mul3A_265 {strides = array<i32>} : memref<80x128xf32, #tpu.memory_space<vmem>>, vector<16xf32>,
        %get3A_269 = arith.index_cast %add3A_260 : i32 to index
        %get3A_270 = arith.constant 16 : index
        %get3A_271 = tpu.vector_load %arg14[%get3A_269, %get3A_270] {strides = array<i32>} : memref<80x128xf32, #tpu.memory_space<vmem>>, vector<16xf32>,
        %mul3A_272 = vector.broadcast %squeeze3A_256 : f32 to vector<16xf32>
        %mul3A_273 = arith.mulf %get3A_271, %mul3A_272 : vector<16xf32>
        %swap3A_274 = arith.index_cast %add3A_260 : i32 to index
        %swap3A_275 = arith.constant 16 : index
        %swap3A_276 = tpu.vector_load %arg14[%swap3A_274, %swap3A_275] {strides = array<i32>} : memref<80x128xf32, #tpu.memory_space<vmem>>, vector<16xf32>,
        tpu.vector_store %arg14[%swap3A_274, %swap3A_275], %mul3A_273 {strides = array<i32>} : memref<80x128xf32, #tpu.memory_space<vmem>>, vector<16xf32>,
        %get3A_277 = arith.index_cast %add3A_260 : i32 to index
        %get3A_278 = arith.constant 32 : index
        %get3A_279 = tpu.vector_load %arg14[%get3A_277, %get3A_278] {strides = array<i32>} : memref<80x128xf32, #tpu.memory_space<vmem>>, vector<16xf32>,
        %mul3A_280 = vector.broadcast %squeeze3A_256 : f32 to vector<16xf32>
        %mul3A_281 = arith.mulf %get3A_279, %mul3A_280 : vector<16xf32>
        %swap3A_282 = arith.index_cast %add3A_260 : i32 to index
        %swap3A_283 = arith.constant 32 : index
        %swap3A_284 = tpu.vector_load %arg14[%swap3A_282, %swap3A_283] {strides = array<i32>} : memref<80x128xf32, #tpu.memory_space<vmem>>, vector<16xf32>,
        tpu.vector_store %arg14[%swap3A_282, %swap3A_283], %mul3A_281 {strides = array<i32>} : memref<80x128xf32, #tpu.memory_space<vmem>>, vector<16xf32>,
        %get3A_285 = arith.index_cast %add3A_260 : i32 to index
        %get3A_286 = arith.constant 48 : index
        %get3A_287 = tpu.vector_load %arg14[%get3A_285, %get3A_286] {strides = array<i32>} : memref<80x128xf32, #tpu.memory_space<vmem>>, vector<16xf32>,
        %mul3A_288 = vector.broadcast %squeeze3A_256 : f32 to vector<16xf32>
        %mul3A_289 = arith.mulf %get3A_287, %mul3A_288 : vector<16xf32>
        %swap3A_290 = arith.index_cast %add3A_260 : i32 to index
        %swap3A_291 = arith.constant 48 : index
        %swap3A_292 = tpu.vector_load %arg14[%swap3A_290, %swap3A_291] {strides = array<i32>} : memref<80x128xf32, #tpu.memory_space<vmem>>, vector<16xf32>,
        tpu.vector_store %arg14[%swap3A_290, %swap3A_291], %mul3A_289 {strides = array<i32>} : memref<80x128xf32, #tpu.memory_space<vmem>>, vector<16xf32>,
        %get3A_293 = arith.index_cast %add3A_260 : i32 to index
        %get3A_294 = arith.constant 64 : index
        %get3A_295 = tpu.vector_load %arg14[%get3A_293, %get3A_294] {strides = array<i32>} : memref<80x128xf32, #tpu.memory_space<vmem>>, vector<16xf32>,
        %mul3A_296 = vector.broadcast %squeeze3A_256 : f32 to vector<16xf32>
        %mul3A_297 = arith.mulf %get3A_295, %mul3A_296 : vector<16xf32>
        %swap3A_298 = arith.index_cast %add3A_260 : i32 to index
        %swap3A_299 = arith.constant 64 : index
        %swap3A_300 = tpu.vector_load %arg14[%swap3A_298, %swap3A_299] {strides = array<i32>} : memref<80x128xf32, #tpu.memory_space<vmem>>, vector<16xf32>,
        tpu.vector_store %arg14[%swap3A_298, %swap3A_299], %mul3A_297 {strides = array<i32>} : memref<80x128xf32, #tpu.memory_space<vmem>>, vector<16xf32>,
        %get3A_301 = arith.index_cast %add3A_260 : i32 to index
        %get3A_302 = arith.constant 80 : index
        %get3A_303 = tpu.vector_load %arg14[%get3A_301, %get3A_302] {strides = array<i32>} : memref<80x128xf32, #tpu.memory_space<vmem>>, vector<16xf32>,
        %mul3A_304 = vector.broadcast %squeeze3A_256 : f32 to vector<16xf32>
        %mul3A_305 = arith.mulf %get3A_303, %mul3A_304 : vector<16xf32>
        %swap3A_306 = arith.index_cast %add3A_260 : i32 to index
        %swap3A_307 = arith.constant 80 : index
        %swap3A_308 = tpu.vector_load %arg14[%swap3A_306, %swap3A_307] {strides = array<i32>} : memref<80x128xf32, #tpu.memory_space<vmem>>, vector<16xf32>,
        tpu.vector_store %arg14[%swap3A_306, %swap3A_307], %mul3A_305 {strides = array<i32>} : memref<80x128xf32, #tpu.memory_space<vmem>>, vector<16xf32>,
        %get3A_309 = arith.index_cast %add3A_260 : i32 to index
        %get3A_310 = arith.constant 96 : index
        %get3A_311 = tpu.vector_load %arg14[%get3A_309, %get3A_310] {strides = array<i32>} : memref<80x128xf32, #tpu.memory_space<vmem>>, vector<16xf32>,
        %mul3A_312 = vector.broadcast %squeeze3A_256 : f32 to vector<16xf32>
        %mul3A_313 = arith.mulf %get3A_311, %mul3A_312 : vector<16xf32>
        %swap3A_314 = arith.index_cast %add3A_260 : i32 to index
        %swap3A_315 = arith.constant 96 : index
        %swap3A_316 = tpu.vector_load %arg14[%swap3A_314, %swap3A_315] {strides = array<i32>} : memref<80x128xf32, #tpu.memory_space<vmem>>, vector<16xf32>,
        tpu.vector_store %arg14[%swap3A_314, %swap3A_315], %mul3A_313 {strides = array<i32>} : memref<80x128xf32, #tpu.memory_space<vmem>>, vector<16xf32>,
        %get3A_317 = arith.index_cast %add3A_260 : i32 to index
        %get3A_318 = arith.constant 112 : index
        %get3A_319 = tpu.vector_load %arg14[%get3A_317, %get3A_318] {strides = array<i32>} : memref<80x128xf32, #tpu.memory_space<vmem>>, vector<16xf32>,
        %mul3A_320 = vector.broadcast %squeeze3A_256 : f32 to vector<16xf32>
        %mul3A_321 = arith.mulf %get3A_319, %mul3A_320 : vector<16xf32>
        %swap3A_322 = arith.index_cast %add3A_260 : i32 to index
        %swap3A_323 = arith.constant 112 : index
        %swap3A_324 = tpu.vector_load %arg14[%swap3A_322, %swap3A_323] {strides = array<i32>} : memref<80x128xf32, #tpu.memory_space<vmem>>, vector<16xf32>,
        tpu.vector_store %arg14[%swap3A_322, %swap3A_323], %mul3A_321 {strides = array<i32>} : memref<80x128xf32, #tpu.memory_space<vmem>>, vector<16xf32>,
        %slice3A_325 = vector.extract_strided_slice %get3A_117 {offsets = [3], sizes = [1], strides = [1]} : vector<16xf32> to vector<1xf32>
        %squeeze3A_326 = vector.extract %slice3A_325[0] : f32 from vector<1xf32>
        %mul3A_327 = arith.constant 16 : i32
        %mul3A_328 = arith.muli %scan3A_110, %mul3A_327 : i32
        %add3A_329 = arith.constant 3 : i32
        %add3A_330 = arith.addi %mul3A_328, %add3A_329 : i32
        %get3A_331 = arith.index_cast %add3A_330 : i32 to index
        %get3A_332 = arith.constant 0 : index
        %get3A_333 = tpu.vector_load %arg14[%get3A_331, %get3A_332] {strides = array<i32>} : memref<80x128xf32, #tpu.memory_space<vmem>>, vector<16xf32>,
        %mul3A_334 = vector.broadcast %squeeze3A_326 : f32 to vector<16xf32>
        %mul3A_335 = arith.mulf %get3A_333, %mul3A_334 : vector<16xf32>
        %swap3A_336 = arith.index_cast %add3A_330 : i32 to index
        %swap3A_337 = arith.constant 0 : index
        %swap3A_338 = tpu.vector_load %arg14[%swap3A_336, %swap3A_337] {strides = array<i32>} : memref<80x128xf32, #tpu.memory_space<vmem>>, vector<16xf32>,
        tpu.vector_store %arg14[%swap3A_336, %swap3A_337], %mul3A_335 {strides = array<i32>} : memref<80x128xf32, #tpu.memory_space<vmem>>, vector<16xf32>,
        %get3A_339 = arith.index_cast %add3A_330 : i32 to index
        %get3A_340 = arith.constant 16 : index
        %get3A_341 = tpu.vector_load %arg14[%get3A_339, %get3A_340] {strides = array<i32>} : memref<80x128xf32, #tpu.memory_space<vmem>>, vector<16xf32>,
        %mul3A_342 = vector.broadcast %squeeze3A_326 : f32 to vector<16xf32>
        %mul3A_343 = arith.mulf %get3A_341, %mul3A_342 : vector<16xf32>
        %swap3A_344 = arith.index_cast %add3A_330 : i32 to index
        %swap3A_345 = arith.constant 16 : index
        %swap3A_346 = tpu.vector_load %arg14[%swap3A_344, %swap3A_345] {strides = array<i32>} : memref<80x128xf32, #tpu.memory_space<vmem>>, vector<16xf32>,
        tpu.vector_store %arg14[%swap3A_344, %swap3A_345], %mul3A_343 {strides = array<i32>} : memref<80x128xf32, #tpu.memory_space<vmem>>, vector<16xf32>,
        %get3A_347 = arith.index_cast %add3A_330 : i32 to index
        %get3A_348 = arith.constant 32 : index
        %get3A_349 = tpu.vector_load %arg14[%get3A_347, %get3A_348] {strides = array<i32>} : memref<80x128xf32, #tpu.memory_space<vmem>>, vector<16xf32>,
        %mul3A_350 = vector.broadcast %squeeze3A_326 : f32 to vector<16xf32>
        %mul3A_351 = arith.mulf %get3A_349, %mul3A_350 : vector<16xf32>
        %swap3A_352 = arith.index_cast %add3A_330 : i32 to index
        %swap3A_353 = arith.constant 32 : index
        %swap3A_354 = tpu.vector_load %arg14[%swap3A_352, %swap3A_353] {strides = array<i32>} : memref<80x128xf32, #tpu.memory_space<vmem>>, vector<16xf32>,
        tpu.vector_store %arg14[%swap3A_352, %swap3A_353], %mul3A_351 {strides = array<i32>} : memref<80x128xf32, #tpu.memory_space<vmem>>, vector<16xf32>,
        %get3A_355 = arith.index_cast %add3A_330 : i32 to index
        %get3A_356 = arith.constant 48 : index
        %get3A_357 = tpu.vector_load %arg14[%get3A_355, %get3A_356] {strides = array<i32>} : memref<80x128xf32, #tpu.memory_space<vmem>>, vector<16xf32>,
        %mul3A_358 = vector.broadcast %squeeze3A_326 : f32 to vector<16xf32>
        %mul3A_359 = arith.mulf %get3A_357, %mul3A_358 : vector<16xf32>
        %swap3A_360 = arith.index_cast %add3A_330 : i32 to index
        %swap3A_361 = arith.constant 48 : index
        %swap3A_362 = tpu.vector_load %arg14[%swap3A_360, %swap3A_361] {strides = array<i32>} : memref<80x128xf32, #tpu.memory_space<vmem>>, vector<16xf32>,
        tpu.vector_store %arg14[%swap3A_360, %swap3A_361], %mul3A_359 {strides = array<i32>} : memref<80x128xf32, #tpu.memory_space<vmem>>, vector<16xf32>,
        %get3A_363 = arith.index_cast %add3A_330 : i32 to index
        %get3A_364 = arith.constant 64 : index
        %get3A_365 = tpu.vector_load %arg14[%get3A_363, %get3A_364] {strides = array<i32>} : memref<80x128xf32, #tpu.memory_space<vmem>>, vector<16xf32>,
        %mul3A_366 = vector.broadcast %squeeze3A_326 : f32 to vector<16xf32>
        %mul3A_367 = arith.mulf %get3A_365, %mul3A_366 : vector<16xf32>
        %swap3A_368 = arith.index_cast %add3A_330 : i32 to index
        %swap3A_369 = arith.constant 64 : index
        %swap3A_370 = tpu.vector_load %arg14[%swap3A_368, %swap3A_369] {strides = array<i32>} : memref<80x128xf32, #tpu.memory_space<vmem>>, vector<16xf32>,
        tpu.vector_store %arg14[%swap3A_368, %swap3A_369], %mul3A_367 {strides = array<i32>} : memref<80x128xf32, #tpu.memory_space<vmem>>, vector<16xf32>,
        %get3A_371 = arith.index_cast %add3A_330 : i32 to index
        %get3A_372 = arith.constant 80 : index
        %get3A_373 = tpu.vector_load %arg14[%get3A_371, %get3A_372] {strides = array<i32>} : memref<80x128xf32, #tpu.memory_space<vmem>>, vector<16xf32>,
        %mul3A_374 = vector.broadcast %squeeze3A_326 : f32 to vector<16xf32>
        %mul3A_375 = arith.mulf %get3A_373, %mul3A_374 : vector<16xf32>
        %swap3A_376 = arith.index_cast %add3A_330 : i32 to index
        %swap3A_377 = arith.constant 80 : index
        %swap3A_378 = tpu.vector_load %arg14[%swap3A_376, %swap3A_377] {strides = array<i32>} : memref<80x128xf32, #tpu.memory_space<vmem>>, vector<16xf32>,
        tpu.vector_store %arg14[%swap3A_376, %swap3A_377], %mul3A_375 {strides = array<i32>} : memref<80x128xf32, #tpu.memory_space<vmem>>, vector<16xf32>,
        %get3A_379 = arith.index_cast %add3A_330 : i32 to index
        %get3A_380 = arith.constant 96 : index
        %get3A_381 = tpu.vector_load %arg14[%get3A_379, %get3A_380] {strides = array<i32>} : memref<80x128xf32, #tpu.memory_space<vmem>>, vector<16xf32>,
        %mul3A_382 = vector.broadcast %squeeze3A_326 : f32 to vector<16xf32>
        %mul3A_383 = arith.mulf %get3A_381, %mul3A_382 : vector<16xf32>
        %swap3A_384 = arith.index_cast %add3A_330 : i32 to index
        %swap3A_385 = arith.constant 96 : index
        %swap3A_386 = tpu.vector_load %arg14[%swap3A_384, %swap3A_385] {strides = array<i32>} : memref<80x128xf32, #tpu.memory_space<vmem>>, vector<16xf32>,
        tpu.vector_store %arg14[%swap3A_384, %swap3A_385], %mul3A_383 {strides = array<i32>} : memref<80x128xf32, #tpu.memory_space<vmem>>, vector<16xf32>,
        %get3A_387 = arith.index_cast %add3A_330 : i32 to index
        %get3A_388 = arith.constant 112 : index
        %get3A_389 = tpu.vector_load %arg14[%get3A_387, %get3A_388] {strides = array<i32>} : memref<80x128xf32, #tpu.memory_space<vmem>>, vector<16xf32>,
        %mul3A_390 = vector.broadcast %squeeze3A_326 : f32 to vector<16xf32>
        %mul3A_391 = arith.mulf %get3A_389, %mul3A_390 : vector<16xf32>
        %swap3A_392 = arith.index_cast %add3A_330 : i32 to index
        %swap3A_393 = arith.constant 112 : index
        %swap3A_394 = tpu.vector_load %arg14[%swap3A_392, %swap3A_393] {strides = array<i32>} : memref<80x128xf32, #tpu.memory_space<vmem>>, vector<16xf32>,
        tpu.vector_store %arg14[%swap3A_392, %swap3A_393], %mul3A_391 {strides = array<i32>} : memref<80x128xf32, #tpu.memory_space<vmem>>, vector<16xf32>,
        %slice3A_395 = vector.extract_strided_slice %get3A_117 {offsets = [4], sizes = [1], strides = [1]} : vector<16xf32> to vector<1xf32>
        %squeeze3A_396 = vector.extract %slice3A_395[0] : f32 from vector<1xf32>
        %mul3A_397 = arith.constant 16 : i32
        %mul3A_398 = arith.muli %scan3A_110, %mul3A_397 : i32
        %add3A_399 = arith.constant 4 : i32
        %add3A_400 = arith.addi %mul3A_398, %add3A_399 : i32
        %get3A_401 = arith.index_cast %add3A_400 : i32 to index
        %get3A_402 = arith.constant 0 : index
        %get3A_403 = tpu.vector_load %arg14[%get3A_401, %get3A_402] {strides = array<i32>} : memref<80x128xf32, #tpu.memory_space<vmem>>, vector<16xf32>,
        %mul3A_404 = vector.broadcast %squeeze3A_396 : f32 to vector<16xf32>
        %mul3A_405 = arith.mulf %get3A_403, %mul3A_404 : vector<16xf32>
        %swap3A_406 = arith.index_cast %add3A_400 : i32 to index
        %swap3A_407 = arith.constant 0 : index
        %swap3A_408 = tpu.vector_load %arg14[%swap3A_406, %swap3A_407] {strides = array<i32>} : memref<80x128xf32, #tpu.memory_space<vmem>>, vector<16xf32>,
        tpu.vector_store %arg14[%swap3A_406, %swap3A_407], %mul3A_405 {strides = array<i32>} : memref<80x128xf32, #tpu.memory_space<vmem>>, vector<16xf32>,
        %get3A_409 = arith.index_cast %add3A_400 : i32 to index
        %get3A_410 = arith.constant 16 : index
        %get3A_411 = tpu.vector_load %arg14[%get3A_409, %get3A_410] {strides = array<i32>} : memref<80x128xf32, #tpu.memory_space<vmem>>, vector<16xf32>,
        %mul3A_412 = vector.broadcast %squeeze3A_396 : f32 to vector<16xf32>
        %mul3A_413 = arith.mulf %get3A_411, %mul3A_412 : vector<16xf32>
        %swap3A_414 = arith.index_cast %add3A_400 : i32 to index
        %swap3A_415 = arith.constant 16 : index
        %swap3A_416 = tpu.vector_load %arg14[%swap3A_414, %swap3A_415] {strides = array<i32>} : memref<80x128xf32, #tpu.memory_space<vmem>>, vector<16xf32>,
        tpu.vector_store %arg14[%swap3A_414, %swap3A_415], %mul3A_413 {strides = array<i32>} : memref<80x128xf32, #tpu.memory_space<vmem>>, vector<16xf32>,
        %get3A_417 = arith.index_cast %add3A_400 : i32 to index
        %get3A_418 = arith.constant 32 : index
        %get3A_419 = tpu.vector_load %arg14[%get3A_417, %get3A_418] {strides = array<i32>} : memref<80x128xf32, #tpu.memory_space<vmem>>, vector<16xf32>,
        %mul3A_420 = vector.broadcast %squeeze3A_396 : f32 to vector<16xf32>
        %mul3A_421 = arith.mulf %get3A_419, %mul3A_420 : vector<16xf32>
        %swap3A_422 = arith.index_cast %add3A_400 : i32 to index
        %swap3A_423 = arith.constant 32 : index
        %swap3A_424 = tpu.vector_load %arg14[%swap3A_422, %swap3A_423] {strides = array<i32>} : memref<80x128xf32, #tpu.memory_space<vmem>>, vector<16xf32>,
        tpu.vector_store %arg14[%swap3A_422, %swap3A_423], %mul3A_421 {strides = array<i32>} : memref<80x128xf32, #tpu.memory_space<vmem>>, vector<16xf32>,
        %get3A_425 = arith.index_cast %add3A_400 : i32 to index
        %get3A_426 = arith.constant 48 : index
        %get3A_427 = tpu.vector_load %arg14[%get3A_425, %get3A_426] {strides = array<i32>} : memref<80x128xf32, #tpu.memory_space<vmem>>, vector<16xf32>,
        %mul3A_428 = vector.broadcast %squeeze3A_396 : f32 to vector<16xf32>
        %mul3A_429 = arith.mulf %get3A_427, %mul3A_428 : vector<16xf32>
        %swap3A_430 = arith.index_cast %add3A_400 : i32 to index
        %swap3A_431 = arith.constant 48 : index
        %swap3A_432 = tpu.vector_load %arg14[%swap3A_430, %swap3A_431] {strides = array<i32>} : memref<80x128xf32, #tpu.memory_space<vmem>>, vector<16xf32>,
        tpu.vector_store %arg14[%swap3A_430, %swap3A_431], %mul3A_429 {strides = array<i32>} : memref<80x128xf32, #tpu.memory_space<vmem>>, vector<16xf32>,
        %get3A_433 = arith.index_cast %add3A_400 : i32 to index
        %get3A_434 = arith.constant 64 : index
        %get3A_435 = tpu.vector_load %arg14[%get3A_433, %get3A_434] {strides = array<i32>} : memref<80x128xf32, #tpu.memory_space<vmem>>, vector<16xf32>,
        %mul3A_436 = vector.broadcast %squeeze3A_396 : f32 to vector<16xf32>
        %mul3A_437 = arith.mulf %get3A_435, %mul3A_436 : vector<16xf32>
        %swap3A_438 = arith.index_cast %add3A_400 : i32 to index
        %swap3A_439 = arith.constant 64 : index
        %swap3A_440 = tpu.vector_load %arg14[%swap3A_438, %swap3A_439] {strides = array<i32>} : memref<80x128xf32, #tpu.memory_space<vmem>>, vector<16xf32>,
        tpu.vector_store %arg14[%swap3A_438, %swap3A_439], %mul3A_437 {strides = array<i32>} : memref<80x128xf32, #tpu.memory_space<vmem>>, vector<16xf32>,
        %get3A_441 = arith.index_cast %add3A_400 : i32 to index
        %get3A_442 = arith.constant 80 : index
        %get3A_443 = tpu.vector_load %arg14[%get3A_441, %get3A_442] {strides = array<i32>} : memref<80x128xf32, #tpu.memory_space<vmem>>, vector<16xf32>,
        %mul3A_444 = vector.broadcast %squeeze3A_396 : f32 to vector<16xf32>
        %mul3A_445 = arith.mulf %get3A_443, %mul3A_444 : vector<16xf32>
        %swap3A_446 = arith.index_cast %add3A_400 : i32 to index
        %swap3A_447 = arith.constant 80 : index
        %swap3A_448 = tpu.vector_load %arg14[%swap3A_446, %swap3A_447] {strides = array<i32>} : memref<80x128xf32, #tpu.memory_space<vmem>>, vector<16xf32>,
        tpu.vector_store %arg14[%swap3A_446, %swap3A_447], %mul3A_445 {strides = array<i32>} : memref<80x128xf32, #tpu.memory_space<vmem>>, vector<16xf32>,
        %get3A_449 = arith.index_cast %add3A_400 : i32 to index
        %get3A_450 = arith.constant 96 : index
        %get3A_451 = tpu.vector_load %arg14[%get3A_449, %get3A_450] {strides = array<i32>} : memref<80x128xf32, #tpu.memory_space<vmem>>, vector<16xf32>,
        %mul3A_452 = vector.broadcast %squeeze3A_396 : f32 to vector<16xf32>
        %mul3A_453 = arith.mulf %get3A_451, %mul3A_452 : vector<16xf32>
        %swap3A_454 = arith.index_cast %add3A_400 : i32 to index
        %swap3A_455 = arith.constant 96 : index
        %swap3A_456 = tpu.vector_load %arg14[%swap3A_454, %swap3A_455] {strides = array<i32>} : memref<80x128xf32, #tpu.memory_space<vmem>>, vector<16xf32>,
        tpu.vector_store %arg14[%swap3A_454, %swap3A_455], %mul3A_453 {strides = array<i32>} : memref<80x128xf32, #tpu.memory_space<vmem>>, vector<16xf32>,
        %get3A_457 = arith.index_cast %add3A_400 : i32 to index
        %get3A_458 = arith.constant 112 : index
        %get3A_459 = tpu.vector_load %arg14[%get3A_457, %get3A_458] {strides = array<i32>} : memref<80x128xf32, #tpu.memory_space<vmem>>, vector<16xf32>,
        %mul3A_460 = vector.broadcast %squeeze3A_396 : f32 to vector<16xf32>
        %mul3A_461 = arith.mulf %get3A_459, %mul3A_460 : vector<16xf32>
        %swap3A_462 = arith.index_cast %add3A_400 : i32 to index
        %swap3A_463 = arith.constant 112 : index
        %swap3A_464 = tpu.vector_load %arg14[%swap3A_462, %swap3A_463] {strides = array<i32>} : memref<80x128xf32, #tpu.memory_space<vmem>>, vector<16xf32>,
        tpu.vector_store %arg14[%swap3A_462, %swap3A_463], %mul3A_461 {strides = array<i32>} : memref<80x128xf32, #tpu.memory_space<vmem>>, vector<16xf32>,
        %slice3A_465 = vector.extract_strided_slice %get3A_117 {offsets = [5], sizes = [1], strides = [1]} : vector<16xf32> to vector<1xf32>
        %squeeze3A_466 = vector.extract %slice3A_465[0] : f32 from vector<1xf32>
        %mul3A_467 = arith.constant 16 : i32
        %mul3A_468 = arith.muli %scan3A_110, %mul3A_467 : i32
        %add3A_469 = arith.constant 5 : i32
        %add3A_470 = arith.addi %mul3A_468, %add3A_469 : i32
        %get3A_471 = arith.index_cast %add3A_470 : i32 to index
        %get3A_472 = arith.constant 0 : index
        %get3A_473 = tpu.vector_load %arg14[%get3A_471, %get3A_472] {strides = array<i32>} : memref<80x128xf32, #tpu.memory_space<vmem>>, vector<16xf32>,
        %mul3A_474 = vector.broadcast %squeeze3A_466 : f32 to vector<16xf32>
        %mul3A_475 = arith.mulf %get3A_473, %mul3A_474 : vector<16xf32>
        %swap3A_476 = arith.index_cast %add3A_470 : i32 to index
        %swap3A_477 = arith.constant 0 : index
        %swap3A_478 = tpu.vector_load %arg14[%swap3A_476, %swap3A_477] {strides = array<i32>} : memref<80x128xf32, #tpu.memory_space<vmem>>, vector<16xf32>,
        tpu.vector_store %arg14[%swap3A_476, %swap3A_477], %mul3A_475 {strides = array<i32>} : memref<80x128xf32, #tpu.memory_space<vmem>>, vector<16xf32>,
        %get3A_479 = arith.index_cast %add3A_470 : i32 to index
        %get3A_480 = arith.constant 16 : index
        %get3A_481 = tpu.vector_load %arg14[%get3A_479, %get3A_480] {strides = array<i32>} : memref<80x128xf32, #tpu.memory_space<vmem>>, vector<16xf32>,
        %mul3A_482 = vector.broadcast %squeeze3A_466 : f32 to vector<16xf32>
        %mul3A_483 = arith.mulf %get3A_481, %mul3A_482 : vector<16xf32>
        %swap3A_484 = arith.index_cast %add3A_470 : i32 to index
        %swap3A_485 = arith.constant 16 : index
        %swap3A_486 = tpu.vector_load %arg14[%swap3A_484, %swap3A_485] {strides = array<i32>} : memref<80x128xf32, #tpu.memory_space<vmem>>, vector<16xf32>,
        tpu.vector_store %arg14[%swap3A_484, %swap3A_485], %mul3A_483 {strides = array<i32>} : memref<80x128xf32, #tpu.memory_space<vmem>>, vector<16xf32>,
        %get3A_487 = arith.index_cast %add3A_470 : i32 to index
        %get3A_488 = arith.constant 32 : index
        %get3A_489 = tpu.vector_load %arg14[%get3A_487, %get3A_488] {strides = array<i32>} : memref<80x128xf32, #tpu.memory_space<vmem>>, vector<16xf32>,
        %mul3A_490 = vector.broadcast %squeeze3A_466 : f32 to vector<16xf32>
        %mul3A_491 = arith.mulf %get3A_489, %mul3A_490 : vector<16xf32>
        %swap3A_492 = arith.index_cast %add3A_470 : i32 to index
        %swap3A_493 = arith.constant 32 : index
        %swap3A_494 = tpu.vector_load %arg14[%swap3A_492, %swap3A_493] {strides = array<i32>} : memref<80x128xf32, #tpu.memory_space<vmem>>, vector<16xf32>,
        tpu.vector_store %arg14[%swap3A_492, %swap3A_493], %mul3A_491 {strides = array<i32>} : memref<80x128xf32, #tpu.memory_space<vmem>>, vector<16xf32>,
        %get3A_495 = arith.index_cast %add3A_470 : i32 to index
        %get3A_496 = arith.constant 48 : index
        %get3A_497 = tpu.vector_load %arg14[%get3A_495, %get3A_496] {strides = array<i32>} : memref<80x128xf32, #tpu.memory_space<vmem>>, vector<16xf32>,
        %mul3A_498 = vector.broadcast %squeeze3A_466 : f32 to vector<16xf32>
        %mul3A_499 = arith.mulf %get3A_497, %mul3A_498 : vector<16xf32>
        %swap3A_500 = arith.index_cast %add3A_470 : i32 to index
        %swap3A_501 = arith.constant 48 : index
        %swap3A_502 = tpu.vector_load %arg14[%swap3A_500, %swap3A_501] {strides = array<i32>} : memref<80x128xf32, #tpu.memory_space<vmem>>, vector<16xf32>,
        tpu.vector_store %arg14[%swap3A_500, %swap3A_501], %mul3A_499 {strides = array<i32>} : memref<80x128xf32, #tpu.memory_space<vmem>>, vector<16xf32>,
        %get3A_503 = arith.index_cast %add3A_470 : i32 to index
        %get3A_504 = arith.constant 64 : index
        %get3A_505 = tpu.vector_load %arg14[%get3A_503, %get3A_504] {strides = array<i32>} : memref<80x128xf32, #tpu.memory_space<vmem>>, vector<16xf32>,
        %mul3A_506 = vector.broadcast %squeeze3A_466 : f32 to vector<16xf32>
        %mul3A_507 = arith.mulf %get3A_505, %mul3A_506 : vector<16xf32>
        %swap3A_508 = arith.index_cast %add3A_470 : i32 to index
        %swap3A_509 = arith.constant 64 : index
        %swap3A_510 = tpu.vector_load %arg14[%swap3A_508, %swap3A_509] {strides = array<i32>} : memref<80x128xf32, #tpu.memory_space<vmem>>, vector<16xf32>,
        tpu.vector_store %arg14[%swap3A_508, %swap3A_509], %mul3A_507 {strides = array<i32>} : memref<80x128xf32, #tpu.memory_space<vmem>>, vector<16xf32>,
        %get3A_511 = arith.index_cast %add3A_470 : i32 to index
        %get3A_512 = arith.constant 80 : index
        %get3A_513 = tpu.vector_load %arg14[%get3A_511, %get3A_512] {strides = array<i32>} : memref<80x128xf32, #tpu.memory_space<vmem>>, vector<16xf32>,
        %mul3A_514 = vector.broadcast %squeeze3A_466 : f32 to vector<16xf32>
        %mul3A_515 = arith.mulf %get3A_513, %mul3A_514 : vector<16xf32>
        %swap3A_516 = arith.index_cast %add3A_470 : i32 to index
        %swap3A_517 = arith.constant 80 : index
        %swap3A_518 = tpu.vector_load %arg14[%swap3A_516, %swap3A_517] {strides = array<i32>} : memref<80x128xf32, #tpu.memory_space<vmem>>, vector<16xf32>,
        tpu.vector_store %arg14[%swap3A_516, %swap3A_517], %mul3A_515 {strides = array<i32>} : memref<80x128xf32, #tpu.memory_space<vmem>>, vector<16xf32>,
        %get3A_519 = arith.index_cast %add3A_470 : i32 to index
        %get3A_520 = arith.constant 96 : index
        %get3A_521 = tpu.vector_load %arg14[%get3A_519, %get3A_520] {strides = array<i32>} : memref<80x128xf32, #tpu.memory_space<vmem>>, vector<16xf32>,
        %mul3A_522 = vector.broadcast %squeeze3A_466 : f32 to vector<16xf32>
        %mul3A_523 = arith.mulf %get3A_521, %mul3A_522 : vector<16xf32>
        %swap3A_524 = arith.index_cast %add3A_470 : i32 to index
        %swap3A_525 = arith.constant 96 : index
        %swap3A_526 = tpu.vector_load %arg14[%swap3A_524, %swap3A_525] {strides = array<i32>} : memref<80x128xf32, #tpu.memory_space<vmem>>, vector<16xf32>,
        tpu.vector_store %arg14[%swap3A_524, %swap3A_525], %mul3A_523 {strides = array<i32>} : memref<80x128xf32, #tpu.memory_space<vmem>>, vector<16xf32>,
        %get3A_527 = arith.index_cast %add3A_470 : i32 to index
        %get3A_528 = arith.constant 112 : index
        %get3A_529 = tpu.vector_load %arg14[%get3A_527, %get3A_528] {strides = array<i32>} : memref<80x128xf32, #tpu.memory_space<vmem>>, vector<16xf32>,
        %mul3A_530 = vector.broadcast %squeeze3A_466 : f32 to vector<16xf32>
        %mul3A_531 = arith.mulf %get3A_529, %mul3A_530 : vector<16xf32>
        %swap3A_532 = arith.index_cast %add3A_470 : i32 to index
        %swap3A_533 = arith.constant 112 : index
        %swap3A_534 = tpu.vector_load %arg14[%swap3A_532, %swap3A_533] {strides = array<i32>} : memref<80x128xf32, #tpu.memory_space<vmem>>, vector<16xf32>,
        tpu.vector_store %arg14[%swap3A_532, %swap3A_533], %mul3A_531 {strides = array<i32>} : memref<80x128xf32, #tpu.memory_space<vmem>>, vector<16xf32>,
        %slice3A_535 = vector.extract_strided_slice %get3A_117 {offsets = [6], sizes = [1], strides = [1]} : vector<16xf32> to vector<1xf32>
        %squeeze3A_536 = vector.extract %slice3A_535[0] : f32 from vector<1xf32>
        %mul3A_537 = arith.constant 16 : i32
        %mul3A_538 = arith.muli %scan3A_110, %mul3A_537 : i32
        %add3A_539 = arith.constant 6 : i32
        %add3A_540 = arith.addi %mul3A_538, %add3A_539 : i32
        %get3A_541 = arith.index_cast %add3A_540 : i32 to index
        %get3A_542 = arith.constant 0 : index
        %get3A_543 = tpu.vector_load %arg14[%get3A_541, %get3A_542] {strides = array<i32>} : memref<80x128xf32, #tpu.memory_space<vmem>>, vector<16xf32>,
        %mul3A_544 = vector.broadcast %squeeze3A_536 : f32 to vector<16xf32>
        %mul3A_545 = arith.mulf %get3A_543, %mul3A_544 : vector<16xf32>
        %swap3A_546 = arith.index_cast %add3A_540 : i32 to index
        %swap3A_547 = arith.constant 0 : index
        %swap3A_548 = tpu.vector_load %arg14[%swap3A_546, %swap3A_547] {strides = array<i32>} : memref<80x128xf32, #tpu.memory_space<vmem>>, vector<16xf32>,
        tpu.vector_store %arg14[%swap3A_546, %swap3A_547], %mul3A_545 {strides = array<i32>} : memref<80x128xf32, #tpu.memory_space<vmem>>, vector<16xf32>,
        %get3A_549 = arith.index_cast %add3A_540 : i32 to index
        %get3A_550 = arith.constant 16 : index
        %get3A_551 = tpu.vector_load %arg14[%get3A_549, %get3A_550] {strides = array<i32>} : memref<80x128xf32, #tpu.memory_space<vmem>>, vector<16xf32>,
        %mul3A_552 = vector.broadcast %squeeze3A_536 : f32 to vector<16xf32>
        %mul3A_553 = arith.mulf %get3A_551, %mul3A_552 : vector<16xf32>
        %swap3A_554 = arith.index_cast %add3A_540 : i32 to index
        %swap3A_555 = arith.constant 16 : index
        %swap3A_556 = tpu.vector_load %arg14[%swap3A_554, %swap3A_555] {strides = array<i32>} : memref<80x128xf32, #tpu.memory_space<vmem>>, vector<16xf32>,
        tpu.vector_store %arg14[%swap3A_554, %swap3A_555], %mul3A_553 {strides = array<i32>} : memref<80x128xf32, #tpu.memory_space<vmem>>, vector<16xf32>,
        %get3A_557 = arith.index_cast %add3A_540 : i32 to index
        %get3A_558 = arith.constant 32 : index
        %get3A_559 = tpu.vector_load %arg14[%get3A_557, %get3A_558] {strides = array<i32>} : memref<80x128xf32, #tpu.memory_space<vmem>>, vector<16xf32>,
        %mul3A_560 = vector.broadcast %squeeze3A_536 : f32 to vector<16xf32>
        %mul3A_561 = arith.mulf %get3A_559, %mul3A_560 : vector<16xf32>
        %swap3A_562 = arith.index_cast %add3A_540 : i32 to index
        %swap3A_563 = arith.constant 32 : index
        %swap3A_564 = tpu.vector_load %arg14[%swap3A_562, %swap3A_563] {strides = array<i32>} : memref<80x128xf32, #tpu.memory_space<vmem>>, vector<16xf32>,
        tpu.vector_store %arg14[%swap3A_562, %swap3A_563], %mul3A_561 {strides = array<i32>} : memref<80x128xf32, #tpu.memory_space<vmem>>, vector<16xf32>,
        %get3A_565 = arith.index_cast %add3A_540 : i32 to index
        %get3A_566 = arith.constant 48 : index
        %get3A_567 = tpu.vector_load %arg14[%get3A_565, %get3A_566] {strides = array<i32>} : memref<80x128xf32, #tpu.memory_space<vmem>>, vector<16xf32>,
        %mul3A_568 = vector.broadcast %squeeze3A_536 : f32 to vector<16xf32>
        %mul3A_569 = arith.mulf %get3A_567, %mul3A_568 : vector<16xf32>
        %swap3A_570 = arith.index_cast %add3A_540 : i32 to index
        %swap3A_571 = arith.constant 48 : index
        %swap3A_572 = tpu.vector_load %arg14[%swap3A_570, %swap3A_571] {strides = array<i32>} : memref<80x128xf32, #tpu.memory_space<vmem>>, vector<16xf32>,
        tpu.vector_store %arg14[%swap3A_570, %swap3A_571], %mul3A_569 {strides = array<i32>} : memref<80x128xf32, #tpu.memory_space<vmem>>, vector<16xf32>,
        %get3A_573 = arith.index_cast %add3A_540 : i32 to index
        %get3A_574 = arith.constant 64 : index
        %get3A_575 = tpu.vector_load %arg14[%get3A_573, %get3A_574] {strides = array<i32>} : memref<80x128xf32, #tpu.memory_space<vmem>>, vector<16xf32>,
        %mul3A_576 = vector.broadcast %squeeze3A_536 : f32 to vector<16xf32>
        %mul3A_577 = arith.mulf %get3A_575, %mul3A_576 : vector<16xf32>
        %swap3A_578 = arith.index_cast %add3A_540 : i32 to index
        %swap3A_579 = arith.constant 64 : index
        %swap3A_580 = tpu.vector_load %arg14[%swap3A_578, %swap3A_579] {strides = array<i32>} : memref<80x128xf32, #tpu.memory_space<vmem>>, vector<16xf32>,
        tpu.vector_store %arg14[%swap3A_578, %swap3A_579], %mul3A_577 {strides = array<i32>} : memref<80x128xf32, #tpu.memory_space<vmem>>, vector<16xf32>,
        %get3A_581 = arith.index_cast %add3A_540 : i32 to index
        %get3A_582 = arith.constant 80 : index
        %get3A_583 = tpu.vector_load %arg14[%get3A_581, %get3A_582] {strides = array<i32>} : memref<80x128xf32, #tpu.memory_space<vmem>>, vector<16xf32>,
        %mul3A_584 = vector.broadcast %squeeze3A_536 : f32 to vector<16xf32>
        %mul3A_585 = arith.mulf %get3A_583, %mul3A_584 : vector<16xf32>
        %swap3A_586 = arith.index_cast %add3A_540 : i32 to index
        %swap3A_587 = arith.constant 80 : index
        %swap3A_588 = tpu.vector_load %arg14[%swap3A_586, %swap3A_587] {strides = array<i32>} : memref<80x128xf32, #tpu.memory_space<vmem>>, vector<16xf32>,
        tpu.vector_store %arg14[%swap3A_586, %swap3A_587], %mul3A_585 {strides = array<i32>} : memref<80x128xf32, #tpu.memory_space<vmem>>, vector<16xf32>,
        %get3A_589 = arith.index_cast %add3A_540 : i32 to index
        %get3A_590 = arith.constant 96 : index
        %get3A_591 = tpu.vector_load %arg14[%get3A_589, %get3A_590] {strides = array<i32>} : memref<80x128xf32, #tpu.memory_space<vmem>>, vector<16xf32>,
        %mul3A_592 = vector.broadcast %squeeze3A_536 : f32 to vector<16xf32>
        %mul3A_593 = arith.mulf %get3A_591, %mul3A_592 : vector<16xf32>
        %swap3A_594 = arith.index_cast %add3A_540 : i32 to index
        %swap3A_595 = arith.constant 96 : index
        %swap3A_596 = tpu.vector_load %arg14[%swap3A_594, %swap3A_595] {strides = array<i32>} : memref<80x128xf32, #tpu.memory_space<vmem>>, vector<16xf32>,
        tpu.vector_store %arg14[%swap3A_594, %swap3A_595], %mul3A_593 {strides = array<i32>} : memref<80x128xf32, #tpu.memory_space<vmem>>, vector<16xf32>,
        %get3A_597 = arith.index_cast %add3A_540 : i32 to index
        %get3A_598 = arith.constant 112 : index
        %get3A_599 = tpu.vector_load %arg14[%get3A_597, %get3A_598] {strides = array<i32>} : memref<80x128xf32, #tpu.memory_space<vmem>>, vector<16xf32>,
        %mul3A_600 = vector.broadcast %squeeze3A_536 : f32 to vector<16xf32>
        %mul3A_601 = arith.mulf %get3A_599, %mul3A_600 : vector<16xf32>
        %swap3A_602 = arith.index_cast %add3A_540 : i32 to index
        %swap3A_603 = arith.constant 112 : index
        %swap3A_604 = tpu.vector_load %arg14[%swap3A_602, %swap3A_603] {strides = array<i32>} : memref<80x128xf32, #tpu.memory_space<vmem>>, vector<16xf32>,
        tpu.vector_store %arg14[%swap3A_602, %swap3A_603], %mul3A_601 {strides = array<i32>} : memref<80x128xf32, #tpu.memory_space<vmem>>, vector<16xf32>,
        %slice3A_605 = vector.extract_strided_slice %get3A_117 {offsets = [7], sizes = [1], strides = [1]} : vector<16xf32> to vector<1xf32>
        %squeeze3A_606 = vector.extract %slice3A_605[0] : f32 from vector<1xf32>
        %mul3A_607 = arith.constant 16 : i32
        %mul3A_608 = arith.muli %scan3A_110, %mul3A_607 : i32
        %add3A_609 = arith.constant 7 : i32
        %add3A_610 = arith.addi %mul3A_608, %add3A_609 : i32
        %get3A_611 = arith.index_cast %add3A_610 : i32 to index
        %get3A_612 = arith.constant 0 : index
        %get3A_613 = tpu.vector_load %arg14[%get3A_611, %get3A_612] {strides = array<i32>} : memref<80x128xf32, #tpu.memory_space<vmem>>, vector<16xf32>,
        %mul3A_614 = vector.broadcast %squeeze3A_606 : f32 to vector<16xf32>
        %mul3A_615 = arith.mulf %get3A_613, %mul3A_614 : vector<16xf32>
        %swap3A_616 = arith.index_cast %add3A_610 : i32 to index
        %swap3A_617 = arith.constant 0 : index
        %swap3A_618 = tpu.vector_load %arg14[%swap3A_616, %swap3A_617] {strides = array<i32>} : memref<80x128xf32, #tpu.memory_space<vmem>>, vector<16xf32>,
        tpu.vector_store %arg14[%swap3A_616, %swap3A_617], %mul3A_615 {strides = array<i32>} : memref<80x128xf32, #tpu.memory_space<vmem>>, vector<16xf32>,
        %get3A_619 = arith.index_cast %add3A_610 : i32 to index
        %get3A_620 = arith.constant 16 : index
        %get3A_621 = tpu.vector_load %arg14[%get3A_619, %get3A_620] {strides = array<i32>} : memref<80x128xf32, #tpu.memory_space<vmem>>, vector<16xf32>,
        %mul3A_622 = vector.broadcast %squeeze3A_606 : f32 to vector<16xf32>
        %mul3A_623 = arith.mulf %get3A_621, %mul3A_622 : vector<16xf32>
        %swap3A_624 = arith.index_cast %add3A_610 : i32 to index
        %swap3A_625 = arith.constant 16 : index
        %swap3A_626 = tpu.vector_load %arg14[%swap3A_624, %swap3A_625] {strides = array<i32>} : memref<80x128xf32, #tpu.memory_space<vmem>>, vector<16xf32>,
        tpu.vector_store %arg14[%swap3A_624, %swap3A_625], %mul3A_623 {strides = array<i32>} : memref<80x128xf32, #tpu.memory_space<vmem>>, vector<16xf32>,
        %get3A_627 = arith.index_cast %add3A_610 : i32 to index
        %get3A_628 = arith.constant 32 : index
        %get3A_629 = tpu.vector_load %arg14[%get3A_627, %get3A_628] {strides = array<i32>} : memref<80x128xf32, #tpu.memory_space<vmem>>, vector<16xf32>,
        %mul3A_630 = vector.broadcast %squeeze3A_606 : f32 to vector<16xf32>
        %mul3A_631 = arith.mulf %get3A_629, %mul3A_630 : vector<16xf32>
        %swap3A_632 = arith.index_cast %add3A_610 : i32 to index
        %swap3A_633 = arith.constant 32 : index
        %swap3A_634 = tpu.vector_load %arg14[%swap3A_632, %swap3A_633] {strides = array<i32>} : memref<80x128xf32, #tpu.memory_space<vmem>>, vector<16xf32>,
        tpu.vector_store %arg14[%swap3A_632, %swap3A_633], %mul3A_631 {strides = array<i32>} : memref<80x128xf32, #tpu.memory_space<vmem>>, vector<16xf32>,
        %get3A_635 = arith.index_cast %add3A_610 : i32 to index
        %get3A_636 = arith.constant 48 : index
        %get3A_637 = tpu.vector_load %arg14[%get3A_635, %get3A_636] {strides = array<i32>} : memref<80x128xf32, #tpu.memory_space<vmem>>, vector<16xf32>,
        %mul3A_638 = vector.broadcast %squeeze3A_606 : f32 to vector<16xf32>
        %mul3A_639 = arith.mulf %get3A_637, %mul3A_638 : vector<16xf32>
        %swap3A_640 = arith.index_cast %add3A_610 : i32 to index
        %swap3A_641 = arith.constant 48 : index
        %swap3A_642 = tpu.vector_load %arg14[%swap3A_640, %swap3A_641] {strides = array<i32>} : memref<80x128xf32, #tpu.memory_space<vmem>>, vector<16xf32>,
        tpu.vector_store %arg14[%swap3A_640, %swap3A_641], %mul3A_639 {strides = array<i32>} : memref<80x128xf32, #tpu.memory_space<vmem>>, vector<16xf32>,
        %get3A_643 = arith.index_cast %add3A_610 : i32 to index
        %get3A_644 = arith.constant 64 : index
        %get3A_645 = tpu.vector_load %arg14[%get3A_643, %get3A_644] {strides = array<i32>} : memref<80x128xf32, #tpu.memory_space<vmem>>, vector<16xf32>,
        %mul3A_646 = vector.broadcast %squeeze3A_606 : f32 to vector<16xf32>
        %mul3A_647 = arith.mulf %get3A_645, %mul3A_646 : vector<16xf32>
        %swap3A_648 = arith.index_cast %add3A_610 : i32 to index
        %swap3A_649 = arith.constant 64 : index
        %swap3A_650 = tpu.vector_load %arg14[%swap3A_648, %swap3A_649] {strides = array<i32>} : memref<80x128xf32, #tpu.memory_space<vmem>>, vector<16xf32>,
        tpu.vector_store %arg14[%swap3A_648, %swap3A_649], %mul3A_647 {strides = array<i32>} : memref<80x128xf32, #tpu.memory_space<vmem>>, vector<16xf32>,
        %get3A_651 = arith.index_cast %add3A_610 : i32 to index
        %get3A_652 = arith.constant 80 : index
        %get3A_653 = tpu.vector_load %arg14[%get3A_651, %get3A_652] {strides = array<i32>} : memref<80x128xf32, #tpu.memory_space<vmem>>, vector<16xf32>,
        %mul3A_654 = vector.broadcast %squeeze3A_606 : f32 to vector<16xf32>
        %mul3A_655 = arith.mulf %get3A_653, %mul3A_654 : vector<16xf32>
        %swap3A_656 = arith.index_cast %add3A_610 : i32 to index
        %swap3A_657 = arith.constant 80 : index
        %swap3A_658 = tpu.vector_load %arg14[%swap3A_656, %swap3A_657] {strides = array<i32>} : memref<80x128xf32, #tpu.memory_space<vmem>>, vector<16xf32>,
        tpu.vector_store %arg14[%swap3A_656, %swap3A_657], %mul3A_655 {strides = array<i32>} : memref<80x128xf32, #tpu.memory_space<vmem>>, vector<16xf32>,
        %get3A_659 = arith.index_cast %add3A_610 : i32 to index
        %get3A_660 = arith.constant 96 : index
        %get3A_661 = tpu.vector_load %arg14[%get3A_659, %get3A_660] {strides = array<i32>} : memref<80x128xf32, #tpu.memory_space<vmem>>, vector<16xf32>,
        %mul3A_662 = vector.broadcast %squeeze3A_606 : f32 to vector<16xf32>
        %mul3A_663 = arith.mulf %get3A_661, %mul3A_662 : vector<16xf32>
        %swap3A_664 = arith.index_cast %add3A_610 : i32 to index
        %swap3A_665 = arith.constant 96 : index
        %swap3A_666 = tpu.vector_load %arg14[%swap3A_664, %swap3A_665] {strides = array<i32>} : memref<80x128xf32, #tpu.memory_space<vmem>>, vector<16xf32>,
        tpu.vector_store %arg14[%swap3A_664, %swap3A_665], %mul3A_663 {strides = array<i32>} : memref<80x128xf32, #tpu.memory_space<vmem>>, vector<16xf32>,
        %get3A_667 = arith.index_cast %add3A_610 : i32 to index
        %get3A_668 = arith.constant 112 : index
        %get3A_669 = tpu.vector_load %arg14[%get3A_667, %get3A_668] {strides = array<i32>} : memref<80x128xf32, #tpu.memory_space<vmem>>, vector<16xf32>,
        %mul3A_670 = vector.broadcast %squeeze3A_606 : f32 to vector<16xf32>
        %mul3A_671 = arith.mulf %get3A_669, %mul3A_670 : vector<16xf32>
        %swap3A_672 = arith.index_cast %add3A_610 : i32 to index
        %swap3A_673 = arith.constant 112 : index
        %swap3A_674 = tpu.vector_load %arg14[%swap3A_672, %swap3A_673] {strides = array<i32>} : memref<80x128xf32, #tpu.memory_space<vmem>>, vector<16xf32>,
        tpu.vector_store %arg14[%swap3A_672, %swap3A_673], %mul3A_671 {strides = array<i32>} : memref<80x128xf32, #tpu.memory_space<vmem>>, vector<16xf32>,
        %slice3A_675 = vector.extract_strided_slice %get3A_117 {offsets = [8], sizes = [1], strides = [1]} : vector<16xf32> to vector<1xf32>
        %squeeze3A_676 = vector.extract %slice3A_675[0] : f32 from vector<1xf32>
        %mul3A_677 = arith.constant 16 : i32
        %mul3A_678 = arith.muli %scan3A_110, %mul3A_677 : i32
        %add3A_679 = arith.constant 8 : i32
        %add3A_680 = arith.addi %mul3A_678, %add3A_679 : i32
        %get3A_681 = arith.index_cast %add3A_680 : i32 to index
        %get3A_682 = arith.constant 0 : index
        %get3A_683 = tpu.vector_load %arg14[%get3A_681, %get3A_682] {strides = array<i32>} : memref<80x128xf32, #tpu.memory_space<vmem>>, vector<16xf32>,
        %mul3A_684 = vector.broadcast %squeeze3A_676 : f32 to vector<16xf32>
        %mul3A_685 = arith.mulf %get3A_683, %mul3A_684 : vector<16xf32>
        %swap3A_686 = arith.index_cast %add3A_680 : i32 to index
        %swap3A_687 = arith.constant 0 : index
        %swap3A_688 = tpu.vector_load %arg14[%swap3A_686, %swap3A_687] {strides = array<i32>} : memref<80x128xf32, #tpu.memory_space<vmem>>, vector<16xf32>,
        tpu.vector_store %arg14[%swap3A_686, %swap3A_687], %mul3A_685 {strides = array<i32>} : memref<80x128xf32, #tpu.memory_space<vmem>>, vector<16xf32>,
        %get3A_689 = arith.index_cast %add3A_680 : i32 to index
        %get3A_690 = arith.constant 16 : index
        %get3A_691 = tpu.vector_load %arg14[%get3A_689, %get3A_690] {strides = array<i32>} : memref<80x128xf32, #tpu.memory_space<vmem>>, vector<16xf32>,
        %mul3A_692 = vector.broadcast %squeeze3A_676 : f32 to vector<16xf32>
        %mul3A_693 = arith.mulf %get3A_691, %mul3A_692 : vector<16xf32>
        %swap3A_694 = arith.index_cast %add3A_680 : i32 to index
        %swap3A_695 = arith.constant 16 : index
        %swap3A_696 = tpu.vector_load %arg14[%swap3A_694, %swap3A_695] {strides = array<i32>} : memref<80x128xf32, #tpu.memory_space<vmem>>, vector<16xf32>,
        tpu.vector_store %arg14[%swap3A_694, %swap3A_695], %mul3A_693 {strides = array<i32>} : memref<80x128xf32, #tpu.memory_space<vmem>>, vector<16xf32>,
        %get3A_697 = arith.index_cast %add3A_680 : i32 to index
        %get3A_698 = arith.constant 32 : index
        %get3A_699 = tpu.vector_load %arg14[%get3A_697, %get3A_698] {strides = array<i32>} : memref<80x128xf32, #tpu.memory_space<vmem>>, vector<16xf32>,
        %mul3A_700 = vector.broadcast %squeeze3A_676 : f32 to vector<16xf32>
        %mul3A_701 = arith.mulf %get3A_699, %mul3A_700 : vector<16xf32>
        %swap3A_702 = arith.index_cast %add3A_680 : i32 to index
        %swap3A_703 = arith.constant 32 : index
        %swap3A_704 = tpu.vector_load %arg14[%swap3A_702, %swap3A_703] {strides = array<i32>} : memref<80x128xf32, #tpu.memory_space<vmem>>, vector<16xf32>,
        tpu.vector_store %arg14[%swap3A_702, %swap3A_703], %mul3A_701 {strides = array<i32>} : memref<80x128xf32, #tpu.memory_space<vmem>>, vector<16xf32>,
        %get3A_705 = arith.index_cast %add3A_680 : i32 to index
        %get3A_706 = arith.constant 48 : index
        %get3A_707 = tpu.vector_load %arg14[%get3A_705, %get3A_706] {strides = array<i32>} : memref<80x128xf32, #tpu.memory_space<vmem>>, vector<16xf32>,
        %mul3A_708 = vector.broadcast %squeeze3A_676 : f32 to vector<16xf32>
        %mul3A_709 = arith.mulf %get3A_707, %mul3A_708 : vector<16xf32>
        %swap3A_710 = arith.index_cast %add3A_680 : i32 to index
        %swap3A_711 = arith.constant 48 : index
        %swap3A_712 = tpu.vector_load %arg14[%swap3A_710, %swap3A_711] {strides = array<i32>} : memref<80x128xf32, #tpu.memory_space<vmem>>, vector<16xf32>,
        tpu.vector_store %arg14[%swap3A_710, %swap3A_711], %mul3A_709 {strides = array<i32>} : memref<80x128xf32, #tpu.memory_space<vmem>>, vector<16xf32>,
        %get3A_713 = arith.index_cast %add3A_680 : i32 to index
        %get3A_714 = arith.constant 64 : index
        %get3A_715 = tpu.vector_load %arg14[%get3A_713, %get3A_714] {strides = array<i32>} : memref<80x128xf32, #tpu.memory_space<vmem>>, vector<16xf32>,
        %mul3A_716 = vector.broadcast %squeeze3A_676 : f32 to vector<16xf32>
        %mul3A_717 = arith.mulf %get3A_715, %mul3A_716 : vector<16xf32>
        %swap3A_718 = arith.index_cast %add3A_680 : i32 to index
        %swap3A_719 = arith.constant 64 : index
        %swap3A_720 = tpu.vector_load %arg14[%swap3A_718, %swap3A_719] {strides = array<i32>} : memref<80x128xf32, #tpu.memory_space<vmem>>, vector<16xf32>,
        tpu.vector_store %arg14[%swap3A_718, %swap3A_719], %mul3A_717 {strides = array<i32>} : memref<80x128xf32, #tpu.memory_space<vmem>>, vector<16xf32>,
        %get3A_721 = arith.index_cast %add3A_680 : i32 to index
        %get3A_722 = arith.constant 80 : index
        %get3A_723 = tpu.vector_load %arg14[%get3A_721, %get3A_722] {strides = array<i32>} : memref<80x128xf32, #tpu.memory_space<vmem>>, vector<16xf32>,
        %mul3A_724 = vector.broadcast %squeeze3A_676 : f32 to vector<16xf32>
        %mul3A_725 = arith.mulf %get3A_723, %mul3A_724 : vector<16xf32>
        %swap3A_726 = arith.index_cast %add3A_680 : i32 to index
        %swap3A_727 = arith.constant 80 : index
        %swap3A_728 = tpu.vector_load %arg14[%swap3A_726, %swap3A_727] {strides = array<i32>} : memref<80x128xf32, #tpu.memory_space<vmem>>, vector<16xf32>,
        tpu.vector_store %arg14[%swap3A_726, %swap3A_727], %mul3A_725 {strides = array<i32>} : memref<80x128xf32, #tpu.memory_space<vmem>>, vector<16xf32>,
        %get3A_729 = arith.index_cast %add3A_680 : i32 to index
        %get3A_730 = arith.constant 96 : index
        %get3A_731 = tpu.vector_load %arg14[%get3A_729, %get3A_730] {strides = array<i32>} : memref<80x128xf32, #tpu.memory_space<vmem>>, vector<16xf32>,
        %mul3A_732 = vector.broadcast %squeeze3A_676 : f32 to vector<16xf32>
        %mul3A_733 = arith.mulf %get3A_731, %mul3A_732 : vector<16xf32>
        %swap3A_734 = arith.index_cast %add3A_680 : i32 to index
        %swap3A_735 = arith.constant 96 : index
        %swap3A_736 = tpu.vector_load %arg14[%swap3A_734, %swap3A_735] {strides = array<i32>} : memref<80x128xf32, #tpu.memory_space<vmem>>, vector<16xf32>,
        tpu.vector_store %arg14[%swap3A_734, %swap3A_735], %mul3A_733 {strides = array<i32>} : memref<80x128xf32, #tpu.memory_space<vmem>>, vector<16xf32>,
        %get3A_737 = arith.index_cast %add3A_680 : i32 to index
        %get3A_738 = arith.constant 112 : index
        %get3A_739 = tpu.vector_load %arg14[%get3A_737, %get3A_738] {strides = array<i32>} : memref<80x128xf32, #tpu.memory_space<vmem>>, vector<16xf32>,
        %mul3A_740 = vector.broadcast %squeeze3A_676 : f32 to vector<16xf32>
        %mul3A_741 = arith.mulf %get3A_739, %mul3A_740 : vector<16xf32>
        %swap3A_742 = arith.index_cast %add3A_680 : i32 to index
        %swap3A_743 = arith.constant 112 : index
        %swap3A_744 = tpu.vector_load %arg14[%swap3A_742, %swap3A_743] {strides = array<i32>} : memref<80x128xf32, #tpu.memory_space<vmem>>, vector<16xf32>,
        tpu.vector_store %arg14[%swap3A_742, %swap3A_743], %mul3A_741 {strides = array<i32>} : memref<80x128xf32, #tpu.memory_space<vmem>>, vector<16xf32>,
        %slice3A_745 = vector.extract_strided_slice %get3A_117 {offsets = [9], sizes = [1], strides = [1]} : vector<16xf32> to vector<1xf32>
        %squeeze3A_746 = vector.extract %slice3A_745[0] : f32 from vector<1xf32>
        %mul3A_747 = arith.constant 16 : i32
        %mul3A_748 = arith.muli %scan3A_110, %mul3A_747 : i32
        %add3A_749 = arith.constant 9 : i32
        %add3A_750 = arith.addi %mul3A_748, %add3A_749 : i32
        %get3A_751 = arith.index_cast %add3A_750 : i32 to index
        %get3A_752 = arith.constant 0 : index
        %get3A_753 = tpu.vector_load %arg14[%get3A_751, %get3A_752] {strides = array<i32>} : memref<80x128xf32, #tpu.memory_space<vmem>>, vector<16xf32>,
        %mul3A_754 = vector.broadcast %squeeze3A_746 : f32 to vector<16xf32>
        %mul3A_755 = arith.mulf %get3A_753, %mul3A_754 : vector<16xf32>
        %swap3A_756 = arith.index_cast %add3A_750 : i32 to index
        %swap3A_757 = arith.constant 0 : index
        %swap3A_758 = tpu.vector_load %arg14[%swap3A_756, %swap3A_757] {strides = array<i32>} : memref<80x128xf32, #tpu.memory_space<vmem>>, vector<16xf32>,
        tpu.vector_store %arg14[%swap3A_756, %swap3A_757], %mul3A_755 {strides = array<i32>} : memref<80x128xf32, #tpu.memory_space<vmem>>, vector<16xf32>,
        %get3A_759 = arith.index_cast %add3A_750 : i32 to index
        %get3A_760 = arith.constant 16 : index
        %get3A_761 = tpu.vector_load %arg14[%get3A_759, %get3A_760] {strides = array<i32>} : memref<80x128xf32, #tpu.memory_space<vmem>>, vector<16xf32>,
        %mul3A_762 = vector.broadcast %squeeze3A_746 : f32 to vector<16xf32>
        %mul3A_763 = arith.mulf %get3A_761, %mul3A_762 : vector<16xf32>
        %swap3A_764 = arith.index_cast %add3A_750 : i32 to index
        %swap3A_765 = arith.constant 16 : index
        %swap3A_766 = tpu.vector_load %arg14[%swap3A_764, %swap3A_765] {strides = array<i32>} : memref<80x128xf32, #tpu.memory_space<vmem>>, vector<16xf32>,
        tpu.vector_store %arg14[%swap3A_764, %swap3A_765], %mul3A_763 {strides = array<i32>} : memref<80x128xf32, #tpu.memory_space<vmem>>, vector<16xf32>,
        %get3A_767 = arith.index_cast %add3A_750 : i32 to index
        %get3A_768 = arith.constant 32 : index
        %get3A_769 = tpu.vector_load %arg14[%get3A_767, %get3A_768] {strides = array<i32>} : memref<80x128xf32, #tpu.memory_space<vmem>>, vector<16xf32>,
        %mul3A_770 = vector.broadcast %squeeze3A_746 : f32 to vector<16xf32>
        %mul3A_771 = arith.mulf %get3A_769, %mul3A_770 : vector<16xf32>
        %swap3A_772 = arith.index_cast %add3A_750 : i32 to index
        %swap3A_773 = arith.constant 32 : index
        %swap3A_774 = tpu.vector_load %arg14[%swap3A_772, %swap3A_773] {strides = array<i32>} : memref<80x128xf32, #tpu.memory_space<vmem>>, vector<16xf32>,
        tpu.vector_store %arg14[%swap3A_772, %swap3A_773], %mul3A_771 {strides = array<i32>} : memref<80x128xf32, #tpu.memory_space<vmem>>, vector<16xf32>,
        %get3A_775 = arith.index_cast %add3A_750 : i32 to index
        %get3A_776 = arith.constant 48 : index
        %get3A_777 = tpu.vector_load %arg14[%get3A_775, %get3A_776] {strides = array<i32>} : memref<80x128xf32, #tpu.memory_space<vmem>>, vector<16xf32>,
        %mul3A_778 = vector.broadcast %squeeze3A_746 : f32 to vector<16xf32>
        %mul3A_779 = arith.mulf %get3A_777, %mul3A_778 : vector<16xf32>
        %swap3A_780 = arith.index_cast %add3A_750 : i32 to index
        %swap3A_781 = arith.constant 48 : index
        %swap3A_782 = tpu.vector_load %arg14[%swap3A_780, %swap3A_781] {strides = array<i32>} : memref<80x128xf32, #tpu.memory_space<vmem>>, vector<16xf32>,
        tpu.vector_store %arg14[%swap3A_780, %swap3A_781], %mul3A_779 {strides = array<i32>} : memref<80x128xf32, #tpu.memory_space<vmem>>, vector<16xf32>,
        %get3A_783 = arith.index_cast %add3A_750 : i32 to index
        %get3A_784 = arith.constant 64 : index
        %get3A_785 = tpu.vector_load %arg14[%get3A_783, %get3A_784] {strides = array<i32>} : memref<80x128xf32, #tpu.memory_space<vmem>>, vector<16xf32>,
        %mul3A_786 = vector.broadcast %squeeze3A_746 : f32 to vector<16xf32>
        %mul3A_787 = arith.mulf %get3A_785, %mul3A_786 : vector<16xf32>
        %swap3A_788 = arith.index_cast %add3A_750 : i32 to index
        %swap3A_789 = arith.constant 64 : index
        %swap3A_790 = tpu.vector_load %arg14[%swap3A_788, %swap3A_789] {strides = array<i32>} : memref<80x128xf32, #tpu.memory_space<vmem>>, vector<16xf32>,
        tpu.vector_store %arg14[%swap3A_788, %swap3A_789], %mul3A_787 {strides = array<i32>} : memref<80x128xf32, #tpu.memory_space<vmem>>, vector<16xf32>,
        %get3A_791 = arith.index_cast %add3A_750 : i32 to index
        %get3A_792 = arith.constant 80 : index
        %get3A_793 = tpu.vector_load %arg14[%get3A_791, %get3A_792] {strides = array<i32>} : memref<80x128xf32, #tpu.memory_space<vmem>>, vector<16xf32>,
        %mul3A_794 = vector.broadcast %squeeze3A_746 : f32 to vector<16xf32>
        %mul3A_795 = arith.mulf %get3A_793, %mul3A_794 : vector<16xf32>
        %swap3A_796 = arith.index_cast %add3A_750 : i32 to index
        %swap3A_797 = arith.constant 80 : index
        %swap3A_798 = tpu.vector_load %arg14[%swap3A_796, %swap3A_797] {strides = array<i32>} : memref<80x128xf32, #tpu.memory_space<vmem>>, vector<16xf32>,
        tpu.vector_store %arg14[%swap3A_796, %swap3A_797], %mul3A_795 {strides = array<i32>} : memref<80x128xf32, #tpu.memory_space<vmem>>, vector<16xf32>,
        %get3A_799 = arith.index_cast %add3A_750 : i32 to index
        %get3A_800 = arith.constant 96 : index
        %get3A_801 = tpu.vector_load %arg14[%get3A_799, %get3A_800] {strides = array<i32>} : memref<80x128xf32, #tpu.memory_space<vmem>>, vector<16xf32>,
        %mul3A_802 = vector.broadcast %squeeze3A_746 : f32 to vector<16xf32>
        %mul3A_803 = arith.mulf %get3A_801, %mul3A_802 : vector<16xf32>
        %swap3A_804 = arith.index_cast %add3A_750 : i32 to index
        %swap3A_805 = arith.constant 96 : index
        %swap3A_806 = tpu.vector_load %arg14[%swap3A_804, %swap3A_805] {strides = array<i32>} : memref<80x128xf32, #tpu.memory_space<vmem>>, vector<16xf32>,
        tpu.vector_store %arg14[%swap3A_804, %swap3A_805], %mul3A_803 {strides = array<i32>} : memref<80x128xf32, #tpu.memory_space<vmem>>, vector<16xf32>,
        %get3A_807 = arith.index_cast %add3A_750 : i32 to index
        %get3A_808 = arith.constant 112 : index
        %get3A_809 = tpu.vector_load %arg14[%get3A_807, %get3A_808] {strides = array<i32>} : memref<80x128xf32, #tpu.memory_space<vmem>>, vector<16xf32>,
        %mul3A_810 = vector.broadcast %squeeze3A_746 : f32 to vector<16xf32>
        %mul3A_811 = arith.mulf %get3A_809, %mul3A_810 : vector<16xf32>
        %swap3A_812 = arith.index_cast %add3A_750 : i32 to index
        %swap3A_813 = arith.constant 112 : index
        %swap3A_814 = tpu.vector_load %arg14[%swap3A_812, %swap3A_813] {strides = array<i32>} : memref<80x128xf32, #tpu.memory_space<vmem>>, vector<16xf32>,
        tpu.vector_store %arg14[%swap3A_812, %swap3A_813], %mul3A_811 {strides = array<i32>} : memref<80x128xf32, #tpu.memory_space<vmem>>, vector<16xf32>,
        %slice3A_815 = vector.extract_strided_slice %get3A_117 {offsets = [10], sizes = [1], strides = [1]} : vector<16xf32> to vector<1xf32>
        %squeeze3A_816 = vector.extract %slice3A_815[0] : f32 from vector<1xf32>
        %mul3A_817 = arith.constant 16 : i32
        %mul3A_818 = arith.muli %scan3A_110, %mul3A_817 : i32
        %add3A_819 = arith.constant 10 : i32
        %add3A_820 = arith.addi %mul3A_818, %add3A_819 : i32
        %get3A_821 = arith.index_cast %add3A_820 : i32 to index
        %get3A_822 = arith.constant 0 : index
        %get3A_823 = tpu.vector_load %arg14[%get3A_821, %get3A_822] {strides = array<i32>} : memref<80x128xf32, #tpu.memory_space<vmem>>, vector<16xf32>,
        %mul3A_824 = vector.broadcast %squeeze3A_816 : f32 to vector<16xf32>
        %mul3A_825 = arith.mulf %get3A_823, %mul3A_824 : vector<16xf32>
        %swap3A_826 = arith.index_cast %add3A_820 : i32 to index
        %swap3A_827 = arith.constant 0 : index
        %swap3A_828 = tpu.vector_load %arg14[%swap3A_826, %swap3A_827] {strides = array<i32>} : memref<80x128xf32, #tpu.memory_space<vmem>>, vector<16xf32>,
        tpu.vector_store %arg14[%swap3A_826, %swap3A_827], %mul3A_825 {strides = array<i32>} : memref<80x128xf32, #tpu.memory_space<vmem>>, vector<16xf32>,
        %get3A_829 = arith.index_cast %add3A_820 : i32 to index
        %get3A_830 = arith.constant 16 : index
        %get3A_831 = tpu.vector_load %arg14[%get3A_829, %get3A_830] {strides = array<i32>} : memref<80x128xf32, #tpu.memory_space<vmem>>, vector<16xf32>,
        %mul3A_832 = vector.broadcast %squeeze3A_816 : f32 to vector<16xf32>
        %mul3A_833 = arith.mulf %get3A_831, %mul3A_832 : vector<16xf32>
        %swap3A_834 = arith.index_cast %add3A_820 : i32 to index
        %swap3A_835 = arith.constant 16 : index
        %swap3A_836 = tpu.vector_load %arg14[%swap3A_834, %swap3A_835] {strides = array<i32>} : memref<80x128xf32, #tpu.memory_space<vmem>>, vector<16xf32>,
        tpu.vector_store %arg14[%swap3A_834, %swap3A_835], %mul3A_833 {strides = array<i32>} : memref<80x128xf32, #tpu.memory_space<vmem>>, vector<16xf32>,
        %get3A_837 = arith.index_cast %add3A_820 : i32 to index
        %get3A_838 = arith.constant 32 : index
        %get3A_839 = tpu.vector_load %arg14[%get3A_837, %get3A_838] {strides = array<i32>} : memref<80x128xf32, #tpu.memory_space<vmem>>, vector<16xf32>,
        %mul3A_840 = vector.broadcast %squeeze3A_816 : f32 to vector<16xf32>
        %mul3A_841 = arith.mulf %get3A_839, %mul3A_840 : vector<16xf32>
        %swap3A_842 = arith.index_cast %add3A_820 : i32 to index
        %swap3A_843 = arith.constant 32 : index
        %swap3A_844 = tpu.vector_load %arg14[%swap3A_842, %swap3A_843] {strides = array<i32>} : memref<80x128xf32, #tpu.memory_space<vmem>>, vector<16xf32>,
        tpu.vector_store %arg14[%swap3A_842, %swap3A_843], %mul3A_841 {strides = array<i32>} : memref<80x128xf32, #tpu.memory_space<vmem>>, vector<16xf32>,
        %get3A_845 = arith.index_cast %add3A_820 : i32 to index
        %get3A_846 = arith.constant 48 : index
        %get3A_847 = tpu.vector_load %arg14[%get3A_845, %get3A_846] {strides = array<i32>} : memref<80x128xf32, #tpu.memory_space<vmem>>, vector<16xf32>,
        %mul3A_848 = vector.broadcast %squeeze3A_816 : f32 to vector<16xf32>
        %mul3A_849 = arith.mulf %get3A_847, %mul3A_848 : vector<16xf32>
        %swap3A_850 = arith.index_cast %add3A_820 : i32 to index
        %swap3A_851 = arith.constant 48 : index
        %swap3A_852 = tpu.vector_load %arg14[%swap3A_850, %swap3A_851] {strides = array<i32>} : memref<80x128xf32, #tpu.memory_space<vmem>>, vector<16xf32>,
        tpu.vector_store %arg14[%swap3A_850, %swap3A_851], %mul3A_849 {strides = array<i32>} : memref<80x128xf32, #tpu.memory_space<vmem>>, vector<16xf32>,
        %get3A_853 = arith.index_cast %add3A_820 : i32 to index
        %get3A_854 = arith.constant 64 : index
        %get3A_855 = tpu.vector_load %arg14[%get3A_853, %get3A_854] {strides = array<i32>} : memref<80x128xf32, #tpu.memory_space<vmem>>, vector<16xf32>,
        %mul3A_856 = vector.broadcast %squeeze3A_816 : f32 to vector<16xf32>
        %mul3A_857 = arith.mulf %get3A_855, %mul3A_856 : vector<16xf32>
        %swap3A_858 = arith.index_cast %add3A_820 : i32 to index
        %swap3A_859 = arith.constant 64 : index
        %swap3A_860 = tpu.vector_load %arg14[%swap3A_858, %swap3A_859] {strides = array<i32>} : memref<80x128xf32, #tpu.memory_space<vmem>>, vector<16xf32>,
        tpu.vector_store %arg14[%swap3A_858, %swap3A_859], %mul3A_857 {strides = array<i32>} : memref<80x128xf32, #tpu.memory_space<vmem>>, vector<16xf32>,
        %get3A_861 = arith.index_cast %add3A_820 : i32 to index
        %get3A_862 = arith.constant 80 : index
        %get3A_863 = tpu.vector_load %arg14[%get3A_861, %get3A_862] {strides = array<i32>} : memref<80x128xf32, #tpu.memory_space<vmem>>, vector<16xf32>,
        %mul3A_864 = vector.broadcast %squeeze3A_816 : f32 to vector<16xf32>
        %mul3A_865 = arith.mulf %get3A_863, %mul3A_864 : vector<16xf32>
        %swap3A_866 = arith.index_cast %add3A_820 : i32 to index
        %swap3A_867 = arith.constant 80 : index
        %swap3A_868 = tpu.vector_load %arg14[%swap3A_866, %swap3A_867] {strides = array<i32>} : memref<80x128xf32, #tpu.memory_space<vmem>>, vector<16xf32>,
        tpu.vector_store %arg14[%swap3A_866, %swap3A_867], %mul3A_865 {strides = array<i32>} : memref<80x128xf32, #tpu.memory_space<vmem>>, vector<16xf32>,
        %get3A_869 = arith.index_cast %add3A_820 : i32 to index
        %get3A_870 = arith.constant 96 : index
        %get3A_871 = tpu.vector_load %arg14[%get3A_869, %get3A_870] {strides = array<i32>} : memref<80x128xf32, #tpu.memory_space<vmem>>, vector<16xf32>,
        %mul3A_872 = vector.broadcast %squeeze3A_816 : f32 to vector<16xf32>
        %mul3A_873 = arith.mulf %get3A_871, %mul3A_872 : vector<16xf32>
        %swap3A_874 = arith.index_cast %add3A_820 : i32 to index
        %swap3A_875 = arith.constant 96 : index
        %swap3A_876 = tpu.vector_load %arg14[%swap3A_874, %swap3A_875] {strides = array<i32>} : memref<80x128xf32, #tpu.memory_space<vmem>>, vector<16xf32>,
        tpu.vector_store %arg14[%swap3A_874, %swap3A_875], %mul3A_873 {strides = array<i32>} : memref<80x128xf32, #tpu.memory_space<vmem>>, vector<16xf32>,
        %get3A_877 = arith.index_cast %add3A_820 : i32 to index
        %get3A_878 = arith.constant 112 : index
        %get3A_879 = tpu.vector_load %arg14[%get3A_877, %get3A_878] {strides = array<i32>} : memref<80x128xf32, #tpu.memory_space<vmem>>, vector<16xf32>,
        %mul3A_880 = vector.broadcast %squeeze3A_816 : f32 to vector<16xf32>
        %mul3A_881 = arith.mulf %get3A_879, %mul3A_880 : vector<16xf32>
        %swap3A_882 = arith.index_cast %add3A_820 : i32 to index
        %swap3A_883 = arith.constant 112 : index
        %swap3A_884 = tpu.vector_load %arg14[%swap3A_882, %swap3A_883] {strides = array<i32>} : memref<80x128xf32, #tpu.memory_space<vmem>>, vector<16xf32>,
        tpu.vector_store %arg14[%swap3A_882, %swap3A_883], %mul3A_881 {strides = array<i32>} : memref<80x128xf32, #tpu.memory_space<vmem>>, vector<16xf32>,
        %slice3A_885 = vector.extract_strided_slice %get3A_117 {offsets = [11], sizes = [1], strides = [1]} : vector<16xf32> to vector<1xf32>
        %squeeze3A_886 = vector.extract %slice3A_885[0] : f32 from vector<1xf32>
        %mul3A_887 = arith.constant 16 : i32
        %mul3A_888 = arith.muli %scan3A_110, %mul3A_887 : i32
        %add3A_889 = arith.constant 11 : i32
        %add3A_890 = arith.addi %mul3A_888, %add3A_889 : i32
        %get3A_891 = arith.index_cast %add3A_890 : i32 to index
        %get3A_892 = arith.constant 0 : index
        %get3A_893 = tpu.vector_load %arg14[%get3A_891, %get3A_892] {strides = array<i32>} : memref<80x128xf32, #tpu.memory_space<vmem>>, vector<16xf32>,
        %mul3A_894 = vector.broadcast %squeeze3A_886 : f32 to vector<16xf32>
        %mul3A_895 = arith.mulf %get3A_893, %mul3A_894 : vector<16xf32>
        %swap3A_896 = arith.index_cast %add3A_890 : i32 to index
        %swap3A_897 = arith.constant 0 : index
        %swap3A_898 = tpu.vector_load %arg14[%swap3A_896, %swap3A_897] {strides = array<i32>} : memref<80x128xf32, #tpu.memory_space<vmem>>, vector<16xf32>,
        tpu.vector_store %arg14[%swap3A_896, %swap3A_897], %mul3A_895 {strides = array<i32>} : memref<80x128xf32, #tpu.memory_space<vmem>>, vector<16xf32>,
        %get3A_899 = arith.index_cast %add3A_890 : i32 to index
        %get3A_900 = arith.constant 16 : index
        %get3A_901 = tpu.vector_load %arg14[%get3A_899, %get3A_900] {strides = array<i32>} : memref<80x128xf32, #tpu.memory_space<vmem>>, vector<16xf32>,
        %mul3A_902 = vector.broadcast %squeeze3A_886 : f32 to vector<16xf32>
        %mul3A_903 = arith.mulf %get3A_901, %mul3A_902 : vector<16xf32>
        %swap3A_904 = arith.index_cast %add3A_890 : i32 to index
        %swap3A_905 = arith.constant 16 : index
        %swap3A_906 = tpu.vector_load %arg14[%swap3A_904, %swap3A_905] {strides = array<i32>} : memref<80x128xf32, #tpu.memory_space<vmem>>, vector<16xf32>,
        tpu.vector_store %arg14[%swap3A_904, %swap3A_905], %mul3A_903 {strides = array<i32>} : memref<80x128xf32, #tpu.memory_space<vmem>>, vector<16xf32>,
        %get3A_907 = arith.index_cast %add3A_890 : i32 to index
        %get3A_908 = arith.constant 32 : index
        %get3A_909 = tpu.vector_load %arg14[%get3A_907, %get3A_908] {strides = array<i32>} : memref<80x128xf32, #tpu.memory_space<vmem>>, vector<16xf32>,
        %mul3A_910 = vector.broadcast %squeeze3A_886 : f32 to vector<16xf32>
        %mul3A_911 = arith.mulf %get3A_909, %mul3A_910 : vector<16xf32>
        %swap3A_912 = arith.index_cast %add3A_890 : i32 to index
        %swap3A_913 = arith.constant 32 : index
        %swap3A_914 = tpu.vector_load %arg14[%swap3A_912, %swap3A_913] {strides = array<i32>} : memref<80x128xf32, #tpu.memory_space<vmem>>, vector<16xf32>,
        tpu.vector_store %arg14[%swap3A_912, %swap3A_913], %mul3A_911 {strides = array<i32>} : memref<80x128xf32, #tpu.memory_space<vmem>>, vector<16xf32>,
        %get3A_915 = arith.index_cast %add3A_890 : i32 to index
        %get3A_916 = arith.constant 48 : index
        %get3A_917 = tpu.vector_load %arg14[%get3A_915, %get3A_916] {strides = array<i32>} : memref<80x128xf32, #tpu.memory_space<vmem>>, vector<16xf32>,
        %mul3A_918 = vector.broadcast %squeeze3A_886 : f32 to vector<16xf32>
        %mul3A_919 = arith.mulf %get3A_917, %mul3A_918 : vector<16xf32>
        %swap3A_920 = arith.index_cast %add3A_890 : i32 to index
        %swap3A_921 = arith.constant 48 : index
        %swap3A_922 = tpu.vector_load %arg14[%swap3A_920, %swap3A_921] {strides = array<i32>} : memref<80x128xf32, #tpu.memory_space<vmem>>, vector<16xf32>,
        tpu.vector_store %arg14[%swap3A_920, %swap3A_921], %mul3A_919 {strides = array<i32>} : memref<80x128xf32, #tpu.memory_space<vmem>>, vector<16xf32>,
        %get3A_923 = arith.index_cast %add3A_890 : i32 to index
        %get3A_924 = arith.constant 64 : index
        %get3A_925 = tpu.vector_load %arg14[%get3A_923, %get3A_924] {strides = array<i32>} : memref<80x128xf32, #tpu.memory_space<vmem>>, vector<16xf32>,
        %mul3A_926 = vector.broadcast %squeeze3A_886 : f32 to vector<16xf32>
        %mul3A_927 = arith.mulf %get3A_925, %mul3A_926 : vector<16xf32>
        %swap3A_928 = arith.index_cast %add3A_890 : i32 to index
        %swap3A_929 = arith.constant 64 : index
        %swap3A_930 = tpu.vector_load %arg14[%swap3A_928, %swap3A_929] {strides = array<i32>} : memref<80x128xf32, #tpu.memory_space<vmem>>, vector<16xf32>,
        tpu.vector_store %arg14[%swap3A_928, %swap3A_929], %mul3A_927 {strides = array<i32>} : memref<80x128xf32, #tpu.memory_space<vmem>>, vector<16xf32>,
        %get3A_931 = arith.index_cast %add3A_890 : i32 to index
        %get3A_932 = arith.constant 80 : index
        %get3A_933 = tpu.vector_load %arg14[%get3A_931, %get3A_932] {strides = array<i32>} : memref<80x128xf32, #tpu.memory_space<vmem>>, vector<16xf32>,
        %mul3A_934 = vector.broadcast %squeeze3A_886 : f32 to vector<16xf32>
        %mul3A_935 = arith.mulf %get3A_933, %mul3A_934 : vector<16xf32>
        %swap3A_936 = arith.index_cast %add3A_890 : i32 to index
        %swap3A_937 = arith.constant 80 : index
        %swap3A_938 = tpu.vector_load %arg14[%swap3A_936, %swap3A_937] {strides = array<i32>} : memref<80x128xf32, #tpu.memory_space<vmem>>, vector<16xf32>,
        tpu.vector_store %arg14[%swap3A_936, %swap3A_937], %mul3A_935 {strides = array<i32>} : memref<80x128xf32, #tpu.memory_space<vmem>>, vector<16xf32>,
        %get3A_939 = arith.index_cast %add3A_890 : i32 to index
        %get3A_940 = arith.constant 96 : index
        %get3A_941 = tpu.vector_load %arg14[%get3A_939, %get3A_940] {strides = array<i32>} : memref<80x128xf32, #tpu.memory_space<vmem>>, vector<16xf32>,
        %mul3A_942 = vector.broadcast %squeeze3A_886 : f32 to vector<16xf32>
        %mul3A_943 = arith.mulf %get3A_941, %mul3A_942 : vector<16xf32>
        %swap3A_944 = arith.index_cast %add3A_890 : i32 to index
        %swap3A_945 = arith.constant 96 : index
        %swap3A_946 = tpu.vector_load %arg14[%swap3A_944, %swap3A_945] {strides = array<i32>} : memref<80x128xf32, #tpu.memory_space<vmem>>, vector<16xf32>,
        tpu.vector_store %arg14[%swap3A_944, %swap3A_945], %mul3A_943 {strides = array<i32>} : memref<80x128xf32, #tpu.memory_space<vmem>>, vector<16xf32>,
        %get3A_947 = arith.index_cast %add3A_890 : i32 to index
        %get3A_948 = arith.constant 112 : index
        %get3A_949 = tpu.vector_load %arg14[%get3A_947, %get3A_948] {strides = array<i32>} : memref<80x128xf32, #tpu.memory_space<vmem>>, vector<16xf32>,
        %mul3A_950 = vector.broadcast %squeeze3A_886 : f32 to vector<16xf32>
        %mul3A_951 = arith.mulf %get3A_949, %mul3A_950 : vector<16xf32>
        %swap3A_952 = arith.index_cast %add3A_890 : i32 to index
        %swap3A_953 = arith.constant 112 : index
        %swap3A_954 = tpu.vector_load %arg14[%swap3A_952, %swap3A_953] {strides = array<i32>} : memref<80x128xf32, #tpu.memory_space<vmem>>, vector<16xf32>,
        tpu.vector_store %arg14[%swap3A_952, %swap3A_953], %mul3A_951 {strides = array<i32>} : memref<80x128xf32, #tpu.memory_space<vmem>>, vector<16xf32>,
        %slice3A_955 = vector.extract_strided_slice %get3A_117 {offsets = [12], sizes = [1], strides = [1]} : vector<16xf32> to vector<1xf32>
        %squeeze3A_956 = vector.extract %slice3A_955[0] : f32 from vector<1xf32>
        %mul3A_957 = arith.constant 16 : i32
        %mul3A_958 = arith.muli %scan3A_110, %mul3A_957 : i32
        %add3A_959 = arith.constant 12 : i32
        %add3A_960 = arith.addi %mul3A_958, %add3A_959 : i32
        %get3A_961 = arith.index_cast %add3A_960 : i32 to index
        %get3A_962 = arith.constant 0 : index
        %get3A_963 = tpu.vector_load %arg14[%get3A_961, %get3A_962] {strides = array<i32>} : memref<80x128xf32, #tpu.memory_space<vmem>>, vector<16xf32>,
        %mul3A_964 = vector.broadcast %squeeze3A_956 : f32 to vector<16xf32>
        %mul3A_965 = arith.mulf %get3A_963, %mul3A_964 : vector<16xf32>
        %swap3A_966 = arith.index_cast %add3A_960 : i32 to index
        %swap3A_967 = arith.constant 0 : index
        %swap3A_968 = tpu.vector_load %arg14[%swap3A_966, %swap3A_967] {strides = array<i32>} : memref<80x128xf32, #tpu.memory_space<vmem>>, vector<16xf32>,
        tpu.vector_store %arg14[%swap3A_966, %swap3A_967], %mul3A_965 {strides = array<i32>} : memref<80x128xf32, #tpu.memory_space<vmem>>, vector<16xf32>,
        %get3A_969 = arith.index_cast %add3A_960 : i32 to index
        %get3A_970 = arith.constant 16 : index
        %get3A_971 = tpu.vector_load %arg14[%get3A_969, %get3A_970] {strides = array<i32>} : memref<80x128xf32, #tpu.memory_space<vmem>>, vector<16xf32>,
        %mul3A_972 = vector.broadcast %squeeze3A_956 : f32 to vector<16xf32>
        %mul3A_973 = arith.mulf %get3A_971, %mul3A_972 : vector<16xf32>
        %swap3A_974 = arith.index_cast %add3A_960 : i32 to index
        %swap3A_975 = arith.constant 16 : index
        %swap3A_976 = tpu.vector_load %arg14[%swap3A_974, %swap3A_975] {strides = array<i32>} : memref<80x128xf32, #tpu.memory_space<vmem>>, vector<16xf32>,
        tpu.vector_store %arg14[%swap3A_974, %swap3A_975], %mul3A_973 {strides = array<i32>} : memref<80x128xf32, #tpu.memory_space<vmem>>, vector<16xf32>,
        %get3A_977 = arith.index_cast %add3A_960 : i32 to index
        %get3A_978 = arith.constant 32 : index
        %get3A_979 = tpu.vector_load %arg14[%get3A_977, %get3A_978] {strides = array<i32>} : memref<80x128xf32, #tpu.memory_space<vmem>>, vector<16xf32>,
        %mul3A_980 = vector.broadcast %squeeze3A_956 : f32 to vector<16xf32>
        %mul3A_981 = arith.mulf %get3A_979, %mul3A_980 : vector<16xf32>
        %swap3A_982 = arith.index_cast %add3A_960 : i32 to index
        %swap3A_983 = arith.constant 32 : index
        %swap3A_984 = tpu.vector_load %arg14[%swap3A_982, %swap3A_983] {strides = array<i32>} : memref<80x128xf32, #tpu.memory_space<vmem>>, vector<16xf32>,
        tpu.vector_store %arg14[%swap3A_982, %swap3A_983], %mul3A_981 {strides = array<i32>} : memref<80x128xf32, #tpu.memory_space<vmem>>, vector<16xf32>,
        %get3A_985 = arith.index_cast %add3A_960 : i32 to index
        %get3A_986 = arith.constant 48 : index
        %get3A_987 = tpu.vector_load %arg14[%get3A_985, %get3A_986] {strides = array<i32>} : memref<80x128xf32, #tpu.memory_space<vmem>>, vector<16xf32>,
        %mul3A_988 = vector.broadcast %squeeze3A_956 : f32 to vector<16xf32>
        %mul3A_989 = arith.mulf %get3A_987, %mul3A_988 : vector<16xf32>
        %swap3A_990 = arith.index_cast %add3A_960 : i32 to index
        %swap3A_991 = arith.constant 48 : index
        %swap3A_992 = tpu.vector_load %arg14[%swap3A_990, %swap3A_991] {strides = array<i32>} : memref<80x128xf32, #tpu.memory_space<vmem>>, vector<16xf32>,
        tpu.vector_store %arg14[%swap3A_990, %swap3A_991], %mul3A_989 {strides = array<i32>} : memref<80x128xf32, #tpu.memory_space<vmem>>, vector<16xf32>,
        %get3A_993 = arith.index_cast %add3A_960 : i32 to index
        %get3A_994 = arith.constant 64 : index
        %get3A_995 = tpu.vector_load %arg14[%get3A_993, %get3A_994] {strides = array<i32>} : memref<80x128xf32, #tpu.memory_space<vmem>>, vector<16xf32>,
        %mul3A_996 = vector.broadcast %squeeze3A_956 : f32 to vector<16xf32>
        %mul3A_997 = arith.mulf %get3A_995, %mul3A_996 : vector<16xf32>
        %swap3A_998 = arith.index_cast %add3A_960 : i32 to index
        %swap3A_999 = arith.constant 64 : index
        %swap3A_1000 = tpu.vector_load %arg14[%swap3A_998, %swap3A_999] {strides = array<i32>} : memref<80x128xf32, #tpu.memory_space<vmem>>, vector<16xf32>,
        tpu.vector_store %arg14[%swap3A_998, %swap3A_999], %mul3A_997 {strides = array<i32>} : memref<80x128xf32, #tpu.memory_space<vmem>>, vector<16xf32>,
        %get3A_1001 = arith.index_cast %add3A_960 : i32 to index
        %get3A_1002 = arith.constant 80 : index
        %get3A_1003 = tpu.vector_load %arg14[%get3A_1001, %get3A_1002] {strides = array<i32>} : memref<80x128xf32, #tpu.memory_space<vmem>>, vector<16xf32>,
        %mul3A_1004 = vector.broadcast %squeeze3A_956 : f32 to vector<16xf32>
        %mul3A_1005 = arith.mulf %get3A_1003, %mul3A_1004 : vector<16xf32>
        %swap3A_1006 = arith.index_cast %add3A_960 : i32 to index
        %swap3A_1007 = arith.constant 80 : index
        %swap3A_1008 = tpu.vector_load %arg14[%swap3A_1006, %swap3A_1007] {strides = array<i32>} : memref<80x128xf32, #tpu.memory_space<vmem>>, vector<16xf32>,
        tpu.vector_store %arg14[%swap3A_1006, %swap3A_1007], %mul3A_1005 {strides = array<i32>} : memref<80x128xf32, #tpu.memory_space<vmem>>, vector<16xf32>,
        %get3A_1009 = arith.index_cast %add3A_960 : i32 to index
        %get3A_1010 = arith.constant 96 : index
        %get3A_1011 = tpu.vector_load %arg14[%get3A_1009, %get3A_1010] {strides = array<i32>} : memref<80x128xf32, #tpu.memory_space<vmem>>, vector<16xf32>,
        %mul3A_1012 = vector.broadcast %squeeze3A_956 : f32 to vector<16xf32>
        %mul3A_1013 = arith.mulf %get3A_1011, %mul3A_1012 : vector<16xf32>
        %swap3A_1014 = arith.index_cast %add3A_960 : i32 to index
        %swap3A_1015 = arith.constant 96 : index
        %swap3A_1016 = tpu.vector_load %arg14[%swap3A_1014, %swap3A_1015] {strides = array<i32>} : memref<80x128xf32, #tpu.memory_space<vmem>>, vector<16xf32>,
        tpu.vector_store %arg14[%swap3A_1014, %swap3A_1015], %mul3A_1013 {strides = array<i32>} : memref<80x128xf32, #tpu.memory_space<vmem>>, vector<16xf32>,
        %get3A_1017 = arith.index_cast %add3A_960 : i32 to index
        %get3A_1018 = arith.constant 112 : index
        %get3A_1019 = tpu.vector_load %arg14[%get3A_1017, %get3A_1018] {strides = array<i32>} : memref<80x128xf32, #tpu.memory_space<vmem>>, vector<16xf32>,
        %mul3A_1020 = vector.broadcast %squeeze3A_956 : f32 to vector<16xf32>
        %mul3A_1021 = arith.mulf %get3A_1019, %mul3A_1020 : vector<16xf32>
        %swap3A_1022 = arith.index_cast %add3A_960 : i32 to index
        %swap3A_1023 = arith.constant 112 : index
        %swap3A_1024 = tpu.vector_load %arg14[%swap3A_1022, %swap3A_1023] {strides = array<i32>} : memref<80x128xf32, #tpu.memory_space<vmem>>, vector<16xf32>,
        tpu.vector_store %arg14[%swap3A_1022, %swap3A_1023], %mul3A_1021 {strides = array<i32>} : memref<80x128xf32, #tpu.memory_space<vmem>>, vector<16xf32>,
        %slice3A_1025 = vector.extract_strided_slice %get3A_117 {offsets = [13], sizes = [1], strides = [1]} : vector<16xf32> to vector<1xf32>
        %squeeze3A_1026 = vector.extract %slice3A_1025[0] : f32 from vector<1xf32>
        %mul3A_1027 = arith.constant 16 : i32
        %mul3A_1028 = arith.muli %scan3A_110, %mul3A_1027 : i32
        %add3A_1029 = arith.constant 13 : i32
        %add3A_1030 = arith.addi %mul3A_1028, %add3A_1029 : i32
        %get3A_1031 = arith.index_cast %add3A_1030 : i32 to index
        %get3A_1032 = arith.constant 0 : index
        %get3A_1033 = tpu.vector_load %arg14[%get3A_1031, %get3A_1032] {strides = array<i32>} : memref<80x128xf32, #tpu.memory_space<vmem>>, vector<16xf32>,
        %mul3A_1034 = vector.broadcast %squeeze3A_1026 : f32 to vector<16xf32>
        %mul3A_1035 = arith.mulf %get3A_1033, %mul3A_1034 : vector<16xf32>
        %swap3A_1036 = arith.index_cast %add3A_1030 : i32 to index
        %swap3A_1037 = arith.constant 0 : index
        %swap3A_1038 = tpu.vector_load %arg14[%swap3A_1036, %swap3A_1037] {strides = array<i32>} : memref<80x128xf32, #tpu.memory_space<vmem>>, vector<16xf32>,
        tpu.vector_store %arg14[%swap3A_1036, %swap3A_1037], %mul3A_1035 {strides = array<i32>} : memref<80x128xf32, #tpu.memory_space<vmem>>, vector<16xf32>,
        %get3A_1039 = arith.index_cast %add3A_1030 : i32 to index
        %get3A_1040 = arith.constant 16 : index
        %get3A_1041 = tpu.vector_load %arg14[%get3A_1039, %get3A_1040] {strides = array<i32>} : memref<80x128xf32, #tpu.memory_space<vmem>>, vector<16xf32>,
        %mul3A_1042 = vector.broadcast %squeeze3A_1026 : f32 to vector<16xf32>
        %mul3A_1043 = arith.mulf %get3A_1041, %mul3A_1042 : vector<16xf32>
        %swap3A_1044 = arith.index_cast %add3A_1030 : i32 to index
        %swap3A_1045 = arith.constant 16 : index
        %swap3A_1046 = tpu.vector_load %arg14[%swap3A_1044, %swap3A_1045] {strides = array<i32>} : memref<80x128xf32, #tpu.memory_space<vmem>>, vector<16xf32>,
        tpu.vector_store %arg14[%swap3A_1044, %swap3A_1045], %mul3A_1043 {strides = array<i32>} : memref<80x128xf32, #tpu.memory_space<vmem>>, vector<16xf32>,
        %get3A_1047 = arith.index_cast %add3A_1030 : i32 to index
        %get3A_1048 = arith.constant 32 : index
        %get3A_1049 = tpu.vector_load %arg14[%get3A_1047, %get3A_1048] {strides = array<i32>} : memref<80x128xf32, #tpu.memory_space<vmem>>, vector<16xf32>,
        %mul3A_1050 = vector.broadcast %squeeze3A_1026 : f32 to vector<16xf32>
        %mul3A_1051 = arith.mulf %get3A_1049, %mul3A_1050 : vector<16xf32>
        %swap3A_1052 = arith.index_cast %add3A_1030 : i32 to index
        %swap3A_1053 = arith.constant 32 : index
        %swap3A_1054 = tpu.vector_load %arg14[%swap3A_1052, %swap3A_1053] {strides = array<i32>} : memref<80x128xf32, #tpu.memory_space<vmem>>, vector<16xf32>,
        tpu.vector_store %arg14[%swap3A_1052, %swap3A_1053], %mul3A_1051 {strides = array<i32>} : memref<80x128xf32, #tpu.memory_space<vmem>>, vector<16xf32>,
        %get3A_1055 = arith.index_cast %add3A_1030 : i32 to index
        %get3A_1056 = arith.constant 48 : index
        %get3A_1057 = tpu.vector_load %arg14[%get3A_1055, %get3A_1056] {strides = array<i32>} : memref<80x128xf32, #tpu.memory_space<vmem>>, vector<16xf32>,
        %mul3A_1058 = vector.broadcast %squeeze3A_1026 : f32 to vector<16xf32>
        %mul3A_1059 = arith.mulf %get3A_1057, %mul3A_1058 : vector<16xf32>
        %swap3A_1060 = arith.index_cast %add3A_1030 : i32 to index
        %swap3A_1061 = arith.constant 48 : index
        %swap3A_1062 = tpu.vector_load %arg14[%swap3A_1060, %swap3A_1061] {strides = array<i32>} : memref<80x128xf32, #tpu.memory_space<vmem>>, vector<16xf32>,
        tpu.vector_store %arg14[%swap3A_1060, %swap3A_1061], %mul3A_1059 {strides = array<i32>} : memref<80x128xf32, #tpu.memory_space<vmem>>, vector<16xf32>,
        %get3A_1063 = arith.index_cast %add3A_1030 : i32 to index
        %get3A_1064 = arith.constant 64 : index
        %get3A_1065 = tpu.vector_load %arg14[%get3A_1063, %get3A_1064] {strides = array<i32>} : memref<80x128xf32, #tpu.memory_space<vmem>>, vector<16xf32>,
        %mul3A_1066 = vector.broadcast %squeeze3A_1026 : f32 to vector<16xf32>
        %mul3A_1067 = arith.mulf %get3A_1065, %mul3A_1066 : vector<16xf32>
        %swap3A_1068 = arith.index_cast %add3A_1030 : i32 to index
        %swap3A_1069 = arith.constant 64 : index
        %swap3A_1070 = tpu.vector_load %arg14[%swap3A_1068, %swap3A_1069] {strides = array<i32>} : memref<80x128xf32, #tpu.memory_space<vmem>>, vector<16xf32>,
        tpu.vector_store %arg14[%swap3A_1068, %swap3A_1069], %mul3A_1067 {strides = array<i32>} : memref<80x128xf32, #tpu.memory_space<vmem>>, vector<16xf32>,
        %get3A_1071 = arith.index_cast %add3A_1030 : i32 to index
        %get3A_1072 = arith.constant 80 : index
        %get3A_1073 = tpu.vector_load %arg14[%get3A_1071, %get3A_1072] {strides = array<i32>} : memref<80x128xf32, #tpu.memory_space<vmem>>, vector<16xf32>,
        %mul3A_1074 = vector.broadcast %squeeze3A_1026 : f32 to vector<16xf32>
        %mul3A_1075 = arith.mulf %get3A_1073, %mul3A_1074 : vector<16xf32>
        %swap3A_1076 = arith.index_cast %add3A_1030 : i32 to index
        %swap3A_1077 = arith.constant 80 : index
        %swap3A_1078 = tpu.vector_load %arg14[%swap3A_1076, %swap3A_1077] {strides = array<i32>} : memref<80x128xf32, #tpu.memory_space<vmem>>, vector<16xf32>,
        tpu.vector_store %arg14[%swap3A_1076, %swap3A_1077], %mul3A_1075 {strides = array<i32>} : memref<80x128xf32, #tpu.memory_space<vmem>>, vector<16xf32>,
        %get3A_1079 = arith.index_cast %add3A_1030 : i32 to index
        %get3A_1080 = arith.constant 96 : index
        %get3A_1081 = tpu.vector_load %arg14[%get3A_1079, %get3A_1080] {strides = array<i32>} : memref<80x128xf32, #tpu.memory_space<vmem>>, vector<16xf32>,
        %mul3A_1082 = vector.broadcast %squeeze3A_1026 : f32 to vector<16xf32>
        %mul3A_1083 = arith.mulf %get3A_1081, %mul3A_1082 : vector<16xf32>
        %swap3A_1084 = arith.index_cast %add3A_1030 : i32 to index
        %swap3A_1085 = arith.constant 96 : index
        %swap3A_1086 = tpu.vector_load %arg14[%swap3A_1084, %swap3A_1085] {strides = array<i32>} : memref<80x128xf32, #tpu.memory_space<vmem>>, vector<16xf32>,
        tpu.vector_store %arg14[%swap3A_1084, %swap3A_1085], %mul3A_1083 {strides = array<i32>} : memref<80x128xf32, #tpu.memory_space<vmem>>, vector<16xf32>,
        %get3A_1087 = arith.index_cast %add3A_1030 : i32 to index
        %get3A_1088 = arith.constant 112 : index
        %get3A_1089 = tpu.vector_load %arg14[%get3A_1087, %get3A_1088] {strides = array<i32>} : memref<80x128xf32, #tpu.memory_space<vmem>>, vector<16xf32>,
        %mul3A_1090 = vector.broadcast %squeeze3A_1026 : f32 to vector<16xf32>
        %mul3A_1091 = arith.mulf %get3A_1089, %mul3A_1090 : vector<16xf32>
        %swap3A_1092 = arith.index_cast %add3A_1030 : i32 to index
        %swap3A_1093 = arith.constant 112 : index
        %swap3A_1094 = tpu.vector_load %arg14[%swap3A_1092, %swap3A_1093] {strides = array<i32>} : memref<80x128xf32, #tpu.memory_space<vmem>>, vector<16xf32>,
        tpu.vector_store %arg14[%swap3A_1092, %swap3A_1093], %mul3A_1091 {strides = array<i32>} : memref<80x128xf32, #tpu.memory_space<vmem>>, vector<16xf32>,
        %slice3A_1095 = vector.extract_strided_slice %get3A_117 {offsets = [14], sizes = [1], strides = [1]} : vector<16xf32> to vector<1xf32>
        %squeeze3A_1096 = vector.extract %slice3A_1095[0] : f32 from vector<1xf32>
        %mul3A_1097 = arith.constant 16 : i32
        %mul3A_1098 = arith.muli %scan3A_110, %mul3A_1097 : i32
        %add3A_1099 = arith.constant 14 : i32
        %add3A_1100 = arith.addi %mul3A_1098, %add3A_1099 : i32
        %get3A_1101 = arith.index_cast %add3A_1100 : i32 to index
        %get3A_1102 = arith.constant 0 : index
        %get3A_1103 = tpu.vector_load %arg14[%get3A_1101, %get3A_1102] {strides = array<i32>} : memref<80x128xf32, #tpu.memory_space<vmem>>, vector<16xf32>,
        %mul3A_1104 = vector.broadcast %squeeze3A_1096 : f32 to vector<16xf32>
        %mul3A_1105 = arith.mulf %get3A_1103, %mul3A_1104 : vector<16xf32>
        %swap3A_1106 = arith.index_cast %add3A_1100 : i32 to index
        %swap3A_1107 = arith.constant 0 : index
        %swap3A_1108 = tpu.vector_load %arg14[%swap3A_1106, %swap3A_1107] {strides = array<i32>} : memref<80x128xf32, #tpu.memory_space<vmem>>, vector<16xf32>,
        tpu.vector_store %arg14[%swap3A_1106, %swap3A_1107], %mul3A_1105 {strides = array<i32>} : memref<80x128xf32, #tpu.memory_space<vmem>>, vector<16xf32>,
        %get3A_1109 = arith.index_cast %add3A_1100 : i32 to index
        %get3A_1110 = arith.constant 16 : index
        %get3A_1111 = tpu.vector_load %arg14[%get3A_1109, %get3A_1110] {strides = array<i32>} : memref<80x128xf32, #tpu.memory_space<vmem>>, vector<16xf32>,
        %mul3A_1112 = vector.broadcast %squeeze3A_1096 : f32 to vector<16xf32>
        %mul3A_1113 = arith.mulf %get3A_1111, %mul3A_1112 : vector<16xf32>
        %swap3A_1114 = arith.index_cast %add3A_1100 : i32 to index
        %swap3A_1115 = arith.constant 16 : index
        %swap3A_1116 = tpu.vector_load %arg14[%swap3A_1114, %swap3A_1115] {strides = array<i32>} : memref<80x128xf32, #tpu.memory_space<vmem>>, vector<16xf32>,
        tpu.vector_store %arg14[%swap3A_1114, %swap3A_1115], %mul3A_1113 {strides = array<i32>} : memref<80x128xf32, #tpu.memory_space<vmem>>, vector<16xf32>,
        %get3A_1117 = arith.index_cast %add3A_1100 : i32 to index
        %get3A_1118 = arith.constant 32 : index
        %get3A_1119 = tpu.vector_load %arg14[%get3A_1117, %get3A_1118] {strides = array<i32>} : memref<80x128xf32, #tpu.memory_space<vmem>>, vector<16xf32>,
        %mul3A_1120 = vector.broadcast %squeeze3A_1096 : f32 to vector<16xf32>
        %mul3A_1121 = arith.mulf %get3A_1119, %mul3A_1120 : vector<16xf32>
        %swap3A_1122 = arith.index_cast %add3A_1100 : i32 to index
        %swap3A_1123 = arith.constant 32 : index
        %swap3A_1124 = tpu.vector_load %arg14[%swap3A_1122, %swap3A_1123] {strides = array<i32>} : memref<80x128xf32, #tpu.memory_space<vmem>>, vector<16xf32>,
        tpu.vector_store %arg14[%swap3A_1122, %swap3A_1123], %mul3A_1121 {strides = array<i32>} : memref<80x128xf32, #tpu.memory_space<vmem>>, vector<16xf32>,
        %get3A_1125 = arith.index_cast %add3A_1100 : i32 to index
        %get3A_1126 = arith.constant 48 : index
        %get3A_1127 = tpu.vector_load %arg14[%get3A_1125, %get3A_1126] {strides = array<i32>} : memref<80x128xf32, #tpu.memory_space<vmem>>, vector<16xf32>,
        %mul3A_1128 = vector.broadcast %squeeze3A_1096 : f32 to vector<16xf32>
        %mul3A_1129 = arith.mulf %get3A_1127, %mul3A_1128 : vector<16xf32>
        %swap3A_1130 = arith.index_cast %add3A_1100 : i32 to index
        %swap3A_1131 = arith.constant 48 : index
        %swap3A_1132 = tpu.vector_load %arg14[%swap3A_1130, %swap3A_1131] {strides = array<i32>} : memref<80x128xf32, #tpu.memory_space<vmem>>, vector<16xf32>,
        tpu.vector_store %arg14[%swap3A_1130, %swap3A_1131], %mul3A_1129 {strides = array<i32>} : memref<80x128xf32, #tpu.memory_space<vmem>>, vector<16xf32>,
        %get3A_1133 = arith.index_cast %add3A_1100 : i32 to index
        %get3A_1134 = arith.constant 64 : index
        %get3A_1135 = tpu.vector_load %arg14[%get3A_1133, %get3A_1134] {strides = array<i32>} : memref<80x128xf32, #tpu.memory_space<vmem>>, vector<16xf32>,
        %mul3A_1136 = vector.broadcast %squeeze3A_1096 : f32 to vector<16xf32>
        %mul3A_1137 = arith.mulf %get3A_1135, %mul3A_1136 : vector<16xf32>
        %swap3A_1138 = arith.index_cast %add3A_1100 : i32 to index
        %swap3A_1139 = arith.constant 64 : index
        %swap3A_1140 = tpu.vector_load %arg14[%swap3A_1138, %swap3A_1139] {strides = array<i32>} : memref<80x128xf32, #tpu.memory_space<vmem>>, vector<16xf32>,
        tpu.vector_store %arg14[%swap3A_1138, %swap3A_1139], %mul3A_1137 {strides = array<i32>} : memref<80x128xf32, #tpu.memory_space<vmem>>, vector<16xf32>,
        %get3A_1141 = arith.index_cast %add3A_1100 : i32 to index
        %get3A_1142 = arith.constant 80 : index
        %get3A_1143 = tpu.vector_load %arg14[%get3A_1141, %get3A_1142] {strides = array<i32>} : memref<80x128xf32, #tpu.memory_space<vmem>>, vector<16xf32>,
        %mul3A_1144 = vector.broadcast %squeeze3A_1096 : f32 to vector<16xf32>
        %mul3A_1145 = arith.mulf %get3A_1143, %mul3A_1144 : vector<16xf32>
        %swap3A_1146 = arith.index_cast %add3A_1100 : i32 to index
        %swap3A_1147 = arith.constant 80 : index
        %swap3A_1148 = tpu.vector_load %arg14[%swap3A_1146, %swap3A_1147] {strides = array<i32>} : memref<80x128xf32, #tpu.memory_space<vmem>>, vector<16xf32>,
        tpu.vector_store %arg14[%swap3A_1146, %swap3A_1147], %mul3A_1145 {strides = array<i32>} : memref<80x128xf32, #tpu.memory_space<vmem>>, vector<16xf32>,
        %get3A_1149 = arith.index_cast %add3A_1100 : i32 to index
        %get3A_1150 = arith.constant 96 : index
        %get3A_1151 = tpu.vector_load %arg14[%get3A_1149, %get3A_1150] {strides = array<i32>} : memref<80x128xf32, #tpu.memory_space<vmem>>, vector<16xf32>,
        %mul3A_1152 = vector.broadcast %squeeze3A_1096 : f32 to vector<16xf32>
        %mul3A_1153 = arith.mulf %get3A_1151, %mul3A_1152 : vector<16xf32>
        %swap3A_1154 = arith.index_cast %add3A_1100 : i32 to index
        %swap3A_1155 = arith.constant 96 : index
        %swap3A_1156 = tpu.vector_load %arg14[%swap3A_1154, %swap3A_1155] {strides = array<i32>} : memref<80x128xf32, #tpu.memory_space<vmem>>, vector<16xf32>,
        tpu.vector_store %arg14[%swap3A_1154, %swap3A_1155], %mul3A_1153 {strides = array<i32>} : memref<80x128xf32, #tpu.memory_space<vmem>>, vector<16xf32>,
        %get3A_1157 = arith.index_cast %add3A_1100 : i32 to index
        %get3A_1158 = arith.constant 112 : index
        %get3A_1159 = tpu.vector_load %arg14[%get3A_1157, %get3A_1158] {strides = array<i32>} : memref<80x128xf32, #tpu.memory_space<vmem>>, vector<16xf32>,
        %mul3A_1160 = vector.broadcast %squeeze3A_1096 : f32 to vector<16xf32>
        %mul3A_1161 = arith.mulf %get3A_1159, %mul3A_1160 : vector<16xf32>
        %swap3A_1162 = arith.index_cast %add3A_1100 : i32 to index
        %swap3A_1163 = arith.constant 112 : index
        %swap3A_1164 = tpu.vector_load %arg14[%swap3A_1162, %swap3A_1163] {strides = array<i32>} : memref<80x128xf32, #tpu.memory_space<vmem>>, vector<16xf32>,
        tpu.vector_store %arg14[%swap3A_1162, %swap3A_1163], %mul3A_1161 {strides = array<i32>} : memref<80x128xf32, #tpu.memory_space<vmem>>, vector<16xf32>,
        %slice3A_1165 = vector.extract_strided_slice %get3A_117 {offsets = [15], sizes = [1], strides = [1]} : vector<16xf32> to vector<1xf32>
        %squeeze3A_1166 = vector.extract %slice3A_1165[0] : f32 from vector<1xf32>
        %mul3A_1167 = arith.constant 16 : i32
        %mul3A_1168 = arith.muli %scan3A_110, %mul3A_1167 : i32
        %add3A_1169 = arith.constant 15 : i32
        %add3A_1170 = arith.addi %mul3A_1168, %add3A_1169 : i32
        %get3A_1171 = arith.index_cast %add3A_1170 : i32 to index
        %get3A_1172 = arith.constant 0 : index
        %get3A_1173 = tpu.vector_load %arg14[%get3A_1171, %get3A_1172] {strides = array<i32>} : memref<80x128xf32, #tpu.memory_space<vmem>>, vector<16xf32>,
        %mul3A_1174 = vector.broadcast %squeeze3A_1166 : f32 to vector<16xf32>
        %mul3A_1175 = arith.mulf %get3A_1173, %mul3A_1174 : vector<16xf32>
        %swap3A_1176 = arith.index_cast %add3A_1170 : i32 to index
        %swap3A_1177 = arith.constant 0 : index
        %swap3A_1178 = tpu.vector_load %arg14[%swap3A_1176, %swap3A_1177] {strides = array<i32>} : memref<80x128xf32, #tpu.memory_space<vmem>>, vector<16xf32>,
        tpu.vector_store %arg14[%swap3A_1176, %swap3A_1177], %mul3A_1175 {strides = array<i32>} : memref<80x128xf32, #tpu.memory_space<vmem>>, vector<16xf32>,
        %get3A_1179 = arith.index_cast %add3A_1170 : i32 to index
        %get3A_1180 = arith.constant 16 : index
        %get3A_1181 = tpu.vector_load %arg14[%get3A_1179, %get3A_1180] {strides = array<i32>} : memref<80x128xf32, #tpu.memory_space<vmem>>, vector<16xf32>,
        %mul3A_1182 = vector.broadcast %squeeze3A_1166 : f32 to vector<16xf32>
        %mul3A_1183 = arith.mulf %get3A_1181, %mul3A_1182 : vector<16xf32>
        %swap3A_1184 = arith.index_cast %add3A_1170 : i32 to index
        %swap3A_1185 = arith.constant 16 : index
        %swap3A_1186 = tpu.vector_load %arg14[%swap3A_1184, %swap3A_1185] {strides = array<i32>} : memref<80x128xf32, #tpu.memory_space<vmem>>, vector<16xf32>,
        tpu.vector_store %arg14[%swap3A_1184, %swap3A_1185], %mul3A_1183 {strides = array<i32>} : memref<80x128xf32, #tpu.memory_space<vmem>>, vector<16xf32>,
        %get3A_1187 = arith.index_cast %add3A_1170 : i32 to index
        %get3A_1188 = arith.constant 32 : index
        %get3A_1189 = tpu.vector_load %arg14[%get3A_1187, %get3A_1188] {strides = array<i32>} : memref<80x128xf32, #tpu.memory_space<vmem>>, vector<16xf32>,
        %mul3A_1190 = vector.broadcast %squeeze3A_1166 : f32 to vector<16xf32>
        %mul3A_1191 = arith.mulf %get3A_1189, %mul3A_1190 : vector<16xf32>
        %swap3A_1192 = arith.index_cast %add3A_1170 : i32 to index
        %swap3A_1193 = arith.constant 32 : index
        %swap3A_1194 = tpu.vector_load %arg14[%swap3A_1192, %swap3A_1193] {strides = array<i32>} : memref<80x128xf32, #tpu.memory_space<vmem>>, vector<16xf32>,
        tpu.vector_store %arg14[%swap3A_1192, %swap3A_1193], %mul3A_1191 {strides = array<i32>} : memref<80x128xf32, #tpu.memory_space<vmem>>, vector<16xf32>,
        %get3A_1195 = arith.index_cast %add3A_1170 : i32 to index
        %get3A_1196 = arith.constant 48 : index
        %get3A_1197 = tpu.vector_load %arg14[%get3A_1195, %get3A_1196] {strides = array<i32>} : memref<80x128xf32, #tpu.memory_space<vmem>>, vector<16xf32>,
        %mul3A_1198 = vector.broadcast %squeeze3A_1166 : f32 to vector<16xf32>
        %mul3A_1199 = arith.mulf %get3A_1197, %mul3A_1198 : vector<16xf32>
        %swap3A_1200 = arith.index_cast %add3A_1170 : i32 to index
        %swap3A_1201 = arith.constant 48 : index
        %swap3A_1202 = tpu.vector_load %arg14[%swap3A_1200, %swap3A_1201] {strides = array<i32>} : memref<80x128xf32, #tpu.memory_space<vmem>>, vector<16xf32>,
        tpu.vector_store %arg14[%swap3A_1200, %swap3A_1201], %mul3A_1199 {strides = array<i32>} : memref<80x128xf32, #tpu.memory_space<vmem>>, vector<16xf32>,
        %get3A_1203 = arith.index_cast %add3A_1170 : i32 to index
        %get3A_1204 = arith.constant 64 : index
        %get3A_1205 = tpu.vector_load %arg14[%get3A_1203, %get3A_1204] {strides = array<i32>} : memref<80x128xf32, #tpu.memory_space<vmem>>, vector<16xf32>,
        %mul3A_1206 = vector.broadcast %squeeze3A_1166 : f32 to vector<16xf32>
        %mul3A_1207 = arith.mulf %get3A_1205, %mul3A_1206 : vector<16xf32>
        %swap3A_1208 = arith.index_cast %add3A_1170 : i32 to index
        %swap3A_1209 = arith.constant 64 : index
        %swap3A_1210 = tpu.vector_load %arg14[%swap3A_1208, %swap3A_1209] {strides = array<i32>} : memref<80x128xf32, #tpu.memory_space<vmem>>, vector<16xf32>,
        tpu.vector_store %arg14[%swap3A_1208, %swap3A_1209], %mul3A_1207 {strides = array<i32>} : memref<80x128xf32, #tpu.memory_space<vmem>>, vector<16xf32>,
        %get3A_1211 = arith.index_cast %add3A_1170 : i32 to index
        %get3A_1212 = arith.constant 80 : index
        %get3A_1213 = tpu.vector_load %arg14[%get3A_1211, %get3A_1212] {strides = array<i32>} : memref<80x128xf32, #tpu.memory_space<vmem>>, vector<16xf32>,
        %mul3A_1214 = vector.broadcast %squeeze3A_1166 : f32 to vector<16xf32>
        %mul3A_1215 = arith.mulf %get3A_1213, %mul3A_1214 : vector<16xf32>
        %swap3A_1216 = arith.index_cast %add3A_1170 : i32 to index
        %swap3A_1217 = arith.constant 80 : index
        %swap3A_1218 = tpu.vector_load %arg14[%swap3A_1216, %swap3A_1217] {strides = array<i32>} : memref<80x128xf32, #tpu.memory_space<vmem>>, vector<16xf32>,
        tpu.vector_store %arg14[%swap3A_1216, %swap3A_1217], %mul3A_1215 {strides = array<i32>} : memref<80x128xf32, #tpu.memory_space<vmem>>, vector<16xf32>,
        %get3A_1219 = arith.index_cast %add3A_1170 : i32 to index
        %get3A_1220 = arith.constant 96 : index
        %get3A_1221 = tpu.vector_load %arg14[%get3A_1219, %get3A_1220] {strides = array<i32>} : memref<80x128xf32, #tpu.memory_space<vmem>>, vector<16xf32>,
        %mul3A_1222 = vector.broadcast %squeeze3A_1166 : f32 to vector<16xf32>
        %mul3A_1223 = arith.mulf %get3A_1221, %mul3A_1222 : vector<16xf32>
        %swap3A_1224 = arith.index_cast %add3A_1170 : i32 to index
        %swap3A_1225 = arith.constant 96 : index
        %swap3A_1226 = tpu.vector_load %arg14[%swap3A_1224, %swap3A_1225] {strides = array<i32>} : memref<80x128xf32, #tpu.memory_space<vmem>>, vector<16xf32>,
        tpu.vector_store %arg14[%swap3A_1224, %swap3A_1225], %mul3A_1223 {strides = array<i32>} : memref<80x128xf32, #tpu.memory_space<vmem>>, vector<16xf32>,
        %get3A_1227 = arith.index_cast %add3A_1170 : i32 to index
        %get3A_1228 = arith.constant 112 : index
        %get3A_1229 = tpu.vector_load %arg14[%get3A_1227, %get3A_1228] {strides = array<i32>} : memref<80x128xf32, #tpu.memory_space<vmem>>, vector<16xf32>,
        %mul3A_1230 = vector.broadcast %squeeze3A_1166 : f32 to vector<16xf32>
        %mul3A_1231 = arith.mulf %get3A_1229, %mul3A_1230 : vector<16xf32>
        %swap3A_1232 = arith.index_cast %add3A_1170 : i32 to index
        %swap3A_1233 = arith.constant 112 : index
        %swap3A_1234 = tpu.vector_load %arg14[%swap3A_1232, %swap3A_1233] {strides = array<i32>} : memref<80x128xf32, #tpu.memory_space<vmem>>, vector<16xf32>,
        tpu.vector_store %arg14[%swap3A_1232, %swap3A_1233], %mul3A_1231 {strides = array<i32>} : memref<80x128xf32, #tpu.memory_space<vmem>>, vector<16xf32>,
        %scan3A_1235 = arith.constant 0 : i32
        scf.yield %scan3A_1235 : i32
      }
      %scan3A_102 = arith.constant 5 : i32
      %dma_wait3A_103 = arith.constant 0 : i32
      %dma_wait3A_104 = arith.constant 0 : i32
      %dma_wait3A_105 = tpu.memref_slice %arg4[%add3A, %dma_wait3A_103, %dma_wait3A_104] : memref<32x125x80xi32, #tpu.memory_space<hbm>> -> memref<1x1x80xi32, #tpu.memory_space<hbm>>
      %dma_wait3A_106 = tpu.memref_squeeze %dma_wait3A_105 : memref<1x1x80xi32, #tpu.memory_space<hbm>> -> memref<80xi32, #tpu.memory_space<hbm>>
      %dma_wait3A_107 = arith.constant 0 : i32
      %dma_wait3A_108 = tpu.memref_slice %arg4[%add3A, %dma_wait3A_103, %dma_wait3A_107] : memref<32x125x80xi32, #tpu.memory_space<hbm>> -> memref<1x1x80xi32, #tpu.memory_space<hbm>>
      %dma_wait3A_109 = tpu.memref_squeeze %dma_wait3A_108 : memref<1x1x80xi32, #tpu.memory_space<hbm>> -> memref<80xi32, #tpu.memory_space<hbm>>
      tpu.wait_dma2 semaphore(%arg18 : memref<!tpu.dma_semaphore, #tpu.memory_space<semaphore_mem>>) src(%dma_wait3A_109 : memref<80xi32, #tpu.memory_space<hbm>>) dst(%arg12 : memref<80xi32, #tpu.memory_space<vmem>>)
      "tpu.region"() ({
        %run_scoped3A = tpu.sem_alloc : memref<!tpu.dma_semaphore, #tpu.memory_space<semaphore_mem>>
        %dma_start3A_110 = arith.constant 0 : i32
        %dma_start3A_111 = arith.constant 0 : i32
        %dma_start3A_112 = tpu.memref_slice %arg8[%dma_start3A_110, %dma_start3A_111] : memref<10112x128xf32, #tpu.memory_space<vmem_shared>> -> memref<10112x128xf32, #tpu.memory_space<vmem_shared>>
        tpu.enqueue_indirect_dma source(%arg14 : memref<80x128xf32, #tpu.memory_space<vmem>>) target(%dma_start3A_112 : memref<10112x128xf32, #tpu.memory_space<vmem_shared>>) offsets(%arg12 : memref<80xi32, #tpu.memory_space<vmem>>) semaphore(%run_scoped3A : memref<!tpu.dma_semaphore, #tpu.memory_space<semaphore_mem>>) {add = true}
        %dma_wait3A_113 = arith.constant 0 : i32
        %dma_wait3A_114 = arith.constant 0 : i32
        %dma_wait3A_115 = tpu.memref_slice %arg8[%dma_wait3A_113, %dma_wait3A_114] : memref<10112x128xf32, #tpu.memory_space<vmem_shared>> -> memref<10112x128xf32, #tpu.memory_space<vmem_shared>>
        tpu.wait_indirect_dma semaphore(%run_scoped3A : memref<!tpu.dma_semaphore, #tpu.memory_space<semaphore_mem>>) src(%arg14 : memref<80x128xf32, #tpu.memory_space<vmem>>) dst(%dma_wait3A_115 : memref<10112x128xf32, #tpu.memory_space<vmem_shared>>)
        tpu.yield
      }) : () -> ()
    }
    %scan3A_17 = arith.constant 62 : i32
    %dma_wait3A = arith.constant 0 : i32
    %dma_wait3A_18 = tpu.memref_slice %arg9[%dma_wait3A] : memref<10000xi32, #tpu.memory_space<vmem>> -> memref<80xi32, #tpu.memory_space<vmem>>
    %dma_wait3A_19 = arith.constant 0 : i32
    %dma_wait3A_20 = arith.constant 0 : i32
    %dma_wait3A_21 = tpu.memref_slice %arg2[%dma_wait3A_19, %dma_wait3A_20] : memref<10000x128xf32, #tpu.memory_space<hbm>> -> memref<10000x128xf32, #tpu.memory_space<hbm>>
    tpu.wait_indirect_dma semaphore(%arg15 : memref<!tpu.dma_semaphore, #tpu.memory_space<semaphore_mem>>) src(%dma_wait3A_21 : memref<10000x128xf32, #tpu.memory_space<hbm>>) dst(%arg13 : memref<80x128xf32, #tpu.memory_space<vmem>>)
    %scan3A_22 = arith.constant 0 : i32
    %scan3A_23 = arith.constant 0 : i32
    %scan3A_24 = arith.constant 5 : i32
    %scan3A_25 = arith.addi %scan3A_23, %scan3A_24 : i32
    %scan3A_26 = arith.constant 1 : i32
    %scan3A_27 = scf.for %scan3A_37 = %scan3A_23 to %scan3A_25 step %scan3A_26 iter_args(%scan3A_38 = %scan3A_22) -> (i32)  : i32 {
      %mul3A_39 = arith.constant 16 : i32
      %mul3A_40 = arith.muli %scan3A_37, %mul3A_39 : i32
      %add3A_41 = arith.constant 9920 : i32
      %add3A_42 = arith.addi %add3A_41, %mul3A_40 : i32
      %get3A = arith.index_cast %add3A_42 : i32 to index
      %get3A_43 = tpu.vector_load %arg10[%get3A] {strides = array<i32>} : memref<10000xf32, #tpu.memory_space<vmem>>, vector<16xf32>,
      %slice3A = vector.extract_strided_slice %get3A_43 {offsets = [0], sizes = [1], strides = [1]} : vector<16xf32> to vector<1xf32>
      %squeeze3A = vector.extract %slice3A[0] : f32 from vector<1xf32>
      %mul3A_44 = arith.constant 16 : i32
      %mul3A_45 = arith.muli %scan3A_37, %mul3A_44 : i32
      %add3A_46 = arith.constant 0 : i32
      %add3A_47 = arith.addi %mul3A_45, %add3A_46 : i32
      %get3A_48 = arith.index_cast %add3A_47 : i32 to index
      %get3A_49 = arith.constant 0 : index
      %get3A_50 = tpu.vector_load %arg13[%get3A_48, %get3A_49] {strides = array<i32>} : memref<80x128xf32, #tpu.memory_space<vmem>>, vector<16xf32>,
      %mul3A_51 = vector.broadcast %squeeze3A : f32 to vector<16xf32>
      %mul3A_52 = arith.mulf %get3A_50, %mul3A_51 : vector<16xf32>
      %swap3A = arith.index_cast %add3A_47 : i32 to index
      %swap3A_53 = arith.constant 0 : index
      %swap3A_54 = tpu.vector_load %arg13[%swap3A, %swap3A_53] {strides = array<i32>} : memref<80x128xf32, #tpu.memory_space<vmem>>, vector<16xf32>,
      tpu.vector_store %arg13[%swap3A, %swap3A_53], %mul3A_52 {strides = array<i32>} : memref<80x128xf32, #tpu.memory_space<vmem>>, vector<16xf32>,
      %get3A_55 = arith.index_cast %add3A_47 : i32 to index
      %get3A_56 = arith.constant 16 : index
      %get3A_57 = tpu.vector_load %arg13[%get3A_55, %get3A_56] {strides = array<i32>} : memref<80x128xf32, #tpu.memory_space<vmem>>, vector<16xf32>,
      %mul3A_58 = vector.broadcast %squeeze3A : f32 to vector<16xf32>
      %mul3A_59 = arith.mulf %get3A_57, %mul3A_58 : vector<16xf32>
      %swap3A_60 = arith.index_cast %add3A_47 : i32 to index
      %swap3A_61 = arith.constant 16 : index
      %swap3A_62 = tpu.vector_load %arg13[%swap3A_60, %swap3A_61] {strides = array<i32>} : memref<80x128xf32, #tpu.memory_space<vmem>>, vector<16xf32>,
      tpu.vector_store %arg13[%swap3A_60, %swap3A_61], %mul3A_59 {strides = array<i32>} : memref<80x128xf32, #tpu.memory_space<vmem>>, vector<16xf32>,
      %get3A_63 = arith.index_cast %add3A_47 : i32 to index
      %get3A_64 = arith.constant 32 : index
      %get3A_65 = tpu.vector_load %arg13[%get3A_63, %get3A_64] {strides = array<i32>} : memref<80x128xf32, #tpu.memory_space<vmem>>, vector<16xf32>,
      %mul3A_66 = vector.broadcast %squeeze3A : f32 to vector<16xf32>
      %mul3A_67 = arith.mulf %get3A_65, %mul3A_66 : vector<16xf32>
      %swap3A_68 = arith.index_cast %add3A_47 : i32 to index
      %swap3A_69 = arith.constant 32 : index
      %swap3A_70 = tpu.vector_load %arg13[%swap3A_68, %swap3A_69] {strides = array<i32>} : memref<80x128xf32, #tpu.memory_space<vmem>>, vector<16xf32>,
      tpu.vector_store %arg13[%swap3A_68, %swap3A_69], %mul3A_67 {strides = array<i32>} : memref<80x128xf32, #tpu.memory_space<vmem>>, vector<16xf32>,
      %get3A_71 = arith.index_cast %add3A_47 : i32 to index
      %get3A_72 = arith.constant 48 : index
      %get3A_73 = tpu.vector_load %arg13[%get3A_71, %get3A_72] {strides = array<i32>} : memref<80x128xf32, #tpu.memory_space<vmem>>, vector<16xf32>,
      %mul3A_74 = vector.broadcast %squeeze3A : f32 to vector<16xf32>
      %mul3A_75 = arith.mulf %get3A_73, %mul3A_74 : vector<16xf32>
      %swap3A_76 = arith.index_cast %add3A_47 : i32 to index
      %swap3A_77 = arith.constant 48 : index
      %swap3A_78 = tpu.vector_load %arg13[%swap3A_76, %swap3A_77] {strides = array<i32>} : memref<80x128xf32, #tpu.memory_space<vmem>>, vector<16xf32>,
      tpu.vector_store %arg13[%swap3A_76, %swap3A_77], %mul3A_75 {strides = array<i32>} : memref<80x128xf32, #tpu.memory_space<vmem>>, vector<16xf32>,
      %get3A_79 = arith.index_cast %add3A_47 : i32 to index
      %get3A_80 = arith.constant 64 : index
      %get3A_81 = tpu.vector_load %arg13[%get3A_79, %get3A_80] {strides = array<i32>} : memref<80x128xf32, #tpu.memory_space<vmem>>, vector<16xf32>,
      %mul3A_82 = vector.broadcast %squeeze3A : f32 to vector<16xf32>
      %mul3A_83 = arith.mulf %get3A_81, %mul3A_82 : vector<16xf32>
      %swap3A_84 = arith.index_cast %add3A_47 : i32 to index
      %swap3A_85 = arith.constant 64 : index
      %swap3A_86 = tpu.vector_load %arg13[%swap3A_84, %swap3A_85] {strides = array<i32>} : memref<80x128xf32, #tpu.memory_space<vmem>>, vector<16xf32>,
      tpu.vector_store %arg13[%swap3A_84, %swap3A_85], %mul3A_83 {strides = array<i32>} : memref<80x128xf32, #tpu.memory_space<vmem>>, vector<16xf32>,
      %get3A_87 = arith.index_cast %add3A_47 : i32 to index
      %get3A_88 = arith.constant 80 : index
      %get3A_89 = tpu.vector_load %arg13[%get3A_87, %get3A_88] {strides = array<i32>} : memref<80x128xf32, #tpu.memory_space<vmem>>, vector<16xf32>,
      %mul3A_90 = vector.broadcast %squeeze3A : f32 to vector<16xf32>
      %mul3A_91 = arith.mulf %get3A_89, %mul3A_90 : vector<16xf32>
      %swap3A_92 = arith.index_cast %add3A_47 : i32 to index
      %swap3A_93 = arith.constant 80 : index
      %swap3A_94 = tpu.vector_load %arg13[%swap3A_92, %swap3A_93] {strides = array<i32>} : memref<80x128xf32, #tpu.memory_space<vmem>>, vector<16xf32>,
      tpu.vector_store %arg13[%swap3A_92, %swap3A_93], %mul3A_91 {strides = array<i32>} : memref<80x128xf32, #tpu.memory_space<vmem>>, vector<16xf32>,
      %get3A_95 = arith.index_cast %add3A_47 : i32 to index
      %get3A_96 = arith.constant 96 : index
      %get3A_97 = tpu.vector_load %arg13[%get3A_95, %get3A_96] {strides = array<i32>} : memref<80x128xf32, #tpu.memory_space<vmem>>, vector<16xf32>,
      %mul3A_98 = vector.broadcast %squeeze3A : f32 to vector<16xf32>
      %mul3A_99 = arith.mulf %get3A_97, %mul3A_98 : vector<16xf32>
      %swap3A_100 = arith.index_cast %add3A_47 : i32 to index
      %swap3A_101 = arith.constant 96 : index
      %swap3A_102 = tpu.vector_load %arg13[%swap3A_100, %swap3A_101] {strides = array<i32>} : memref<80x128xf32, #tpu.memory_space<vmem>>, vector<16xf32>,
      tpu.vector_store %arg13[%swap3A_100, %swap3A_101], %mul3A_99 {strides = array<i32>} : memref<80x128xf32, #tpu.memory_space<vmem>>, vector<16xf32>,
      %get3A_103 = arith.index_cast %add3A_47 : i32 to index
      %get3A_104 = arith.constant 112 : index
      %get3A_105 = tpu.vector_load %arg13[%get3A_103, %get3A_104] {strides = array<i32>} : memref<80x128xf32, #tpu.memory_space<vmem>>, vector<16xf32>,
      %mul3A_106 = vector.broadcast %squeeze3A : f32 to vector<16xf32>
      %mul3A_107 = arith.mulf %get3A_105, %mul3A_106 : vector<16xf32>
      %swap3A_108 = arith.index_cast %add3A_47 : i32 to index
      %swap3A_109 = arith.constant 112 : index
      %swap3A_110 = tpu.vector_load %arg13[%swap3A_108, %swap3A_109] {strides = array<i32>} : memref<80x128xf32, #tpu.memory_space<vmem>>, vector<16xf32>,
      tpu.vector_store %arg13[%swap3A_108, %swap3A_109], %mul3A_107 {strides = array<i32>} : memref<80x128xf32, #tpu.memory_space<vmem>>, vector<16xf32>,
      %slice3A_111 = vector.extract_strided_slice %get3A_43 {offsets = [1], sizes = [1], strides = [1]} : vector<16xf32> to vector<1xf32>
      %squeeze3A_112 = vector.extract %slice3A_111[0] : f32 from vector<1xf32>
      %mul3A_113 = arith.constant 16 : i32
      %mul3A_114 = arith.muli %scan3A_37, %mul3A_113 : i32
      %add3A_115 = arith.constant 1 : i32
      %add3A_116 = arith.addi %mul3A_114, %add3A_115 : i32
      %get3A_117 = arith.index_cast %add3A_116 : i32 to index
      %get3A_118 = arith.constant 0 : index
      %get3A_119 = tpu.vector_load %arg13[%get3A_117, %get3A_118] {strides = array<i32>} : memref<80x128xf32, #tpu.memory_space<vmem>>, vector<16xf32>,
      %mul3A_120 = vector.broadcast %squeeze3A_112 : f32 to vector<16xf32>
      %mul3A_121 = arith.mulf %get3A_119, %mul3A_120 : vector<16xf32>
      %swap3A_122 = arith.index_cast %add3A_116 : i32 to index
      %swap3A_123 = arith.constant 0 : index
      %swap3A_124 = tpu.vector_load %arg13[%swap3A_122, %swap3A_123] {strides = array<i32>} : memref<80x128xf32, #tpu.memory_space<vmem>>, vector<16xf32>,
      tpu.vector_store %arg13[%swap3A_122, %swap3A_123], %mul3A_121 {strides = array<i32>} : memref<80x128xf32, #tpu.memory_space<vmem>>, vector<16xf32>,
      %get3A_125 = arith.index_cast %add3A_116 : i32 to index
      %get3A_126 = arith.constant 16 : index
      %get3A_127 = tpu.vector_load %arg13[%get3A_125, %get3A_126] {strides = array<i32>} : memref<80x128xf32, #tpu.memory_space<vmem>>, vector<16xf32>,
      %mul3A_128 = vector.broadcast %squeeze3A_112 : f32 to vector<16xf32>
      %mul3A_129 = arith.mulf %get3A_127, %mul3A_128 : vector<16xf32>
      %swap3A_130 = arith.index_cast %add3A_116 : i32 to index
      %swap3A_131 = arith.constant 16 : index
      %swap3A_132 = tpu.vector_load %arg13[%swap3A_130, %swap3A_131] {strides = array<i32>} : memref<80x128xf32, #tpu.memory_space<vmem>>, vector<16xf32>,
      tpu.vector_store %arg13[%swap3A_130, %swap3A_131], %mul3A_129 {strides = array<i32>} : memref<80x128xf32, #tpu.memory_space<vmem>>, vector<16xf32>,
      %get3A_133 = arith.index_cast %add3A_116 : i32 to index
      %get3A_134 = arith.constant 32 : index
      %get3A_135 = tpu.vector_load %arg13[%get3A_133, %get3A_134] {strides = array<i32>} : memref<80x128xf32, #tpu.memory_space<vmem>>, vector<16xf32>,
      %mul3A_136 = vector.broadcast %squeeze3A_112 : f32 to vector<16xf32>
      %mul3A_137 = arith.mulf %get3A_135, %mul3A_136 : vector<16xf32>
      %swap3A_138 = arith.index_cast %add3A_116 : i32 to index
      %swap3A_139 = arith.constant 32 : index
      %swap3A_140 = tpu.vector_load %arg13[%swap3A_138, %swap3A_139] {strides = array<i32>} : memref<80x128xf32, #tpu.memory_space<vmem>>, vector<16xf32>,
      tpu.vector_store %arg13[%swap3A_138, %swap3A_139], %mul3A_137 {strides = array<i32>} : memref<80x128xf32, #tpu.memory_space<vmem>>, vector<16xf32>,
      %get3A_141 = arith.index_cast %add3A_116 : i32 to index
      %get3A_142 = arith.constant 48 : index
      %get3A_143 = tpu.vector_load %arg13[%get3A_141, %get3A_142] {strides = array<i32>} : memref<80x128xf32, #tpu.memory_space<vmem>>, vector<16xf32>,
      %mul3A_144 = vector.broadcast %squeeze3A_112 : f32 to vector<16xf32>
      %mul3A_145 = arith.mulf %get3A_143, %mul3A_144 : vector<16xf32>
      %swap3A_146 = arith.index_cast %add3A_116 : i32 to index
      %swap3A_147 = arith.constant 48 : index
      %swap3A_148 = tpu.vector_load %arg13[%swap3A_146, %swap3A_147] {strides = array<i32>} : memref<80x128xf32, #tpu.memory_space<vmem>>, vector<16xf32>,
      tpu.vector_store %arg13[%swap3A_146, %swap3A_147], %mul3A_145 {strides = array<i32>} : memref<80x128xf32, #tpu.memory_space<vmem>>, vector<16xf32>,
      %get3A_149 = arith.index_cast %add3A_116 : i32 to index
      %get3A_150 = arith.constant 64 : index
      %get3A_151 = tpu.vector_load %arg13[%get3A_149, %get3A_150] {strides = array<i32>} : memref<80x128xf32, #tpu.memory_space<vmem>>, vector<16xf32>,
      %mul3A_152 = vector.broadcast %squeeze3A_112 : f32 to vector<16xf32>
      %mul3A_153 = arith.mulf %get3A_151, %mul3A_152 : vector<16xf32>
      %swap3A_154 = arith.index_cast %add3A_116 : i32 to index
      %swap3A_155 = arith.constant 64 : index
      %swap3A_156 = tpu.vector_load %arg13[%swap3A_154, %swap3A_155] {strides = array<i32>} : memref<80x128xf32, #tpu.memory_space<vmem>>, vector<16xf32>,
      tpu.vector_store %arg13[%swap3A_154, %swap3A_155], %mul3A_153 {strides = array<i32>} : memref<80x128xf32, #tpu.memory_space<vmem>>, vector<16xf32>,
      %get3A_157 = arith.index_cast %add3A_116 : i32 to index
      %get3A_158 = arith.constant 80 : index
      %get3A_159 = tpu.vector_load %arg13[%get3A_157, %get3A_158] {strides = array<i32>} : memref<80x128xf32, #tpu.memory_space<vmem>>, vector<16xf32>,
      %mul3A_160 = vector.broadcast %squeeze3A_112 : f32 to vector<16xf32>
      %mul3A_161 = arith.mulf %get3A_159, %mul3A_160 : vector<16xf32>
      %swap3A_162 = arith.index_cast %add3A_116 : i32 to index
      %swap3A_163 = arith.constant 80 : index
      %swap3A_164 = tpu.vector_load %arg13[%swap3A_162, %swap3A_163] {strides = array<i32>} : memref<80x128xf32, #tpu.memory_space<vmem>>, vector<16xf32>,
      tpu.vector_store %arg13[%swap3A_162, %swap3A_163], %mul3A_161 {strides = array<i32>} : memref<80x128xf32, #tpu.memory_space<vmem>>, vector<16xf32>,
      %get3A_165 = arith.index_cast %add3A_116 : i32 to index
      %get3A_166 = arith.constant 96 : index
      %get3A_167 = tpu.vector_load %arg13[%get3A_165, %get3A_166] {strides = array<i32>} : memref<80x128xf32, #tpu.memory_space<vmem>>, vector<16xf32>,
      %mul3A_168 = vector.broadcast %squeeze3A_112 : f32 to vector<16xf32>
      %mul3A_169 = arith.mulf %get3A_167, %mul3A_168 : vector<16xf32>
      %swap3A_170 = arith.index_cast %add3A_116 : i32 to index
      %swap3A_171 = arith.constant 96 : index
      %swap3A_172 = tpu.vector_load %arg13[%swap3A_170, %swap3A_171] {strides = array<i32>} : memref<80x128xf32, #tpu.memory_space<vmem>>, vector<16xf32>,
      tpu.vector_store %arg13[%swap3A_170, %swap3A_171], %mul3A_169 {strides = array<i32>} : memref<80x128xf32, #tpu.memory_space<vmem>>, vector<16xf32>,
      %get3A_173 = arith.index_cast %add3A_116 : i32 to index
      %get3A_174 = arith.constant 112 : index
      %get3A_175 = tpu.vector_load %arg13[%get3A_173, %get3A_174] {strides = array<i32>} : memref<80x128xf32, #tpu.memory_space<vmem>>, vector<16xf32>,
      %mul3A_176 = vector.broadcast %squeeze3A_112 : f32 to vector<16xf32>
      %mul3A_177 = arith.mulf %get3A_175, %mul3A_176 : vector<16xf32>
      %swap3A_178 = arith.index_cast %add3A_116 : i32 to index
      %swap3A_179 = arith.constant 112 : index
      %swap3A_180 = tpu.vector_load %arg13[%swap3A_178, %swap3A_179] {strides = array<i32>} : memref<80x128xf32, #tpu.memory_space<vmem>>, vector<16xf32>,
      tpu.vector_store %arg13[%swap3A_178, %swap3A_179], %mul3A_177 {strides = array<i32>} : memref<80x128xf32, #tpu.memory_space<vmem>>, vector<16xf32>,
      %slice3A_181 = vector.extract_strided_slice %get3A_43 {offsets = [2], sizes = [1], strides = [1]} : vector<16xf32> to vector<1xf32>
      %squeeze3A_182 = vector.extract %slice3A_181[0] : f32 from vector<1xf32>
      %mul3A_183 = arith.constant 16 : i32
      %mul3A_184 = arith.muli %scan3A_37, %mul3A_183 : i32
      %add3A_185 = arith.constant 2 : i32
      %add3A_186 = arith.addi %mul3A_184, %add3A_185 : i32
      %get3A_187 = arith.index_cast %add3A_186 : i32 to index
      %get3A_188 = arith.constant 0 : index
      %get3A_189 = tpu.vector_load %arg13[%get3A_187, %get3A_188] {strides = array<i32>} : memref<80x128xf32, #tpu.memory_space<vmem>>, vector<16xf32>,
      %mul3A_190 = vector.broadcast %squeeze3A_182 : f32 to vector<16xf32>
      %mul3A_191 = arith.mulf %get3A_189, %mul3A_190 : vector<16xf32>
      %swap3A_192 = arith.index_cast %add3A_186 : i32 to index
      %swap3A_193 = arith.constant 0 : index
      %swap3A_194 = tpu.vector_load %arg13[%swap3A_192, %swap3A_193] {strides = array<i32>} : memref<80x128xf32, #tpu.memory_space<vmem>>, vector<16xf32>,
      tpu.vector_store %arg13[%swap3A_192, %swap3A_193], %mul3A_191 {strides = array<i32>} : memref<80x128xf32, #tpu.memory_space<vmem>>, vector<16xf32>,
      %get3A_195 = arith.index_cast %add3A_186 : i32 to index
      %get3A_196 = arith.constant 16 : index
      %get3A_197 = tpu.vector_load %arg13[%get3A_195, %get3A_196] {strides = array<i32>} : memref<80x128xf32, #tpu.memory_space<vmem>>, vector<16xf32>,
      %mul3A_198 = vector.broadcast %squeeze3A_182 : f32 to vector<16xf32>
      %mul3A_199 = arith.mulf %get3A_197, %mul3A_198 : vector<16xf32>
      %swap3A_200 = arith.index_cast %add3A_186 : i32 to index
      %swap3A_201 = arith.constant 16 : index
      %swap3A_202 = tpu.vector_load %arg13[%swap3A_200, %swap3A_201] {strides = array<i32>} : memref<80x128xf32, #tpu.memory_space<vmem>>, vector<16xf32>,
      tpu.vector_store %arg13[%swap3A_200, %swap3A_201], %mul3A_199 {strides = array<i32>} : memref<80x128xf32, #tpu.memory_space<vmem>>, vector<16xf32>,
      %get3A_203 = arith.index_cast %add3A_186 : i32 to index
      %get3A_204 = arith.constant 32 : index
      %get3A_205 = tpu.vector_load %arg13[%get3A_203, %get3A_204] {strides = array<i32>} : memref<80x128xf32, #tpu.memory_space<vmem>>, vector<16xf32>,
      %mul3A_206 = vector.broadcast %squeeze3A_182 : f32 to vector<16xf32>
      %mul3A_207 = arith.mulf %get3A_205, %mul3A_206 : vector<16xf32>
      %swap3A_208 = arith.index_cast %add3A_186 : i32 to index
      %swap3A_209 = arith.constant 32 : index
      %swap3A_210 = tpu.vector_load %arg13[%swap3A_208, %swap3A_209] {strides = array<i32>} : memref<80x128xf32, #tpu.memory_space<vmem>>, vector<16xf32>,
      tpu.vector_store %arg13[%swap3A_208, %swap3A_209], %mul3A_207 {strides = array<i32>} : memref<80x128xf32, #tpu.memory_space<vmem>>, vector<16xf32>,
      %get3A_211 = arith.index_cast %add3A_186 : i32 to index
      %get3A_212 = arith.constant 48 : index
      %get3A_213 = tpu.vector_load %arg13[%get3A_211, %get3A_212] {strides = array<i32>} : memref<80x128xf32, #tpu.memory_space<vmem>>, vector<16xf32>,
      %mul3A_214 = vector.broadcast %squeeze3A_182 : f32 to vector<16xf32>
      %mul3A_215 = arith.mulf %get3A_213, %mul3A_214 : vector<16xf32>
      %swap3A_216 = arith.index_cast %add3A_186 : i32 to index
      %swap3A_217 = arith.constant 48 : index
      %swap3A_218 = tpu.vector_load %arg13[%swap3A_216, %swap3A_217] {strides = array<i32>} : memref<80x128xf32, #tpu.memory_space<vmem>>, vector<16xf32>,
      tpu.vector_store %arg13[%swap3A_216, %swap3A_217], %mul3A_215 {strides = array<i32>} : memref<80x128xf32, #tpu.memory_space<vmem>>, vector<16xf32>,
      %get3A_219 = arith.index_cast %add3A_186 : i32 to index
      %get3A_220 = arith.constant 64 : index
      %get3A_221 = tpu.vector_load %arg13[%get3A_219, %get3A_220] {strides = array<i32>} : memref<80x128xf32, #tpu.memory_space<vmem>>, vector<16xf32>,
      %mul3A_222 = vector.broadcast %squeeze3A_182 : f32 to vector<16xf32>
      %mul3A_223 = arith.mulf %get3A_221, %mul3A_222 : vector<16xf32>
      %swap3A_224 = arith.index_cast %add3A_186 : i32 to index
      %swap3A_225 = arith.constant 64 : index
      %swap3A_226 = tpu.vector_load %arg13[%swap3A_224, %swap3A_225] {strides = array<i32>} : memref<80x128xf32, #tpu.memory_space<vmem>>, vector<16xf32>,
      tpu.vector_store %arg13[%swap3A_224, %swap3A_225], %mul3A_223 {strides = array<i32>} : memref<80x128xf32, #tpu.memory_space<vmem>>, vector<16xf32>,
      %get3A_227 = arith.index_cast %add3A_186 : i32 to index
      %get3A_228 = arith.constant 80 : index
      %get3A_229 = tpu.vector_load %arg13[%get3A_227, %get3A_228] {strides = array<i32>} : memref<80x128xf32, #tpu.memory_space<vmem>>, vector<16xf32>,
      %mul3A_230 = vector.broadcast %squeeze3A_182 : f32 to vector<16xf32>
      %mul3A_231 = arith.mulf %get3A_229, %mul3A_230 : vector<16xf32>
      %swap3A_232 = arith.index_cast %add3A_186 : i32 to index
      %swap3A_233 = arith.constant 80 : index
      %swap3A_234 = tpu.vector_load %arg13[%swap3A_232, %swap3A_233] {strides = array<i32>} : memref<80x128xf32, #tpu.memory_space<vmem>>, vector<16xf32>,
      tpu.vector_store %arg13[%swap3A_232, %swap3A_233], %mul3A_231 {strides = array<i32>} : memref<80x128xf32, #tpu.memory_space<vmem>>, vector<16xf32>,
      %get3A_235 = arith.index_cast %add3A_186 : i32 to index
      %get3A_236 = arith.constant 96 : index
      %get3A_237 = tpu.vector_load %arg13[%get3A_235, %get3A_236] {strides = array<i32>} : memref<80x128xf32, #tpu.memory_space<vmem>>, vector<16xf32>,
      %mul3A_238 = vector.broadcast %squeeze3A_182 : f32 to vector<16xf32>
      %mul3A_239 = arith.mulf %get3A_237, %mul3A_238 : vector<16xf32>
      %swap3A_240 = arith.index_cast %add3A_186 : i32 to index
      %swap3A_241 = arith.constant 96 : index
      %swap3A_242 = tpu.vector_load %arg13[%swap3A_240, %swap3A_241] {strides = array<i32>} : memref<80x128xf32, #tpu.memory_space<vmem>>, vector<16xf32>,
      tpu.vector_store %arg13[%swap3A_240, %swap3A_241], %mul3A_239 {strides = array<i32>} : memref<80x128xf32, #tpu.memory_space<vmem>>, vector<16xf32>,
      %get3A_243 = arith.index_cast %add3A_186 : i32 to index
      %get3A_244 = arith.constant 112 : index
      %get3A_245 = tpu.vector_load %arg13[%get3A_243, %get3A_244] {strides = array<i32>} : memref<80x128xf32, #tpu.memory_space<vmem>>, vector<16xf32>,
      %mul3A_246 = vector.broadcast %squeeze3A_182 : f32 to vector<16xf32>
      %mul3A_247 = arith.mulf %get3A_245, %mul3A_246 : vector<16xf32>
      %swap3A_248 = arith.index_cast %add3A_186 : i32 to index
      %swap3A_249 = arith.constant 112 : index
      %swap3A_250 = tpu.vector_load %arg13[%swap3A_248, %swap3A_249] {strides = array<i32>} : memref<80x128xf32, #tpu.memory_space<vmem>>, vector<16xf32>,
      tpu.vector_store %arg13[%swap3A_248, %swap3A_249], %mul3A_247 {strides = array<i32>} : memref<80x128xf32, #tpu.memory_space<vmem>>, vector<16xf32>,
      %slice3A_251 = vector.extract_strided_slice %get3A_43 {offsets = [3], sizes = [1], strides = [1]} : vector<16xf32> to vector<1xf32>
      %squeeze3A_252 = vector.extract %slice3A_251[0] : f32 from vector<1xf32>
      %mul3A_253 = arith.constant 16 : i32
      %mul3A_254 = arith.muli %scan3A_37, %mul3A_253 : i32
      %add3A_255 = arith.constant 3 : i32
      %add3A_256 = arith.addi %mul3A_254, %add3A_255 : i32
      %get3A_257 = arith.index_cast %add3A_256 : i32 to index
      %get3A_258 = arith.constant 0 : index
      %get3A_259 = tpu.vector_load %arg13[%get3A_257, %get3A_258] {strides = array<i32>} : memref<80x128xf32, #tpu.memory_space<vmem>>, vector<16xf32>,
      %mul3A_260 = vector.broadcast %squeeze3A_252 : f32 to vector<16xf32>
      %mul3A_261 = arith.mulf %get3A_259, %mul3A_260 : vector<16xf32>
      %swap3A_262 = arith.index_cast %add3A_256 : i32 to index
      %swap3A_263 = arith.constant 0 : index
      %swap3A_264 = tpu.vector_load %arg13[%swap3A_262, %swap3A_263] {strides = array<i32>} : memref<80x128xf32, #tpu.memory_space<vmem>>, vector<16xf32>,
      tpu.vector_store %arg13[%swap3A_262, %swap3A_263], %mul3A_261 {strides = array<i32>} : memref<80x128xf32, #tpu.memory_space<vmem>>, vector<16xf32>,
      %get3A_265 = arith.index_cast %add3A_256 : i32 to index
      %get3A_266 = arith.constant 16 : index
      %get3A_267 = tpu.vector_load %arg13[%get3A_265, %get3A_266] {strides = array<i32>} : memref<80x128xf32, #tpu.memory_space<vmem>>, vector<16xf32>,
      %mul3A_268 = vector.broadcast %squeeze3A_252 : f32 to vector<16xf32>
      %mul3A_269 = arith.mulf %get3A_267, %mul3A_268 : vector<16xf32>
      %swap3A_270 = arith.index_cast %add3A_256 : i32 to index
      %swap3A_271 = arith.constant 16 : index
      %swap3A_272 = tpu.vector_load %arg13[%swap3A_270, %swap3A_271] {strides = array<i32>} : memref<80x128xf32, #tpu.memory_space<vmem>>, vector<16xf32>,
      tpu.vector_store %arg13[%swap3A_270, %swap3A_271], %mul3A_269 {strides = array<i32>} : memref<80x128xf32, #tpu.memory_space<vmem>>, vector<16xf32>,
      %get3A_273 = arith.index_cast %add3A_256 : i32 to index
      %get3A_274 = arith.constant 32 : index
      %get3A_275 = tpu.vector_load %arg13[%get3A_273, %get3A_274] {strides = array<i32>} : memref<80x128xf32, #tpu.memory_space<vmem>>, vector<16xf32>,
      %mul3A_276 = vector.broadcast %squeeze3A_252 : f32 to vector<16xf32>
      %mul3A_277 = arith.mulf %get3A_275, %mul3A_276 : vector<16xf32>
      %swap3A_278 = arith.index_cast %add3A_256 : i32 to index
      %swap3A_279 = arith.constant 32 : index
      %swap3A_280 = tpu.vector_load %arg13[%swap3A_278, %swap3A_279] {strides = array<i32>} : memref<80x128xf32, #tpu.memory_space<vmem>>, vector<16xf32>,
      tpu.vector_store %arg13[%swap3A_278, %swap3A_279], %mul3A_277 {strides = array<i32>} : memref<80x128xf32, #tpu.memory_space<vmem>>, vector<16xf32>,
      %get3A_281 = arith.index_cast %add3A_256 : i32 to index
      %get3A_282 = arith.constant 48 : index
      %get3A_283 = tpu.vector_load %arg13[%get3A_281, %get3A_282] {strides = array<i32>} : memref<80x128xf32, #tpu.memory_space<vmem>>, vector<16xf32>,
      %mul3A_284 = vector.broadcast %squeeze3A_252 : f32 to vector<16xf32>
      %mul3A_285 = arith.mulf %get3A_283, %mul3A_284 : vector<16xf32>
      %swap3A_286 = arith.index_cast %add3A_256 : i32 to index
      %swap3A_287 = arith.constant 48 : index
      %swap3A_288 = tpu.vector_load %arg13[%swap3A_286, %swap3A_287] {strides = array<i32>} : memref<80x128xf32, #tpu.memory_space<vmem>>, vector<16xf32>,
      tpu.vector_store %arg13[%swap3A_286, %swap3A_287], %mul3A_285 {strides = array<i32>} : memref<80x128xf32, #tpu.memory_space<vmem>>, vector<16xf32>,
      %get3A_289 = arith.index_cast %add3A_256 : i32 to index
      %get3A_290 = arith.constant 64 : index
      %get3A_291 = tpu.vector_load %arg13[%get3A_289, %get3A_290] {strides = array<i32>} : memref<80x128xf32, #tpu.memory_space<vmem>>, vector<16xf32>,
      %mul3A_292 = vector.broadcast %squeeze3A_252 : f32 to vector<16xf32>
      %mul3A_293 = arith.mulf %get3A_291, %mul3A_292 : vector<16xf32>
      %swap3A_294 = arith.index_cast %add3A_256 : i32 to index
      %swap3A_295 = arith.constant 64 : index
      %swap3A_296 = tpu.vector_load %arg13[%swap3A_294, %swap3A_295] {strides = array<i32>} : memref<80x128xf32, #tpu.memory_space<vmem>>, vector<16xf32>,
      tpu.vector_store %arg13[%swap3A_294, %swap3A_295], %mul3A_293 {strides = array<i32>} : memref<80x128xf32, #tpu.memory_space<vmem>>, vector<16xf32>,
      %get3A_297 = arith.index_cast %add3A_256 : i32 to index
      %get3A_298 = arith.constant 80 : index
      %get3A_299 = tpu.vector_load %arg13[%get3A_297, %get3A_298] {strides = array<i32>} : memref<80x128xf32, #tpu.memory_space<vmem>>, vector<16xf32>,
      %mul3A_300 = vector.broadcast %squeeze3A_252 : f32 to vector<16xf32>
      %mul3A_301 = arith.mulf %get3A_299, %mul3A_300 : vector<16xf32>
      %swap3A_302 = arith.index_cast %add3A_256 : i32 to index
      %swap3A_303 = arith.constant 80 : index
      %swap3A_304 = tpu.vector_load %arg13[%swap3A_302, %swap3A_303] {strides = array<i32>} : memref<80x128xf32, #tpu.memory_space<vmem>>, vector<16xf32>,
      tpu.vector_store %arg13[%swap3A_302, %swap3A_303], %mul3A_301 {strides = array<i32>} : memref<80x128xf32, #tpu.memory_space<vmem>>, vector<16xf32>,
      %get3A_305 = arith.index_cast %add3A_256 : i32 to index
      %get3A_306 = arith.constant 96 : index
      %get3A_307 = tpu.vector_load %arg13[%get3A_305, %get3A_306] {strides = array<i32>} : memref<80x128xf32, #tpu.memory_space<vmem>>, vector<16xf32>,
      %mul3A_308 = vector.broadcast %squeeze3A_252 : f32 to vector<16xf32>
      %mul3A_309 = arith.mulf %get3A_307, %mul3A_308 : vector<16xf32>
      %swap3A_310 = arith.index_cast %add3A_256 : i32 to index
      %swap3A_311 = arith.constant 96 : index
      %swap3A_312 = tpu.vector_load %arg13[%swap3A_310, %swap3A_311] {strides = array<i32>} : memref<80x128xf32, #tpu.memory_space<vmem>>, vector<16xf32>,
      tpu.vector_store %arg13[%swap3A_310, %swap3A_311], %mul3A_309 {strides = array<i32>} : memref<80x128xf32, #tpu.memory_space<vmem>>, vector<16xf32>,
      %get3A_313 = arith.index_cast %add3A_256 : i32 to index
      %get3A_314 = arith.constant 112 : index
      %get3A_315 = tpu.vector_load %arg13[%get3A_313, %get3A_314] {strides = array<i32>} : memref<80x128xf32, #tpu.memory_space<vmem>>, vector<16xf32>,
      %mul3A_316 = vector.broadcast %squeeze3A_252 : f32 to vector<16xf32>
      %mul3A_317 = arith.mulf %get3A_315, %mul3A_316 : vector<16xf32>
      %swap3A_318 = arith.index_cast %add3A_256 : i32 to index
      %swap3A_319 = arith.constant 112 : index
      %swap3A_320 = tpu.vector_load %arg13[%swap3A_318, %swap3A_319] {strides = array<i32>} : memref<80x128xf32, #tpu.memory_space<vmem>>, vector<16xf32>,
      tpu.vector_store %arg13[%swap3A_318, %swap3A_319], %mul3A_317 {strides = array<i32>} : memref<80x128xf32, #tpu.memory_space<vmem>>, vector<16xf32>,
      %slice3A_321 = vector.extract_strided_slice %get3A_43 {offsets = [4], sizes = [1], strides = [1]} : vector<16xf32> to vector<1xf32>
      %squeeze3A_322 = vector.extract %slice3A_321[0] : f32 from vector<1xf32>
      %mul3A_323 = arith.constant 16 : i32
      %mul3A_324 = arith.muli %scan3A_37, %mul3A_323 : i32
      %add3A_325 = arith.constant 4 : i32
      %add3A_326 = arith.addi %mul3A_324, %add3A_325 : i32
      %get3A_327 = arith.index_cast %add3A_326 : i32 to index
      %get3A_328 = arith.constant 0 : index
      %get3A_329 = tpu.vector_load %arg13[%get3A_327, %get3A_328] {strides = array<i32>} : memref<80x128xf32, #tpu.memory_space<vmem>>, vector<16xf32>,
      %mul3A_330 = vector.broadcast %squeeze3A_322 : f32 to vector<16xf32>
      %mul3A_331 = arith.mulf %get3A_329, %mul3A_330 : vector<16xf32>
      %swap3A_332 = arith.index_cast %add3A_326 : i32 to index
      %swap3A_333 = arith.constant 0 : index
      %swap3A_334 = tpu.vector_load %arg13[%swap3A_332, %swap3A_333] {strides = array<i32>} : memref<80x128xf32, #tpu.memory_space<vmem>>, vector<16xf32>,
      tpu.vector_store %arg13[%swap3A_332, %swap3A_333], %mul3A_331 {strides = array<i32>} : memref<80x128xf32, #tpu.memory_space<vmem>>, vector<16xf32>,
      %get3A_335 = arith.index_cast %add3A_326 : i32 to index
      %get3A_336 = arith.constant 16 : index
      %get3A_337 = tpu.vector_load %arg13[%get3A_335, %get3A_336] {strides = array<i32>} : memref<80x128xf32, #tpu.memory_space<vmem>>, vector<16xf32>,
      %mul3A_338 = vector.broadcast %squeeze3A_322 : f32 to vector<16xf32>
      %mul3A_339 = arith.mulf %get3A_337, %mul3A_338 : vector<16xf32>
      %swap3A_340 = arith.index_cast %add3A_326 : i32 to index
      %swap3A_341 = arith.constant 16 : index
      %swap3A_342 = tpu.vector_load %arg13[%swap3A_340, %swap3A_341] {strides = array<i32>} : memref<80x128xf32, #tpu.memory_space<vmem>>, vector<16xf32>,
      tpu.vector_store %arg13[%swap3A_340, %swap3A_341], %mul3A_339 {strides = array<i32>} : memref<80x128xf32, #tpu.memory_space<vmem>>, vector<16xf32>,
      %get3A_343 = arith.index_cast %add3A_326 : i32 to index
      %get3A_344 = arith.constant 32 : index
      %get3A_345 = tpu.vector_load %arg13[%get3A_343, %get3A_344] {strides = array<i32>} : memref<80x128xf32, #tpu.memory_space<vmem>>, vector<16xf32>,
      %mul3A_346 = vector.broadcast %squeeze3A_322 : f32 to vector<16xf32>
      %mul3A_347 = arith.mulf %get3A_345, %mul3A_346 : vector<16xf32>
      %swap3A_348 = arith.index_cast %add3A_326 : i32 to index
      %swap3A_349 = arith.constant 32 : index
      %swap3A_350 = tpu.vector_load %arg13[%swap3A_348, %swap3A_349] {strides = array<i32>} : memref<80x128xf32, #tpu.memory_space<vmem>>, vector<16xf32>,
      tpu.vector_store %arg13[%swap3A_348, %swap3A_349], %mul3A_347 {strides = array<i32>} : memref<80x128xf32, #tpu.memory_space<vmem>>, vector<16xf32>,
      %get3A_351 = arith.index_cast %add3A_326 : i32 to index
      %get3A_352 = arith.constant 48 : index
      %get3A_353 = tpu.vector_load %arg13[%get3A_351, %get3A_352] {strides = array<i32>} : memref<80x128xf32, #tpu.memory_space<vmem>>, vector<16xf32>,
      %mul3A_354 = vector.broadcast %squeeze3A_322 : f32 to vector<16xf32>
      %mul3A_355 = arith.mulf %get3A_353, %mul3A_354 : vector<16xf32>
      %swap3A_356 = arith.index_cast %add3A_326 : i32 to index
      %swap3A_357 = arith.constant 48 : index
      %swap3A_358 = tpu.vector_load %arg13[%swap3A_356, %swap3A_357] {strides = array<i32>} : memref<80x128xf32, #tpu.memory_space<vmem>>, vector<16xf32>,
      tpu.vector_store %arg13[%swap3A_356, %swap3A_357], %mul3A_355 {strides = array<i32>} : memref<80x128xf32, #tpu.memory_space<vmem>>, vector<16xf32>,
      %get3A_359 = arith.index_cast %add3A_326 : i32 to index
      %get3A_360 = arith.constant 64 : index
      %get3A_361 = tpu.vector_load %arg13[%get3A_359, %get3A_360] {strides = array<i32>} : memref<80x128xf32, #tpu.memory_space<vmem>>, vector<16xf32>,
      %mul3A_362 = vector.broadcast %squeeze3A_322 : f32 to vector<16xf32>
      %mul3A_363 = arith.mulf %get3A_361, %mul3A_362 : vector<16xf32>
      %swap3A_364 = arith.index_cast %add3A_326 : i32 to index
      %swap3A_365 = arith.constant 64 : index
      %swap3A_366 = tpu.vector_load %arg13[%swap3A_364, %swap3A_365] {strides = array<i32>} : memref<80x128xf32, #tpu.memory_space<vmem>>, vector<16xf32>,
      tpu.vector_store %arg13[%swap3A_364, %swap3A_365], %mul3A_363 {strides = array<i32>} : memref<80x128xf32, #tpu.memory_space<vmem>>, vector<16xf32>,
      %get3A_367 = arith.index_cast %add3A_326 : i32 to index
      %get3A_368 = arith.constant 80 : index
      %get3A_369 = tpu.vector_load %arg13[%get3A_367, %get3A_368] {strides = array<i32>} : memref<80x128xf32, #tpu.memory_space<vmem>>, vector<16xf32>,
      %mul3A_370 = vector.broadcast %squeeze3A_322 : f32 to vector<16xf32>
      %mul3A_371 = arith.mulf %get3A_369, %mul3A_370 : vector<16xf32>
      %swap3A_372 = arith.index_cast %add3A_326 : i32 to index
      %swap3A_373 = arith.constant 80 : index
      %swap3A_374 = tpu.vector_load %arg13[%swap3A_372, %swap3A_373] {strides = array<i32>} : memref<80x128xf32, #tpu.memory_space<vmem>>, vector<16xf32>,
      tpu.vector_store %arg13[%swap3A_372, %swap3A_373], %mul3A_371 {strides = array<i32>} : memref<80x128xf32, #tpu.memory_space<vmem>>, vector<16xf32>,
      %get3A_375 = arith.index_cast %add3A_326 : i32 to index
      %get3A_376 = arith.constant 96 : index
      %get3A_377 = tpu.vector_load %arg13[%get3A_375, %get3A_376] {strides = array<i32>} : memref<80x128xf32, #tpu.memory_space<vmem>>, vector<16xf32>,
      %mul3A_378 = vector.broadcast %squeeze3A_322 : f32 to vector<16xf32>
      %mul3A_379 = arith.mulf %get3A_377, %mul3A_378 : vector<16xf32>
      %swap3A_380 = arith.index_cast %add3A_326 : i32 to index
      %swap3A_381 = arith.constant 96 : index
      %swap3A_382 = tpu.vector_load %arg13[%swap3A_380, %swap3A_381] {strides = array<i32>} : memref<80x128xf32, #tpu.memory_space<vmem>>, vector<16xf32>,
      tpu.vector_store %arg13[%swap3A_380, %swap3A_381], %mul3A_379 {strides = array<i32>} : memref<80x128xf32, #tpu.memory_space<vmem>>, vector<16xf32>,
      %get3A_383 = arith.index_cast %add3A_326 : i32 to index
      %get3A_384 = arith.constant 112 : index
      %get3A_385 = tpu.vector_load %arg13[%get3A_383, %get3A_384] {strides = array<i32>} : memref<80x128xf32, #tpu.memory_space<vmem>>, vector<16xf32>,
      %mul3A_386 = vector.broadcast %squeeze3A_322 : f32 to vector<16xf32>
      %mul3A_387 = arith.mulf %get3A_385, %mul3A_386 : vector<16xf32>
      %swap3A_388 = arith.index_cast %add3A_326 : i32 to index
      %swap3A_389 = arith.constant 112 : index
      %swap3A_390 = tpu.vector_load %arg13[%swap3A_388, %swap3A_389] {strides = array<i32>} : memref<80x128xf32, #tpu.memory_space<vmem>>, vector<16xf32>,
      tpu.vector_store %arg13[%swap3A_388, %swap3A_389], %mul3A_387 {strides = array<i32>} : memref<80x128xf32, #tpu.memory_space<vmem>>, vector<16xf32>,
      %slice3A_391 = vector.extract_strided_slice %get3A_43 {offsets = [5], sizes = [1], strides = [1]} : vector<16xf32> to vector<1xf32>
      %squeeze3A_392 = vector.extract %slice3A_391[0] : f32 from vector<1xf32>
      %mul3A_393 = arith.constant 16 : i32
      %mul3A_394 = arith.muli %scan3A_37, %mul3A_393 : i32
      %add3A_395 = arith.constant 5 : i32
      %add3A_396 = arith.addi %mul3A_394, %add3A_395 : i32
      %get3A_397 = arith.index_cast %add3A_396 : i32 to index
      %get3A_398 = arith.constant 0 : index
      %get3A_399 = tpu.vector_load %arg13[%get3A_397, %get3A_398] {strides = array<i32>} : memref<80x128xf32, #tpu.memory_space<vmem>>, vector<16xf32>,
      %mul3A_400 = vector.broadcast %squeeze3A_392 : f32 to vector<16xf32>
      %mul3A_401 = arith.mulf %get3A_399, %mul3A_400 : vector<16xf32>
      %swap3A_402 = arith.index_cast %add3A_396 : i32 to index
      %swap3A_403 = arith.constant 0 : index
      %swap3A_404 = tpu.vector_load %arg13[%swap3A_402, %swap3A_403] {strides = array<i32>} : memref<80x128xf32, #tpu.memory_space<vmem>>, vector<16xf32>,
      tpu.vector_store %arg13[%swap3A_402, %swap3A_403], %mul3A_401 {strides = array<i32>} : memref<80x128xf32, #tpu.memory_space<vmem>>, vector<16xf32>,
      %get3A_405 = arith.index_cast %add3A_396 : i32 to index
      %get3A_406 = arith.constant 16 : index
      %get3A_407 = tpu.vector_load %arg13[%get3A_405, %get3A_406] {strides = array<i32>} : memref<80x128xf32, #tpu.memory_space<vmem>>, vector<16xf32>,
      %mul3A_408 = vector.broadcast %squeeze3A_392 : f32 to vector<16xf32>
      %mul3A_409 = arith.mulf %get3A_407, %mul3A_408 : vector<16xf32>
      %swap3A_410 = arith.index_cast %add3A_396 : i32 to index
      %swap3A_411 = arith.constant 16 : index
      %swap3A_412 = tpu.vector_load %arg13[%swap3A_410, %swap3A_411] {strides = array<i32>} : memref<80x128xf32, #tpu.memory_space<vmem>>, vector<16xf32>,
      tpu.vector_store %arg13[%swap3A_410, %swap3A_411], %mul3A_409 {strides = array<i32>} : memref<80x128xf32, #tpu.memory_space<vmem>>, vector<16xf32>,
      %get3A_413 = arith.index_cast %add3A_396 : i32 to index
      %get3A_414 = arith.constant 32 : index
      %get3A_415 = tpu.vector_load %arg13[%get3A_413, %get3A_414] {strides = array<i32>} : memref<80x128xf32, #tpu.memory_space<vmem>>, vector<16xf32>,
      %mul3A_416 = vector.broadcast %squeeze3A_392 : f32 to vector<16xf32>
      %mul3A_417 = arith.mulf %get3A_415, %mul3A_416 : vector<16xf32>
      %swap3A_418 = arith.index_cast %add3A_396 : i32 to index
      %swap3A_419 = arith.constant 32 : index
      %swap3A_420 = tpu.vector_load %arg13[%swap3A_418, %swap3A_419] {strides = array<i32>} : memref<80x128xf32, #tpu.memory_space<vmem>>, vector<16xf32>,
      tpu.vector_store %arg13[%swap3A_418, %swap3A_419], %mul3A_417 {strides = array<i32>} : memref<80x128xf32, #tpu.memory_space<vmem>>, vector<16xf32>,
      %get3A_421 = arith.index_cast %add3A_396 : i32 to index
      %get3A_422 = arith.constant 48 : index
      %get3A_423 = tpu.vector_load %arg13[%get3A_421, %get3A_422] {strides = array<i32>} : memref<80x128xf32, #tpu.memory_space<vmem>>, vector<16xf32>,
      %mul3A_424 = vector.broadcast %squeeze3A_392 : f32 to vector<16xf32>
      %mul3A_425 = arith.mulf %get3A_423, %mul3A_424 : vector<16xf32>
      %swap3A_426 = arith.index_cast %add3A_396 : i32 to index
      %swap3A_427 = arith.constant 48 : index
      %swap3A_428 = tpu.vector_load %arg13[%swap3A_426, %swap3A_427] {strides = array<i32>} : memref<80x128xf32, #tpu.memory_space<vmem>>, vector<16xf32>,
      tpu.vector_store %arg13[%swap3A_426, %swap3A_427], %mul3A_425 {strides = array<i32>} : memref<80x128xf32, #tpu.memory_space<vmem>>, vector<16xf32>,
      %get3A_429 = arith.index_cast %add3A_396 : i32 to index
      %get3A_430 = arith.constant 64 : index
      %get3A_431 = tpu.vector_load %arg13[%get3A_429, %get3A_430] {strides = array<i32>} : memref<80x128xf32, #tpu.memory_space<vmem>>, vector<16xf32>,
      %mul3A_432 = vector.broadcast %squeeze3A_392 : f32 to vector<16xf32>
      %mul3A_433 = arith.mulf %get3A_431, %mul3A_432 : vector<16xf32>
      %swap3A_434 = arith.index_cast %add3A_396 : i32 to index
      %swap3A_435 = arith.constant 64 : index
      %swap3A_436 = tpu.vector_load %arg13[%swap3A_434, %swap3A_435] {strides = array<i32>} : memref<80x128xf32, #tpu.memory_space<vmem>>, vector<16xf32>,
      tpu.vector_store %arg13[%swap3A_434, %swap3A_435], %mul3A_433 {strides = array<i32>} : memref<80x128xf32, #tpu.memory_space<vmem>>, vector<16xf32>,
      %get3A_437 = arith.index_cast %add3A_396 : i32 to index
      %get3A_438 = arith.constant 80 : index
      %get3A_439 = tpu.vector_load %arg13[%get3A_437, %get3A_438] {strides = array<i32>} : memref<80x128xf32, #tpu.memory_space<vmem>>, vector<16xf32>,
      %mul3A_440 = vector.broadcast %squeeze3A_392 : f32 to vector<16xf32>
      %mul3A_441 = arith.mulf %get3A_439, %mul3A_440 : vector<16xf32>
      %swap3A_442 = arith.index_cast %add3A_396 : i32 to index
      %swap3A_443 = arith.constant 80 : index
      %swap3A_444 = tpu.vector_load %arg13[%swap3A_442, %swap3A_443] {strides = array<i32>} : memref<80x128xf32, #tpu.memory_space<vmem>>, vector<16xf32>,
      tpu.vector_store %arg13[%swap3A_442, %swap3A_443], %mul3A_441 {strides = array<i32>} : memref<80x128xf32, #tpu.memory_space<vmem>>, vector<16xf32>,
      %get3A_445 = arith.index_cast %add3A_396 : i32 to index
      %get3A_446 = arith.constant 96 : index
      %get3A_447 = tpu.vector_load %arg13[%get3A_445, %get3A_446] {strides = array<i32>} : memref<80x128xf32, #tpu.memory_space<vmem>>, vector<16xf32>,
      %mul3A_448 = vector.broadcast %squeeze3A_392 : f32 to vector<16xf32>
      %mul3A_449 = arith.mulf %get3A_447, %mul3A_448 : vector<16xf32>
      %swap3A_450 = arith.index_cast %add3A_396 : i32 to index
      %swap3A_451 = arith.constant 96 : index
      %swap3A_452 = tpu.vector_load %arg13[%swap3A_450, %swap3A_451] {strides = array<i32>} : memref<80x128xf32, #tpu.memory_space<vmem>>, vector<16xf32>,
      tpu.vector_store %arg13[%swap3A_450, %swap3A_451], %mul3A_449 {strides = array<i32>} : memref<80x128xf32, #tpu.memory_space<vmem>>, vector<16xf32>,
      %get3A_453 = arith.index_cast %add3A_396 : i32 to index
      %get3A_454 = arith.constant 112 : index
      %get3A_455 = tpu.vector_load %arg13[%get3A_453, %get3A_454] {strides = array<i32>} : memref<80x128xf32, #tpu.memory_space<vmem>>, vector<16xf32>,
      %mul3A_456 = vector.broadcast %squeeze3A_392 : f32 to vector<16xf32>
      %mul3A_457 = arith.mulf %get3A_455, %mul3A_456 : vector<16xf32>
      %swap3A_458 = arith.index_cast %add3A_396 : i32 to index
      %swap3A_459 = arith.constant 112 : index
      %swap3A_460 = tpu.vector_load %arg13[%swap3A_458, %swap3A_459] {strides = array<i32>} : memref<80x128xf32, #tpu.memory_space<vmem>>, vector<16xf32>,
      tpu.vector_store %arg13[%swap3A_458, %swap3A_459], %mul3A_457 {strides = array<i32>} : memref<80x128xf32, #tpu.memory_space<vmem>>, vector<16xf32>,
      %slice3A_461 = vector.extract_strided_slice %get3A_43 {offsets = [6], sizes = [1], strides = [1]} : vector<16xf32> to vector<1xf32>
      %squeeze3A_462 = vector.extract %slice3A_461[0] : f32 from vector<1xf32>
      %mul3A_463 = arith.constant 16 : i32
      %mul3A_464 = arith.muli %scan3A_37, %mul3A_463 : i32
      %add3A_465 = arith.constant 6 : i32
      %add3A_466 = arith.addi %mul3A_464, %add3A_465 : i32
      %get3A_467 = arith.index_cast %add3A_466 : i32 to index
      %get3A_468 = arith.constant 0 : index
      %get3A_469 = tpu.vector_load %arg13[%get3A_467, %get3A_468] {strides = array<i32>} : memref<80x128xf32, #tpu.memory_space<vmem>>, vector<16xf32>,
      %mul3A_470 = vector.broadcast %squeeze3A_462 : f32 to vector<16xf32>
      %mul3A_471 = arith.mulf %get3A_469, %mul3A_470 : vector<16xf32>
      %swap3A_472 = arith.index_cast %add3A_466 : i32 to index
      %swap3A_473 = arith.constant 0 : index
      %swap3A_474 = tpu.vector_load %arg13[%swap3A_472, %swap3A_473] {strides = array<i32>} : memref<80x128xf32, #tpu.memory_space<vmem>>, vector<16xf32>,
      tpu.vector_store %arg13[%swap3A_472, %swap3A_473], %mul3A_471 {strides = array<i32>} : memref<80x128xf32, #tpu.memory_space<vmem>>, vector<16xf32>,
      %get3A_475 = arith.index_cast %add3A_466 : i32 to index
      %get3A_476 = arith.constant 16 : index
      %get3A_477 = tpu.vector_load %arg13[%get3A_475, %get3A_476] {strides = array<i32>} : memref<80x128xf32, #tpu.memory_space<vmem>>, vector<16xf32>,
      %mul3A_478 = vector.broadcast %squeeze3A_462 : f32 to vector<16xf32>
      %mul3A_479 = arith.mulf %get3A_477, %mul3A_478 : vector<16xf32>
      %swap3A_480 = arith.index_cast %add3A_466 : i32 to index
      %swap3A_481 = arith.constant 16 : index
      %swap3A_482 = tpu.vector_load %arg13[%swap3A_480, %swap3A_481] {strides = array<i32>} : memref<80x128xf32, #tpu.memory_space<vmem>>, vector<16xf32>,
      tpu.vector_store %arg13[%swap3A_480, %swap3A_481], %mul3A_479 {strides = array<i32>} : memref<80x128xf32, #tpu.memory_space<vmem>>, vector<16xf32>,
      %get3A_483 = arith.index_cast %add3A_466 : i32 to index
      %get3A_484 = arith.constant 32 : index
      %get3A_485 = tpu.vector_load %arg13[%get3A_483, %get3A_484] {strides = array<i32>} : memref<80x128xf32, #tpu.memory_space<vmem>>, vector<16xf32>,
      %mul3A_486 = vector.broadcast %squeeze3A_462 : f32 to vector<16xf32>
      %mul3A_487 = arith.mulf %get3A_485, %mul3A_486 : vector<16xf32>
      %swap3A_488 = arith.index_cast %add3A_466 : i32 to index
      %swap3A_489 = arith.constant 32 : index
      %swap3A_490 = tpu.vector_load %arg13[%swap3A_488, %swap3A_489] {strides = array<i32>} : memref<80x128xf32, #tpu.memory_space<vmem>>, vector<16xf32>,
      tpu.vector_store %arg13[%swap3A_488, %swap3A_489], %mul3A_487 {strides = array<i32>} : memref<80x128xf32, #tpu.memory_space<vmem>>, vector<16xf32>,
      %get3A_491 = arith.index_cast %add3A_466 : i32 to index
      %get3A_492 = arith.constant 48 : index
      %get3A_493 = tpu.vector_load %arg13[%get3A_491, %get3A_492] {strides = array<i32>} : memref<80x128xf32, #tpu.memory_space<vmem>>, vector<16xf32>,
      %mul3A_494 = vector.broadcast %squeeze3A_462 : f32 to vector<16xf32>
      %mul3A_495 = arith.mulf %get3A_493, %mul3A_494 : vector<16xf32>
      %swap3A_496 = arith.index_cast %add3A_466 : i32 to index
      %swap3A_497 = arith.constant 48 : index
      %swap3A_498 = tpu.vector_load %arg13[%swap3A_496, %swap3A_497] {strides = array<i32>} : memref<80x128xf32, #tpu.memory_space<vmem>>, vector<16xf32>,
      tpu.vector_store %arg13[%swap3A_496, %swap3A_497], %mul3A_495 {strides = array<i32>} : memref<80x128xf32, #tpu.memory_space<vmem>>, vector<16xf32>,
      %get3A_499 = arith.index_cast %add3A_466 : i32 to index
      %get3A_500 = arith.constant 64 : index
      %get3A_501 = tpu.vector_load %arg13[%get3A_499, %get3A_500] {strides = array<i32>} : memref<80x128xf32, #tpu.memory_space<vmem>>, vector<16xf32>,
      %mul3A_502 = vector.broadcast %squeeze3A_462 : f32 to vector<16xf32>
      %mul3A_503 = arith.mulf %get3A_501, %mul3A_502 : vector<16xf32>
      %swap3A_504 = arith.index_cast %add3A_466 : i32 to index
      %swap3A_505 = arith.constant 64 : index
      %swap3A_506 = tpu.vector_load %arg13[%swap3A_504, %swap3A_505] {strides = array<i32>} : memref<80x128xf32, #tpu.memory_space<vmem>>, vector<16xf32>,
      tpu.vector_store %arg13[%swap3A_504, %swap3A_505], %mul3A_503 {strides = array<i32>} : memref<80x128xf32, #tpu.memory_space<vmem>>, vector<16xf32>,
      %get3A_507 = arith.index_cast %add3A_466 : i32 to index
      %get3A_508 = arith.constant 80 : index
      %get3A_509 = tpu.vector_load %arg13[%get3A_507, %get3A_508] {strides = array<i32>} : memref<80x128xf32, #tpu.memory_space<vmem>>, vector<16xf32>,
      %mul3A_510 = vector.broadcast %squeeze3A_462 : f32 to vector<16xf32>
      %mul3A_511 = arith.mulf %get3A_509, %mul3A_510 : vector<16xf32>
      %swap3A_512 = arith.index_cast %add3A_466 : i32 to index
      %swap3A_513 = arith.constant 80 : index
      %swap3A_514 = tpu.vector_load %arg13[%swap3A_512, %swap3A_513] {strides = array<i32>} : memref<80x128xf32, #tpu.memory_space<vmem>>, vector<16xf32>,
      tpu.vector_store %arg13[%swap3A_512, %swap3A_513], %mul3A_511 {strides = array<i32>} : memref<80x128xf32, #tpu.memory_space<vmem>>, vector<16xf32>,
      %get3A_515 = arith.index_cast %add3A_466 : i32 to index
      %get3A_516 = arith.constant 96 : index
      %get3A_517 = tpu.vector_load %arg13[%get3A_515, %get3A_516] {strides = array<i32>} : memref<80x128xf32, #tpu.memory_space<vmem>>, vector<16xf32>,
      %mul3A_518 = vector.broadcast %squeeze3A_462 : f32 to vector<16xf32>
      %mul3A_519 = arith.mulf %get3A_517, %mul3A_518 : vector<16xf32>
      %swap3A_520 = arith.index_cast %add3A_466 : i32 to index
      %swap3A_521 = arith.constant 96 : index
      %swap3A_522 = tpu.vector_load %arg13[%swap3A_520, %swap3A_521] {strides = array<i32>} : memref<80x128xf32, #tpu.memory_space<vmem>>, vector<16xf32>,
      tpu.vector_store %arg13[%swap3A_520, %swap3A_521], %mul3A_519 {strides = array<i32>} : memref<80x128xf32, #tpu.memory_space<vmem>>, vector<16xf32>,
      %get3A_523 = arith.index_cast %add3A_466 : i32 to index
      %get3A_524 = arith.constant 112 : index
      %get3A_525 = tpu.vector_load %arg13[%get3A_523, %get3A_524] {strides = array<i32>} : memref<80x128xf32, #tpu.memory_space<vmem>>, vector<16xf32>,
      %mul3A_526 = vector.broadcast %squeeze3A_462 : f32 to vector<16xf32>
      %mul3A_527 = arith.mulf %get3A_525, %mul3A_526 : vector<16xf32>
      %swap3A_528 = arith.index_cast %add3A_466 : i32 to index
      %swap3A_529 = arith.constant 112 : index
      %swap3A_530 = tpu.vector_load %arg13[%swap3A_528, %swap3A_529] {strides = array<i32>} : memref<80x128xf32, #tpu.memory_space<vmem>>, vector<16xf32>,
      tpu.vector_store %arg13[%swap3A_528, %swap3A_529], %mul3A_527 {strides = array<i32>} : memref<80x128xf32, #tpu.memory_space<vmem>>, vector<16xf32>,
      %slice3A_531 = vector.extract_strided_slice %get3A_43 {offsets = [7], sizes = [1], strides = [1]} : vector<16xf32> to vector<1xf32>
      %squeeze3A_532 = vector.extract %slice3A_531[0] : f32 from vector<1xf32>
      %mul3A_533 = arith.constant 16 : i32
      %mul3A_534 = arith.muli %scan3A_37, %mul3A_533 : i32
      %add3A_535 = arith.constant 7 : i32
      %add3A_536 = arith.addi %mul3A_534, %add3A_535 : i32
      %get3A_537 = arith.index_cast %add3A_536 : i32 to index
      %get3A_538 = arith.constant 0 : index
      %get3A_539 = tpu.vector_load %arg13[%get3A_537, %get3A_538] {strides = array<i32>} : memref<80x128xf32, #tpu.memory_space<vmem>>, vector<16xf32>,
      %mul3A_540 = vector.broadcast %squeeze3A_532 : f32 to vector<16xf32>
      %mul3A_541 = arith.mulf %get3A_539, %mul3A_540 : vector<16xf32>
      %swap3A_542 = arith.index_cast %add3A_536 : i32 to index
      %swap3A_543 = arith.constant 0 : index
      %swap3A_544 = tpu.vector_load %arg13[%swap3A_542, %swap3A_543] {strides = array<i32>} : memref<80x128xf32, #tpu.memory_space<vmem>>, vector<16xf32>,
      tpu.vector_store %arg13[%swap3A_542, %swap3A_543], %mul3A_541 {strides = array<i32>} : memref<80x128xf32, #tpu.memory_space<vmem>>, vector<16xf32>,
      %get3A_545 = arith.index_cast %add3A_536 : i32 to index
      %get3A_546 = arith.constant 16 : index
      %get3A_547 = tpu.vector_load %arg13[%get3A_545, %get3A_546] {strides = array<i32>} : memref<80x128xf32, #tpu.memory_space<vmem>>, vector<16xf32>,
      %mul3A_548 = vector.broadcast %squeeze3A_532 : f32 to vector<16xf32>
      %mul3A_549 = arith.mulf %get3A_547, %mul3A_548 : vector<16xf32>
      %swap3A_550 = arith.index_cast %add3A_536 : i32 to index
      %swap3A_551 = arith.constant 16 : index
      %swap3A_552 = tpu.vector_load %arg13[%swap3A_550, %swap3A_551] {strides = array<i32>} : memref<80x128xf32, #tpu.memory_space<vmem>>, vector<16xf32>,
      tpu.vector_store %arg13[%swap3A_550, %swap3A_551], %mul3A_549 {strides = array<i32>} : memref<80x128xf32, #tpu.memory_space<vmem>>, vector<16xf32>,
      %get3A_553 = arith.index_cast %add3A_536 : i32 to index
      %get3A_554 = arith.constant 32 : index
      %get3A_555 = tpu.vector_load %arg13[%get3A_553, %get3A_554] {strides = array<i32>} : memref<80x128xf32, #tpu.memory_space<vmem>>, vector<16xf32>,
      %mul3A_556 = vector.broadcast %squeeze3A_532 : f32 to vector<16xf32>
      %mul3A_557 = arith.mulf %get3A_555, %mul3A_556 : vector<16xf32>
      %swap3A_558 = arith.index_cast %add3A_536 : i32 to index
      %swap3A_559 = arith.constant 32 : index
      %swap3A_560 = tpu.vector_load %arg13[%swap3A_558, %swap3A_559] {strides = array<i32>} : memref<80x128xf32, #tpu.memory_space<vmem>>, vector<16xf32>,
      tpu.vector_store %arg13[%swap3A_558, %swap3A_559], %mul3A_557 {strides = array<i32>} : memref<80x128xf32, #tpu.memory_space<vmem>>, vector<16xf32>,
      %get3A_561 = arith.index_cast %add3A_536 : i32 to index
      %get3A_562 = arith.constant 48 : index
      %get3A_563 = tpu.vector_load %arg13[%get3A_561, %get3A_562] {strides = array<i32>} : memref<80x128xf32, #tpu.memory_space<vmem>>, vector<16xf32>,
      %mul3A_564 = vector.broadcast %squeeze3A_532 : f32 to vector<16xf32>
      %mul3A_565 = arith.mulf %get3A_563, %mul3A_564 : vector<16xf32>
      %swap3A_566 = arith.index_cast %add3A_536 : i32 to index
      %swap3A_567 = arith.constant 48 : index
      %swap3A_568 = tpu.vector_load %arg13[%swap3A_566, %swap3A_567] {strides = array<i32>} : memref<80x128xf32, #tpu.memory_space<vmem>>, vector<16xf32>,
      tpu.vector_store %arg13[%swap3A_566, %swap3A_567], %mul3A_565 {strides = array<i32>} : memref<80x128xf32, #tpu.memory_space<vmem>>, vector<16xf32>,
      %get3A_569 = arith.index_cast %add3A_536 : i32 to index
      %get3A_570 = arith.constant 64 : index
      %get3A_571 = tpu.vector_load %arg13[%get3A_569, %get3A_570] {strides = array<i32>} : memref<80x128xf32, #tpu.memory_space<vmem>>, vector<16xf32>,
      %mul3A_572 = vector.broadcast %squeeze3A_532 : f32 to vector<16xf32>
      %mul3A_573 = arith.mulf %get3A_571, %mul3A_572 : vector<16xf32>
      %swap3A_574 = arith.index_cast %add3A_536 : i32 to index
      %swap3A_575 = arith.constant 64 : index
      %swap3A_576 = tpu.vector_load %arg13[%swap3A_574, %swap3A_575] {strides = array<i32>} : memref<80x128xf32, #tpu.memory_space<vmem>>, vector<16xf32>,
      tpu.vector_store %arg13[%swap3A_574, %swap3A_575], %mul3A_573 {strides = array<i32>} : memref<80x128xf32, #tpu.memory_space<vmem>>, vector<16xf32>,
      %get3A_577 = arith.index_cast %add3A_536 : i32 to index
      %get3A_578 = arith.constant 80 : index
      %get3A_579 = tpu.vector_load %arg13[%get3A_577, %get3A_578] {strides = array<i32>} : memref<80x128xf32, #tpu.memory_space<vmem>>, vector<16xf32>,
      %mul3A_580 = vector.broadcast %squeeze3A_532 : f32 to vector<16xf32>
      %mul3A_581 = arith.mulf %get3A_579, %mul3A_580 : vector<16xf32>
      %swap3A_582 = arith.index_cast %add3A_536 : i32 to index
      %swap3A_583 = arith.constant 80 : index
      %swap3A_584 = tpu.vector_load %arg13[%swap3A_582, %swap3A_583] {strides = array<i32>} : memref<80x128xf32, #tpu.memory_space<vmem>>, vector<16xf32>,
      tpu.vector_store %arg13[%swap3A_582, %swap3A_583], %mul3A_581 {strides = array<i32>} : memref<80x128xf32, #tpu.memory_space<vmem>>, vector<16xf32>,
      %get3A_585 = arith.index_cast %add3A_536 : i32 to index
      %get3A_586 = arith.constant 96 : index
      %get3A_587 = tpu.vector_load %arg13[%get3A_585, %get3A_586] {strides = array<i32>} : memref<80x128xf32, #tpu.memory_space<vmem>>, vector<16xf32>,
      %mul3A_588 = vector.broadcast %squeeze3A_532 : f32 to vector<16xf32>
      %mul3A_589 = arith.mulf %get3A_587, %mul3A_588 : vector<16xf32>
      %swap3A_590 = arith.index_cast %add3A_536 : i32 to index
      %swap3A_591 = arith.constant 96 : index
      %swap3A_592 = tpu.vector_load %arg13[%swap3A_590, %swap3A_591] {strides = array<i32>} : memref<80x128xf32, #tpu.memory_space<vmem>>, vector<16xf32>,
      tpu.vector_store %arg13[%swap3A_590, %swap3A_591], %mul3A_589 {strides = array<i32>} : memref<80x128xf32, #tpu.memory_space<vmem>>, vector<16xf32>,
      %get3A_593 = arith.index_cast %add3A_536 : i32 to index
      %get3A_594 = arith.constant 112 : index
      %get3A_595 = tpu.vector_load %arg13[%get3A_593, %get3A_594] {strides = array<i32>} : memref<80x128xf32, #tpu.memory_space<vmem>>, vector<16xf32>,
      %mul3A_596 = vector.broadcast %squeeze3A_532 : f32 to vector<16xf32>
      %mul3A_597 = arith.mulf %get3A_595, %mul3A_596 : vector<16xf32>
      %swap3A_598 = arith.index_cast %add3A_536 : i32 to index
      %swap3A_599 = arith.constant 112 : index
      %swap3A_600 = tpu.vector_load %arg13[%swap3A_598, %swap3A_599] {strides = array<i32>} : memref<80x128xf32, #tpu.memory_space<vmem>>, vector<16xf32>,
      tpu.vector_store %arg13[%swap3A_598, %swap3A_599], %mul3A_597 {strides = array<i32>} : memref<80x128xf32, #tpu.memory_space<vmem>>, vector<16xf32>,
      %slice3A_601 = vector.extract_strided_slice %get3A_43 {offsets = [8], sizes = [1], strides = [1]} : vector<16xf32> to vector<1xf32>
      %squeeze3A_602 = vector.extract %slice3A_601[0] : f32 from vector<1xf32>
      %mul3A_603 = arith.constant 16 : i32
      %mul3A_604 = arith.muli %scan3A_37, %mul3A_603 : i32
      %add3A_605 = arith.constant 8 : i32
      %add3A_606 = arith.addi %mul3A_604, %add3A_605 : i32
      %get3A_607 = arith.index_cast %add3A_606 : i32 to index
      %get3A_608 = arith.constant 0 : index
      %get3A_609 = tpu.vector_load %arg13[%get3A_607, %get3A_608] {strides = array<i32>} : memref<80x128xf32, #tpu.memory_space<vmem>>, vector<16xf32>,
      %mul3A_610 = vector.broadcast %squeeze3A_602 : f32 to vector<16xf32>
      %mul3A_611 = arith.mulf %get3A_609, %mul3A_610 : vector<16xf32>
      %swap3A_612 = arith.index_cast %add3A_606 : i32 to index
      %swap3A_613 = arith.constant 0 : index
      %swap3A_614 = tpu.vector_load %arg13[%swap3A_612, %swap3A_613] {strides = array<i32>} : memref<80x128xf32, #tpu.memory_space<vmem>>, vector<16xf32>,
      tpu.vector_store %arg13[%swap3A_612, %swap3A_613], %mul3A_611 {strides = array<i32>} : memref<80x128xf32, #tpu.memory_space<vmem>>, vector<16xf32>,
      %get3A_615 = arith.index_cast %add3A_606 : i32 to index
      %get3A_616 = arith.constant 16 : index
      %get3A_617 = tpu.vector_load %arg13[%get3A_615, %get3A_616] {strides = array<i32>} : memref<80x128xf32, #tpu.memory_space<vmem>>, vector<16xf32>,
      %mul3A_618 = vector.broadcast %squeeze3A_602 : f32 to vector<16xf32>
      %mul3A_619 = arith.mulf %get3A_617, %mul3A_618 : vector<16xf32>
      %swap3A_620 = arith.index_cast %add3A_606 : i32 to index
      %swap3A_621 = arith.constant 16 : index
      %swap3A_622 = tpu.vector_load %arg13[%swap3A_620, %swap3A_621] {strides = array<i32>} : memref<80x128xf32, #tpu.memory_space<vmem>>, vector<16xf32>,
      tpu.vector_store %arg13[%swap3A_620, %swap3A_621], %mul3A_619 {strides = array<i32>} : memref<80x128xf32, #tpu.memory_space<vmem>>, vector<16xf32>,
      %get3A_623 = arith.index_cast %add3A_606 : i32 to index
      %get3A_624 = arith.constant 32 : index
      %get3A_625 = tpu.vector_load %arg13[%get3A_623, %get3A_624] {strides = array<i32>} : memref<80x128xf32, #tpu.memory_space<vmem>>, vector<16xf32>,
      %mul3A_626 = vector.broadcast %squeeze3A_602 : f32 to vector<16xf32>
      %mul3A_627 = arith.mulf %get3A_625, %mul3A_626 : vector<16xf32>
      %swap3A_628 = arith.index_cast %add3A_606 : i32 to index
      %swap3A_629 = arith.constant 32 : index
      %swap3A_630 = tpu.vector_load %arg13[%swap3A_628, %swap3A_629] {strides = array<i32>} : memref<80x128xf32, #tpu.memory_space<vmem>>, vector<16xf32>,
      tpu.vector_store %arg13[%swap3A_628, %swap3A_629], %mul3A_627 {strides = array<i32>} : memref<80x128xf32, #tpu.memory_space<vmem>>, vector<16xf32>,
      %get3A_631 = arith.index_cast %add3A_606 : i32 to index
      %get3A_632 = arith.constant 48 : index
      %get3A_633 = tpu.vector_load %arg13[%get3A_631, %get3A_632] {strides = array<i32>} : memref<80x128xf32, #tpu.memory_space<vmem>>, vector<16xf32>,
      %mul3A_634 = vector.broadcast %squeeze3A_602 : f32 to vector<16xf32>
      %mul3A_635 = arith.mulf %get3A_633, %mul3A_634 : vector<16xf32>
      %swap3A_636 = arith.index_cast %add3A_606 : i32 to index
      %swap3A_637 = arith.constant 48 : index
      %swap3A_638 = tpu.vector_load %arg13[%swap3A_636, %swap3A_637] {strides = array<i32>} : memref<80x128xf32, #tpu.memory_space<vmem>>, vector<16xf32>,
      tpu.vector_store %arg13[%swap3A_636, %swap3A_637], %mul3A_635 {strides = array<i32>} : memref<80x128xf32, #tpu.memory_space<vmem>>, vector<16xf32>,
      %get3A_639 = arith.index_cast %add3A_606 : i32 to index
      %get3A_640 = arith.constant 64 : index
      %get3A_641 = tpu.vector_load %arg13[%get3A_639, %get3A_640] {strides = array<i32>} : memref<80x128xf32, #tpu.memory_space<vmem>>, vector<16xf32>,
      %mul3A_642 = vector.broadcast %squeeze3A_602 : f32 to vector<16xf32>
      %mul3A_643 = arith.mulf %get3A_641, %mul3A_642 : vector<16xf32>
      %swap3A_644 = arith.index_cast %add3A_606 : i32 to index
      %swap3A_645 = arith.constant 64 : index
      %swap3A_646 = tpu.vector_load %arg13[%swap3A_644, %swap3A_645] {strides = array<i32>} : memref<80x128xf32, #tpu.memory_space<vmem>>, vector<16xf32>,
      tpu.vector_store %arg13[%swap3A_644, %swap3A_645], %mul3A_643 {strides = array<i32>} : memref<80x128xf32, #tpu.memory_space<vmem>>, vector<16xf32>,
      %get3A_647 = arith.index_cast %add3A_606 : i32 to index
      %get3A_648 = arith.constant 80 : index
      %get3A_649 = tpu.vector_load %arg13[%get3A_647, %get3A_648] {strides = array<i32>} : memref<80x128xf32, #tpu.memory_space<vmem>>, vector<16xf32>,
      %mul3A_650 = vector.broadcast %squeeze3A_602 : f32 to vector<16xf32>
      %mul3A_651 = arith.mulf %get3A_649, %mul3A_650 : vector<16xf32>
      %swap3A_652 = arith.index_cast %add3A_606 : i32 to index
      %swap3A_653 = arith.constant 80 : index
      %swap3A_654 = tpu.vector_load %arg13[%swap3A_652, %swap3A_653] {strides = array<i32>} : memref<80x128xf32, #tpu.memory_space<vmem>>, vector<16xf32>,
      tpu.vector_store %arg13[%swap3A_652, %swap3A_653], %mul3A_651 {strides = array<i32>} : memref<80x128xf32, #tpu.memory_space<vmem>>, vector<16xf32>,
      %get3A_655 = arith.index_cast %add3A_606 : i32 to index
      %get3A_656 = arith.constant 96 : index
      %get3A_657 = tpu.vector_load %arg13[%get3A_655, %get3A_656] {strides = array<i32>} : memref<80x128xf32, #tpu.memory_space<vmem>>, vector<16xf32>,
      %mul3A_658 = vector.broadcast %squeeze3A_602 : f32 to vector<16xf32>
      %mul3A_659 = arith.mulf %get3A_657, %mul3A_658 : vector<16xf32>
      %swap3A_660 = arith.index_cast %add3A_606 : i32 to index
      %swap3A_661 = arith.constant 96 : index
      %swap3A_662 = tpu.vector_load %arg13[%swap3A_660, %swap3A_661] {strides = array<i32>} : memref<80x128xf32, #tpu.memory_space<vmem>>, vector<16xf32>,
      tpu.vector_store %arg13[%swap3A_660, %swap3A_661], %mul3A_659 {strides = array<i32>} : memref<80x128xf32, #tpu.memory_space<vmem>>, vector<16xf32>,
      %get3A_663 = arith.index_cast %add3A_606 : i32 to index
      %get3A_664 = arith.constant 112 : index
      %get3A_665 = tpu.vector_load %arg13[%get3A_663, %get3A_664] {strides = array<i32>} : memref<80x128xf32, #tpu.memory_space<vmem>>, vector<16xf32>,
      %mul3A_666 = vector.broadcast %squeeze3A_602 : f32 to vector<16xf32>
      %mul3A_667 = arith.mulf %get3A_665, %mul3A_666 : vector<16xf32>
      %swap3A_668 = arith.index_cast %add3A_606 : i32 to index
      %swap3A_669 = arith.constant 112 : index
      %swap3A_670 = tpu.vector_load %arg13[%swap3A_668, %swap3A_669] {strides = array<i32>} : memref<80x128xf32, #tpu.memory_space<vmem>>, vector<16xf32>,
      tpu.vector_store %arg13[%swap3A_668, %swap3A_669], %mul3A_667 {strides = array<i32>} : memref<80x128xf32, #tpu.memory_space<vmem>>, vector<16xf32>,
      %slice3A_671 = vector.extract_strided_slice %get3A_43 {offsets = [9], sizes = [1], strides = [1]} : vector<16xf32> to vector<1xf32>
      %squeeze3A_672 = vector.extract %slice3A_671[0] : f32 from vector<1xf32>
      %mul3A_673 = arith.constant 16 : i32
      %mul3A_674 = arith.muli %scan3A_37, %mul3A_673 : i32
      %add3A_675 = arith.constant 9 : i32
      %add3A_676 = arith.addi %mul3A_674, %add3A_675 : i32
      %get3A_677 = arith.index_cast %add3A_676 : i32 to index
      %get3A_678 = arith.constant 0 : index
      %get3A_679 = tpu.vector_load %arg13[%get3A_677, %get3A_678] {strides = array<i32>} : memref<80x128xf32, #tpu.memory_space<vmem>>, vector<16xf32>,
      %mul3A_680 = vector.broadcast %squeeze3A_672 : f32 to vector<16xf32>
      %mul3A_681 = arith.mulf %get3A_679, %mul3A_680 : vector<16xf32>
      %swap3A_682 = arith.index_cast %add3A_676 : i32 to index
      %swap3A_683 = arith.constant 0 : index
      %swap3A_684 = tpu.vector_load %arg13[%swap3A_682, %swap3A_683] {strides = array<i32>} : memref<80x128xf32, #tpu.memory_space<vmem>>, vector<16xf32>,
      tpu.vector_store %arg13[%swap3A_682, %swap3A_683], %mul3A_681 {strides = array<i32>} : memref<80x128xf32, #tpu.memory_space<vmem>>, vector<16xf32>,
      %get3A_685 = arith.index_cast %add3A_676 : i32 to index
      %get3A_686 = arith.constant 16 : index
      %get3A_687 = tpu.vector_load %arg13[%get3A_685, %get3A_686] {strides = array<i32>} : memref<80x128xf32, #tpu.memory_space<vmem>>, vector<16xf32>,
      %mul3A_688 = vector.broadcast %squeeze3A_672 : f32 to vector<16xf32>
      %mul3A_689 = arith.mulf %get3A_687, %mul3A_688 : vector<16xf32>
      %swap3A_690 = arith.index_cast %add3A_676 : i32 to index
      %swap3A_691 = arith.constant 16 : index
      %swap3A_692 = tpu.vector_load %arg13[%swap3A_690, %swap3A_691] {strides = array<i32>} : memref<80x128xf32, #tpu.memory_space<vmem>>, vector<16xf32>,
      tpu.vector_store %arg13[%swap3A_690, %swap3A_691], %mul3A_689 {strides = array<i32>} : memref<80x128xf32, #tpu.memory_space<vmem>>, vector<16xf32>,
      %get3A_693 = arith.index_cast %add3A_676 : i32 to index
      %get3A_694 = arith.constant 32 : index
      %get3A_695 = tpu.vector_load %arg13[%get3A_693, %get3A_694] {strides = array<i32>} : memref<80x128xf32, #tpu.memory_space<vmem>>, vector<16xf32>,
      %mul3A_696 = vector.broadcast %squeeze3A_672 : f32 to vector<16xf32>
      %mul3A_697 = arith.mulf %get3A_695, %mul3A_696 : vector<16xf32>
      %swap3A_698 = arith.index_cast %add3A_676 : i32 to index
      %swap3A_699 = arith.constant 32 : index
      %swap3A_700 = tpu.vector_load %arg13[%swap3A_698, %swap3A_699] {strides = array<i32>} : memref<80x128xf32, #tpu.memory_space<vmem>>, vector<16xf32>,
      tpu.vector_store %arg13[%swap3A_698, %swap3A_699], %mul3A_697 {strides = array<i32>} : memref<80x128xf32, #tpu.memory_space<vmem>>, vector<16xf32>,
      %get3A_701 = arith.index_cast %add3A_676 : i32 to index
      %get3A_702 = arith.constant 48 : index
      %get3A_703 = tpu.vector_load %arg13[%get3A_701, %get3A_702] {strides = array<i32>} : memref<80x128xf32, #tpu.memory_space<vmem>>, vector<16xf32>,
      %mul3A_704 = vector.broadcast %squeeze3A_672 : f32 to vector<16xf32>
      %mul3A_705 = arith.mulf %get3A_703, %mul3A_704 : vector<16xf32>
      %swap3A_706 = arith.index_cast %add3A_676 : i32 to index
      %swap3A_707 = arith.constant 48 : index
      %swap3A_708 = tpu.vector_load %arg13[%swap3A_706, %swap3A_707] {strides = array<i32>} : memref<80x128xf32, #tpu.memory_space<vmem>>, vector<16xf32>,
      tpu.vector_store %arg13[%swap3A_706, %swap3A_707], %mul3A_705 {strides = array<i32>} : memref<80x128xf32, #tpu.memory_space<vmem>>, vector<16xf32>,
      %get3A_709 = arith.index_cast %add3A_676 : i32 to index
      %get3A_710 = arith.constant 64 : index
      %get3A_711 = tpu.vector_load %arg13[%get3A_709, %get3A_710] {strides = array<i32>} : memref<80x128xf32, #tpu.memory_space<vmem>>, vector<16xf32>,
      %mul3A_712 = vector.broadcast %squeeze3A_672 : f32 to vector<16xf32>
      %mul3A_713 = arith.mulf %get3A_711, %mul3A_712 : vector<16xf32>
      %swap3A_714 = arith.index_cast %add3A_676 : i32 to index
      %swap3A_715 = arith.constant 64 : index
      %swap3A_716 = tpu.vector_load %arg13[%swap3A_714, %swap3A_715] {strides = array<i32>} : memref<80x128xf32, #tpu.memory_space<vmem>>, vector<16xf32>,
      tpu.vector_store %arg13[%swap3A_714, %swap3A_715], %mul3A_713 {strides = array<i32>} : memref<80x128xf32, #tpu.memory_space<vmem>>, vector<16xf32>,
      %get3A_717 = arith.index_cast %add3A_676 : i32 to index
      %get3A_718 = arith.constant 80 : index
      %get3A_719 = tpu.vector_load %arg13[%get3A_717, %get3A_718] {strides = array<i32>} : memref<80x128xf32, #tpu.memory_space<vmem>>, vector<16xf32>,
      %mul3A_720 = vector.broadcast %squeeze3A_672 : f32 to vector<16xf32>
      %mul3A_721 = arith.mulf %get3A_719, %mul3A_720 : vector<16xf32>
      %swap3A_722 = arith.index_cast %add3A_676 : i32 to index
      %swap3A_723 = arith.constant 80 : index
      %swap3A_724 = tpu.vector_load %arg13[%swap3A_722, %swap3A_723] {strides = array<i32>} : memref<80x128xf32, #tpu.memory_space<vmem>>, vector<16xf32>,
      tpu.vector_store %arg13[%swap3A_722, %swap3A_723], %mul3A_721 {strides = array<i32>} : memref<80x128xf32, #tpu.memory_space<vmem>>, vector<16xf32>,
      %get3A_725 = arith.index_cast %add3A_676 : i32 to index
      %get3A_726 = arith.constant 96 : index
      %get3A_727 = tpu.vector_load %arg13[%get3A_725, %get3A_726] {strides = array<i32>} : memref<80x128xf32, #tpu.memory_space<vmem>>, vector<16xf32>,
      %mul3A_728 = vector.broadcast %squeeze3A_672 : f32 to vector<16xf32>
      %mul3A_729 = arith.mulf %get3A_727, %mul3A_728 : vector<16xf32>
      %swap3A_730 = arith.index_cast %add3A_676 : i32 to index
      %swap3A_731 = arith.constant 96 : index
      %swap3A_732 = tpu.vector_load %arg13[%swap3A_730, %swap3A_731] {strides = array<i32>} : memref<80x128xf32, #tpu.memory_space<vmem>>, vector<16xf32>,
      tpu.vector_store %arg13[%swap3A_730, %swap3A_731], %mul3A_729 {strides = array<i32>} : memref<80x128xf32, #tpu.memory_space<vmem>>, vector<16xf32>,
      %get3A_733 = arith.index_cast %add3A_676 : i32 to index
      %get3A_734 = arith.constant 112 : index
      %get3A_735 = tpu.vector_load %arg13[%get3A_733, %get3A_734] {strides = array<i32>} : memref<80x128xf32, #tpu.memory_space<vmem>>, vector<16xf32>,
      %mul3A_736 = vector.broadcast %squeeze3A_672 : f32 to vector<16xf32>
      %mul3A_737 = arith.mulf %get3A_735, %mul3A_736 : vector<16xf32>
      %swap3A_738 = arith.index_cast %add3A_676 : i32 to index
      %swap3A_739 = arith.constant 112 : index
      %swap3A_740 = tpu.vector_load %arg13[%swap3A_738, %swap3A_739] {strides = array<i32>} : memref<80x128xf32, #tpu.memory_space<vmem>>, vector<16xf32>,
      tpu.vector_store %arg13[%swap3A_738, %swap3A_739], %mul3A_737 {strides = array<i32>} : memref<80x128xf32, #tpu.memory_space<vmem>>, vector<16xf32>,
      %slice3A_741 = vector.extract_strided_slice %get3A_43 {offsets = [10], sizes = [1], strides = [1]} : vector<16xf32> to vector<1xf32>
      %squeeze3A_742 = vector.extract %slice3A_741[0] : f32 from vector<1xf32>
      %mul3A_743 = arith.constant 16 : i32
      %mul3A_744 = arith.muli %scan3A_37, %mul3A_743 : i32
      %add3A_745 = arith.constant 10 : i32
      %add3A_746 = arith.addi %mul3A_744, %add3A_745 : i32
      %get3A_747 = arith.index_cast %add3A_746 : i32 to index
      %get3A_748 = arith.constant 0 : index
      %get3A_749 = tpu.vector_load %arg13[%get3A_747, %get3A_748] {strides = array<i32>} : memref<80x128xf32, #tpu.memory_space<vmem>>, vector<16xf32>,
      %mul3A_750 = vector.broadcast %squeeze3A_742 : f32 to vector<16xf32>
      %mul3A_751 = arith.mulf %get3A_749, %mul3A_750 : vector<16xf32>
      %swap3A_752 = arith.index_cast %add3A_746 : i32 to index
      %swap3A_753 = arith.constant 0 : index
      %swap3A_754 = tpu.vector_load %arg13[%swap3A_752, %swap3A_753] {strides = array<i32>} : memref<80x128xf32, #tpu.memory_space<vmem>>, vector<16xf32>,
      tpu.vector_store %arg13[%swap3A_752, %swap3A_753], %mul3A_751 {strides = array<i32>} : memref<80x128xf32, #tpu.memory_space<vmem>>, vector<16xf32>,
      %get3A_755 = arith.index_cast %add3A_746 : i32 to index
      %get3A_756 = arith.constant 16 : index
      %get3A_757 = tpu.vector_load %arg13[%get3A_755, %get3A_756] {strides = array<i32>} : memref<80x128xf32, #tpu.memory_space<vmem>>, vector<16xf32>,
      %mul3A_758 = vector.broadcast %squeeze3A_742 : f32 to vector<16xf32>
      %mul3A_759 = arith.mulf %get3A_757, %mul3A_758 : vector<16xf32>
      %swap3A_760 = arith.index_cast %add3A_746 : i32 to index
      %swap3A_761 = arith.constant 16 : index
      %swap3A_762 = tpu.vector_load %arg13[%swap3A_760, %swap3A_761] {strides = array<i32>} : memref<80x128xf32, #tpu.memory_space<vmem>>, vector<16xf32>,
      tpu.vector_store %arg13[%swap3A_760, %swap3A_761], %mul3A_759 {strides = array<i32>} : memref<80x128xf32, #tpu.memory_space<vmem>>, vector<16xf32>,
      %get3A_763 = arith.index_cast %add3A_746 : i32 to index
      %get3A_764 = arith.constant 32 : index
      %get3A_765 = tpu.vector_load %arg13[%get3A_763, %get3A_764] {strides = array<i32>} : memref<80x128xf32, #tpu.memory_space<vmem>>, vector<16xf32>,
      %mul3A_766 = vector.broadcast %squeeze3A_742 : f32 to vector<16xf32>
      %mul3A_767 = arith.mulf %get3A_765, %mul3A_766 : vector<16xf32>
      %swap3A_768 = arith.index_cast %add3A_746 : i32 to index
      %swap3A_769 = arith.constant 32 : index
      %swap3A_770 = tpu.vector_load %arg13[%swap3A_768, %swap3A_769] {strides = array<i32>} : memref<80x128xf32, #tpu.memory_space<vmem>>, vector<16xf32>,
      tpu.vector_store %arg13[%swap3A_768, %swap3A_769], %mul3A_767 {strides = array<i32>} : memref<80x128xf32, #tpu.memory_space<vmem>>, vector<16xf32>,
      %get3A_771 = arith.index_cast %add3A_746 : i32 to index
      %get3A_772 = arith.constant 48 : index
      %get3A_773 = tpu.vector_load %arg13[%get3A_771, %get3A_772] {strides = array<i32>} : memref<80x128xf32, #tpu.memory_space<vmem>>, vector<16xf32>,
      %mul3A_774 = vector.broadcast %squeeze3A_742 : f32 to vector<16xf32>
      %mul3A_775 = arith.mulf %get3A_773, %mul3A_774 : vector<16xf32>
      %swap3A_776 = arith.index_cast %add3A_746 : i32 to index
      %swap3A_777 = arith.constant 48 : index
      %swap3A_778 = tpu.vector_load %arg13[%swap3A_776, %swap3A_777] {strides = array<i32>} : memref<80x128xf32, #tpu.memory_space<vmem>>, vector<16xf32>,
      tpu.vector_store %arg13[%swap3A_776, %swap3A_777], %mul3A_775 {strides = array<i32>} : memref<80x128xf32, #tpu.memory_space<vmem>>, vector<16xf32>,
      %get3A_779 = arith.index_cast %add3A_746 : i32 to index
      %get3A_780 = arith.constant 64 : index
      %get3A_781 = tpu.vector_load %arg13[%get3A_779, %get3A_780] {strides = array<i32>} : memref<80x128xf32, #tpu.memory_space<vmem>>, vector<16xf32>,
      %mul3A_782 = vector.broadcast %squeeze3A_742 : f32 to vector<16xf32>
      %mul3A_783 = arith.mulf %get3A_781, %mul3A_782 : vector<16xf32>
      %swap3A_784 = arith.index_cast %add3A_746 : i32 to index
      %swap3A_785 = arith.constant 64 : index
      %swap3A_786 = tpu.vector_load %arg13[%swap3A_784, %swap3A_785] {strides = array<i32>} : memref<80x128xf32, #tpu.memory_space<vmem>>, vector<16xf32>,
      tpu.vector_store %arg13[%swap3A_784, %swap3A_785], %mul3A_783 {strides = array<i32>} : memref<80x128xf32, #tpu.memory_space<vmem>>, vector<16xf32>,
      %get3A_787 = arith.index_cast %add3A_746 : i32 to index
      %get3A_788 = arith.constant 80 : index
      %get3A_789 = tpu.vector_load %arg13[%get3A_787, %get3A_788] {strides = array<i32>} : memref<80x128xf32, #tpu.memory_space<vmem>>, vector<16xf32>,
      %mul3A_790 = vector.broadcast %squeeze3A_742 : f32 to vector<16xf32>
      %mul3A_791 = arith.mulf %get3A_789, %mul3A_790 : vector<16xf32>
      %swap3A_792 = arith.index_cast %add3A_746 : i32 to index
      %swap3A_793 = arith.constant 80 : index
      %swap3A_794 = tpu.vector_load %arg13[%swap3A_792, %swap3A_793] {strides = array<i32>} : memref<80x128xf32, #tpu.memory_space<vmem>>, vector<16xf32>,
      tpu.vector_store %arg13[%swap3A_792, %swap3A_793], %mul3A_791 {strides = array<i32>} : memref<80x128xf32, #tpu.memory_space<vmem>>, vector<16xf32>,
      %get3A_795 = arith.index_cast %add3A_746 : i32 to index
      %get3A_796 = arith.constant 96 : index
      %get3A_797 = tpu.vector_load %arg13[%get3A_795, %get3A_796] {strides = array<i32>} : memref<80x128xf32, #tpu.memory_space<vmem>>, vector<16xf32>,
      %mul3A_798 = vector.broadcast %squeeze3A_742 : f32 to vector<16xf32>
      %mul3A_799 = arith.mulf %get3A_797, %mul3A_798 : vector<16xf32>
      %swap3A_800 = arith.index_cast %add3A_746 : i32 to index
      %swap3A_801 = arith.constant 96 : index
      %swap3A_802 = tpu.vector_load %arg13[%swap3A_800, %swap3A_801] {strides = array<i32>} : memref<80x128xf32, #tpu.memory_space<vmem>>, vector<16xf32>,
      tpu.vector_store %arg13[%swap3A_800, %swap3A_801], %mul3A_799 {strides = array<i32>} : memref<80x128xf32, #tpu.memory_space<vmem>>, vector<16xf32>,
      %get3A_803 = arith.index_cast %add3A_746 : i32 to index
      %get3A_804 = arith.constant 112 : index
      %get3A_805 = tpu.vector_load %arg13[%get3A_803, %get3A_804] {strides = array<i32>} : memref<80x128xf32, #tpu.memory_space<vmem>>, vector<16xf32>,
      %mul3A_806 = vector.broadcast %squeeze3A_742 : f32 to vector<16xf32>
      %mul3A_807 = arith.mulf %get3A_805, %mul3A_806 : vector<16xf32>
      %swap3A_808 = arith.index_cast %add3A_746 : i32 to index
      %swap3A_809 = arith.constant 112 : index
      %swap3A_810 = tpu.vector_load %arg13[%swap3A_808, %swap3A_809] {strides = array<i32>} : memref<80x128xf32, #tpu.memory_space<vmem>>, vector<16xf32>,
      tpu.vector_store %arg13[%swap3A_808, %swap3A_809], %mul3A_807 {strides = array<i32>} : memref<80x128xf32, #tpu.memory_space<vmem>>, vector<16xf32>,
      %slice3A_811 = vector.extract_strided_slice %get3A_43 {offsets = [11], sizes = [1], strides = [1]} : vector<16xf32> to vector<1xf32>
      %squeeze3A_812 = vector.extract %slice3A_811[0] : f32 from vector<1xf32>
      %mul3A_813 = arith.constant 16 : i32
      %mul3A_814 = arith.muli %scan3A_37, %mul3A_813 : i32
      %add3A_815 = arith.constant 11 : i32
      %add3A_816 = arith.addi %mul3A_814, %add3A_815 : i32
      %get3A_817 = arith.index_cast %add3A_816 : i32 to index
      %get3A_818 = arith.constant 0 : index
      %get3A_819 = tpu.vector_load %arg13[%get3A_817, %get3A_818] {strides = array<i32>} : memref<80x128xf32, #tpu.memory_space<vmem>>, vector<16xf32>,
      %mul3A_820 = vector.broadcast %squeeze3A_812 : f32 to vector<16xf32>
      %mul3A_821 = arith.mulf %get3A_819, %mul3A_820 : vector<16xf32>
      %swap3A_822 = arith.index_cast %add3A_816 : i32 to index
      %swap3A_823 = arith.constant 0 : index
      %swap3A_824 = tpu.vector_load %arg13[%swap3A_822, %swap3A_823] {strides = array<i32>} : memref<80x128xf32, #tpu.memory_space<vmem>>, vector<16xf32>,
      tpu.vector_store %arg13[%swap3A_822, %swap3A_823], %mul3A_821 {strides = array<i32>} : memref<80x128xf32, #tpu.memory_space<vmem>>, vector<16xf32>,
      %get3A_825 = arith.index_cast %add3A_816 : i32 to index
      %get3A_826 = arith.constant 16 : index
      %get3A_827 = tpu.vector_load %arg13[%get3A_825, %get3A_826] {strides = array<i32>} : memref<80x128xf32, #tpu.memory_space<vmem>>, vector<16xf32>,
      %mul3A_828 = vector.broadcast %squeeze3A_812 : f32 to vector<16xf32>
      %mul3A_829 = arith.mulf %get3A_827, %mul3A_828 : vector<16xf32>
      %swap3A_830 = arith.index_cast %add3A_816 : i32 to index
      %swap3A_831 = arith.constant 16 : index
      %swap3A_832 = tpu.vector_load %arg13[%swap3A_830, %swap3A_831] {strides = array<i32>} : memref<80x128xf32, #tpu.memory_space<vmem>>, vector<16xf32>,
      tpu.vector_store %arg13[%swap3A_830, %swap3A_831], %mul3A_829 {strides = array<i32>} : memref<80x128xf32, #tpu.memory_space<vmem>>, vector<16xf32>,
      %get3A_833 = arith.index_cast %add3A_816 : i32 to index
      %get3A_834 = arith.constant 32 : index
      %get3A_835 = tpu.vector_load %arg13[%get3A_833, %get3A_834] {strides = array<i32>} : memref<80x128xf32, #tpu.memory_space<vmem>>, vector<16xf32>,
      %mul3A_836 = vector.broadcast %squeeze3A_812 : f32 to vector<16xf32>
      %mul3A_837 = arith.mulf %get3A_835, %mul3A_836 : vector<16xf32>
      %swap3A_838 = arith.index_cast %add3A_816 : i32 to index
      %swap3A_839 = arith.constant 32 : index
      %swap3A_840 = tpu.vector_load %arg13[%swap3A_838, %swap3A_839] {strides = array<i32>} : memref<80x128xf32, #tpu.memory_space<vmem>>, vector<16xf32>,
      tpu.vector_store %arg13[%swap3A_838, %swap3A_839], %mul3A_837 {strides = array<i32>} : memref<80x128xf32, #tpu.memory_space<vmem>>, vector<16xf32>,
      %get3A_841 = arith.index_cast %add3A_816 : i32 to index
      %get3A_842 = arith.constant 48 : index
      %get3A_843 = tpu.vector_load %arg13[%get3A_841, %get3A_842] {strides = array<i32>} : memref<80x128xf32, #tpu.memory_space<vmem>>, vector<16xf32>,
      %mul3A_844 = vector.broadcast %squeeze3A_812 : f32 to vector<16xf32>
      %mul3A_845 = arith.mulf %get3A_843, %mul3A_844 : vector<16xf32>
      %swap3A_846 = arith.index_cast %add3A_816 : i32 to index
      %swap3A_847 = arith.constant 48 : index
      %swap3A_848 = tpu.vector_load %arg13[%swap3A_846, %swap3A_847] {strides = array<i32>} : memref<80x128xf32, #tpu.memory_space<vmem>>, vector<16xf32>,
      tpu.vector_store %arg13[%swap3A_846, %swap3A_847], %mul3A_845 {strides = array<i32>} : memref<80x128xf32, #tpu.memory_space<vmem>>, vector<16xf32>,
      %get3A_849 = arith.index_cast %add3A_816 : i32 to index
      %get3A_850 = arith.constant 64 : index
      %get3A_851 = tpu.vector_load %arg13[%get3A_849, %get3A_850] {strides = array<i32>} : memref<80x128xf32, #tpu.memory_space<vmem>>, vector<16xf32>,
      %mul3A_852 = vector.broadcast %squeeze3A_812 : f32 to vector<16xf32>
      %mul3A_853 = arith.mulf %get3A_851, %mul3A_852 : vector<16xf32>
      %swap3A_854 = arith.index_cast %add3A_816 : i32 to index
      %swap3A_855 = arith.constant 64 : index
      %swap3A_856 = tpu.vector_load %arg13[%swap3A_854, %swap3A_855] {strides = array<i32>} : memref<80x128xf32, #tpu.memory_space<vmem>>, vector<16xf32>,
      tpu.vector_store %arg13[%swap3A_854, %swap3A_855], %mul3A_853 {strides = array<i32>} : memref<80x128xf32, #tpu.memory_space<vmem>>, vector<16xf32>,
      %get3A_857 = arith.index_cast %add3A_816 : i32 to index
      %get3A_858 = arith.constant 80 : index
      %get3A_859 = tpu.vector_load %arg13[%get3A_857, %get3A_858] {strides = array<i32>} : memref<80x128xf32, #tpu.memory_space<vmem>>, vector<16xf32>,
      %mul3A_860 = vector.broadcast %squeeze3A_812 : f32 to vector<16xf32>
      %mul3A_861 = arith.mulf %get3A_859, %mul3A_860 : vector<16xf32>
      %swap3A_862 = arith.index_cast %add3A_816 : i32 to index
      %swap3A_863 = arith.constant 80 : index
      %swap3A_864 = tpu.vector_load %arg13[%swap3A_862, %swap3A_863] {strides = array<i32>} : memref<80x128xf32, #tpu.memory_space<vmem>>, vector<16xf32>,
      tpu.vector_store %arg13[%swap3A_862, %swap3A_863], %mul3A_861 {strides = array<i32>} : memref<80x128xf32, #tpu.memory_space<vmem>>, vector<16xf32>,
      %get3A_865 = arith.index_cast %add3A_816 : i32 to index
      %get3A_866 = arith.constant 96 : index
      %get3A_867 = tpu.vector_load %arg13[%get3A_865, %get3A_866] {strides = array<i32>} : memref<80x128xf32, #tpu.memory_space<vmem>>, vector<16xf32>,
      %mul3A_868 = vector.broadcast %squeeze3A_812 : f32 to vector<16xf32>
      %mul3A_869 = arith.mulf %get3A_867, %mul3A_868 : vector<16xf32>
      %swap3A_870 = arith.index_cast %add3A_816 : i32 to index
      %swap3A_871 = arith.constant 96 : index
      %swap3A_872 = tpu.vector_load %arg13[%swap3A_870, %swap3A_871] {strides = array<i32>} : memref<80x128xf32, #tpu.memory_space<vmem>>, vector<16xf32>,
      tpu.vector_store %arg13[%swap3A_870, %swap3A_871], %mul3A_869 {strides = array<i32>} : memref<80x128xf32, #tpu.memory_space<vmem>>, vector<16xf32>,
      %get3A_873 = arith.index_cast %add3A_816 : i32 to index
      %get3A_874 = arith.constant 112 : index
      %get3A_875 = tpu.vector_load %arg13[%get3A_873, %get3A_874] {strides = array<i32>} : memref<80x128xf32, #tpu.memory_space<vmem>>, vector<16xf32>,
      %mul3A_876 = vector.broadcast %squeeze3A_812 : f32 to vector<16xf32>
      %mul3A_877 = arith.mulf %get3A_875, %mul3A_876 : vector<16xf32>
      %swap3A_878 = arith.index_cast %add3A_816 : i32 to index
      %swap3A_879 = arith.constant 112 : index
      %swap3A_880 = tpu.vector_load %arg13[%swap3A_878, %swap3A_879] {strides = array<i32>} : memref<80x128xf32, #tpu.memory_space<vmem>>, vector<16xf32>,
      tpu.vector_store %arg13[%swap3A_878, %swap3A_879], %mul3A_877 {strides = array<i32>} : memref<80x128xf32, #tpu.memory_space<vmem>>, vector<16xf32>,
      %slice3A_881 = vector.extract_strided_slice %get3A_43 {offsets = [12], sizes = [1], strides = [1]} : vector<16xf32> to vector<1xf32>
      %squeeze3A_882 = vector.extract %slice3A_881[0] : f32 from vector<1xf32>
      %mul3A_883 = arith.constant 16 : i32
      %mul3A_884 = arith.muli %scan3A_37, %mul3A_883 : i32
      %add3A_885 = arith.constant 12 : i32
      %add3A_886 = arith.addi %mul3A_884, %add3A_885 : i32
      %get3A_887 = arith.index_cast %add3A_886 : i32 to index
      %get3A_888 = arith.constant 0 : index
      %get3A_889 = tpu.vector_load %arg13[%get3A_887, %get3A_888] {strides = array<i32>} : memref<80x128xf32, #tpu.memory_space<vmem>>, vector<16xf32>,
      %mul3A_890 = vector.broadcast %squeeze3A_882 : f32 to vector<16xf32>
      %mul3A_891 = arith.mulf %get3A_889, %mul3A_890 : vector<16xf32>
      %swap3A_892 = arith.index_cast %add3A_886 : i32 to index
      %swap3A_893 = arith.constant 0 : index
      %swap3A_894 = tpu.vector_load %arg13[%swap3A_892, %swap3A_893] {strides = array<i32>} : memref<80x128xf32, #tpu.memory_space<vmem>>, vector<16xf32>,
      tpu.vector_store %arg13[%swap3A_892, %swap3A_893], %mul3A_891 {strides = array<i32>} : memref<80x128xf32, #tpu.memory_space<vmem>>, vector<16xf32>,
      %get3A_895 = arith.index_cast %add3A_886 : i32 to index
      %get3A_896 = arith.constant 16 : index
      %get3A_897 = tpu.vector_load %arg13[%get3A_895, %get3A_896] {strides = array<i32>} : memref<80x128xf32, #tpu.memory_space<vmem>>, vector<16xf32>,
      %mul3A_898 = vector.broadcast %squeeze3A_882 : f32 to vector<16xf32>
      %mul3A_899 = arith.mulf %get3A_897, %mul3A_898 : vector<16xf32>
      %swap3A_900 = arith.index_cast %add3A_886 : i32 to index
      %swap3A_901 = arith.constant 16 : index
      %swap3A_902 = tpu.vector_load %arg13[%swap3A_900, %swap3A_901] {strides = array<i32>} : memref<80x128xf32, #tpu.memory_space<vmem>>, vector<16xf32>,
      tpu.vector_store %arg13[%swap3A_900, %swap3A_901], %mul3A_899 {strides = array<i32>} : memref<80x128xf32, #tpu.memory_space<vmem>>, vector<16xf32>,
      %get3A_903 = arith.index_cast %add3A_886 : i32 to index
      %get3A_904 = arith.constant 32 : index
      %get3A_905 = tpu.vector_load %arg13[%get3A_903, %get3A_904] {strides = array<i32>} : memref<80x128xf32, #tpu.memory_space<vmem>>, vector<16xf32>,
      %mul3A_906 = vector.broadcast %squeeze3A_882 : f32 to vector<16xf32>
      %mul3A_907 = arith.mulf %get3A_905, %mul3A_906 : vector<16xf32>
      %swap3A_908 = arith.index_cast %add3A_886 : i32 to index
      %swap3A_909 = arith.constant 32 : index
      %swap3A_910 = tpu.vector_load %arg13[%swap3A_908, %swap3A_909] {strides = array<i32>} : memref<80x128xf32, #tpu.memory_space<vmem>>, vector<16xf32>,
      tpu.vector_store %arg13[%swap3A_908, %swap3A_909], %mul3A_907 {strides = array<i32>} : memref<80x128xf32, #tpu.memory_space<vmem>>, vector<16xf32>,
      %get3A_911 = arith.index_cast %add3A_886 : i32 to index
      %get3A_912 = arith.constant 48 : index
      %get3A_913 = tpu.vector_load %arg13[%get3A_911, %get3A_912] {strides = array<i32>} : memref<80x128xf32, #tpu.memory_space<vmem>>, vector<16xf32>,
      %mul3A_914 = vector.broadcast %squeeze3A_882 : f32 to vector<16xf32>
      %mul3A_915 = arith.mulf %get3A_913, %mul3A_914 : vector<16xf32>
      %swap3A_916 = arith.index_cast %add3A_886 : i32 to index
      %swap3A_917 = arith.constant 48 : index
      %swap3A_918 = tpu.vector_load %arg13[%swap3A_916, %swap3A_917] {strides = array<i32>} : memref<80x128xf32, #tpu.memory_space<vmem>>, vector<16xf32>,
      tpu.vector_store %arg13[%swap3A_916, %swap3A_917], %mul3A_915 {strides = array<i32>} : memref<80x128xf32, #tpu.memory_space<vmem>>, vector<16xf32>,
      %get3A_919 = arith.index_cast %add3A_886 : i32 to index
      %get3A_920 = arith.constant 64 : index
      %get3A_921 = tpu.vector_load %arg13[%get3A_919, %get3A_920] {strides = array<i32>} : memref<80x128xf32, #tpu.memory_space<vmem>>, vector<16xf32>,
      %mul3A_922 = vector.broadcast %squeeze3A_882 : f32 to vector<16xf32>
      %mul3A_923 = arith.mulf %get3A_921, %mul3A_922 : vector<16xf32>
      %swap3A_924 = arith.index_cast %add3A_886 : i32 to index
      %swap3A_925 = arith.constant 64 : index
      %swap3A_926 = tpu.vector_load %arg13[%swap3A_924, %swap3A_925] {strides = array<i32>} : memref<80x128xf32, #tpu.memory_space<vmem>>, vector<16xf32>,
      tpu.vector_store %arg13[%swap3A_924, %swap3A_925], %mul3A_923 {strides = array<i32>} : memref<80x128xf32, #tpu.memory_space<vmem>>, vector<16xf32>,
      %get3A_927 = arith.index_cast %add3A_886 : i32 to index
      %get3A_928 = arith.constant 80 : index
      %get3A_929 = tpu.vector_load %arg13[%get3A_927, %get3A_928] {strides = array<i32>} : memref<80x128xf32, #tpu.memory_space<vmem>>, vector<16xf32>,
      %mul3A_930 = vector.broadcast %squeeze3A_882 : f32 to vector<16xf32>
      %mul3A_931 = arith.mulf %get3A_929, %mul3A_930 : vector<16xf32>
      %swap3A_932 = arith.index_cast %add3A_886 : i32 to index
      %swap3A_933 = arith.constant 80 : index
      %swap3A_934 = tpu.vector_load %arg13[%swap3A_932, %swap3A_933] {strides = array<i32>} : memref<80x128xf32, #tpu.memory_space<vmem>>, vector<16xf32>,
      tpu.vector_store %arg13[%swap3A_932, %swap3A_933], %mul3A_931 {strides = array<i32>} : memref<80x128xf32, #tpu.memory_space<vmem>>, vector<16xf32>,
      %get3A_935 = arith.index_cast %add3A_886 : i32 to index
      %get3A_936 = arith.constant 96 : index
      %get3A_937 = tpu.vector_load %arg13[%get3A_935, %get3A_936] {strides = array<i32>} : memref<80x128xf32, #tpu.memory_space<vmem>>, vector<16xf32>,
      %mul3A_938 = vector.broadcast %squeeze3A_882 : f32 to vector<16xf32>
      %mul3A_939 = arith.mulf %get3A_937, %mul3A_938 : vector<16xf32>
      %swap3A_940 = arith.index_cast %add3A_886 : i32 to index
      %swap3A_941 = arith.constant 96 : index
      %swap3A_942 = tpu.vector_load %arg13[%swap3A_940, %swap3A_941] {strides = array<i32>} : memref<80x128xf32, #tpu.memory_space<vmem>>, vector<16xf32>,
      tpu.vector_store %arg13[%swap3A_940, %swap3A_941], %mul3A_939 {strides = array<i32>} : memref<80x128xf32, #tpu.memory_space<vmem>>, vector<16xf32>,
      %get3A_943 = arith.index_cast %add3A_886 : i32 to index
      %get3A_944 = arith.constant 112 : index
      %get3A_945 = tpu.vector_load %arg13[%get3A_943, %get3A_944] {strides = array<i32>} : memref<80x128xf32, #tpu.memory_space<vmem>>, vector<16xf32>,
      %mul3A_946 = vector.broadcast %squeeze3A_882 : f32 to vector<16xf32>
      %mul3A_947 = arith.mulf %get3A_945, %mul3A_946 : vector<16xf32>
      %swap3A_948 = arith.index_cast %add3A_886 : i32 to index
      %swap3A_949 = arith.constant 112 : index
      %swap3A_950 = tpu.vector_load %arg13[%swap3A_948, %swap3A_949] {strides = array<i32>} : memref<80x128xf32, #tpu.memory_space<vmem>>, vector<16xf32>,
      tpu.vector_store %arg13[%swap3A_948, %swap3A_949], %mul3A_947 {strides = array<i32>} : memref<80x128xf32, #tpu.memory_space<vmem>>, vector<16xf32>,
      %slice3A_951 = vector.extract_strided_slice %get3A_43 {offsets = [13], sizes = [1], strides = [1]} : vector<16xf32> to vector<1xf32>
      %squeeze3A_952 = vector.extract %slice3A_951[0] : f32 from vector<1xf32>
      %mul3A_953 = arith.constant 16 : i32
      %mul3A_954 = arith.muli %scan3A_37, %mul3A_953 : i32
      %add3A_955 = arith.constant 13 : i32
      %add3A_956 = arith.addi %mul3A_954, %add3A_955 : i32
      %get3A_957 = arith.index_cast %add3A_956 : i32 to index
      %get3A_958 = arith.constant 0 : index
      %get3A_959 = tpu.vector_load %arg13[%get3A_957, %get3A_958] {strides = array<i32>} : memref<80x128xf32, #tpu.memory_space<vmem>>, vector<16xf32>,
      %mul3A_960 = vector.broadcast %squeeze3A_952 : f32 to vector<16xf32>
      %mul3A_961 = arith.mulf %get3A_959, %mul3A_960 : vector<16xf32>
      %swap3A_962 = arith.index_cast %add3A_956 : i32 to index
      %swap3A_963 = arith.constant 0 : index
      %swap3A_964 = tpu.vector_load %arg13[%swap3A_962, %swap3A_963] {strides = array<i32>} : memref<80x128xf32, #tpu.memory_space<vmem>>, vector<16xf32>,
      tpu.vector_store %arg13[%swap3A_962, %swap3A_963], %mul3A_961 {strides = array<i32>} : memref<80x128xf32, #tpu.memory_space<vmem>>, vector<16xf32>,
      %get3A_965 = arith.index_cast %add3A_956 : i32 to index
      %get3A_966 = arith.constant 16 : index
      %get3A_967 = tpu.vector_load %arg13[%get3A_965, %get3A_966] {strides = array<i32>} : memref<80x128xf32, #tpu.memory_space<vmem>>, vector<16xf32>,
      %mul3A_968 = vector.broadcast %squeeze3A_952 : f32 to vector<16xf32>
      %mul3A_969 = arith.mulf %get3A_967, %mul3A_968 : vector<16xf32>
      %swap3A_970 = arith.index_cast %add3A_956 : i32 to index
      %swap3A_971 = arith.constant 16 : index
      %swap3A_972 = tpu.vector_load %arg13[%swap3A_970, %swap3A_971] {strides = array<i32>} : memref<80x128xf32, #tpu.memory_space<vmem>>, vector<16xf32>,
      tpu.vector_store %arg13[%swap3A_970, %swap3A_971], %mul3A_969 {strides = array<i32>} : memref<80x128xf32, #tpu.memory_space<vmem>>, vector<16xf32>,
      %get3A_973 = arith.index_cast %add3A_956 : i32 to index
      %get3A_974 = arith.constant 32 : index
      %get3A_975 = tpu.vector_load %arg13[%get3A_973, %get3A_974] {strides = array<i32>} : memref<80x128xf32, #tpu.memory_space<vmem>>, vector<16xf32>,
      %mul3A_976 = vector.broadcast %squeeze3A_952 : f32 to vector<16xf32>
      %mul3A_977 = arith.mulf %get3A_975, %mul3A_976 : vector<16xf32>
      %swap3A_978 = arith.index_cast %add3A_956 : i32 to index
      %swap3A_979 = arith.constant 32 : index
      %swap3A_980 = tpu.vector_load %arg13[%swap3A_978, %swap3A_979] {strides = array<i32>} : memref<80x128xf32, #tpu.memory_space<vmem>>, vector<16xf32>,
      tpu.vector_store %arg13[%swap3A_978, %swap3A_979], %mul3A_977 {strides = array<i32>} : memref<80x128xf32, #tpu.memory_space<vmem>>, vector<16xf32>,
      %get3A_981 = arith.index_cast %add3A_956 : i32 to index
      %get3A_982 = arith.constant 48 : index
      %get3A_983 = tpu.vector_load %arg13[%get3A_981, %get3A_982] {strides = array<i32>} : memref<80x128xf32, #tpu.memory_space<vmem>>, vector<16xf32>,
      %mul3A_984 = vector.broadcast %squeeze3A_952 : f32 to vector<16xf32>
      %mul3A_985 = arith.mulf %get3A_983, %mul3A_984 : vector<16xf32>
      %swap3A_986 = arith.index_cast %add3A_956 : i32 to index
      %swap3A_987 = arith.constant 48 : index
      %swap3A_988 = tpu.vector_load %arg13[%swap3A_986, %swap3A_987] {strides = array<i32>} : memref<80x128xf32, #tpu.memory_space<vmem>>, vector<16xf32>,
      tpu.vector_store %arg13[%swap3A_986, %swap3A_987], %mul3A_985 {strides = array<i32>} : memref<80x128xf32, #tpu.memory_space<vmem>>, vector<16xf32>,
      %get3A_989 = arith.index_cast %add3A_956 : i32 to index
      %get3A_990 = arith.constant 64 : index
      %get3A_991 = tpu.vector_load %arg13[%get3A_989, %get3A_990] {strides = array<i32>} : memref<80x128xf32, #tpu.memory_space<vmem>>, vector<16xf32>,
      %mul3A_992 = vector.broadcast %squeeze3A_952 : f32 to vector<16xf32>
      %mul3A_993 = arith.mulf %get3A_991, %mul3A_992 : vector<16xf32>
      %swap3A_994 = arith.index_cast %add3A_956 : i32 to index
      %swap3A_995 = arith.constant 64 : index
      %swap3A_996 = tpu.vector_load %arg13[%swap3A_994, %swap3A_995] {strides = array<i32>} : memref<80x128xf32, #tpu.memory_space<vmem>>, vector<16xf32>,
      tpu.vector_store %arg13[%swap3A_994, %swap3A_995], %mul3A_993 {strides = array<i32>} : memref<80x128xf32, #tpu.memory_space<vmem>>, vector<16xf32>,
      %get3A_997 = arith.index_cast %add3A_956 : i32 to index
      %get3A_998 = arith.constant 80 : index
      %get3A_999 = tpu.vector_load %arg13[%get3A_997, %get3A_998] {strides = array<i32>} : memref<80x128xf32, #tpu.memory_space<vmem>>, vector<16xf32>,
      %mul3A_1000 = vector.broadcast %squeeze3A_952 : f32 to vector<16xf32>
      %mul3A_1001 = arith.mulf %get3A_999, %mul3A_1000 : vector<16xf32>
      %swap3A_1002 = arith.index_cast %add3A_956 : i32 to index
      %swap3A_1003 = arith.constant 80 : index
      %swap3A_1004 = tpu.vector_load %arg13[%swap3A_1002, %swap3A_1003] {strides = array<i32>} : memref<80x128xf32, #tpu.memory_space<vmem>>, vector<16xf32>,
      tpu.vector_store %arg13[%swap3A_1002, %swap3A_1003], %mul3A_1001 {strides = array<i32>} : memref<80x128xf32, #tpu.memory_space<vmem>>, vector<16xf32>,
      %get3A_1005 = arith.index_cast %add3A_956 : i32 to index
      %get3A_1006 = arith.constant 96 : index
      %get3A_1007 = tpu.vector_load %arg13[%get3A_1005, %get3A_1006] {strides = array<i32>} : memref<80x128xf32, #tpu.memory_space<vmem>>, vector<16xf32>,
      %mul3A_1008 = vector.broadcast %squeeze3A_952 : f32 to vector<16xf32>
      %mul3A_1009 = arith.mulf %get3A_1007, %mul3A_1008 : vector<16xf32>
      %swap3A_1010 = arith.index_cast %add3A_956 : i32 to index
      %swap3A_1011 = arith.constant 96 : index
      %swap3A_1012 = tpu.vector_load %arg13[%swap3A_1010, %swap3A_1011] {strides = array<i32>} : memref<80x128xf32, #tpu.memory_space<vmem>>, vector<16xf32>,
      tpu.vector_store %arg13[%swap3A_1010, %swap3A_1011], %mul3A_1009 {strides = array<i32>} : memref<80x128xf32, #tpu.memory_space<vmem>>, vector<16xf32>,
      %get3A_1013 = arith.index_cast %add3A_956 : i32 to index
      %get3A_1014 = arith.constant 112 : index
      %get3A_1015 = tpu.vector_load %arg13[%get3A_1013, %get3A_1014] {strides = array<i32>} : memref<80x128xf32, #tpu.memory_space<vmem>>, vector<16xf32>,
      %mul3A_1016 = vector.broadcast %squeeze3A_952 : f32 to vector<16xf32>
      %mul3A_1017 = arith.mulf %get3A_1015, %mul3A_1016 : vector<16xf32>
      %swap3A_1018 = arith.index_cast %add3A_956 : i32 to index
      %swap3A_1019 = arith.constant 112 : index
      %swap3A_1020 = tpu.vector_load %arg13[%swap3A_1018, %swap3A_1019] {strides = array<i32>} : memref<80x128xf32, #tpu.memory_space<vmem>>, vector<16xf32>,
      tpu.vector_store %arg13[%swap3A_1018, %swap3A_1019], %mul3A_1017 {strides = array<i32>} : memref<80x128xf32, #tpu.memory_space<vmem>>, vector<16xf32>,
      %slice3A_1021 = vector.extract_strided_slice %get3A_43 {offsets = [14], sizes = [1], strides = [1]} : vector<16xf32> to vector<1xf32>
      %squeeze3A_1022 = vector.extract %slice3A_1021[0] : f32 from vector<1xf32>
      %mul3A_1023 = arith.constant 16 : i32
      %mul3A_1024 = arith.muli %scan3A_37, %mul3A_1023 : i32
      %add3A_1025 = arith.constant 14 : i32
      %add3A_1026 = arith.addi %mul3A_1024, %add3A_1025 : i32
      %get3A_1027 = arith.index_cast %add3A_1026 : i32 to index
      %get3A_1028 = arith.constant 0 : index
      %get3A_1029 = tpu.vector_load %arg13[%get3A_1027, %get3A_1028] {strides = array<i32>} : memref<80x128xf32, #tpu.memory_space<vmem>>, vector<16xf32>,
      %mul3A_1030 = vector.broadcast %squeeze3A_1022 : f32 to vector<16xf32>
      %mul3A_1031 = arith.mulf %get3A_1029, %mul3A_1030 : vector<16xf32>
      %swap3A_1032 = arith.index_cast %add3A_1026 : i32 to index
      %swap3A_1033 = arith.constant 0 : index
      %swap3A_1034 = tpu.vector_load %arg13[%swap3A_1032, %swap3A_1033] {strides = array<i32>} : memref<80x128xf32, #tpu.memory_space<vmem>>, vector<16xf32>,
      tpu.vector_store %arg13[%swap3A_1032, %swap3A_1033], %mul3A_1031 {strides = array<i32>} : memref<80x128xf32, #tpu.memory_space<vmem>>, vector<16xf32>,
      %get3A_1035 = arith.index_cast %add3A_1026 : i32 to index
      %get3A_1036 = arith.constant 16 : index
      %get3A_1037 = tpu.vector_load %arg13[%get3A_1035, %get3A_1036] {strides = array<i32>} : memref<80x128xf32, #tpu.memory_space<vmem>>, vector<16xf32>,
      %mul3A_1038 = vector.broadcast %squeeze3A_1022 : f32 to vector<16xf32>
      %mul3A_1039 = arith.mulf %get3A_1037, %mul3A_1038 : vector<16xf32>
      %swap3A_1040 = arith.index_cast %add3A_1026 : i32 to index
      %swap3A_1041 = arith.constant 16 : index
      %swap3A_1042 = tpu.vector_load %arg13[%swap3A_1040, %swap3A_1041] {strides = array<i32>} : memref<80x128xf32, #tpu.memory_space<vmem>>, vector<16xf32>,
      tpu.vector_store %arg13[%swap3A_1040, %swap3A_1041], %mul3A_1039 {strides = array<i32>} : memref<80x128xf32, #tpu.memory_space<vmem>>, vector<16xf32>,
      %get3A_1043 = arith.index_cast %add3A_1026 : i32 to index
      %get3A_1044 = arith.constant 32 : index
      %get3A_1045 = tpu.vector_load %arg13[%get3A_1043, %get3A_1044] {strides = array<i32>} : memref<80x128xf32, #tpu.memory_space<vmem>>, vector<16xf32>,
      %mul3A_1046 = vector.broadcast %squeeze3A_1022 : f32 to vector<16xf32>
      %mul3A_1047 = arith.mulf %get3A_1045, %mul3A_1046 : vector<16xf32>
      %swap3A_1048 = arith.index_cast %add3A_1026 : i32 to index
      %swap3A_1049 = arith.constant 32 : index
      %swap3A_1050 = tpu.vector_load %arg13[%swap3A_1048, %swap3A_1049] {strides = array<i32>} : memref<80x128xf32, #tpu.memory_space<vmem>>, vector<16xf32>,
      tpu.vector_store %arg13[%swap3A_1048, %swap3A_1049], %mul3A_1047 {strides = array<i32>} : memref<80x128xf32, #tpu.memory_space<vmem>>, vector<16xf32>,
      %get3A_1051 = arith.index_cast %add3A_1026 : i32 to index
      %get3A_1052 = arith.constant 48 : index
      %get3A_1053 = tpu.vector_load %arg13[%get3A_1051, %get3A_1052] {strides = array<i32>} : memref<80x128xf32, #tpu.memory_space<vmem>>, vector<16xf32>,
      %mul3A_1054 = vector.broadcast %squeeze3A_1022 : f32 to vector<16xf32>
      %mul3A_1055 = arith.mulf %get3A_1053, %mul3A_1054 : vector<16xf32>
      %swap3A_1056 = arith.index_cast %add3A_1026 : i32 to index
      %swap3A_1057 = arith.constant 48 : index
      %swap3A_1058 = tpu.vector_load %arg13[%swap3A_1056, %swap3A_1057] {strides = array<i32>} : memref<80x128xf32, #tpu.memory_space<vmem>>, vector<16xf32>,
      tpu.vector_store %arg13[%swap3A_1056, %swap3A_1057], %mul3A_1055 {strides = array<i32>} : memref<80x128xf32, #tpu.memory_space<vmem>>, vector<16xf32>,
      %get3A_1059 = arith.index_cast %add3A_1026 : i32 to index
      %get3A_1060 = arith.constant 64 : index
      %get3A_1061 = tpu.vector_load %arg13[%get3A_1059, %get3A_1060] {strides = array<i32>} : memref<80x128xf32, #tpu.memory_space<vmem>>, vector<16xf32>,
      %mul3A_1062 = vector.broadcast %squeeze3A_1022 : f32 to vector<16xf32>
      %mul3A_1063 = arith.mulf %get3A_1061, %mul3A_1062 : vector<16xf32>
      %swap3A_1064 = arith.index_cast %add3A_1026 : i32 to index
      %swap3A_1065 = arith.constant 64 : index
      %swap3A_1066 = tpu.vector_load %arg13[%swap3A_1064, %swap3A_1065] {strides = array<i32>} : memref<80x128xf32, #tpu.memory_space<vmem>>, vector<16xf32>,
      tpu.vector_store %arg13[%swap3A_1064, %swap3A_1065], %mul3A_1063 {strides = array<i32>} : memref<80x128xf32, #tpu.memory_space<vmem>>, vector<16xf32>,
      %get3A_1067 = arith.index_cast %add3A_1026 : i32 to index
      %get3A_1068 = arith.constant 80 : index
      %get3A_1069 = tpu.vector_load %arg13[%get3A_1067, %get3A_1068] {strides = array<i32>} : memref<80x128xf32, #tpu.memory_space<vmem>>, vector<16xf32>,
      %mul3A_1070 = vector.broadcast %squeeze3A_1022 : f32 to vector<16xf32>
      %mul3A_1071 = arith.mulf %get3A_1069, %mul3A_1070 : vector<16xf32>
      %swap3A_1072 = arith.index_cast %add3A_1026 : i32 to index
      %swap3A_1073 = arith.constant 80 : index
      %swap3A_1074 = tpu.vector_load %arg13[%swap3A_1072, %swap3A_1073] {strides = array<i32>} : memref<80x128xf32, #tpu.memory_space<vmem>>, vector<16xf32>,
      tpu.vector_store %arg13[%swap3A_1072, %swap3A_1073], %mul3A_1071 {strides = array<i32>} : memref<80x128xf32, #tpu.memory_space<vmem>>, vector<16xf32>,
      %get3A_1075 = arith.index_cast %add3A_1026 : i32 to index
      %get3A_1076 = arith.constant 96 : index
      %get3A_1077 = tpu.vector_load %arg13[%get3A_1075, %get3A_1076] {strides = array<i32>} : memref<80x128xf32, #tpu.memory_space<vmem>>, vector<16xf32>,
      %mul3A_1078 = vector.broadcast %squeeze3A_1022 : f32 to vector<16xf32>
      %mul3A_1079 = arith.mulf %get3A_1077, %mul3A_1078 : vector<16xf32>
      %swap3A_1080 = arith.index_cast %add3A_1026 : i32 to index
      %swap3A_1081 = arith.constant 96 : index
      %swap3A_1082 = tpu.vector_load %arg13[%swap3A_1080, %swap3A_1081] {strides = array<i32>} : memref<80x128xf32, #tpu.memory_space<vmem>>, vector<16xf32>,
      tpu.vector_store %arg13[%swap3A_1080, %swap3A_1081], %mul3A_1079 {strides = array<i32>} : memref<80x128xf32, #tpu.memory_space<vmem>>, vector<16xf32>,
      %get3A_1083 = arith.index_cast %add3A_1026 : i32 to index
      %get3A_1084 = arith.constant 112 : index
      %get3A_1085 = tpu.vector_load %arg13[%get3A_1083, %get3A_1084] {strides = array<i32>} : memref<80x128xf32, #tpu.memory_space<vmem>>, vector<16xf32>,
      %mul3A_1086 = vector.broadcast %squeeze3A_1022 : f32 to vector<16xf32>
      %mul3A_1087 = arith.mulf %get3A_1085, %mul3A_1086 : vector<16xf32>
      %swap3A_1088 = arith.index_cast %add3A_1026 : i32 to index
      %swap3A_1089 = arith.constant 112 : index
      %swap3A_1090 = tpu.vector_load %arg13[%swap3A_1088, %swap3A_1089] {strides = array<i32>} : memref<80x128xf32, #tpu.memory_space<vmem>>, vector<16xf32>,
      tpu.vector_store %arg13[%swap3A_1088, %swap3A_1089], %mul3A_1087 {strides = array<i32>} : memref<80x128xf32, #tpu.memory_space<vmem>>, vector<16xf32>,
      %slice3A_1091 = vector.extract_strided_slice %get3A_43 {offsets = [15], sizes = [1], strides = [1]} : vector<16xf32> to vector<1xf32>
      %squeeze3A_1092 = vector.extract %slice3A_1091[0] : f32 from vector<1xf32>
      %mul3A_1093 = arith.constant 16 : i32
      %mul3A_1094 = arith.muli %scan3A_37, %mul3A_1093 : i32
      %add3A_1095 = arith.constant 15 : i32
      %add3A_1096 = arith.addi %mul3A_1094, %add3A_1095 : i32
      %get3A_1097 = arith.index_cast %add3A_1096 : i32 to index
      %get3A_1098 = arith.constant 0 : index
      %get3A_1099 = tpu.vector_load %arg13[%get3A_1097, %get3A_1098] {strides = array<i32>} : memref<80x128xf32, #tpu.memory_space<vmem>>, vector<16xf32>,
      %mul3A_1100 = vector.broadcast %squeeze3A_1092 : f32 to vector<16xf32>
      %mul3A_1101 = arith.mulf %get3A_1099, %mul3A_1100 : vector<16xf32>
      %swap3A_1102 = arith.index_cast %add3A_1096 : i32 to index
      %swap3A_1103 = arith.constant 0 : index
      %swap3A_1104 = tpu.vector_load %arg13[%swap3A_1102, %swap3A_1103] {strides = array<i32>} : memref<80x128xf32, #tpu.memory_space<vmem>>, vector<16xf32>,
      tpu.vector_store %arg13[%swap3A_1102, %swap3A_1103], %mul3A_1101 {strides = array<i32>} : memref<80x128xf32, #tpu.memory_space<vmem>>, vector<16xf32>,
      %get3A_1105 = arith.index_cast %add3A_1096 : i32 to index
      %get3A_1106 = arith.constant 16 : index
      %get3A_1107 = tpu.vector_load %arg13[%get3A_1105, %get3A_1106] {strides = array<i32>} : memref<80x128xf32, #tpu.memory_space<vmem>>, vector<16xf32>,
      %mul3A_1108 = vector.broadcast %squeeze3A_1092 : f32 to vector<16xf32>
      %mul3A_1109 = arith.mulf %get3A_1107, %mul3A_1108 : vector<16xf32>
      %swap3A_1110 = arith.index_cast %add3A_1096 : i32 to index
      %swap3A_1111 = arith.constant 16 : index
      %swap3A_1112 = tpu.vector_load %arg13[%swap3A_1110, %swap3A_1111] {strides = array<i32>} : memref<80x128xf32, #tpu.memory_space<vmem>>, vector<16xf32>,
      tpu.vector_store %arg13[%swap3A_1110, %swap3A_1111], %mul3A_1109 {strides = array<i32>} : memref<80x128xf32, #tpu.memory_space<vmem>>, vector<16xf32>,
      %get3A_1113 = arith.index_cast %add3A_1096 : i32 to index
      %get3A_1114 = arith.constant 32 : index
      %get3A_1115 = tpu.vector_load %arg13[%get3A_1113, %get3A_1114] {strides = array<i32>} : memref<80x128xf32, #tpu.memory_space<vmem>>, vector<16xf32>,
      %mul3A_1116 = vector.broadcast %squeeze3A_1092 : f32 to vector<16xf32>
      %mul3A_1117 = arith.mulf %get3A_1115, %mul3A_1116 : vector<16xf32>
      %swap3A_1118 = arith.index_cast %add3A_1096 : i32 to index
      %swap3A_1119 = arith.constant 32 : index
      %swap3A_1120 = tpu.vector_load %arg13[%swap3A_1118, %swap3A_1119] {strides = array<i32>} : memref<80x128xf32, #tpu.memory_space<vmem>>, vector<16xf32>,
      tpu.vector_store %arg13[%swap3A_1118, %swap3A_1119], %mul3A_1117 {strides = array<i32>} : memref<80x128xf32, #tpu.memory_space<vmem>>, vector<16xf32>,
      %get3A_1121 = arith.index_cast %add3A_1096 : i32 to index
      %get3A_1122 = arith.constant 48 : index
      %get3A_1123 = tpu.vector_load %arg13[%get3A_1121, %get3A_1122] {strides = array<i32>} : memref<80x128xf32, #tpu.memory_space<vmem>>, vector<16xf32>,
      %mul3A_1124 = vector.broadcast %squeeze3A_1092 : f32 to vector<16xf32>
      %mul3A_1125 = arith.mulf %get3A_1123, %mul3A_1124 : vector<16xf32>
      %swap3A_1126 = arith.index_cast %add3A_1096 : i32 to index
      %swap3A_1127 = arith.constant 48 : index
      %swap3A_1128 = tpu.vector_load %arg13[%swap3A_1126, %swap3A_1127] {strides = array<i32>} : memref<80x128xf32, #tpu.memory_space<vmem>>, vector<16xf32>,
      tpu.vector_store %arg13[%swap3A_1126, %swap3A_1127], %mul3A_1125 {strides = array<i32>} : memref<80x128xf32, #tpu.memory_space<vmem>>, vector<16xf32>,
      %get3A_1129 = arith.index_cast %add3A_1096 : i32 to index
      %get3A_1130 = arith.constant 64 : index
      %get3A_1131 = tpu.vector_load %arg13[%get3A_1129, %get3A_1130] {strides = array<i32>} : memref<80x128xf32, #tpu.memory_space<vmem>>, vector<16xf32>,
      %mul3A_1132 = vector.broadcast %squeeze3A_1092 : f32 to vector<16xf32>
      %mul3A_1133 = arith.mulf %get3A_1131, %mul3A_1132 : vector<16xf32>
      %swap3A_1134 = arith.index_cast %add3A_1096 : i32 to index
      %swap3A_1135 = arith.constant 64 : index
      %swap3A_1136 = tpu.vector_load %arg13[%swap3A_1134, %swap3A_1135] {strides = array<i32>} : memref<80x128xf32, #tpu.memory_space<vmem>>, vector<16xf32>,
      tpu.vector_store %arg13[%swap3A_1134, %swap3A_1135], %mul3A_1133 {strides = array<i32>} : memref<80x128xf32, #tpu.memory_space<vmem>>, vector<16xf32>,
      %get3A_1137 = arith.index_cast %add3A_1096 : i32 to index
      %get3A_1138 = arith.constant 80 : index
      %get3A_1139 = tpu.vector_load %arg13[%get3A_1137, %get3A_1138] {strides = array<i32>} : memref<80x128xf32, #tpu.memory_space<vmem>>, vector<16xf32>,
      %mul3A_1140 = vector.broadcast %squeeze3A_1092 : f32 to vector<16xf32>
      %mul3A_1141 = arith.mulf %get3A_1139, %mul3A_1140 : vector<16xf32>
      %swap3A_1142 = arith.index_cast %add3A_1096 : i32 to index
      %swap3A_1143 = arith.constant 80 : index
      %swap3A_1144 = tpu.vector_load %arg13[%swap3A_1142, %swap3A_1143] {strides = array<i32>} : memref<80x128xf32, #tpu.memory_space<vmem>>, vector<16xf32>,
      tpu.vector_store %arg13[%swap3A_1142, %swap3A_1143], %mul3A_1141 {strides = array<i32>} : memref<80x128xf32, #tpu.memory_space<vmem>>, vector<16xf32>,
      %get3A_1145 = arith.index_cast %add3A_1096 : i32 to index
      %get3A_1146 = arith.constant 96 : index
      %get3A_1147 = tpu.vector_load %arg13[%get3A_1145, %get3A_1146] {strides = array<i32>} : memref<80x128xf32, #tpu.memory_space<vmem>>, vector<16xf32>,
      %mul3A_1148 = vector.broadcast %squeeze3A_1092 : f32 to vector<16xf32>
      %mul3A_1149 = arith.mulf %get3A_1147, %mul3A_1148 : vector<16xf32>
      %swap3A_1150 = arith.index_cast %add3A_1096 : i32 to index
      %swap3A_1151 = arith.constant 96 : index
      %swap3A_1152 = tpu.vector_load %arg13[%swap3A_1150, %swap3A_1151] {strides = array<i32>} : memref<80x128xf32, #tpu.memory_space<vmem>>, vector<16xf32>,
      tpu.vector_store %arg13[%swap3A_1150, %swap3A_1151], %mul3A_1149 {strides = array<i32>} : memref<80x128xf32, #tpu.memory_space<vmem>>, vector<16xf32>,
      %get3A_1153 = arith.index_cast %add3A_1096 : i32 to index
      %get3A_1154 = arith.constant 112 : index
      %get3A_1155 = tpu.vector_load %arg13[%get3A_1153, %get3A_1154] {strides = array<i32>} : memref<80x128xf32, #tpu.memory_space<vmem>>, vector<16xf32>,
      %mul3A_1156 = vector.broadcast %squeeze3A_1092 : f32 to vector<16xf32>
      %mul3A_1157 = arith.mulf %get3A_1155, %mul3A_1156 : vector<16xf32>
      %swap3A_1158 = arith.index_cast %add3A_1096 : i32 to index
      %swap3A_1159 = arith.constant 112 : index
      %swap3A_1160 = tpu.vector_load %arg13[%swap3A_1158, %swap3A_1159] {strides = array<i32>} : memref<80x128xf32, #tpu.memory_space<vmem>>, vector<16xf32>,
      tpu.vector_store %arg13[%swap3A_1158, %swap3A_1159], %mul3A_1157 {strides = array<i32>} : memref<80x128xf32, #tpu.memory_space<vmem>>, vector<16xf32>,
      %scan3A_1161 = arith.constant 0 : i32
      scf.yield %scan3A_1161 : i32
    }
    %scan3A_28 = arith.constant 5 : i32
    %dma_wait3A_29 = arith.constant 0 : i32
    %dma_wait3A_30 = arith.constant 0 : i32
    %dma_wait3A_31 = tpu.memref_slice %arg4[%add3A, %dma_wait3A_29, %dma_wait3A_30] : memref<32x125x80xi32, #tpu.memory_space<hbm>> -> memref<1x1x80xi32, #tpu.memory_space<hbm>>
    %dma_wait3A_32 = tpu.memref_squeeze %dma_wait3A_31 : memref<1x1x80xi32, #tpu.memory_space<hbm>> -> memref<80xi32, #tpu.memory_space<hbm>>
    %dma_wait3A_33 = arith.constant 0 : i32
    %dma_wait3A_34 = tpu.memref_slice %arg4[%add3A, %dma_wait3A_29, %dma_wait3A_33] : memref<32x125x80xi32, #tpu.memory_space<hbm>> -> memref<1x1x80xi32, #tpu.memory_space<hbm>>
    %dma_wait3A_35 = tpu.memref_squeeze %dma_wait3A_34 : memref<1x1x80xi32, #tpu.memory_space<hbm>> -> memref<80xi32, #tpu.memory_space<hbm>>
    tpu.wait_dma2 semaphore(%arg17 : memref<!tpu.dma_semaphore, #tpu.memory_space<semaphore_mem>>) src(%dma_wait3A_35 : memref<80xi32, #tpu.memory_space<hbm>>) dst(%arg11 : memref<80xi32, #tpu.memory_space<vmem>>)
    "tpu.region"() ({
      %run_scoped3A = tpu.sem_alloc : memref<!tpu.dma_semaphore, #tpu.memory_space<semaphore_mem>>
      %dma_start3A_37 = arith.constant 0 : i32
      %dma_start3A_38 = arith.constant 0 : i32
      %dma_start3A_39 = tpu.memref_slice %arg8[%dma_start3A_37, %dma_start3A_38] : memref<10112x128xf32, #tpu.memory_space<vmem_shared>> -> memref<10112x128xf32, #tpu.memory_space<vmem_shared>>
      tpu.enqueue_indirect_dma source(%arg13 : memref<80x128xf32, #tpu.memory_space<vmem>>) target(%dma_start3A_39 : memref<10112x128xf32, #tpu.memory_space<vmem_shared>>) offsets(%arg11 : memref<80xi32, #tpu.memory_space<vmem>>) semaphore(%run_scoped3A : memref<!tpu.dma_semaphore, #tpu.memory_space<semaphore_mem>>) {add = true}
      %dma_wait3A_40 = arith.constant 0 : i32
      %dma_wait3A_41 = arith.constant 0 : i32
      %dma_wait3A_42 = tpu.memref_slice %arg8[%dma_wait3A_40, %dma_wait3A_41] : memref<10112x128xf32, #tpu.memory_space<vmem_shared>> -> memref<10112x128xf32, #tpu.memory_space<vmem_shared>>
      tpu.wait_indirect_dma semaphore(%run_scoped3A : memref<!tpu.dma_semaphore, #tpu.memory_space<semaphore_mem>>) src(%arg13 : memref<80x128xf32, #tpu.memory_space<vmem>>) dst(%dma_wait3A_42 : memref<10112x128xf32, #tpu.memory_space<vmem_shared>>)
      tpu.yield
    }) : () -> ()
    %barrier3A_36 = arith.constant 0 : index
    tpu.barrier barrier_id(%barrier3A_36)
    "tpu.region"() ({
      %run_scoped3A = tpu.sem_alloc : memref<!tpu.dma_semaphore, #tpu.memory_space<semaphore_mem>>
      %dma_start3A_37 = arith.constant 0 : i32
      %dma_start3A_38 = tpu.memref_slice %arg7[%arg0, %mul3A_2, %dma_start3A_37] : memref<2x10112x128xf32, #tpu.memory_space<hbm>> -> memref<1x632x128xf32, #tpu.memory_space<hbm>>
      %dma_start3A_39 = tpu.memref_squeeze %dma_start3A_38 : memref<1x632x128xf32, #tpu.memory_space<hbm>> -> memref<632x128xf32, #tpu.memory_space<hbm>>
      %dma_start3A_40 = arith.constant 0 : i32
      %dma_start3A_41 = tpu.memref_slice %arg8[%mul3A_2, %dma_start3A_40] : memref<10112x128xf32, #tpu.memory_space<vmem_shared>> -> memref<632x128xf32, #tpu.memory_space<vmem_shared>>
      tpu.enqueue_dma source(%dma_start3A_41 : memref<632x128xf32, #tpu.memory_space<vmem_shared>>) target(%dma_start3A_39 : memref<632x128xf32, #tpu.memory_space<hbm>>) target_semaphore(%run_scoped3A : memref<!tpu.dma_semaphore, #tpu.memory_space<semaphore_mem>>)
      %dma_wait3A_42 = arith.constant 0 : i32
      %dma_wait3A_43 = tpu.memref_slice %arg7[%arg0, %mul3A_2, %dma_wait3A_42] : memref<2x10112x128xf32, #tpu.memory_space<hbm>> -> memref<1x632x128xf32, #tpu.memory_space<hbm>>
      %dma_wait3A_44 = tpu.memref_squeeze %dma_wait3A_43 : memref<1x632x128xf32, #tpu.memory_space<hbm>> -> memref<632x128xf32, #tpu.memory_space<hbm>>
      %dma_wait3A_45 = arith.constant 0 : i32
      %dma_wait3A_46 = tpu.memref_slice %arg8[%mul3A_2, %dma_wait3A_45] : memref<10112x128xf32, #tpu.memory_space<vmem_shared>> -> memref<632x128xf32, #tpu.memory_space<vmem_shared>>
      tpu.wait_dma2 semaphore(%run_scoped3A : memref<!tpu.dma_semaphore, #tpu.memory_space<semaphore_mem>>) src(%dma_wait3A_46 : memref<632x128xf32, #tpu.memory_space<vmem_shared>>) dst(%dma_wait3A_44 : memref<632x128xf32, #tpu.memory_space<hbm>>)
      tpu.yield
    }) : () -> ()
    return
  }
}

module attributes {stable_mosaic.version = 14 : i64} {
  func.func @body(%arg0: i32, %arg1: memref<2000x128xf32, #tpu.memory_space<vmem>>, %arg2: memref<2x2000x128xf32, #tpu.memory_space<vmem>>, %arg3: memref<128x128xf32, #tpu.memory_space<vmem>>, %arg4: memref<1x128xf32, #tpu.memory_space<vmem>>, %arg5: memref<128x128xf32, #tpu.memory_space<vmem>>, %arg6: memref<1x128xf32, #tpu.memory_space<vmem>>, %arg7: memref<2000x128xf32, #tpu.memory_space<vmem>>) attributes {dimension_semantics = [#tpu.dimension_semantics<arbitrary>], iteration_bounds = array<i64: 5>, scalar_prefetch = 0 : i64, scratch_operands = 0 : i64, tpu.core_type = #tpu.core_type<tc>, window_params = [{transform_indices = @transform_0, window_bounds = array<i64: 2000, 128>}, {transform_indices = @transform_1, window_bounds = array<i64: 2, 2000, 128>}, {pipeline_mode = #tpu.pipeline_mode<synchronous>, transform_indices = @transform_2, window_bounds = array<i64: 128, 128>}, {pipeline_mode = #tpu.pipeline_mode<synchronous>, transform_indices = @transform_3, window_bounds = array<i64: 1, 128>}, {pipeline_mode = #tpu.pipeline_mode<synchronous>, transform_indices = @transform_4, window_bounds = array<i64: 128, 128>}, {pipeline_mode = #tpu.pipeline_mode<synchronous>, transform_indices = @transform_5, window_bounds = array<i64: 1, 128>}, {transform_indices = @transform_6, window_bounds = array<i64: 2000, 128>}]} {
    %get3A = arith.constant 0 : index
    %get3A_0 = arith.constant 0 : index
    %get3A_1 = vector.load %arg1[%get3A, %get3A_0] : memref<2000x128xf32, #tpu.memory_space<vmem>>, vector<2000x128xf32>
    %get3A_2 = arith.constant 0 : index
    %get3A_3 = arith.constant 0 : index
    %get3A_4 = arith.constant 0 : index
    %get3A_5 = vector.load %arg2[%get3A_2, %get3A_3, %get3A_4] : memref<2x2000x128xf32, #tpu.memory_space<vmem>>, vector<1x2000x128xf32>
    %get3A_6 = vector.shape_cast %get3A_5 : vector<1x2000x128xf32> to vector<2000x128xf32>
    %get3A_7 = arith.constant 1 : index
    %get3A_8 = arith.constant 0 : index
    %get3A_9 = arith.constant 0 : index
    %get3A_10 = vector.load %arg2[%get3A_7, %get3A_8, %get3A_9] : memref<2x2000x128xf32, #tpu.memory_space<vmem>>, vector<1x2000x128xf32>
    %get3A_11 = vector.shape_cast %get3A_10 : vector<1x2000x128xf32> to vector<2000x128xf32>
    %add3A = arith.addf %get3A_6, %get3A_11 : vector<2000x128xf32>
    %get3A_12 = arith.constant 0 : index
    %get3A_13 = arith.constant 0 : index
    %get3A_14 = vector.load %arg3[%get3A_12, %get3A_13] : memref<128x128xf32, #tpu.memory_space<vmem>>, vector<128x128xf32>
    %get3A_15 = arith.constant 0 : index
    %get3A_16 = arith.constant 0 : index
    %get3A_17 = vector.load %arg5[%get3A_15, %get3A_16] : memref<128x128xf32, #tpu.memory_space<vmem>>, vector<128x128xf32>
    %get3A_18 = arith.constant 0 : index
    %get3A_19 = arith.constant 0 : index
    %get3A_20 = vector.load %arg4[%get3A_18, %get3A_19] : memref<1x128xf32, #tpu.memory_space<vmem>>, vector<1x128xf32>
    %get3A_21 = arith.constant 0 : index
    %get3A_22 = arith.constant 0 : index
    %get3A_23 = vector.load %arg6[%get3A_21, %get3A_22] : memref<1x128xf32, #tpu.memory_space<vmem>>, vector<1x128xf32>
    %dot_general3A = arith.constant dense<0.000000e+00> : vector<2000x128xf32>
    %dot_general3A_24 = tpu.matmul %get3A_1, %get3A_14, %dot_general3A {dimension_numbers = #tpu.dot_dimension_numbers<[1], [1], [0], [0], [0, 0, 1, 0], [], []>, transpose_lhs_hint = false} : vector<2000x128xf32>, vector<128x128xf32>, vector<2000x128xf32> -> vector<2000x128xf32>
    %add3A_25 = vector.broadcast %get3A_20 : vector<1x128xf32> to vector<2000x128xf32>
    %add3A_26 = arith.addf %dot_general3A_24, %add3A_25 : vector<2000x128xf32>
    %dot_general3A_27 = arith.constant dense<0.000000e+00> : vector<2000x128xf32>
    %dot_general3A_28 = tpu.matmul %add3A, %get3A_17, %dot_general3A_27 {dimension_numbers = #tpu.dot_dimension_numbers<[1], [1], [0], [0], [0, 0, 1, 0], [], []>, transpose_lhs_hint = false} : vector<2000x128xf32>, vector<128x128xf32>, vector<2000x128xf32> -> vector<2000x128xf32>
    %add3A_29 = vector.broadcast %get3A_23 : vector<1x128xf32> to vector<2000x128xf32>
    %add3A_30 = arith.addf %dot_general3A_28, %add3A_29 : vector<2000x128xf32>
    %mul3A = arith.mulf %add3A_30, %get3A_1 : vector<2000x128xf32>
    %dot_general3A_31 = arith.constant dense<0.000000e+00> : vector<2000x128xf32>
    %dot_general3A_32 = tpu.matmul %mul3A, %get3A_17, %dot_general3A_31 {dimension_numbers = #tpu.dot_dimension_numbers<[1], [1], [0], [0], [0, 0, 1, 0], [], []>, transpose_lhs_hint = false} : vector<2000x128xf32>, vector<128x128xf32>, vector<2000x128xf32> -> vector<2000x128xf32>
    %add3A_33 = vector.broadcast %get3A_23 : vector<1x128xf32> to vector<2000x128xf32>
    %add3A_34 = arith.addf %dot_general3A_32, %add3A_33 : vector<2000x128xf32>
    %add3A_35 = arith.addf %add3A_26, %add3A_30 : vector<2000x128xf32>
    %add3A_36 = arith.addf %add3A_35, %add3A_34 : vector<2000x128xf32>
    %ge3A = arith.constant 0.000000e+00 : f32
    %ge3A_37 = vector.broadcast %ge3A : f32 to vector<2000x128xf32>
    %ge3A_38 = arith.cmpf oge, %add3A_36, %ge3A_37 : vector<2000x128xf32>
    %mul3A_39 = arith.constant 2.000000e-01 : f32
    %mul3A_40 = vector.broadcast %mul3A_39 : f32 to vector<2000x128xf32>
    %mul3A_41 = arith.mulf %mul3A_40, %add3A_36 : vector<2000x128xf32>
    %select_n3A = arith.select %ge3A_38, %add3A_36, %mul3A_41 : vector<2000x128xi1>, vector<2000x128xf32>
    %swap3A = arith.constant 0 : index
    %swap3A_42 = arith.constant 0 : index
    %swap3A_43 = vector.load %arg7[%swap3A, %swap3A_42] : memref<2000x128xf32, #tpu.memory_space<vmem>>, vector<2000x128xf32>
    tpu.vector_store %arg7[%swap3A, %swap3A_42], %select_n3A {strides = array<i32>} : memref<2000x128xf32, #tpu.memory_space<vmem>>, vector<2000x128xf32>,
    return
  }
  func.func @transform_0(%arg0: i32) -> (i32, i32) {
    %c0_i32 = arith.constant 0 : i32
    %c0_i32_0 = arith.constant 0 : i32
    return %arg0, %c0_i32 : i32, i32
  }
  func.func @transform_1(%arg0: i32) -> (i32, i32, i32) {
    %c0_i32 = arith.constant 0 : i32
    %c0_i32_0 = arith.constant 0 : i32
    %c0_i32_1 = arith.constant 0 : i32
    return %c0_i32, %arg0, %c0_i32_0 : i32, i32, i32
  }
  func.func @transform_2(%arg0: i32) -> (i32, i32) {
    %c0_i32 = arith.constant 0 : i32
    %c0_i32_0 = arith.constant 0 : i32
    %c0_i32_1 = arith.constant 0 : i32
    return %c0_i32, %c0_i32_0 : i32, i32
  }
  func.func @transform_3(%arg0: i32) -> (i32, i32) {
    %c0_i32 = arith.constant 0 : i32
    %c0_i32_0 = arith.constant 0 : i32
    %c0_i32_1 = arith.constant 0 : i32
    return %c0_i32, %c0_i32_0 : i32, i32
  }
  func.func @transform_4(%arg0: i32) -> (i32, i32) {
    %c0_i32 = arith.constant 0 : i32
    %c0_i32_0 = arith.constant 0 : i32
    %c0_i32_1 = arith.constant 0 : i32
    return %c0_i32, %c0_i32_0 : i32, i32
  }
  func.func @transform_5(%arg0: i32) -> (i32, i32) {
    %c0_i32 = arith.constant 0 : i32
    %c0_i32_0 = arith.constant 0 : i32
    %c0_i32_1 = arith.constant 0 : i32
    return %c0_i32, %c0_i32_0 : i32, i32
  }
  func.func @transform_6(%arg0: i32) -> (i32, i32) {
    %c0_i32 = arith.constant 0 : i32
    %c0_i32_0 = arith.constant 0 : i32
    return %arg0, %c0_i32 : i32, i32
  }
}

</mosaic_0001>

<sc_bundles>
// kernel: kernel.4.cloned.1.call-start
scs
__scs_entry_jumppad:
0x0: {  	(pc) =	sbr.rel $0x88, $3  }
0x1: {  	(tag) =	ssettag $0x0;
	lr =	simm.s32 $0x1  }
0x2: {  	[smem:$0x3F9A] =	sst lr;
	_ =	strace $0xD0000000  }
0x3: {  	_ = 	snop  }
0x4: {  	_ = 	snop  }
0x5: {  	_ = 	snop  }
0x6: {  	_ = 	snop  }
0x7: {  	_ = 	snop  }
__scs_overlays_trampoline_lowered:
0x8: {  	[smem:$0x3FA9] =	sst s0  }
0x9: {  	[smem:$0x3FAA] =	sst s1  }
0xa: {  	[smem:$0x3FAB] =	sst s2  }
0xb: {  	[smem:$0x3FAC] =	sst s3  }
0xc: {  	[smem:$0x3FAD] =	sst s4  }
0xd: {  	[smem:$0x3FAE] =	sst s5  }
0xe: {  	[smem:$0x3FAF] =	sst s6  }
0xf: {  	[smem:$0x3FB0] =	sst s7  }
0x10: {  	[smem:$0x3FB1] =	sst s8  }
0x11: {  	[smem:$0x3FB2] =	sst s9;
	s0 =	simm.s32 @!p0 $0x0  }
0x12: {  	s1 =	sld [smem:$0x3F98];
	s0 =	simm.s32 @p0 $0x1  }
0x13: {  	[smem:$0x3FB3] =	sst s0;
	s0 =	simm.s32 @!p1 $0x0  }
0x14: {  	s2 =	sld [smem:$0x3F97];
	s0 =	simm.s32 @p1 $0x1  }
0x15: {  	[smem:$0x3FB4] =	sst s0;
	s0 =	simm.s32 @!p2 $0x0  }
0x16: {  	s3 =	sld [smem:$0x3FDB];
	s0 =	simm.s32 @p2 $0x1  }
0x17: {  	s4 =	simm.s32 $0x1BF5;
	[smem:$0x3FB6] =	sst s0  }
0x18: {  	s0 =	sld [smem:$0x3F99];
	_ =	swait.ge [sflag:s4], $0x0  }
0x19: {  	s7 =	sld [smem:$0x3F9A]  }
0x1a: {  	s8 =	sadd.s32 $0xFFFFE003, lr  }
0x1b: {  	s9 =	sadd.s32 $0xFFFFFEF7, lr;
	s5 =	simm.s32 $0xFFFFFFFF;
	p2 =	slt.u32 s8, $0xFFFFF086  }
0x1c: {  	p1 =	slt.u32 s9, $0xF7A;
	s5 =	simm.s32 @!p2 $0x0  }
0x1d: {  	s5 =	simm.s32 @p1 $0x1;
	p0 =	seq.s32 s7, s2  }
0x1e: {  	s7 =	smul.u32 @!p0 $0xF7A, s2;
	p2 =	seq.s32 @!p0 s5, $0x0  }
0x1f: {  	s9 =	smul.u32 $0xF7A, s1;
	s8 =	simm.s32 @!p0 $0x1BF5;
	p2 =	por !p2, p0  }
0x20: {  	[sflag:s8] =	ssyncset.s32 @!p0 $0xFFFFF086;
	s6 =	sadd.s32 @!p0 s3, s7;
	s7 =	simm.s32 @!p0 $0x108  }
0x21: {  	s3 =	sadd.s32 s3, s9;
	s6 =	sadd.s32 @!p0 $0x88, s6;
	s7 =	simm.s32 @p2 $0x1082  }
0x22: {  	[simem:s7], [sflag:s8] =	dma.local @!p0 [hbm:s6], $0xF7A  }
0x23: {  	s9 =	sor.u32 $0xD0000000, s2;
	s6 =	simm.s32 $0x108;
	_ =	swait.ge @!p0 [sflag:s8], $0x0  }
0x24: {  	s3 =	sadd.s32 $0x88, s3;
	s6 =	simm.s32 @!p1 $0x1082;
	[sflag:s4] =	ssyncset.s32 $0xFFFFF086  }
0x25: {  	[simem:s6], [sflag:s4] =	dma.local [hbm:s3], $0xF7A  }
0x26: {  	[smem:$0x3F9A] =	sst s1;
	(tag) =	ssettag s2;
	_ =	strace s9  }
0x27: {  	s1 =	sld [smem:$0x3FAA]  }
0x28: {  	s2 =	sld [smem:$0x3FAB]  }
0x29: {  	s4 =	sld [smem:$0x3FAD]  }
0x2a: {  	p0 =	seq.s32 s5, $0x0;
	s5 =	sld [smem:$0x3FAE]  }
0x2b: {  	s6 =	sld [smem:$0x3FAF]  }
0x2c: {  	s7 =	sld [smem:$0x3FB0]  }
0x2d: {  	s3 =	simm.s32 $0x108;
	s8 =	sld [smem:$0x3FB1]  }
0x2e: {  	s3 =	simm.s32 @!p0 $0x1082;
	s9 =	sld [smem:$0x3FB2]  }
0x2f: {  	lr =	sadd.s32 s0, s3;
	s0 =	sld [smem:$0x3FA9]  }
0x30: {  	s3 =	sld [smem:$0x3FAC]  }
0x31: {  	[smem:$0x3FB5] =	sst s10  }
0x32: {  	s10 =	sld [smem:$0x3FB3];
	_ =	sdelay $0x3  }
0x33: {  	p0 =	seq.s32 s10, $0x1;
	s10 =	sld [smem:$0x3FB5];
	_ =	sdelay $0x3  }
0x34: {  	[smem:$0x3FB5] =	sst s10  }
0x35: {  	s10 =	sld [smem:$0x3FB4];
	_ =	sdelay $0x3  }
0x36: {  	p1 =	seq.s32 s10, $0x1;
	s10 =	sld [smem:$0x3FB5];
	_ =	sdelay $0x3  }
0x37: {  	[smem:$0x3FB5] =	sst s10  }
0x38: {  	s10 =	sld [smem:$0x3FB6]  }
0x39: {  	_ = 	snop;
	(pc) =	sbr.ind lr, $3  }
0x3a: {  	_ = 	snop  }
0x3b: {  	_ = 	snop  }
0x3c: {  	p2 =	seq.s32 s10, $0x1;
	s10 =	sld [smem:$0x3FB5]  }
0x3d: {  	_ =	shalt  }
0x3e: {  	_ =	shalt  }
0x3f: {  	_ =	shalt  }
0x40: {  	_ =	shalt  }
0x41: {  	_ =	shalt  }
0x42: {  	_ =	shalt  }
0x43: {  	_ =	shalt  }
0x44: {  	_ =	shalt  }
0x45: {  	_ =	shalt  }
0x46: {  	_ =	shalt  }
0x47: {  	_ =	shalt  }
0x48: {  	_ =	shalt  }
0x49: {  	_ =	shalt  }
0x4a: {  	_ =	shalt  }
0x4b: {  	_ =	shalt  }
0x4c: {  	_ =	shalt  }
0x4d: {  	_ =	shalt  }
0x4e: {  	_ =	shalt  }
0x4f: {  	_ =	shalt  }
0x50: {  	_ =	shalt  }
0x51: {  	_ =	shalt  }
0x52: {  	_ =	shalt  }
0x53: {  	_ =	shalt  }
0x54: {  	_ =	shalt  }
0x55: {  	_ =	shalt  }
0x56: {  	_ =	shalt  }
0x57: {  	_ =	shalt  }
0x58: {  	_ =	shalt  }
0x59: {  	_ =	shalt  }
0x5a: {  	_ =	shalt  }
0x5b: {  	_ =	shalt  }
0x5c: {  	_ =	shalt  }
0x5d: {  	_ =	shalt  }
0x5e: {  	_ =	shalt  }
0x5f: {  	_ =	shalt  }
0x60: {  	_ =	shalt  }
0x61: {  	_ =	shalt  }
0x62: {  	_ =	shalt  }
0x63: {  	_ =	shalt  }
0x64: {  	_ =	shalt  }
0x65: {  	_ =	shalt  }
0x66: {  	_ =	shalt  }
0x67: {  	_ =	shalt  }
0x68: {  	_ =	shalt  }
0x69: {  	_ =	shalt  }
0x6a: {  	_ =	shalt  }
0x6b: {  	_ =	shalt  }
0x6c: {  	_ =	shalt  }
0x6d: {  	_ =	shalt  }
0x6e: {  	_ =	shalt  }
0x6f: {  	_ =	shalt  }
0x70: {  	_ =	shalt  }
0x71: {  	_ =	shalt  }
0x72: {  	_ =	shalt  }
0x73: {  	_ =	shalt  }
0x74: {  	_ =	shalt  }
0x75: {  	_ =	shalt  }
0x76: {  	_ =	shalt  }
0x77: {  	_ =	shalt  }
0x78: {  	_ =	shalt  }
0x79: {  	_ =	shalt  }
0x7a: {  	_ =	shalt  }
0x7b: {  	_ =	shalt  }
0x7c: {  	_ =	shalt  }
0x7d: {  	_ =	shalt  }
0x7e: {  	_ =	shalt  }
0x7f: {  	_ =	shalt  }
0x80: {  	_ =	shalt  }
0x81: {  	_ =	shalt  }
0x82: {  	_ =	shalt  }
0x83: {  	_ =	shalt  }
0x84: {  	_ =	shalt  }
0x85: {  	_ =	shalt  }
0x86: {  	_ =	shalt  }
0x87: {  	_ =	shalt  }
.Lfunc_end0:
.L_simem_size_0:
called_computation_lowered:
.L_overlay_start_0:
0x88: {  	s2 =	sld [smem:$0x3FD9]  }
0x89: {  	s3 =	sld [smem:$0x3FFE];
	_ =	sdelay $0x1  }
0x8a: {  	s1 =	srdreg.scid  }
0x8b: {  	s0 =	sand.u32 $0x1, s1  }
0x8c: {  	s17 =	sshll.u32 s0, $0xA;
	s2 =	sadd.s32 s3, s2  }
0x8d: {  	s2 =	sadd.s32 s2, s17  }
0x8e: {  	[smem:$0x3FC1] =	sst s2  }
0x8f: {  	_ = 	snop  }
0x90: {  	s2 =	sld [smem:$0x3FC9]  }
0x91: {  	s18 =	sld [smem:$0x3FC7]  }
0x92: {  	s4 =	sld [smem:$0x3FD0];
	(tm) =	ssettm $0x1  }
0x93: {  	s5 =	sld [smem:$0x3FFB];
	_ =	sdelay $0x3  }
0x94: {  	_ =	strace s5  }
0x95: {  	s5 =	sld [smem:$0x3FFC];
	_ =	sdelay $0x3  }
0x96: {  	_ =	strace s5  }
0x97: {  	s5 =	sld [smem:$0x3FFD];
	_ =	sdelay $0x3  }
0x98: {  	_ =	strace s5  }
0x99: {  	_ =	strace $0x8FFFFFFF  }
0x9a: {  	s19 =	sld [smem:$0x3FDB];
	_ =	sdelay $0x1  }
0x9b: {  	s6 =	simm.s32 $_scs_section_size  }
0x9c: {  	s7 =	simm.s32 $_size__tile_overlayer_lowered;
	s8 =	simm.s32 $_tile_overlayer_lowered  }
0x9d: {  	s22 =	simm.s32 $0x1BFF;
	s21 =	sshll.u32 s8, $0x1;
	s5 =	sadd.s32 s6, s19  }
0x9e: {  	s9 =	simm.s32 $0x0;
	s20 =	sshll.u32 s7, $0x1;
	s7 =	sadd.s32 s21, s5  }
0x9f: {  	[timem:s9], [sflag:s22] =	dma.local [hbm:s7], s20  }
0xa0: {  	_ =	swait.ge [sflag:s22], s20  }
0xa1: {  	s6 =	ssub.s32 $0x0, s20;
	[sflag:s22] =	ssyncset.done $0x0  }
0xa2: {  	[sflag:s22] =	ssyncadd.s32 s6;
	_ =	sdelay $0x1  }
0xa3: {  	s23 =	simm.s32 $0x1B8B  }
0xa4: {  	_ =	swait.ge [sflag:s23], $0x1  }
0xa5: {  	[sflag:s23] =	ssyncset.done $0x0  }
0xa6: {  	s25 =	simm.s32 $0x1B8E;
	s24 =	sld [smem:$0x3FFE];
	[sflag:s23] =	ssyncadd.s32 $0xFFFFFFFF  }
0xa7: {  	s26 =	simm.s32 $execute0_lowered;
	[smem:$0x3FD2] =	sst s25  }
0xa8: {  	s7 =	sshll.u32 s26, $0x1;
	_ =	strace $0x80000046;
	[dreg:$0x1] =	wrdreg $0xFFFFFFFF  }
0xa9: {  	s28 =	simm.s32 $_size_execute0_lowered;
	s5 =	sadd.s32 s5, s7;
	[dreg:$0x0] =	wrdreg $0x0  }
0xaa: {  	s7 =	sshll.u32 s28, $0x1;
	[dreg:$0x2] =	wrdreg s5  }
0xab: {  	[dreg:$0x3] =	wrdreg s7  }
0xac: {  	[dreg:$0x4] =	wrdreg $0xC0  }
0xad: {  	_ =	task [dreg:s9], $0x5FFFF  }
0xae: {  	[dreg:$0x1] =	wrdreg $0xFFFFFFFF  }
0xaf: {  	[dreg:$0x0] =	wrdreg $0x60  }
0xb0: {  	[dreg:$0x2] =	wrdreg s2  }
0xb1: {  	[dreg:$0x3] =	wrdreg s24  }
0xb2: {  	[dreg:$0x4] =	wrdreg s4  }
0xb3: {  	[dreg:$0x5] =	wrdreg s18  }
0xb4: {  	[dreg:$0x6] =	wrdreg $0x0  }
0xb5: {  	[dreg:$0x7] =	wrdreg $0x9  }
0xb6: {  	_ =	task.clear_ibuf [dreg:s9], $0x8FFFF;
	_ =	strace $0x90000046  }
0xb7: {  	s29 =	simm.s32 $0x9;
	_ =	strace $0x80000048  }
0xb8: {  	_ =	swait.ge [sflag:s29], $0x1  }
0xb9: {  	[sflag:s29] =	ssyncadd.s32 $0xFFFFFFFF  }
0xba: {  	_ =	strace $0x90000048  }
0xbb: {  	_ =	sfence  }
0xbc: {  	s30 =	sld [smem:$0x0];
	_ =	sdelay $0x2  }
0xbd: {  	s31 =	sshll.u32 s1, $0xD;
	s1 =	sshrl.u32 s1, $0x2  }
0xbe: {  	s3 =	sand.u32 $0x4000, s31;
	s1 =	sadd.s32 s1, s30  }
0xbf: {  	s0 =	sor.u32 s3, s0;
	s1 =	sshll.u32 s1, $0x11  }
0xc0: {  	s0 =	sor.u32 s1, s0  }
0xc1: {  	s0 =	sadd.s32 $0x8F2B, s0  }
0xc2: {  	[sflag:s0] =	ssyncadd.remote.s32 $0x1  }
0xc3: {  	_ =	sfence.sel $0xFFFF  }
0xc4: {  	[dreg:$0x0] =	wrdreg $0xFFFFFFFF;
	(pc) =	sbr.abs _section_cstart, $3  }
0xc5: {  	[dreg:$0x1] =	wrdreg $0xFFFFFFFF  }
0xc6: {  	_ =	task.clear_ibuf [dreg:s9], $0x2FFFF;
	_ =	strace $0x9FFFFFFF  }
0xc7: {  	(tm) =	ssettm $0x7FFFFFFF  }
tec
execute0_lowered:
.L_overlay_start_1:
0x0: {  	(tag) =	ssettag $0x1  }
0x1: {  	s1 =	rddreg [dreg:$0x0]  }
0x2: {  	s2 =	rddreg [dreg:$0x1]  }
0x3: {  	s0 =	srdreg.scid;
	s3 =	rddreg [dreg:$0x2]  }
0x4: {  	s13 =	stileid.u32;
	s10 =	rddreg [dreg:$0x3]  }
0x5: {  	s5 =	rddreg [dreg:$0x4];
	s6 =	simm.s32 $0x0;
	s15 =	simm.s32 $0x5  }
0x6: {  	s16 =	simm.s32 $0x13C00;
	s18 =	simm.s32 $0x18A20;
	s19 =	simm.s32 $0x50  }
0x7: {  	s20 =	simm.s32 $0x18AC0;
	s21 =	simm.s32 $0x18A70;
	s22 =	simm.s32 $0x1B2C0  }
0x8: {  	s23 =	simm.s32 $0x1;
	s24 =	simm.s32 $0x3;
	s25 =	simm.s32 $0x2  }
0x9: {  	s26 =	simm.s32 $0x4;
	s28 =	simm.s32 $0x0;
	s0 =	sand.u32 $0x1, s0  }
0xa: {  	s4 =	sshll.u32 s13, $0x1;
	s7 =	smul.u32 $0x13C00, s13;
	[smem:$0x7FF] =	sst s6  }
0xb: {  	s31 =	sshll.u32 s13, $0x6;
	s4 =	sor.u32 s0, s4;
	s8 =	smul.u32 $0x13C000, s0  }
0xc: {  	_ =	strace $0x80000047;
	s0 =	ssub.s32 $0x2, s0;
	s4 =	smul.u32 $0x2710, s4  }
0xd: {  	s12 =	sshrl.u32 s7, $0x3;
	s30 =	sshrl.u32 s0, $0x1;
	s14 =	sadd.s32 s7, s5  }
0xe: {  	s8 =	sadd.s32 s7, s8;
	s12 =	sadd.s32 s12, s2;
	s0 =	ssub.s32 s0, s30  }
0xf: {  	s14 =	sshrl.u32 s14, $0x3;
	s11 =	sshrl.u32 s4, $0x3;
	s8 =	sshrl.u32 s8, $0x3  }
0x10: {  	s7 =	sadd.s32 $0xAC00, s12;
	s13 =	smax.u32 s0, $0x1;
	s9 =	sadd.s32 s11, s2  }
0x11: {  	s2 =	sadd.s32 s8, s2;
	s8 =	sor.u32 $0x1C05, s31;
	s10 =	sadd.s32 s10, s11  }
0x12: {  	s11 =	sadd.s32 s3, s11;
	s9 =	sadd.s32 $0xE00, s9;
	s12 =	sadd.s32 $0x32400, s2  }
.LBB2_1:
0x13: {  	[spmem:s14], [sflag:s8] =	dma.local [hbm:s7], $0x2780  }
0x14: {  	_ =	swait.ge [sflag:s15], $0x2780  }
0x15: {  	[sflag:s15] =	ssyncset.done $0x0  }
0x16: {  	[sflag:s15] =	ssyncadd.s32 $0xFFFFD880  }
0x17: {  	[tilespmem:s16], [sflag:$0x5] =	stream.linear.gather [hbm4b:s9+s6], $0x2710, $0x38;
	[tilespmem:$0x1DAC0] =	vst v63  }
0x18: {  	_ =	swait.ge [sflag:s15], $0x2710  }
0x19: {  	[sflag:s15] =	ssyncset.done $0x0  }
0x1a: {  	s0 =	simm.s32 $0x16310;
	[sflag:s15] =	ssyncadd.s32 $0xFFFFD8F0  }
0x1b: {  	[tilespmem:s0], [sflag:$0x5] =	stream.linear.gather [hbm4b:s10+s6], $0x2710, $0x38;
	[tilespmem:$0x1DAC0] =	vst v63  }
0x1c: {  	_ =	swait.ge [sflag:s15], $0x2710  }
0x1d: {  	[sflag:s15] =	ssyncset.done $0x0  }
0x1e: {  	[sflag:s15] =	ssyncadd.s32 $0xFFFFD8F0  }
0x1f: {  	[bflag:$0x0] =	sbarrier.arrive $0xFFFF  }
0x20: {  	[tilespmem:s18], [sflag:$0x3] =	stream.linear.gather [hbm4b:s11+s6], $0x50, $0x38;
	[tilespmem:$0x1DAC0] =	vst v63  }
0x21: {  	s29 =	simm.s32 $0x0  }
0x22: {  	[tilespmem:s20], [sflag:$0x1] =	stream.indirect.gather [hbm4b:s1+s19], $0x80, s16, s19, $0xb8;
	[tilespmem:$0x1DAC0] =	vst v63  }
.LBB2_2:
0x23: {  	s30 =	smul.u32 $0xA0, s29;
	_ =	sdelay $0x1  }
0x24: {  	s31 =	sadd.s32 $0x50, s30  }
0x25: {  	s0 =	sadd.s32 s4, s31  }
0x26: {  	s0 =	sshrl.u32 s0, $0x3  }
0x27: {  	s2 =	simm.s32 $0x0;
	s17 =	smul.u32 $0x280, s29;
	s0 =	sadd.s32 s3, s0  }
0x28: {  	[tilespmem:s21], [sflag:$0x4] =	stream.linear.gather [hbm4b:s0+s2], $0x50, $0x38;
	[tilespmem:$0x1DAC0] =	vst v63  }
0x29: {  	s2 =	sshra.s32 s17, $0x2  }
0x2a: {  	s0 =	sadd.s32 $0x16310, s2  }
0x2b: {  	s17 =	sadd.s32 $0x13C50, s30;
	v0 =	vmov s0  }
0x2c: {  	[tilespmem:s22], [sflag:$0x2] =	stream.indirect.gather [hbm4b:s1+s19], $0x80, s17, s19, $0xb8;
	[tilespmem:$0x1DAC0] =	vst v63  }
0x2d: {  	_ =	swait.ge [sflag:s23], $0x2800  }
0x2e: {  	s2 =	simm.s32 $0x0;
	[sflag:s23] =	ssyncset.done $0x0  }
0x2f: {  	s0 =	sand.u32 $0x3FFFFFF0, s2;
	[sflag:s23] =	ssyncadd.s32 $0xFFFFD800  }
0x30: {  	s17 =	simm.s32 $0x0;
	v1 =	vld.idx.msk [tilespmem:v0+s0+$0x0 ss:$0x1], $0xffff  }
0x31: {  	s2 =	sand.u32 $0x3FFFF800, s17  }
0x32: {  	v3 =	vld [tilespmem:s2+$0x18AE0]  }
0x33: {  	v4 =	vld [tilespmem:s2+$0x18AF0]  }
0x34: {  	v10 =	vld [tilespmem:s2+$0x18B20]  }
0x35: {  	v11 =	vld [tilespmem:s2+$0x18B30];
	v2 =	vbroadcast v1, $0x0  }
0x36: {  	v12 =	vld [tilespmem:s2+$0x18B40]  }
0x37: {  	v13 =	vld [tilespmem:s2+$0x18B50];
	v3 =	vmul.f32 v3, v2  }
0x38: {  	v14 =	vld [tilespmem:s2+$0x18B60];
	v4 =	vmul.f32 v4, v2  }
0x39: {  	v9 =	vld [tilespmem:s2+$0x18B70];
	v23 =	vbroadcast v1, $0x1;
	v22 =	vmul.f32 v10, v2;
	[tilespmem:s2+$0x18AE0] =	vst v3  }
0x3a: {  	v7 =	vld [tilespmem:s2+$0x18B80];
	v11 =	vmul.f32 v11, v2;
	[tilespmem:s2+$0x18AF0] =	vst v4  }
0x3b: {  	v8 =	vld [tilespmem:s2+$0x18B90];
	v12 =	vmul.f32 v12, v23;
	[tilespmem:s2+$0x18B20] =	vst v22  }
0x3c: {  	v25 =	vld [tilespmem:s2+$0x18BB0];
	v13 =	vmul.f32 v13, v23;
	[tilespmem:s2+$0x18B30] =	vst v11  }
0x3d: {  	v26 =	vld [tilespmem:s2+$0x18BC0];
	v14 =	vmul.f32 v14, v23;
	[tilespmem:s2+$0x18B40] =	vst v12  }
0x3e: {  	v27 =	vld [tilespmem:s2+$0x18BD0];
	v9 =	vmul.f32 v9, v23;
	[tilespmem:s2+$0x18B50] =	vst v13  }
0x3f: {  	v6 =	vld [tilespmem:s2+$0x19030];
	v7 =	vmul.f32 v7, v23;
	[tilespmem:s2+$0x18B60] =	vst v14  }
0x40: {  	v24 =	vld [tilespmem:s2+$0x18BA0];
	v15 =	vbroadcast v1, $0x2;
	v8 =	vmul.f32 v8, v23;
	[tilespmem:s2+$0x18B70] =	vst v9  }
0x41: {  	v28 =	vld [tilespmem:s2+$0x18BE0];
	v10 =	vmul.f32 v25, v23;
	[tilespmem:s2+$0x18B80] =	vst v7  }
0x42: {  	v29 =	vld [tilespmem:s2+$0x18BF0];
	v5 =	vbroadcast v1, $0xA;
	v32 =	vmul.f32 v26, v15;
	[tilespmem:s2+$0x18B90] =	vst v8  }
0x43: {  	v30 =	vld [tilespmem:s2+$0x18C00];
	v34 =	vmul.f32 v27, v15;
	[tilespmem:s2+$0x18BB0] =	vst v10  }
0x44: {  	v33 =	vld [tilespmem:s2+$0x18C20];
	v3 =	vmul.f32 v6, v5;
	[tilespmem:s2+$0x18BC0] =	vst v32  }
0x45: {  	v35 =	vld [tilespmem:s2+$0x18C30];
	v11 =	vmul.f32 v24, v23;
	[tilespmem:s2+$0x18BD0] =	vst v34  }
0x46: {  	v36 =	vld [tilespmem:s2+$0x18C40];
	v9 =	vmul.f32 v28, v15;
	[tilespmem:s2+$0x19030] =	vst v3  }
0x47: {  	v31 =	vld [tilespmem:s2+$0x18C10];
	v7 =	vmul.f32 v29, v15;
	[tilespmem:s2+$0x18BA0] =	vst v11  }
0x48: {  	v37 =	vld [tilespmem:s2+$0x18C50];
	v8 =	vmul.f32 v30, v15;
	[tilespmem:s2+$0x18BE0] =	vst v9  }
0x49: {  	v38 =	vld [tilespmem:s2+$0x18C60];
	v41 =	vbroadcast v1, $0x3;
	v10 =	vmul.f32 v33, v15;
	[tilespmem:s2+$0x18BF0] =	vst v7  }
0x4a: {  	v39 =	vld [tilespmem:s2+$0x18C70];
	v12 =	vmul.f32 v35, v15;
	[tilespmem:s2+$0x18C00] =	vst v8  }
0x4b: {  	v42 =	vld [tilespmem:s2+$0x18C90];
	v13 =	vmul.f32 v36, v41;
	[tilespmem:s2+$0x18C20] =	vst v10  }
0x4c: {  	v43 =	vld [tilespmem:s2+$0x18CA0];
	v11 =	vmul.f32 v31, v15;
	[tilespmem:s2+$0x18C30] =	vst v12  }
0x4d: {  	v44 =	vld [tilespmem:s2+$0x18CB0];
	v9 =	vmul.f32 v37, v41;
	[tilespmem:s2+$0x18C40] =	vst v13  }
0x4e: {  	v40 =	vld [tilespmem:s2+$0x18C80];
	v7 =	vmul.f32 v38, v41;
	[tilespmem:s2+$0x18C10] =	vst v11  }
0x4f: {  	v45 =	vld [tilespmem:s2+$0x18CC0];
	v8 =	vmul.f32 v39, v41;
	[tilespmem:s2+$0x18C50] =	vst v9  }
0x50: {  	v46 =	vld [tilespmem:s2+$0x18CD0];
	v10 =	vmul.f32 v42, v41;
	[tilespmem:s2+$0x18C60] =	vst v7  }
0x51: {  	v47 =	vld [tilespmem:s2+$0x18CE0];
	v12 =	vmul.f32 v43, v41;
	[tilespmem:s2+$0x18C70] =	vst v8  }
0x52: {  	v49 =	vld [tilespmem:s2+$0x18D00];
	v50 =	vbroadcast v1, $0x4;
	v13 =	vmul.f32 v44, v41;
	[tilespmem:s2+$0x18C90] =	vst v10  }
0x53: {  	v51 =	vld [tilespmem:s2+$0x18D10];
	v11 =	vmul.f32 v40, v41;
	[tilespmem:s2+$0x18CA0] =	vst v12  }
0x54: {  	v52 =	vld [tilespmem:s2+$0x18D20];
	v9 =	vmul.f32 v45, v50;
	[tilespmem:s2+$0x18CB0] =	vst v13  }
0x55: {  	v48 =	vld [tilespmem:s2+$0x18CF0];
	v7 =	vmul.f32 v46, v50;
	[tilespmem:s2+$0x18C80] =	vst v11  }
0x56: {  	v53 =	vld [tilespmem:s2+$0x18D30];
	v8 =	vmul.f32 v47, v50;
	[tilespmem:s2+$0x18CC0] =	vst v9  }
0x57: {  	v54 =	vld [tilespmem:s2+$0x18D40];
	v10 =	vmul.f32 v49, v50;
	[tilespmem:s2+$0x18CD0] =	vst v7  }
0x58: {  	v55 =	vld [tilespmem:s2+$0x18D50];
	v12 =	vmul.f32 v51, v50;
	[tilespmem:s2+$0x18CE0] =	vst v8  }
0x59: {  	v57 =	vld [tilespmem:s2+$0x18D70];
	v13 =	vmul.f32 v52, v50;
	[tilespmem:s2+$0x18D00] =	vst v10  }
0x5a: {  	v58 =	vld [tilespmem:s2+$0x18D80];
	v59 =	vbroadcast v1, $0x5;
	v11 =	vmul.f32 v48, v50;
	[tilespmem:s2+$0x18D10] =	vst v12  }
0x5b: {  	v60 =	vld [tilespmem:s2+$0x18D90];
	v9 =	vmul.f32 v53, v50;
	[tilespmem:s2+$0x18D20] =	vst v13  }
0x5c: {  	v56 =	vld [tilespmem:s2+$0x18D60];
	v7 =	vmul.f32 v54, v59;
	[tilespmem:s2+$0x18CF0] =	vst v11  }
0x5d: {  	v61 =	vld [tilespmem:s2+$0x18DA0];
	v8 =	vmul.f32 v55, v59;
	[tilespmem:s2+$0x18D30] =	vst v9  }
0x5e: {  	v62 =	vld [tilespmem:s2+$0x18DB0];
	v10 =	vmul.f32 v57, v59;
	[tilespmem:s2+$0x18D40] =	vst v7  }
0x5f: {  	v63 =	vld [tilespmem:s2+$0x18DC0];
	v12 =	vmul.f32 v58, v59;
	[tilespmem:s2+$0x18D50] =	vst v8  }
0x60: {  	v19 =	vld [tilespmem:s2+$0x18DE0];
	v13 =	vmul.f32 v60, v59;
	[tilespmem:s2+$0x18D70] =	vst v10  }
0x61: {  	v20 =	vld [tilespmem:s2+$0x18DF0];
	v11 =	vmul.f32 v56, v59;
	[tilespmem:s2+$0x18D80] =	vst v12  }
0x62: {  	v21 =	vld [tilespmem:s2+$0x18E00];
	v22 =	vbroadcast v1, $0x6;
	v9 =	vmul.f32 v61, v59;
	[tilespmem:s2+$0x18D90] =	vst v13  }
0x63: {  	v18 =	vld [tilespmem:s2+$0x18DD0];
	v7 =	vmul.f32 v62, v59;
	[tilespmem:s2+$0x18D60] =	vst v11  }
0x64: {  	v23 =	vld [tilespmem:s2+$0x18E10];
	v8 =	vmul.f32 v63, v22;
	[tilespmem:s2+$0x18DA0] =	vst v9  }
0x65: {  	v24 =	vld [tilespmem:s2+$0x18E20];
	v10 =	vmul.f32 v19, v22;
	[tilespmem:s2+$0x18DB0] =	vst v7  }
0x66: {  	v25 =	vld [tilespmem:s2+$0x18E30];
	v12 =	vmul.f32 v20, v22;
	[tilespmem:s2+$0x18DC0] =	vst v8  }
0x67: {  	v27 =	vld [tilespmem:s2+$0x18E50];
	v13 =	vmul.f32 v21, v22;
	[tilespmem:s2+$0x18DE0] =	vst v10  }
0x68: {  	v28 =	vld [tilespmem:s2+$0x18E60];
	v11 =	vmul.f32 v18, v22;
	[tilespmem:s2+$0x18DF0] =	vst v12  }
0x69: {  	v29 =	vld [tilespmem:s2+$0x18E70];
	v9 =	vmul.f32 v23, v22;
	[tilespmem:s2+$0x18E00] =	vst v13  }
0x6a: {  	v31 =	vbroadcast v1, $0x7;
	v53 =	vld [tilespmem:s2+$0x18FC0];
	v7 =	vmul.f32 v24, v22;
	[tilespmem:s2+$0x18DD0] =	vst v11  }
0x6b: {  	v57 =	vld [tilespmem:s2+$0x19000];
	v8 =	vmul.f32 v25, v22;
	[tilespmem:s2+$0x18E10] =	vst v9  }
0x6c: {  	v58 =	vld [tilespmem:s2+$0x19010];
	v10 =	vmul.f32 v27, v31;
	[tilespmem:s2+$0x18E20] =	vst v7  }
0x6d: {  	v26 =	vld [tilespmem:s2+$0x18E40];
	v12 =	vmul.f32 v28, v31;
	[tilespmem:s2+$0x18E30] =	vst v8  }
0x6e: {  	v30 =	vld [tilespmem:s2+$0x18E80];
	v13 =	vmul.f32 v29, v31;
	[tilespmem:s2+$0x18E50] =	vst v10  }
0x6f: {  	v32 =	vld [tilespmem:s2+$0x18E90];
	v59 =	vmul.f32 v53, v5;
	[tilespmem:s2+$0x18E60] =	vst v12  }
0x70: {  	v33 =	vld [tilespmem:s2+$0x18EA0];
	v18 =	vmul.f32 v57, v5;
	[tilespmem:s2+$0x18E70] =	vst v13  }
0x71: {  	v35 =	vld [tilespmem:s2+$0x18EC0];
	v20 =	vmul.f32 v58, v5;
	[tilespmem:s2+$0x18FC0] =	vst v59  }
0x72: {  	v36 =	vld [tilespmem:s2+$0x18ED0];
	v11 =	vmul.f32 v26, v31;
	[tilespmem:s2+$0x19000] =	vst v18  }
0x73: {  	v37 =	vld [tilespmem:s2+$0x18EE0];
	v9 =	vmul.f32 v30, v31;
	[tilespmem:s2+$0x19010] =	vst v20  }
0x74: {  	v4 =	vld [tilespmem:s2+$0x19040];
	v40 =	vbroadcast v1, $0x8;
	v7 =	vmul.f32 v32, v31;
	[tilespmem:s2+$0x18E40] =	vst v11  }
0x75: {  	v6 =	vld [tilespmem:s2+$0x19050];
	v8 =	vmul.f32 v33, v31;
	[tilespmem:s2+$0x18E80] =	vst v9  }
0x76: {  	v3 =	vld [tilespmem:s2+$0x19290];
	v10 =	vmul.f32 v35, v40;
	[tilespmem:s2+$0x18E90] =	vst v7  }
0x77: {  	v61 =	vld [tilespmem:s2+$0x18AC0];
	v23 =	vbroadcast v1, $0xB;
	v12 =	vmul.f32 v36, v40;
	[tilespmem:s2+$0x18EA0] =	vst v8  }
0x78: {  	v34 =	vld [tilespmem:s2+$0x18EB0];
	v13 =	vmul.f32 v37, v40;
	[tilespmem:s2+$0x18EC0] =	vst v10  }
0x79: {  	v38 =	vld [tilespmem:s2+$0x18EF0];
	v27 =	vbroadcast v1, $0xF;
	v4 =	vmul.f32 v4, v23;
	[tilespmem:s2+$0x18ED0] =	vst v12  }
0x7a: {  	v39 =	vld [tilespmem:s2+$0x18F00];
	v6 =	vmul.f32 v6, v23;
	[tilespmem:s2+$0x18EE0] =	vst v13  }
0x7b: {  	v41 =	vld [tilespmem:s2+$0x18F10];
	v3 =	vmul.f32 v3, v27;
	[tilespmem:s2+$0x19040] =	vst v4  }
0x7c: {  	v43 =	vld [tilespmem:s2+$0x18F30];
	v24 =	vmul.f32 v2, v61;
	[tilespmem:s2+$0x19050] =	vst v6  }
0x7d: {  	v44 =	vld [tilespmem:s2+$0x18F40];
	v11 =	vmul.f32 v34, v31;
	[tilespmem:s2+$0x19290] =	vst v3  }
0x7e: {  	v45 =	vld [tilespmem:s2+$0x18F50];
	v9 =	vmul.f32 v38, v40;
	[tilespmem:s2+$0x18AC0] =	vst v24  }
0x7f: {  	v63 =	vld [tilespmem:s2+$0x18B00];
	v7 =	vmul.f32 v39, v40;
	[tilespmem:s2+$0x18EB0] =	vst v11  }
0x80: {  	v49 =	vbroadcast v1, $0x9;
	v29 =	vld [tilespmem:s2+$0x190B0];
	v8 =	vmul.f32 v41, v40;
	[tilespmem:s2+$0x18EF0] =	vst v9  }
0x81: {  	v42 =	vld [tilespmem:s2+$0x18F20];
	v10 =	vmul.f32 v43, v40;
	[tilespmem:s2+$0x18F00] =	vst v7  }
0x82: {  	v46 =	vld [tilespmem:s2+$0x18F60];
	v12 =	vmul.f32 v44, v49;
	[tilespmem:s2+$0x18F10] =	vst v8  }
0x83: {  	v47 =	vld [tilespmem:s2+$0x18F70];
	v13 =	vmul.f32 v45, v49;
	[tilespmem:s2+$0x18F30] =	vst v10  }
0x84: {  	v48 =	vld [tilespmem:s2+$0x18F80];
	v3 =	vmul.f32 v63, v2;
	[tilespmem:s2+$0x18F40] =	vst v12  }
0x85: {  	v51 =	vld [tilespmem:s2+$0x18FA0];
	v6 =	vmul.f32 v29, v23;
	[tilespmem:s2+$0x18F50] =	vst v13  }
0x86: {  	v52 =	vld [tilespmem:s2+$0x18FB0];
	v11 =	vmul.f32 v42, v40;
	[tilespmem:s2+$0x18B00] =	vst v3  }
0x87: {  	v28 =	vld [tilespmem:s2+$0x190A0];
	v9 =	vmul.f32 v46, v49;
	[tilespmem:s2+$0x190B0] =	vst v6  }
0x88: {  	v26 =	vld [tilespmem:s2+$0x19090];
	v7 =	vmul.f32 v47, v49;
	[tilespmem:s2+$0x18F20] =	vst v11  }
0x89: {  	v30 =	vld [tilespmem:s2+$0x190C0];
	v8 =	vmul.f32 v48, v49;
	[tilespmem:s2+$0x18F60] =	vst v9  }
0x8a: {  	v50 =	vld [tilespmem:s2+$0x18F90];
	v10 =	vmul.f32 v51, v49;
	[tilespmem:s2+$0x18F70] =	vst v7  }
0x8b: {  	v54 =	vld [tilespmem:s2+$0x18FD0];
	v12 =	vmul.f32 v52, v49;
	[tilespmem:s2+$0x18F80] =	vst v8  }
0x8c: {  	v55 =	vld [tilespmem:s2+$0x18FE0];
	v35 =	vbroadcast v1, $0xC;
	v40 =	vmul.f32 v28, v23;
	[tilespmem:s2+$0x18FA0] =	vst v10  }
0x8d: {  	v56 =	vld [tilespmem:s2+$0x18FF0];
	v32 =	vmul.f32 v26, v23;
	[tilespmem:s2+$0x18FB0] =	vst v12  }
0x8e: {  	v60 =	vld [tilespmem:s2+$0x19020];
	v15 =	vmul.f32 v30, v35;
	[tilespmem:s2+$0x190A0] =	vst v40  }
0x8f: {  	v62 =	vld [tilespmem:s2+$0x18AD0];
	v11 =	vmul.f32 v50, v49;
	[tilespmem:s2+$0x19090] =	vst v32  }
0x90: {  	v19 =	vld [tilespmem:s2+$0x18B10];
	v9 =	vmul.f32 v54, v5;
	[tilespmem:s2+$0x190C0] =	vst v15  }
0x91: {  	v33 =	vld [tilespmem:s2+$0x190F0];
	v7 =	vmul.f32 v55, v5;
	[tilespmem:s2+$0x18F90] =	vst v11  }
0x92: {  	v61 =	vld [tilespmem:s2+$0x192B0];
	v8 =	vmul.f32 v56, v5;
	[tilespmem:s2+$0x18FD0] =	vst v9  }
0x93: {  	v38 =	vld [tilespmem:s2+$0x19130];
	v5 =	vmul.f32 v60, v5;
	[tilespmem:s2+$0x18FE0] =	vst v7  }
0x94: {  	v21 =	vld [tilespmem:s2+$0x19060];
	v12 =	vmul.f32 v62, v2;
	[tilespmem:s2+$0x18FF0] =	vst v8  }
0x95: {  	v22 =	vld [tilespmem:s2+$0x19070];
	v2 =	vmul.f32 v19, v2;
	[tilespmem:s2+$0x19020] =	vst v5  }
0x96: {  	v25 =	vld [tilespmem:s2+$0x19080];
	v62 =	vmul.f32 v33, v35;
	[tilespmem:s2+$0x18AD0] =	vst v12  }
0x97: {  	v31 =	vld [tilespmem:s2+$0x190D0];
	v63 =	vmul.f32 v61, v27;
	[tilespmem:s2+$0x18B10] =	vst v2  }
0x98: {  	v34 =	vld [tilespmem:s2+$0x19100];
	v15 =	vmul.f32 v38, v35;
	[tilespmem:s2+$0x190F0] =	vst v62  }
0x99: {  	v41 =	vld [tilespmem:s2+$0x19160];
	v7 =	vmul.f32 v21, v23;
	[tilespmem:s2+$0x192B0] =	vst v63  }
0x9a: {  	v46 =	vld [tilespmem:s2+$0x191A0];
	v8 =	vmul.f32 v22, v23;
	[tilespmem:s2+$0x19130] =	vst v15  }
0x9b: {  	v36 =	vld [tilespmem:s2+$0x19110];
	v5 =	vmul.f32 v25, v23;
	[tilespmem:s2+$0x19060] =	vst v7  }
0x9c: {  	v44 =	vbroadcast v1, $0xD;
	v9 =	vmul.f32 v31, v35;
	v2 =	vld [tilespmem:s2+$0x19150];
	[tilespmem:s2+$0x19070] =	vst v8  }
0x9d: {  	v37 =	vld [tilespmem:s2+$0x19120];
	v12 =	vmul.f32 v34, v35;
	[tilespmem:s2+$0x19080] =	vst v5  }
0x9e: {  	v39 =	vld [tilespmem:s2+$0x19140];
	v11 =	vmul.f32 v41, v44;
	[tilespmem:s2+$0x190D0] =	vst v9  }
0x9f: {  	v42 =	vld [tilespmem:s2+$0x19170];
	v51 =	vmul.f32 v46, v44;
	[tilespmem:s2+$0x19100] =	vst v12  }
0xa0: {  	v48 =	vld [tilespmem:s2+$0x191D0];
	v8 =	vmul.f32 v36, v35;
	[tilespmem:s2+$0x19160] =	vst v11  }
0xa1: {  	v49 =	vld [tilespmem:s2+$0x191E0];
	[tilespmem:s2+$0x191A0] =	vst v51;
	v2 =	vmul.f32 v2, v44  }
0xa2: {  	v50 =	vld [tilespmem:s2+$0x191F0];
	v5 =	vmul.f32 v37, v35;
	[tilespmem:s2+$0x19110] =	vst v8  }
0xa3: {  	v1 =	vbroadcast v1, $0xE;
	v9 =	vmul.f32 v39, v44;
	[tilespmem:s2+$0x19150] =	vst v2;
	v2 =	vld [tilespmem:s2+$0x191C0]  }
0xa4: {  	v60 =	vld [tilespmem:s2+$0x192A0];
	v12 =	vmul.f32 v42, v44;
	[tilespmem:s2+$0x19120] =	vst v5  }
0xa5: {  	v45 =	vld [tilespmem:s2+$0x19190];
	v11 =	vmul.f32 v48, v1;
	[tilespmem:s2+$0x19140] =	vst v9  }
0xa6: {  	v47 =	vld [tilespmem:s2+$0x191B0];
	v10 =	vmul.f32 v49, v1;
	[tilespmem:s2+$0x19170] =	vst v12  }
0xa7: {  	v43 =	vld [tilespmem:s2+$0x19180];
	v6 =	vmul.f32 v50, v1;
	[tilespmem:s2+$0x191D0] =	vst v11  }
0xa8: {  	v55 =	vld [tilespmem:s2+$0x19240];
	[tilespmem:s2+$0x191E0] =	vst v10;
	v2 =	vmul.f32 v2, v1  }
0xa9: {  	v57 =	vld [tilespmem:s2+$0x19260];
	v4 =	vmul.f32 v60, v27;
	[tilespmem:s2+$0x191F0] =	vst v6  }
0xaa: {  	v5 =	vmul.f32 v45, v44;
	[tilespmem:s2+$0x191C0] =	vst v2;
	v2 =	vld [tilespmem:s2+$0x19230]  }
0xab: {  	v52 =	vld [tilespmem:s2+$0x19200];
	v9 =	vmul.f32 v47, v44;
	[tilespmem:s2+$0x192A0] =	vst v4  }
0xac: {  	v56 =	vld [tilespmem:s2+$0x19250];
	v8 =	vmul.f32 v43, v44;
	[tilespmem:s2+$0x19190] =	vst v5  }
0xad: {  	v54 =	vld [tilespmem:s2+$0x19220];
	v11 =	vmul.f32 v55, v27;
	[tilespmem:s2+$0x191B0] =	vst v9  }
0xae: {  	v58 =	vld [tilespmem:s2+$0x19270];
	v6 =	vmul.f32 v57, v27;
	[tilespmem:s2+$0x19180] =	vst v8  }
0xaf: {  	v53 =	vld [tilespmem:s2+$0x19210];
	[tilespmem:s2+$0x19240] =	vst v11;
	v2 =	vmul.f32 v2, v1  }
0xb0: {  	v59 =	vld [tilespmem:s2+$0x19280];
	v5 =	vmul.f32 v52, v1;
	[tilespmem:s2+$0x19260] =	vst v6  }
0xb1: {  	[tilespmem:s2+$0x19230] =	vst v2;
	v2 =	vmul.f32 v56, v27  }
0xb2: {  	v3 =	vld [tilespmem:s2+$0x190E0];
	v9 =	vmul.f32 v54, v1;
	[tilespmem:s2+$0x19200] =	vst v5  }
0xb3: {  	[tilespmem:s2+$0x19250] =	vst v2;
	v2 =	vmul.f32 v58, v27  }
0xb4: {  	[tilespmem:s2+$0x19220] =	vst v9;
	v1 =	vmul.f32 v53, v1  }
0xb5: {  	[tilespmem:s2+$0x19270] =	vst v2;
	v2 =	vmul.f32 v59, v27  }
0xb6: {  	[tilespmem:s2+$0x19210] =	vst v1  }
0xb7: {  	s0 =	simm.s32 $0x1;
	[tilespmem:s2+$0x19280] =	vst v2;
	v2 =	vmul.f32 v3, v35  }
.LBB2_3:
0xb8: {  	s17 =	sshll.u32 s0, $0x4  }
0xb9: {  	p0 =	sne.s32 s0, $0x4;
	[tilespmem:s2+$0x190E0] =	vst v2;
	s2 =	smov.u32 s0;
	s0 =	sadd.s32 $0x1, s0  }
0xba: {  	s17 =	sand.u32 $0x3FFFFFF0, s17  }
0xbb: {  	v1 =	vld.idx.msk [tilespmem:v0+s17+$0x0 ss:$0x1], $0xffff  }
0xbc: {  	s2 =	sshll.u32 s2, $0xB  }
0xbd: {  	s2 =	sand.u32 $0x3FFFF800, s2  }
0xbe: {  	v8 =	vld [tilespmem:s2+$0x18B80]  }
0xbf: {  	v9 =	vld [tilespmem:s2+$0x18B90]  }
0xc0: {  	v10 =	vld [tilespmem:s2+$0x18B70]  }
0xc1: {  	v2 =	vbroadcast v1, $0x0;
	v7 =	vbroadcast v1, $0x4;
	v3 =	vld [tilespmem:s2+$0x18AE0]  }
0xc2: {  	v5 =	vld [tilespmem:s2+$0x18AF0]  }
0xc3: {  	v6 =	vld [tilespmem:s2+$0x19030]  }
0xc4: {  	v11 =	vld [tilespmem:s2+$0x18B20]  }
0xc5: {  	v12 =	vld [tilespmem:s2+$0x18B30]  }
0xc6: {  	v4 =	vbroadcast v1, $0xA;
	v3 =	vmul.f32 v3, v2;
	v13 =	vld [tilespmem:s2+$0x18B40]  }
0xc7: {  	v5 =	vmul.f32 v5, v2;
	v14 =	vld [tilespmem:s2+$0x18B50]  }
0xc8: {  	[tilespmem:s2+$0x18AE0] =	vst v3;
	v15 =	vld [tilespmem:s2+$0x18B60];
	v3 =	vmul.f32 v6, v4  }
0xc9: {  	[tilespmem:s2+$0x18AF0] =	vst v5;
	v6 =	vmul.f32 v11, v2;
	v11 =	vbroadcast v1, $0x1;
	v5 =	vld [tilespmem:s2+$0x19040]  }
0xca: {  	v12 =	vmul.f32 v12, v2;
	[tilespmem:s2+$0x19030] =	vst v3;
	v3 =	vld [tilespmem:s2+$0x19290]  }
0xcb: {  	[tilespmem:s2+$0x18B20] =	vst v6;
	v13 =	vmul.f32 v13, v11;
	v6 =	vld [tilespmem:s2+$0x19050]  }
0xcc: {  	[tilespmem:s2+$0x18B30] =	vst v12;
	v12 =	vmul.f32 v14, v11;
	v14 =	vld [tilespmem:s2+$0x18BA0]  }
0xcd: {  	[tilespmem:s2+$0x18B40] =	vst v13;
	v13 =	vmul.f32 v15, v11;
	v15 =	vld [tilespmem:s2+$0x18BB0]  }
0xce: {  	v10 =	vmul.f32 v10, v11;
	[tilespmem:s2+$0x18B50] =	vst v12;
	v12 =	vld [tilespmem:s2+$0x18BC0]  }
0xcf: {  	v8 =	vmul.f32 v8, v11;
	[tilespmem:s2+$0x18B60] =	vst v13;
	v13 =	vld [tilespmem:s2+$0x18BD0]  }
0xd0: {  	v9 =	vmul.f32 v9, v11;
	[tilespmem:s2+$0x18B70] =	vst v10;
	v10 =	vld [tilespmem:s2+$0x18BE0]  }
0xd1: {  	[tilespmem:s2+$0x18B80] =	vst v8;
	v8 =	vmul.f32 v14, v11;
	v14 =	vbroadcast v1, $0x2;
	v16 =	vld [tilespmem:s2+$0x18BF0]  }
0xd2: {  	[tilespmem:s2+$0x18B90] =	vst v9;
	v9 =	vmul.f32 v15, v11;
	v11 =	vld [tilespmem:s2+$0x18C00]  }
0xd3: {  	[tilespmem:s2+$0x18BA0] =	vst v8;
	v8 =	vmul.f32 v12, v14;
	v12 =	vld [tilespmem:s2+$0x18C10]  }
0xd4: {  	[tilespmem:s2+$0x18BB0] =	vst v9;
	v9 =	vmul.f32 v13, v14;
	v13 =	vld [tilespmem:s2+$0x18C20]  }
0xd5: {  	[tilespmem:s2+$0x18BC0] =	vst v8;
	v8 =	vmul.f32 v10, v14;
	v10 =	vld [tilespmem:s2+$0x18C30]  }
0xd6: {  	[tilespmem:s2+$0x18BD0] =	vst v9;
	v9 =	vmul.f32 v16, v14;
	v15 =	vld [tilespmem:s2+$0x18C40]  }
0xd7: {  	[tilespmem:s2+$0x18BE0] =	vst v8;
	v8 =	vmul.f32 v11, v14;
	v11 =	vld [tilespmem:s2+$0x18C50]  }
0xd8: {  	[tilespmem:s2+$0x18BF0] =	vst v9;
	v9 =	vmul.f32 v12, v14;
	v12 =	vld [tilespmem:s2+$0x18C60]  }
0xd9: {  	[tilespmem:s2+$0x18C00] =	vst v8;
	v8 =	vmul.f32 v13, v14;
	v13 =	vbroadcast v1, $0x3;
	v16 =	vld [tilespmem:s2+$0x18C70]  }
0xda: {  	[tilespmem:s2+$0x18C10] =	vst v9;
	v9 =	vmul.f32 v10, v14;
	v10 =	vld [tilespmem:s2+$0x18C80]  }
0xdb: {  	[tilespmem:s2+$0x18C20] =	vst v8;
	v8 =	vmul.f32 v15, v13;
	v14 =	vld [tilespmem:s2+$0x18C90]  }
0xdc: {  	[tilespmem:s2+$0x18C30] =	vst v9;
	v9 =	vmul.f32 v11, v13;
	v11 =	vld [tilespmem:s2+$0x18CA0]  }
0xdd: {  	[tilespmem:s2+$0x18C40] =	vst v8;
	v8 =	vmul.f32 v12, v13;
	v12 =	vld [tilespmem:s2+$0x18CB0]  }
0xde: {  	[tilespmem:s2+$0x18C50] =	vst v9;
	v9 =	vmul.f32 v16, v13;
	v15 =	vld [tilespmem:s2+$0x18CC0]  }
0xdf: {  	[tilespmem:s2+$0x18C60] =	vst v8;
	v8 =	vmul.f32 v10, v13;
	v10 =	vld [tilespmem:s2+$0x18CD0]  }
0xe0: {  	[tilespmem:s2+$0x18C70] =	vst v9;
	v9 =	vmul.f32 v14, v13;
	v14 =	vld [tilespmem:s2+$0x18CE0]  }
0xe1: {  	[tilespmem:s2+$0x18C80] =	vst v8;
	v8 =	vmul.f32 v11, v13;
	v11 =	vld [tilespmem:s2+$0x18CF0]  }
0xe2: {  	[tilespmem:s2+$0x18C90] =	vst v9;
	v9 =	vmul.f32 v12, v13;
	v12 =	vld [tilespmem:s2+$0x18D00]  }
0xe3: {  	[tilespmem:s2+$0x18CA0] =	vst v8;
	v8 =	vmul.f32 v15, v7;
	v13 =	vld [tilespmem:s2+$0x18D10]  }
0xe4: {  	[tilespmem:s2+$0x18CB0] =	vst v9;
	v9 =	vmul.f32 v10, v7;
	v10 =	vld [tilespmem:s2+$0x18D20]  }
0xe5: {  	[tilespmem:s2+$0x18CC0] =	vst v8;
	v8 =	vmul.f32 v14, v7;
	v14 =	vld [tilespmem:s2+$0x18D30]  }
0xe6: {  	[tilespmem:s2+$0x18CD0] =	vst v9;
	v9 =	vmul.f32 v11, v7;
	v11 =	vld [tilespmem:s2+$0x18D40]  }
0xe7: {  	[tilespmem:s2+$0x18CE0] =	vst v8;
	v8 =	vmul.f32 v12, v7;
	v12 =	vld [tilespmem:s2+$0x18D50]  }
0xe8: {  	[tilespmem:s2+$0x18CF0] =	vst v9;
	v9 =	vmul.f32 v13, v7;
	v13 =	vld [tilespmem:s2+$0x18D60]  }
0xe9: {  	[tilespmem:s2+$0x18D00] =	vst v8;
	v8 =	vmul.f32 v10, v7;
	v10 =	vbroadcast v1, $0x5;
	v15 =	vld [tilespmem:s2+$0x18D70]  }
0xea: {  	[tilespmem:s2+$0x18D10] =	vst v9;
	v7 =	vmul.f32 v14, v7;
	v9 =	vld [tilespmem:s2+$0x18D80]  }
0xeb: {  	[tilespmem:s2+$0x18D20] =	vst v8;
	v8 =	vmul.f32 v11, v10;
	v11 =	vld [tilespmem:s2+$0x18D90]  }
0xec: {  	[tilespmem:s2+$0x18D30] =	vst v7;
	v7 =	vmul.f32 v12, v10;
	v12 =	vld [tilespmem:s2+$0x18DA0]  }
0xed: {  	[tilespmem:s2+$0x18D40] =	vst v8;
	v8 =	vmul.f32 v13, v10;
	v13 =	vld [tilespmem:s2+$0x18DB0]  }
0xee: {  	[tilespmem:s2+$0x18D50] =	vst v7;
	v7 =	vmul.f32 v15, v10;
	v14 =	vld [tilespmem:s2+$0x18DC0]  }
0xef: {  	[tilespmem:s2+$0x18D60] =	vst v8;
	v8 =	vmul.f32 v9, v10;
	v9 =	vld [tilespmem:s2+$0x18DD0]  }
0xf0: {  	[tilespmem:s2+$0x18D70] =	vst v7;
	v7 =	vmul.f32 v11, v10;
	v11 =	vld [tilespmem:s2+$0x18DE0]  }
0xf1: {  	[tilespmem:s2+$0x18D80] =	vst v8;
	v8 =	vmul.f32 v12, v10;
	v12 =	vbroadcast v1, $0x6;
	v15 =	vld [tilespmem:s2+$0x18DF0]  }
0xf2: {  	[tilespmem:s2+$0x18D90] =	vst v7;
	v7 =	vmul.f32 v13, v10;
	v10 =	vld [tilespmem:s2+$0x18E00]  }
0xf3: {  	[tilespmem:s2+$0x18DA0] =	vst v8;
	v8 =	vmul.f32 v14, v12;
	v13 =	vld [tilespmem:s2+$0x18E10]  }
0xf4: {  	[tilespmem:s2+$0x18DB0] =	vst v7;
	v7 =	vmul.f32 v9, v12;
	v9 =	vld [tilespmem:s2+$0x18E20]  }
0xf5: {  	[tilespmem:s2+$0x18DC0] =	vst v8;
	v8 =	vmul.f32 v11, v12;
	v11 =	vld [tilespmem:s2+$0x18E30]  }
0xf6: {  	[tilespmem:s2+$0x18DD0] =	vst v7;
	v7 =	vmul.f32 v15, v12;
	v14 =	vld [tilespmem:s2+$0x18E40]  }
0xf7: {  	[tilespmem:s2+$0x18DE0] =	vst v8;
	v8 =	vmul.f32 v10, v12;
	v10 =	vld [tilespmem:s2+$0x18E50]  }
0xf8: {  	[tilespmem:s2+$0x18DF0] =	vst v7;
	v7 =	vmul.f32 v13, v12;
	v13 =	vld [tilespmem:s2+$0x18E60]  }
0xf9: {  	[tilespmem:s2+$0x18E00] =	vst v8;
	v8 =	vmul.f32 v9, v12;
	v9 =	vbroadcast v1, $0x7;
	v15 =	vld [tilespmem:s2+$0x18E70]  }
0xfa: {  	[tilespmem:s2+$0x18E10] =	vst v7;
	v7 =	vmul.f32 v11, v12;
	v11 =	vld [tilespmem:s2+$0x18E80]  }
0xfb: {  	[tilespmem:s2+$0x18E20] =	vst v8;
	v8 =	vmul.f32 v14, v9;
	v12 =	vld [tilespmem:s2+$0x18E90]  }
0xfc: {  	[tilespmem:s2+$0x18E30] =	vst v7;
	v7 =	vmul.f32 v10, v9;
	v10 =	vld [tilespmem:s2+$0x18EA0]  }
0xfd: {  	[tilespmem:s2+$0x18E40] =	vst v8;
	v8 =	vmul.f32 v13, v9;
	v13 =	vld [tilespmem:s2+$0x18EB0]  }
0xfe: {  	[tilespmem:s2+$0x18E50] =	vst v7;
	v7 =	vmul.f32 v15, v9;
	v14 =	vld [tilespmem:s2+$0x18EC0]  }
0xff: {  	[tilespmem:s2+$0x18E60] =	vst v8;
	v8 =	vmul.f32 v11, v9;
	v11 =	vld [tilespmem:s2+$0x18ED0]  }
0x100: {  	[tilespmem:s2+$0x18E70] =	vst v7;
	v7 =	vmul.f32 v12, v9;
	v12 =	vld [tilespmem:s2+$0x18EE0]  }
0x101: {  	[tilespmem:s2+$0x18E80] =	vst v8;
	v8 =	vmul.f32 v10, v9;
	v10 =	vbroadcast v1, $0x8;
	v15 =	vld [tilespmem:s2+$0x18EF0]  }
0x102: {  	[tilespmem:s2+$0x18E90] =	vst v7;
	v7 =	vmul.f32 v13, v9;
	v9 =	vld [tilespmem:s2+$0x18F00]  }
0x103: {  	[tilespmem:s2+$0x18EA0] =	vst v8;
	v8 =	vmul.f32 v14, v10;
	v13 =	vld [tilespmem:s2+$0x18F10]  }
0x104: {  	[tilespmem:s2+$0x18EB0] =	vst v7;
	v7 =	vmul.f32 v11, v10;
	v11 =	vld [tilespmem:s2+$0x18F20]  }
0x105: {  	[tilespmem:s2+$0x18EC0] =	vst v8;
	v8 =	vmul.f32 v12, v10;
	v12 =	vld [tilespmem:s2+$0x18F30]  }
0x106: {  	[tilespmem:s2+$0x18ED0] =	vst v7;
	v7 =	vmul.f32 v15, v10;
	v14 =	vld [tilespmem:s2+$0x18F40]  }
0x107: {  	[tilespmem:s2+$0x18EE0] =	vst v8;
	v8 =	vmul.f32 v9, v10;
	v9 =	vld [tilespmem:s2+$0x18F50]  }
0x108: {  	[tilespmem:s2+$0x18EF0] =	vst v7;
	v7 =	vmul.f32 v13, v10;
	v13 =	vld [tilespmem:s2+$0x18F60]  }
0x109: {  	[tilespmem:s2+$0x18F00] =	vst v8;
	v8 =	vmul.f32 v11, v10;
	v11 =	vbroadcast v1, $0x9;
	v15 =	vld [tilespmem:s2+$0x18F70]  }
0x10a: {  	[tilespmem:s2+$0x18F10] =	vst v7;
	v7 =	vmul.f32 v12, v10;
	v10 =	vld [tilespmem:s2+$0x18F80]  }
0x10b: {  	[tilespmem:s2+$0x18F20] =	vst v8;
	v8 =	vmul.f32 v14, v11;
	v12 =	vld [tilespmem:s2+$0x18F90]  }
0x10c: {  	[tilespmem:s2+$0x18F30] =	vst v7;
	v7 =	vmul.f32 v9, v11;
	v9 =	vld [tilespmem:s2+$0x18FA0]  }
0x10d: {  	[tilespmem:s2+$0x18F40] =	vst v8;
	v8 =	vmul.f32 v13, v11;
	v13 =	vld [tilespmem:s2+$0x18FB0]  }
0x10e: {  	[tilespmem:s2+$0x18F50] =	vst v7;
	v7 =	vmul.f32 v15, v11;
	v14 =	vld [tilespmem:s2+$0x18FC0]  }
0x10f: {  	[tilespmem:s2+$0x18F60] =	vst v8;
	v8 =	vmul.f32 v10, v11;
	v10 =	vld [tilespmem:s2+$0x18FD0]  }
0x110: {  	[tilespmem:s2+$0x18F70] =	vst v7;
	v7 =	vmul.f32 v12, v11;
	v12 =	vld [tilespmem:s2+$0x18FE0]  }
0x111: {  	[tilespmem:s2+$0x18F80] =	vst v8;
	v8 =	vmul.f32 v9, v11;
	v9 =	vld [tilespmem:s2+$0x18FF0]  }
0x112: {  	[tilespmem:s2+$0x18F90] =	vst v7;
	v7 =	vmul.f32 v13, v11;
	v11 =	vld [tilespmem:s2+$0x19000]  }
0x113: {  	[tilespmem:s2+$0x18FA0] =	vst v8;
	v8 =	vmul.f32 v14, v4;
	v13 =	vld [tilespmem:s2+$0x19010]  }
0x114: {  	[tilespmem:s2+$0x18FB0] =	vst v7;
	v7 =	vmul.f32 v10, v4;
	v10 =	vld [tilespmem:s2+$0x19020]  }
0x115: {  	v14 =	vld [tilespmem:s2+$0x18AC0];
	[tilespmem:s2+$0x18FC0] =	vst v8;
	v8 =	vmul.f32 v12, v4  }
0x116: {  	v12 =	vld [tilespmem:s2+$0x18AD0];
	[tilespmem:s2+$0x18FD0] =	vst v7;
	v7 =	vmul.f32 v9, v4  }
0x117: {  	v9 =	vld [tilespmem:s2+$0x18B00];
	[tilespmem:s2+$0x18FE0] =	vst v8;
	v8 =	vmul.f32 v11, v4  }
0x118: {  	v11 =	vld [tilespmem:s2+$0x18B10];
	[tilespmem:s2+$0x18FF0] =	vst v7;
	v7 =	vmul.f32 v13, v4  }
0x119: {  	[tilespmem:s2+$0x19000] =	vst v8;
	v8 =	vmul.f32 v10, v4;
	v10 =	vbroadcast v1, $0xB;
	v13 =	vld [tilespmem:s2+$0x19060]  }
0x11a: {  	v4 =	vbroadcast v1, $0xF;
	v14 =	vmul.f32 v2, v14;
	[tilespmem:s2+$0x19010] =	vst v7;
	v7 =	vld [tilespmem:s2+$0x19070]  }
0x11b: {  	v12 =	vmul.f32 v12, v2;
	[tilespmem:s2+$0x19020] =	vst v8;
	v5 =	vmul.f32 v5, v10;
	v8 =	vld [tilespmem:s2+$0x19080]  }
0x11c: {  	v6 =	vmul.f32 v6, v10;
	[tilespmem:s2+$0x18AC0] =	vst v14;
	v9 =	vmul.f32 v9, v2;
	v14 =	vld [tilespmem:s2+$0x19090]  }
0x11d: {  	v3 =	vmul.f32 v3, v4;
	v11 =	vmul.f32 v11, v2;
	[tilespmem:s2+$0x19040] =	vst v5;
	v2 =	vld [tilespmem:s2+$0x190A0]  }
0x11e: {  	[tilespmem:s2+$0x19050] =	vst v6;
	v5 =	vmul.f32 v13, v10;
	v6 =	vld [tilespmem:s2+$0x190B0]  }
0x11f: {  	v7 =	vmul.f32 v7, v10;
	v13 =	vld [tilespmem:s2+$0x190C0];
	[tilespmem:s2+$0x19290] =	vst v3  }
0x120: {  	[tilespmem:s2+$0x18AD0] =	vst v12;
	v3 =	vmul.f32 v8, v10;
	v8 =	vld [tilespmem:s2+$0x190D0]  }
0x121: {  	[tilespmem:s2+$0x18B00] =	vst v9;
	v9 =	vmul.f32 v14, v10;
	v12 =	vld [tilespmem:s2+$0x190E0]  }
0x122: {  	v14 =	vbroadcast v1, $0xC;
	[tilespmem:s2+$0x19060] =	vst v5;
	v5 =	vmul.f32 v2, v10;
	v15 =	vld [tilespmem:s2+$0x190F0]  }
0x123: {  	[tilespmem:s2+$0x19090] =	vst v9;
	v6 =	vmul.f32 v6, v10;
	v9 =	vld [tilespmem:s2+$0x19100]  }
0x124: {  	[tilespmem:s2+$0x19070] =	vst v7;
	v2 =	vmul.f32 v13, v14;
	v7 =	vld [tilespmem:s2+$0x19110]  }
0x125: {  	[tilespmem:s2+$0x19080] =	vst v3;
	v3 =	vmul.f32 v8, v14;
	v8 =	vld [tilespmem:s2+$0x19120]  }
0x126: {  	[tilespmem:s2+$0x190C0] =	vst v2;
	v2 =	vmul.f32 v12, v14;
	v10 =	vld [tilespmem:s2+$0x19130]  }
0x127: {  	[tilespmem:s2+$0x190D0] =	vst v3;
	v3 =	vld [tilespmem:s2+$0x19140]  }
0x128: {  	[tilespmem:s2+$0x18B10] =	vst v11;
	v9 =	vmul.f32 v9, v14;
	v11 =	vld [tilespmem:s2+$0x19150]  }
0x129: {  	[tilespmem:s2+$0x190A0] =	vst v5;
	v5 =	vmul.f32 v7, v14;
	v7 =	vld [tilespmem:s2+$0x19160]  }
0x12a: {  	[tilespmem:s2+$0x19100] =	vst v9;
	v8 =	vmul.f32 v8, v14;
	v9 =	vbroadcast v1, $0xD;
	v12 =	vld [tilespmem:s2+$0x19170]  }
0x12b: {  	[tilespmem:s2+$0x19110] =	vst v5;
	v5 =	vmul.f32 v10, v14;
	v10 =	vld [tilespmem:s2+$0x19180]  }
0x12c: {  	[tilespmem:s2+$0x19120] =	vst v8;
	v3 =	vmul.f32 v3, v9;
	v8 =	vld [tilespmem:s2+$0x19190]  }
0x12d: {  	[tilespmem:s2+$0x19130] =	vst v5;
	v5 =	vmul.f32 v11, v9;
	v11 =	vld [tilespmem:s2+$0x191A0]  }
0x12e: {  	[tilespmem:s2+$0x19140] =	vst v3;
	v3 =	vmul.f32 v7, v9;
	v7 =	vld [tilespmem:s2+$0x191B0]  }
0x12f: {  	[tilespmem:s2+$0x19150] =	vst v5;
	v5 =	vmul.f32 v12, v9;
	v12 =	vld [tilespmem:s2+$0x191C0]  }
0x130: {  	[tilespmem:s2+$0x19160] =	vst v3;
	v3 =	vmul.f32 v10, v9;
	v10 =	vld [tilespmem:s2+$0x191D0]  }
0x131: {  	[tilespmem:s2+$0x19170] =	vst v5;
	v5 =	vmul.f32 v8, v9;
	v8 =	vld [tilespmem:s2+$0x191E0]  }
0x132: {  	v1 =	vbroadcast v1, $0xE;
	[tilespmem:s2+$0x190B0] =	vst v6;
	v6 =	vmul.f32 v11, v9;
	v11 =	vld [tilespmem:s2+$0x191F0]  }
0x133: {  	[tilespmem:s2+$0x19190] =	vst v5;
	v5 =	vmul.f32 v7, v9;
	v7 =	vld [tilespmem:s2+$0x19200]  }
0x134: {  	[tilespmem:s2+$0x191A0] =	vst v6;
	v6 =	vmul.f32 v12, v1;
	v9 =	vld [tilespmem:s2+$0x19210]  }
0x135: {  	[tilespmem:s2+$0x191B0] =	vst v5;
	v5 =	vmul.f32 v10, v1;
	v10 =	vld [tilespmem:s2+$0x19220]  }
0x136: {  	[tilespmem:s2+$0x191C0] =	vst v6;
	v6 =	vmul.f32 v8, v1;
	v8 =	vld [tilespmem:s2+$0x19230]  }
0x137: {  	[tilespmem:s2+$0x191D0] =	vst v5;
	v5 =	vmul.f32 v11, v1;
	v11 =	vld [tilespmem:s2+$0x19240]  }
0x138: {  	[tilespmem:s2+$0x191E0] =	vst v6;
	v6 =	vmul.f32 v7, v1;
	v7 =	vld [tilespmem:s2+$0x19250]  }
0x139: {  	[tilespmem:s2+$0x191F0] =	vst v5;
	v5 =	vmul.f32 v9, v1;
	v9 =	vld [tilespmem:s2+$0x19260]  }
0x13a: {  	[tilespmem:s2+$0x19200] =	vst v6;
	v6 =	vmul.f32 v10, v1;
	v10 =	vld [tilespmem:s2+$0x19270]  }
0x13b: {  	[tilespmem:s2+$0x19180] =	vst v3;
	v1 =	vmul.f32 v8, v1;
	v3 =	vld [tilespmem:s2+$0x19280]  }
0x13c: {  	[tilespmem:s2+$0x19220] =	vst v6;
	v6 =	vmul.f32 v11, v4;
	v8 =	vld [tilespmem:s2+$0x192A0]  }
0x13d: {  	[tilespmem:s2+$0x19230] =	vst v1;
	v1 =	vmul.f32 v7, v4;
	v7 =	vld [tilespmem:s2+$0x192B0]  }
0x13e: {  	[tilespmem:s2+$0x19240] =	vst v6;
	v6 =	vmul.f32 v9, v4  }
0x13f: {  	[tilespmem:s2+$0x19250] =	vst v1;
	v1 =	vmul.f32 v10, v4  }
0x140: {  	v9 =	vmul.f32 v15, v14;
	[tilespmem:s2+$0x19260] =	vst v6  }
0x141: {  	[tilespmem:s2+$0x19270] =	vst v1;
	v1 =	vmul.f32 v3, v4  }
.Ltmp0:
0x142: {  	[tilespmem:s2+$0x190F0] =	vst v9;
	v3 =	vmul.f32 v7, v4;
	(pc) =	sbr.rel @p0 .LBB2_3-.Ltmp0, $4  }
0x143: {  	[tilespmem:s2+$0x19280] =	vst v1  }
0x144: {  	v1 =	vmul.f32 v8, v4;
	[tilespmem:s2+$0x192B0] =	vst v3  }
0x145: {  	[tilespmem:s2+$0x19210] =	vst v5  }
0x146: {  	[tilespmem:s2+$0x192A0] =	vst v1  }
0x147: {  	[tilespmem:s2+$0x190E0] =	vst v2  }
0x148: {  	_ =	swait.ge [sflag:s24], $0x50  }
0x149: {  	[sflag:s24] =	ssyncset.done $0x0  }
0x14a: {  	s0 =	sadd.s32 s4, s30;
	[sflag:s24] =	ssyncadd.s32 $0xFFFFFFB0  }
0x14b: {  	[spmem:s5] =	stream.indirect.scatter.add.f32 [tilespmem:s20], [sflag:$0x5], $0x80, s18, s19, $0xb8;
	[tilespmem:$0x1DAC0] =	vst v63  }
0x14c: {  	s0 =	sshrl.u32 s0, $0x3;
	_ =	swait.ge [sflag:s15], $0x2800  }
0x14d: {  	s17 =	simm.s32 $0x0;
	s0 =	sadd.s32 s3, s0;
	[sflag:s15] =	ssyncset.done $0x0  }
0x14e: {  	s2 =	sadd.s32 $0x16310, s31;
	s0 =	sadd.s32 $0x14, s0;
	[sflag:s15] =	ssyncadd.s32 $0xFFFFD800  }
0x14f: {  	[tilespmem:s18], [sflag:$0x3] =	stream.linear.gather [hbm4b:s0+s17], $0x50, $0x38;
	[tilespmem:$0x1DAC0] =	vst v63  }
0x150: {  	v0 =	vmov s2;
	s17 =	sadd.s32 $0x13CA0, s30  }
0x151: {  	[tilespmem:s20], [sflag:$0x1] =	stream.indirect.gather [hbm4b:s1+s19], $0x80, s17, s19, $0xb8;
	[tilespmem:$0x1DAC0] =	vst v63  }
0x152: {  	_ =	swait.ge [sflag:s25], $0x2800  }
0x153: {  	s30 =	simm.s32 $0x0;
	[sflag:s25] =	ssyncset.done $0x0  }
0x154: {  	s0 =	sand.u32 $0x3FFFFFF0, s30;
	[sflag:s25] =	ssyncadd.s32 $0xFFFFD800  }
0x155: {  	s31 =	simm.s32 $0x0;
	v1 =	vld.idx.msk [tilespmem:v0+s0+$0x0 ss:$0x1], $0xffff  }
0x156: {  	s2 =	sand.u32 $0x3FFFF800, s31  }
0x157: {  	v3 =	vld [tilespmem:s2+$0x1B2E0]  }
0x158: {  	v4 =	vld [tilespmem:s2+$0x1B2F0]  }
0x159: {  	v10 =	vld [tilespmem:s2+$0x1B320]  }
0x15a: {  	v11 =	vld [tilespmem:s2+$0x1B330];
	v2 =	vbroadcast v1, $0x0  }
0x15b: {  	v12 =	vld [tilespmem:s2+$0x1B340]  }
0x15c: {  	v13 =	vld [tilespmem:s2+$0x1B350];
	v3 =	vmul.f32 v3, v2  }
0x15d: {  	v14 =	vld [tilespmem:s2+$0x1B360];
	v4 =	vmul.f32 v4, v2  }
0x15e: {  	v9 =	vld [tilespmem:s2+$0x1B370];
	v23 =	vbroadcast v1, $0x1;
	v22 =	vmul.f32 v10, v2;
	[tilespmem:s2+$0x1B2E0] =	vst v3  }
0x15f: {  	v7 =	vld [tilespmem:s2+$0x1B380];
	v11 =	vmul.f32 v11, v2;
	[tilespmem:s2+$0x1B2F0] =	vst v4  }
0x160: {  	v8 =	vld [tilespmem:s2+$0x1B390];
	v12 =	vmul.f32 v12, v23;
	[tilespmem:s2+$0x1B320] =	vst v22  }
0x161: {  	v25 =	vld [tilespmem:s2+$0x1B3B0];
	v13 =	vmul.f32 v13, v23;
	[tilespmem:s2+$0x1B330] =	vst v11  }
0x162: {  	v26 =	vld [tilespmem:s2+$0x1B3C0];
	v14 =	vmul.f32 v14, v23;
	[tilespmem:s2+$0x1B340] =	vst v12  }
0x163: {  	v27 =	vld [tilespmem:s2+$0x1B3D0];
	v9 =	vmul.f32 v9, v23;
	[tilespmem:s2+$0x1B350] =	vst v13  }
0x164: {  	v6 =	vld [tilespmem:s2+$0x1B830];
	v7 =	vmul.f32 v7, v23;
	[tilespmem:s2+$0x1B360] =	vst v14  }
0x165: {  	v24 =	vld [tilespmem:s2+$0x1B3A0];
	v15 =	vbroadcast v1, $0x2;
	v8 =	vmul.f32 v8, v23;
	[tilespmem:s2+$0x1B370] =	vst v9  }
0x166: {  	v28 =	vld [tilespmem:s2+$0x1B3E0];
	v10 =	vmul.f32 v25, v23;
	[tilespmem:s2+$0x1B380] =	vst v7  }
0x167: {  	v29 =	vld [tilespmem:s2+$0x1B3F0];
	v5 =	vbroadcast v1, $0xA;
	v32 =	vmul.f32 v26, v15;
	[tilespmem:s2+$0x1B390] =	vst v8  }
0x168: {  	v30 =	vld [tilespmem:s2+$0x1B400];
	v34 =	vmul.f32 v27, v15;
	[tilespmem:s2+$0x1B3B0] =	vst v10  }
0x169: {  	v33 =	vld [tilespmem:s2+$0x1B420];
	v3 =	vmul.f32 v6, v5;
	[tilespmem:s2+$0x1B3C0] =	vst v32  }
0x16a: {  	v35 =	vld [tilespmem:s2+$0x1B430];
	v11 =	vmul.f32 v24, v23;
	[tilespmem:s2+$0x1B3D0] =	vst v34  }
0x16b: {  	v36 =	vld [tilespmem:s2+$0x1B440];
	v9 =	vmul.f32 v28, v15;
	[tilespmem:s2+$0x1B830] =	vst v3  }
0x16c: {  	v31 =	vld [tilespmem:s2+$0x1B410];
	v7 =	vmul.f32 v29, v15;
	[tilespmem:s2+$0x1B3A0] =	vst v11  }
0x16d: {  	v37 =	vld [tilespmem:s2+$0x1B450];
	v8 =	vmul.f32 v30, v15;
	[tilespmem:s2+$0x1B3E0] =	vst v9  }
0x16e: {  	v38 =	vld [tilespmem:s2+$0x1B460];
	v41 =	vbroadcast v1, $0x3;
	v10 =	vmul.f32 v33, v15;
	[tilespmem:s2+$0x1B3F0] =	vst v7  }
0x16f: {  	v39 =	vld [tilespmem:s2+$0x1B470];
	v12 =	vmul.f32 v35, v15;
	[tilespmem:s2+$0x1B400] =	vst v8  }
0x170: {  	v42 =	vld [tilespmem:s2+$0x1B490];
	v13 =	vmul.f32 v36, v41;
	[tilespmem:s2+$0x1B420] =	vst v10  }
0x171: {  	v43 =	vld [tilespmem:s2+$0x1B4A0];
	v11 =	vmul.f32 v31, v15;
	[tilespmem:s2+$0x1B430] =	vst v12  }
0x172: {  	v44 =	vld [tilespmem:s2+$0x1B4B0];
	v9 =	vmul.f32 v37, v41;
	[tilespmem:s2+$0x1B440] =	vst v13  }
0x173: {  	v40 =	vld [tilespmem:s2+$0x1B480];
	v7 =	vmul.f32 v38, v41;
	[tilespmem:s2+$0x1B410] =	vst v11  }
0x174: {  	v45 =	vld [tilespmem:s2+$0x1B4C0];
	v8 =	vmul.f32 v39, v41;
	[tilespmem:s2+$0x1B450] =	vst v9  }
0x175: {  	v46 =	vld [tilespmem:s2+$0x1B4D0];
	v10 =	vmul.f32 v42, v41;
	[tilespmem:s2+$0x1B460] =	vst v7  }
0x176: {  	v47 =	vld [tilespmem:s2+$0x1B4E0];
	v12 =	vmul.f32 v43, v41;
	[tilespmem:s2+$0x1B470] =	vst v8  }
0x177: {  	v49 =	vld [tilespmem:s2+$0x1B500];
	v50 =	vbroadcast v1, $0x4;
	v13 =	vmul.f32 v44, v41;
	[tilespmem:s2+$0x1B490] =	vst v10  }
0x178: {  	v51 =	vld [tilespmem:s2+$0x1B510];
	v11 =	vmul.f32 v40, v41;
	[tilespmem:s2+$0x1B4A0] =	vst v12  }
0x179: {  	v52 =	vld [tilespmem:s2+$0x1B520];
	v9 =	vmul.f32 v45, v50;
	[tilespmem:s2+$0x1B4B0] =	vst v13  }
0x17a: {  	v48 =	vld [tilespmem:s2+$0x1B4F0];
	v7 =	vmul.f32 v46, v50;
	[tilespmem:s2+$0x1B480] =	vst v11  }
0x17b: {  	v53 =	vld [tilespmem:s2+$0x1B530];
	v8 =	vmul.f32 v47, v50;
	[tilespmem:s2+$0x1B4C0] =	vst v9  }
0x17c: {  	v54 =	vld [tilespmem:s2+$0x1B540];
	v10 =	vmul.f32 v49, v50;
	[tilespmem:s2+$0x1B4D0] =	vst v7  }
0x17d: {  	v55 =	vld [tilespmem:s2+$0x1B550];
	v12 =	vmul.f32 v51, v50;
	[tilespmem:s2+$0x1B4E0] =	vst v8  }
0x17e: {  	v57 =	vld [tilespmem:s2+$0x1B570];
	v13 =	vmul.f32 v52, v50;
	[tilespmem:s2+$0x1B500] =	vst v10  }
0x17f: {  	v58 =	vld [tilespmem:s2+$0x1B580];
	v59 =	vbroadcast v1, $0x5;
	v11 =	vmul.f32 v48, v50;
	[tilespmem:s2+$0x1B510] =	vst v12  }
0x180: {  	v60 =	vld [tilespmem:s2+$0x1B590];
	v9 =	vmul.f32 v53, v50;
	[tilespmem:s2+$0x1B520] =	vst v13  }
0x181: {  	v56 =	vld [tilespmem:s2+$0x1B560];
	v7 =	vmul.f32 v54, v59;
	[tilespmem:s2+$0x1B4F0] =	vst v11  }
0x182: {  	v61 =	vld [tilespmem:s2+$0x1B5A0];
	v8 =	vmul.f32 v55, v59;
	[tilespmem:s2+$0x1B530] =	vst v9  }
0x183: {  	v62 =	vld [tilespmem:s2+$0x1B5B0];
	v10 =	vmul.f32 v57, v59;
	[tilespmem:s2+$0x1B540] =	vst v7  }
0x184: {  	v63 =	vld [tilespmem:s2+$0x1B5C0];
	v12 =	vmul.f32 v58, v59;
	[tilespmem:s2+$0x1B550] =	vst v8  }
0x185: {  	v19 =	vld [tilespmem:s2+$0x1B5E0];
	v13 =	vmul.f32 v60, v59;
	[tilespmem:s2+$0x1B570] =	vst v10  }
0x186: {  	v20 =	vld [tilespmem:s2+$0x1B5F0];
	v11 =	vmul.f32 v56, v59;
	[tilespmem:s2+$0x1B580] =	vst v12  }
0x187: {  	v21 =	vld [tilespmem:s2+$0x1B600];
	v22 =	vbroadcast v1, $0x6;
	v9 =	vmul.f32 v61, v59;
	[tilespmem:s2+$0x1B590] =	vst v13  }
0x188: {  	v18 =	vld [tilespmem:s2+$0x1B5D0];
	v7 =	vmul.f32 v62, v59;
	[tilespmem:s2+$0x1B560] =	vst v11  }
0x189: {  	v23 =	vld [tilespmem:s2+$0x1B610];
	v8 =	vmul.f32 v63, v22;
	[tilespmem:s2+$0x1B5A0] =	vst v9  }
0x18a: {  	v24 =	vld [tilespmem:s2+$0x1B620];
	v10 =	vmul.f32 v19, v22;
	[tilespmem:s2+$0x1B5B0] =	vst v7  }
0x18b: {  	v25 =	vld [tilespmem:s2+$0x1B630];
	v12 =	vmul.f32 v20, v22;
	[tilespmem:s2+$0x1B5C0] =	vst v8  }
0x18c: {  	v27 =	vld [tilespmem:s2+$0x1B650];
	v13 =	vmul.f32 v21, v22;
	[tilespmem:s2+$0x1B5E0] =	vst v10  }
0x18d: {  	v28 =	vld [tilespmem:s2+$0x1B660];
	v11 =	vmul.f32 v18, v22;
	[tilespmem:s2+$0x1B5F0] =	vst v12  }
0x18e: {  	v29 =	vld [tilespmem:s2+$0x1B670];
	v9 =	vmul.f32 v23, v22;
	[tilespmem:s2+$0x1B600] =	vst v13  }
0x18f: {  	v31 =	vbroadcast v1, $0x7;
	v53 =	vld [tilespmem:s2+$0x1B7C0];
	v7 =	vmul.f32 v24, v22;
	[tilespmem:s2+$0x1B5D0] =	vst v11  }
0x190: {  	v57 =	vld [tilespmem:s2+$0x1B800];
	v8 =	vmul.f32 v25, v22;
	[tilespmem:s2+$0x1B610] =	vst v9  }
0x191: {  	v58 =	vld [tilespmem:s2+$0x1B810];
	v10 =	vmul.f32 v27, v31;
	[tilespmem:s2+$0x1B620] =	vst v7  }
0x192: {  	v26 =	vld [tilespmem:s2+$0x1B640];
	v12 =	vmul.f32 v28, v31;
	[tilespmem:s2+$0x1B630] =	vst v8  }
0x193: {  	v30 =	vld [tilespmem:s2+$0x1B680];
	v13 =	vmul.f32 v29, v31;
	[tilespmem:s2+$0x1B650] =	vst v10  }
0x194: {  	v32 =	vld [tilespmem:s2+$0x1B690];
	v59 =	vmul.f32 v53, v5;
	[tilespmem:s2+$0x1B660] =	vst v12  }
0x195: {  	v33 =	vld [tilespmem:s2+$0x1B6A0];
	v18 =	vmul.f32 v57, v5;
	[tilespmem:s2+$0x1B670] =	vst v13  }
0x196: {  	v35 =	vld [tilespmem:s2+$0x1B6C0];
	v20 =	vmul.f32 v58, v5;
	[tilespmem:s2+$0x1B7C0] =	vst v59  }
0x197: {  	v36 =	vld [tilespmem:s2+$0x1B6D0];
	v11 =	vmul.f32 v26, v31;
	[tilespmem:s2+$0x1B800] =	vst v18  }
0x198: {  	v37 =	vld [tilespmem:s2+$0x1B6E0];
	v9 =	vmul.f32 v30, v31;
	[tilespmem:s2+$0x1B810] =	vst v20  }
0x199: {  	v4 =	vld [tilespmem:s2+$0x1B840];
	v40 =	vbroadcast v1, $0x8;
	v7 =	vmul.f32 v32, v31;
	[tilespmem:s2+$0x1B640] =	vst v11  }
0x19a: {  	v6 =	vld [tilespmem:s2+$0x1B850];
	v8 =	vmul.f32 v33, v31;
	[tilespmem:s2+$0x1B680] =	vst v9  }
0x19b: {  	v3 =	vld [tilespmem:s2+$0x1BA90];
	v10 =	vmul.f32 v35, v40;
	[tilespmem:s2+$0x1B690] =	vst v7  }
0x19c: {  	v61 =	vld [tilespmem:s2+$0x1B2C0];
	v23 =	vbroadcast v1, $0xB;
	v12 =	vmul.f32 v36, v40;
	[tilespmem:s2+$0x1B6A0] =	vst v8  }
0x19d: {  	v34 =	vld [tilespmem:s2+$0x1B6B0];
	v13 =	vmul.f32 v37, v40;
	[tilespmem:s2+$0x1B6C0] =	vst v10  }
0x19e: {  	v38 =	vld [tilespmem:s2+$0x1B6F0];
	v27 =	vbroadcast v1, $0xF;
	v4 =	vmul.f32 v4, v23;
	[tilespmem:s2+$0x1B6D0] =	vst v12  }
0x19f: {  	v39 =	vld [tilespmem:s2+$0x1B700];
	v6 =	vmul.f32 v6, v23;
	[tilespmem:s2+$0x1B6E0] =	vst v13  }
0x1a0: {  	v41 =	vld [tilespmem:s2+$0x1B710];
	v3 =	vmul.f32 v3, v27;
	[tilespmem:s2+$0x1B840] =	vst v4  }
0x1a1: {  	v43 =	vld [tilespmem:s2+$0x1B730];
	v24 =	vmul.f32 v2, v61;
	[tilespmem:s2+$0x1B850] =	vst v6  }
0x1a2: {  	v44 =	vld [tilespmem:s2+$0x1B740];
	v11 =	vmul.f32 v34, v31;
	[tilespmem:s2+$0x1BA90] =	vst v3  }
0x1a3: {  	v45 =	vld [tilespmem:s2+$0x1B750];
	v9 =	vmul.f32 v38, v40;
	[tilespmem:s2+$0x1B2C0] =	vst v24  }
0x1a4: {  	v63 =	vld [tilespmem:s2+$0x1B300];
	v7 =	vmul.f32 v39, v40;
	[tilespmem:s2+$0x1B6B0] =	vst v11  }
0x1a5: {  	v49 =	vbroadcast v1, $0x9;
	v29 =	vld [tilespmem:s2+$0x1B8B0];
	v8 =	vmul.f32 v41, v40;
	[tilespmem:s2+$0x1B6F0] =	vst v9  }
0x1a6: {  	v42 =	vld [tilespmem:s2+$0x1B720];
	v10 =	vmul.f32 v43, v40;
	[tilespmem:s2+$0x1B700] =	vst v7  }
0x1a7: {  	v46 =	vld [tilespmem:s2+$0x1B760];
	v12 =	vmul.f32 v44, v49;
	[tilespmem:s2+$0x1B710] =	vst v8  }
0x1a8: {  	v47 =	vld [tilespmem:s2+$0x1B770];
	v13 =	vmul.f32 v45, v49;
	[tilespmem:s2+$0x1B730] =	vst v10  }
0x1a9: {  	v48 =	vld [tilespmem:s2+$0x1B780];
	v3 =	vmul.f32 v63, v2;
	[tilespmem:s2+$0x1B740] =	vst v12  }
0x1aa: {  	v51 =	vld [tilespmem:s2+$0x1B7A0];
	v6 =	vmul.f32 v29, v23;
	[tilespmem:s2+$0x1B750] =	vst v13  }
0x1ab: {  	v52 =	vld [tilespmem:s2+$0x1B7B0];
	v11 =	vmul.f32 v42, v40;
	[tilespmem:s2+$0x1B300] =	vst v3  }
0x1ac: {  	v28 =	vld [tilespmem:s2+$0x1B8A0];
	v9 =	vmul.f32 v46, v49;
	[tilespmem:s2+$0x1B8B0] =	vst v6  }
0x1ad: {  	v26 =	vld [tilespmem:s2+$0x1B890];
	v7 =	vmul.f32 v47, v49;
	[tilespmem:s2+$0x1B720] =	vst v11  }
0x1ae: {  	v30 =	vld [tilespmem:s2+$0x1B8C0];
	v8 =	vmul.f32 v48, v49;
	[tilespmem:s2+$0x1B760] =	vst v9  }
0x1af: {  	v50 =	vld [tilespmem:s2+$0x1B790];
	v10 =	vmul.f32 v51, v49;
	[tilespmem:s2+$0x1B770] =	vst v7  }
0x1b0: {  	v54 =	vld [tilespmem:s2+$0x1B7D0];
	v12 =	vmul.f32 v52, v49;
	[tilespmem:s2+$0x1B780] =	vst v8  }
0x1b1: {  	v55 =	vld [tilespmem:s2+$0x1B7E0];
	v35 =	vbroadcast v1, $0xC;
	v40 =	vmul.f32 v28, v23;
	[tilespmem:s2+$0x1B7A0] =	vst v10  }
0x1b2: {  	v56 =	vld [tilespmem:s2+$0x1B7F0];
	v32 =	vmul.f32 v26, v23;
	[tilespmem:s2+$0x1B7B0] =	vst v12  }
0x1b3: {  	v60 =	vld [tilespmem:s2+$0x1B820];
	v15 =	vmul.f32 v30, v35;
	[tilespmem:s2+$0x1B8A0] =	vst v40  }
0x1b4: {  	v62 =	vld [tilespmem:s2+$0x1B2D0];
	v11 =	vmul.f32 v50, v49;
	[tilespmem:s2+$0x1B890] =	vst v32  }
0x1b5: {  	v19 =	vld [tilespmem:s2+$0x1B310];
	v9 =	vmul.f32 v54, v5;
	[tilespmem:s2+$0x1B8C0] =	vst v15  }
0x1b6: {  	v33 =	vld [tilespmem:s2+$0x1B8F0];
	v7 =	vmul.f32 v55, v5;
	[tilespmem:s2+$0x1B790] =	vst v11  }
0x1b7: {  	v61 =	vld [tilespmem:s2+$0x1BAB0];
	v8 =	vmul.f32 v56, v5;
	[tilespmem:s2+$0x1B7D0] =	vst v9  }
0x1b8: {  	v38 =	vld [tilespmem:s2+$0x1B930];
	v5 =	vmul.f32 v60, v5;
	[tilespmem:s2+$0x1B7E0] =	vst v7  }
0x1b9: {  	v21 =	vld [tilespmem:s2+$0x1B860];
	v12 =	vmul.f32 v62, v2;
	[tilespmem:s2+$0x1B7F0] =	vst v8  }
0x1ba: {  	v22 =	vld [tilespmem:s2+$0x1B870];
	v2 =	vmul.f32 v19, v2;
	[tilespmem:s2+$0x1B820] =	vst v5  }
0x1bb: {  	v25 =	vld [tilespmem:s2+$0x1B880];
	v62 =	vmul.f32 v33, v35;
	[tilespmem:s2+$0x1B2D0] =	vst v12  }
0x1bc: {  	v31 =	vld [tilespmem:s2+$0x1B8D0];
	v63 =	vmul.f32 v61, v27;
	[tilespmem:s2+$0x1B310] =	vst v2  }
0x1bd: {  	v34 =	vld [tilespmem:s2+$0x1B900];
	v15 =	vmul.f32 v38, v35;
	[tilespmem:s2+$0x1B8F0] =	vst v62  }
0x1be: {  	v41 =	vld [tilespmem:s2+$0x1B960];
	v7 =	vmul.f32 v21, v23;
	[tilespmem:s2+$0x1BAB0] =	vst v63  }
0x1bf: {  	v46 =	vld [tilespmem:s2+$0x1B9A0];
	v8 =	vmul.f32 v22, v23;
	[tilespmem:s2+$0x1B930] =	vst v15  }
0x1c0: {  	v36 =	vld [tilespmem:s2+$0x1B910];
	v5 =	vmul.f32 v25, v23;
	[tilespmem:s2+$0x1B860] =	vst v7  }
0x1c1: {  	v44 =	vbroadcast v1, $0xD;
	v9 =	vmul.f32 v31, v35;
	v2 =	vld [tilespmem:s2+$0x1B950];
	[tilespmem:s2+$0x1B870] =	vst v8  }
0x1c2: {  	v37 =	vld [tilespmem:s2+$0x1B920];
	v12 =	vmul.f32 v34, v35;
	[tilespmem:s2+$0x1B880] =	vst v5  }
0x1c3: {  	v39 =	vld [tilespmem:s2+$0x1B940];
	v11 =	vmul.f32 v41, v44;
	[tilespmem:s2+$0x1B8D0] =	vst v9  }
0x1c4: {  	v42 =	vld [tilespmem:s2+$0x1B970];
	v51 =	vmul.f32 v46, v44;
	[tilespmem:s2+$0x1B900] =	vst v12  }
0x1c5: {  	v48 =	vld [tilespmem:s2+$0x1B9D0];
	v8 =	vmul.f32 v36, v35;
	[tilespmem:s2+$0x1B960] =	vst v11  }
0x1c6: {  	v49 =	vld [tilespmem:s2+$0x1B9E0];
	[tilespmem:s2+$0x1B9A0] =	vst v51;
	v2 =	vmul.f32 v2, v44  }
0x1c7: {  	v50 =	vld [tilespmem:s2+$0x1B9F0];
	v5 =	vmul.f32 v37, v35;
	[tilespmem:s2+$0x1B910] =	vst v8  }
0x1c8: {  	v1 =	vbroadcast v1, $0xE;
	v9 =	vmul.f32 v39, v44;
	[tilespmem:s2+$0x1B950] =	vst v2;
	v2 =	vld [tilespmem:s2+$0x1B9C0]  }
0x1c9: {  	v60 =	vld [tilespmem:s2+$0x1BAA0];
	v12 =	vmul.f32 v42, v44;
	[tilespmem:s2+$0x1B920] =	vst v5  }
0x1ca: {  	v45 =	vld [tilespmem:s2+$0x1B990];
	v11 =	vmul.f32 v48, v1;
	[tilespmem:s2+$0x1B940] =	vst v9  }
0x1cb: {  	v47 =	vld [tilespmem:s2+$0x1B9B0];
	v10 =	vmul.f32 v49, v1;
	[tilespmem:s2+$0x1B970] =	vst v12  }
0x1cc: {  	v43 =	vld [tilespmem:s2+$0x1B980];
	v6 =	vmul.f32 v50, v1;
	[tilespmem:s2+$0x1B9D0] =	vst v11  }
0x1cd: {  	v55 =	vld [tilespmem:s2+$0x1BA40];
	[tilespmem:s2+$0x1B9E0] =	vst v10;
	v2 =	vmul.f32 v2, v1  }
0x1ce: {  	v57 =	vld [tilespmem:s2+$0x1BA60];
	v4 =	vmul.f32 v60, v27;
	[tilespmem:s2+$0x1B9F0] =	vst v6  }
0x1cf: {  	v5 =	vmul.f32 v45, v44;
	[tilespmem:s2+$0x1B9C0] =	vst v2;
	v2 =	vld [tilespmem:s2+$0x1BA30]  }
0x1d0: {  	v52 =	vld [tilespmem:s2+$0x1BA00];
	v9 =	vmul.f32 v47, v44;
	[tilespmem:s2+$0x1BAA0] =	vst v4  }
0x1d1: {  	v56 =	vld [tilespmem:s2+$0x1BA50];
	v8 =	vmul.f32 v43, v44;
	[tilespmem:s2+$0x1B990] =	vst v5  }
0x1d2: {  	v54 =	vld [tilespmem:s2+$0x1BA20];
	v11 =	vmul.f32 v55, v27;
	[tilespmem:s2+$0x1B9B0] =	vst v9  }
0x1d3: {  	v58 =	vld [tilespmem:s2+$0x1BA70];
	v6 =	vmul.f32 v57, v27;
	[tilespmem:s2+$0x1B980] =	vst v8  }
0x1d4: {  	v53 =	vld [tilespmem:s2+$0x1BA10];
	[tilespmem:s2+$0x1BA40] =	vst v11;
	v2 =	vmul.f32 v2, v1  }
0x1d5: {  	v59 =	vld [tilespmem:s2+$0x1BA80];
	v5 =	vmul.f32 v52, v1;
	[tilespmem:s2+$0x1BA60] =	vst v6  }
0x1d6: {  	[tilespmem:s2+$0x1BA30] =	vst v2;
	v2 =	vmul.f32 v56, v27  }
0x1d7: {  	v3 =	vld [tilespmem:s2+$0x1B8E0];
	v9 =	vmul.f32 v54, v1;
	[tilespmem:s2+$0x1BA00] =	vst v5  }
0x1d8: {  	[tilespmem:s2+$0x1BA50] =	vst v2;
	v2 =	vmul.f32 v58, v27  }
0x1d9: {  	[tilespmem:s2+$0x1BA20] =	vst v9;
	v1 =	vmul.f32 v53, v1  }
0x1da: {  	[tilespmem:s2+$0x1BA70] =	vst v2;
	v2 =	vmul.f32 v59, v27  }
0x1db: {  	[tilespmem:s2+$0x1BA10] =	vst v1  }
0x1dc: {  	s0 =	simm.s32 $0x1;
	[tilespmem:s2+$0x1BA80] =	vst v2;
	v2 =	vmul.f32 v3, v35  }
.LBB2_5:
0x1dd: {  	s17 =	sshll.u32 s0, $0x4  }
0x1de: {  	p0 =	sne.s32 s0, $0x4;
	[tilespmem:s2+$0x1B8E0] =	vst v2;
	s2 =	smov.u32 s0;
	s0 =	sadd.s32 $0x1, s0  }
0x1df: {  	s17 =	sand.u32 $0x3FFFFFF0, s17  }
0x1e0: {  	v1 =	vld.idx.msk [tilespmem:v0+s17+$0x0 ss:$0x1], $0xffff  }
0x1e1: {  	s2 =	sshll.u32 s2, $0xB  }
0x1e2: {  	s2 =	sand.u32 $0x3FFFF800, s2  }
0x1e3: {  	v8 =	vld [tilespmem:s2+$0x1B380]  }
0x1e4: {  	v9 =	vld [tilespmem:s2+$0x1B390]  }
0x1e5: {  	v10 =	vld [tilespmem:s2+$0x1B370]  }
0x1e6: {  	v2 =	vbroadcast v1, $0x0;
	v7 =	vbroadcast v1, $0x4;
	v3 =	vld [tilespmem:s2+$0x1B2E0]  }
0x1e7: {  	v5 =	vld [tilespmem:s2+$0x1B2F0]  }
0x1e8: {  	v6 =	vld [tilespmem:s2+$0x1B830]  }
0x1e9: {  	v11 =	vld [tilespmem:s2+$0x1B320]  }
0x1ea: {  	v12 =	vld [tilespmem:s2+$0x1B330]  }
0x1eb: {  	v4 =	vbroadcast v1, $0xA;
	v3 =	vmul.f32 v3, v2;
	v13 =	vld [tilespmem:s2+$0x1B340]  }
0x1ec: {  	v5 =	vmul.f32 v5, v2;
	v14 =	vld [tilespmem:s2+$0x1B350]  }
0x1ed: {  	[tilespmem:s2+$0x1B2E0] =	vst v3;
	v15 =	vld [tilespmem:s2+$0x1B360];
	v3 =	vmul.f32 v6, v4  }
0x1ee: {  	[tilespmem:s2+$0x1B2F0] =	vst v5;
	v6 =	vmul.f32 v11, v2;
	v11 =	vbroadcast v1, $0x1;
	v5 =	vld [tilespmem:s2+$0x1B840]  }
0x1ef: {  	v12 =	vmul.f32 v12, v2;
	[tilespmem:s2+$0x1B830] =	vst v3;
	v3 =	vld [tilespmem:s2+$0x1BA90]  }
0x1f0: {  	[tilespmem:s2+$0x1B320] =	vst v6;
	v13 =	vmul.f32 v13, v11;
	v6 =	vld [tilespmem:s2+$0x1B850]  }
0x1f1: {  	[tilespmem:s2+$0x1B330] =	vst v12;
	v12 =	vmul.f32 v14, v11;
	v14 =	vld [tilespmem:s2+$0x1B3A0]  }
0x1f2: {  	[tilespmem:s2+$0x1B340] =	vst v13;
	v13 =	vmul.f32 v15, v11;
	v15 =	vld [tilespmem:s2+$0x1B3B0]  }
0x1f3: {  	v10 =	vmul.f32 v10, v11;
	[tilespmem:s2+$0x1B350] =	vst v12;
	v12 =	vld [tilespmem:s2+$0x1B3C0]  }
0x1f4: {  	v8 =	vmul.f32 v8, v11;
	[tilespmem:s2+$0x1B360] =	vst v13;
	v13 =	vld [tilespmem:s2+$0x1B3D0]  }
0x1f5: {  	v9 =	vmul.f32 v9, v11;
	[tilespmem:s2+$0x1B370] =	vst v10;
	v10 =	vld [tilespmem:s2+$0x1B3E0]  }
0x1f6: {  	[tilespmem:s2+$0x1B380] =	vst v8;
	v8 =	vmul.f32 v14, v11;
	v14 =	vbroadcast v1, $0x2;
	v16 =	vld [tilespmem:s2+$0x1B3F0]  }
0x1f7: {  	[tilespmem:s2+$0x1B390] =	vst v9;
	v9 =	vmul.f32 v15, v11;
	v11 =	vld [tilespmem:s2+$0x1B400]  }
0x1f8: {  	[tilespmem:s2+$0x1B3A0] =	vst v8;
	v8 =	vmul.f32 v12, v14;
	v12 =	vld [tilespmem:s2+$0x1B410]  }
0x1f9: {  	[tilespmem:s2+$0x1B3B0] =	vst v9;
	v9 =	vmul.f32 v13, v14;
	v13 =	vld [tilespmem:s2+$0x1B420]  }
0x1fa: {  	[tilespmem:s2+$0x1B3C0] =	vst v8;
	v8 =	vmul.f32 v10, v14;
	v10 =	vld [tilespmem:s2+$0x1B430]  }
0x1fb: {  	[tilespmem:s2+$0x1B3D0] =	vst v9;
	v9 =	vmul.f32 v16, v14;
	v15 =	vld [tilespmem:s2+$0x1B440]  }
0x1fc: {  	[tilespmem:s2+$0x1B3E0] =	vst v8;
	v8 =	vmul.f32 v11, v14;
	v11 =	vld [tilespmem:s2+$0x1B450]  }
0x1fd: {  	[tilespmem:s2+$0x1B3F0] =	vst v9;
	v9 =	vmul.f32 v12, v14;
	v12 =	vld [tilespmem:s2+$0x1B460]  }
0x1fe: {  	[tilespmem:s2+$0x1B400] =	vst v8;
	v8 =	vmul.f32 v13, v14;
	v13 =	vbroadcast v1, $0x3;
	v16 =	vld [tilespmem:s2+$0x1B470]  }
0x1ff: {  	[tilespmem:s2+$0x1B410] =	vst v9;
	v9 =	vmul.f32 v10, v14;
	v10 =	vld [tilespmem:s2+$0x1B480]  }
0x200: {  	[tilespmem:s2+$0x1B420] =	vst v8;
	v8 =	vmul.f32 v15, v13;
	v14 =	vld [tilespmem:s2+$0x1B490]  }
0x201: {  	[tilespmem:s2+$0x1B430] =	vst v9;
	v9 =	vmul.f32 v11, v13;
	v11 =	vld [tilespmem:s2+$0x1B4A0]  }
0x202: {  	[tilespmem:s2+$0x1B440] =	vst v8;
	v8 =	vmul.f32 v12, v13;
	v12 =	vld [tilespmem:s2+$0x1B4B0]  }
0x203: {  	[tilespmem:s2+$0x1B450] =	vst v9;
	v9 =	vmul.f32 v16, v13;
	v15 =	vld [tilespmem:s2+$0x1B4C0]  }
0x204: {  	[tilespmem:s2+$0x1B460] =	vst v8;
	v8 =	vmul.f32 v10, v13;
	v10 =	vld [tilespmem:s2+$0x1B4D0]  }
0x205: {  	[tilespmem:s2+$0x1B470] =	vst v9;
	v9 =	vmul.f32 v14, v13;
	v14 =	vld [tilespmem:s2+$0x1B4E0]  }
0x206: {  	[tilespmem:s2+$0x1B480] =	vst v8;
	v8 =	vmul.f32 v11, v13;
	v11 =	vld [tilespmem:s2+$0x1B4F0]  }
0x207: {  	[tilespmem:s2+$0x1B490] =	vst v9;
	v9 =	vmul.f32 v12, v13;
	v12 =	vld [tilespmem:s2+$0x1B500]  }
0x208: {  	[tilespmem:s2+$0x1B4A0] =	vst v8;
	v8 =	vmul.f32 v15, v7;
	v13 =	vld [tilespmem:s2+$0x1B510]  }
0x209: {  	[tilespmem:s2+$0x1B4B0] =	vst v9;
	v9 =	vmul.f32 v10, v7;
	v10 =	vld [tilespmem:s2+$0x1B520]  }
0x20a: {  	[tilespmem:s2+$0x1B4C0] =	vst v8;
	v8 =	vmul.f32 v14, v7;
	v14 =	vld [tilespmem:s2+$0x1B530]  }
0x20b: {  	[tilespmem:s2+$0x1B4D0] =	vst v9;
	v9 =	vmul.f32 v11, v7;
	v11 =	vld [tilespmem:s2+$0x1B540]  }
0x20c: {  	[tilespmem:s2+$0x1B4E0] =	vst v8;
	v8 =	vmul.f32 v12, v7;
	v12 =	vld [tilespmem:s2+$0x1B550]  }
0x20d: {  	[tilespmem:s2+$0x1B4F0] =	vst v9;
	v9 =	vmul.f32 v13, v7;
	v13 =	vld [tilespmem:s2+$0x1B560]  }
0x20e: {  	[tilespmem:s2+$0x1B500] =	vst v8;
	v8 =	vmul.f32 v10, v7;
	v10 =	vbroadcast v1, $0x5;
	v15 =	vld [tilespmem:s2+$0x1B570]  }
0x20f: {  	[tilespmem:s2+$0x1B510] =	vst v9;
	v7 =	vmul.f32 v14, v7;
	v9 =	vld [tilespmem:s2+$0x1B580]  }
0x210: {  	[tilespmem:s2+$0x1B520] =	vst v8;
	v8 =	vmul.f32 v11, v10;
	v11 =	vld [tilespmem:s2+$0x1B590]  }
0x211: {  	[tilespmem:s2+$0x1B530] =	vst v7;
	v7 =	vmul.f32 v12, v10;
	v12 =	vld [tilespmem:s2+$0x1B5A0]  }
0x212: {  	[tilespmem:s2+$0x1B540] =	vst v8;
	v8 =	vmul.f32 v13, v10;
	v13 =	vld [tilespmem:s2+$0x1B5B0]  }
0x213: {  	[tilespmem:s2+$0x1B550] =	vst v7;
	v7 =	vmul.f32 v15, v10;
	v14 =	vld [tilespmem:s2+$0x1B5C0]  }
0x214: {  	[tilespmem:s2+$0x1B560] =	vst v8;
	v8 =	vmul.f32 v9, v10;
	v9 =	vld [tilespmem:s2+$0x1B5D0]  }
0x215: {  	[tilespmem:s2+$0x1B570] =	vst v7;
	v7 =	vmul.f32 v11, v10;
	v11 =	vld [tilespmem:s2+$0x1B5E0]  }
0x216: {  	[tilespmem:s2+$0x1B580] =	vst v8;
	v8 =	vmul.f32 v12, v10;
	v12 =	vbroadcast v1, $0x6;
	v15 =	vld [tilespmem:s2+$0x1B5F0]  }
0x217: {  	[tilespmem:s2+$0x1B590] =	vst v7;
	v7 =	vmul.f32 v13, v10;
	v10 =	vld [tilespmem:s2+$0x1B600]  }
0x218: {  	[tilespmem:s2+$0x1B5A0] =	vst v8;
	v8 =	vmul.f32 v14, v12;
	v13 =	vld [tilespmem:s2+$0x1B610]  }
0x219: {  	[tilespmem:s2+$0x1B5B0] =	vst v7;
	v7 =	vmul.f32 v9, v12;
	v9 =	vld [tilespmem:s2+$0x1B620]  }
0x21a: {  	[tilespmem:s2+$0x1B5C0] =	vst v8;
	v8 =	vmul.f32 v11, v12;
	v11 =	vld [tilespmem:s2+$0x1B630]  }
0x21b: {  	[tilespmem:s2+$0x1B5D0] =	vst v7;
	v7 =	vmul.f32 v15, v12;
	v14 =	vld [tilespmem:s2+$0x1B640]  }
0x21c: {  	[tilespmem:s2+$0x1B5E0] =	vst v8;
	v8 =	vmul.f32 v10, v12;
	v10 =	vld [tilespmem:s2+$0x1B650]  }
0x21d: {  	[tilespmem:s2+$0x1B5F0] =	vst v7;
	v7 =	vmul.f32 v13, v12;
	v13 =	vld [tilespmem:s2+$0x1B660]  }
0x21e: {  	[tilespmem:s2+$0x1B600] =	vst v8;
	v8 =	vmul.f32 v9, v12;
	v9 =	vbroadcast v1, $0x7;
	v15 =	vld [tilespmem:s2+$0x1B670]  }
0x21f: {  	[tilespmem:s2+$0x1B610] =	vst v7;
	v7 =	vmul.f32 v11, v12;
	v11 =	vld [tilespmem:s2+$0x1B680]  }
0x220: {  	[tilespmem:s2+$0x1B620] =	vst v8;
	v8 =	vmul.f32 v14, v9;
	v12 =	vld [tilespmem:s2+$0x1B690]  }
0x221: {  	[tilespmem:s2+$0x1B630] =	vst v7;
	v7 =	vmul.f32 v10, v9;
	v10 =	vld [tilespmem:s2+$0x1B6A0]  }
0x222: {  	[tilespmem:s2+$0x1B640] =	vst v8;
	v8 =	vmul.f32 v13, v9;
	v13 =	vld [tilespmem:s2+$0x1B6B0]  }
0x223: {  	[tilespmem:s2+$0x1B650] =	vst v7;
	v7 =	vmul.f32 v15, v9;
	v14 =	vld [tilespmem:s2+$0x1B6C0]  }
0x224: {  	[tilespmem:s2+$0x1B660] =	vst v8;
	v8 =	vmul.f32 v11, v9;
	v11 =	vld [tilespmem:s2+$0x1B6D0]  }
0x225: {  	[tilespmem:s2+$0x1B670] =	vst v7;
	v7 =	vmul.f32 v12, v9;
	v12 =	vld [tilespmem:s2+$0x1B6E0]  }
0x226: {  	[tilespmem:s2+$0x1B680] =	vst v8;
	v8 =	vmul.f32 v10, v9;
	v10 =	vbroadcast v1, $0x8;
	v15 =	vld [tilespmem:s2+$0x1B6F0]  }
0x227: {  	[tilespmem:s2+$0x1B690] =	vst v7;
	v7 =	vmul.f32 v13, v9;
	v9 =	vld [tilespmem:s2+$0x1B700]  }
0x228: {  	[tilespmem:s2+$0x1B6A0] =	vst v8;
	v8 =	vmul.f32 v14, v10;
	v13 =	vld [tilespmem:s2+$0x1B710]  }
0x229: {  	[tilespmem:s2+$0x1B6B0] =	vst v7;
	v7 =	vmul.f32 v11, v10;
	v11 =	vld [tilespmem:s2+$0x1B720]  }
0x22a: {  	[tilespmem:s2+$0x1B6C0] =	vst v8;
	v8 =	vmul.f32 v12, v10;
	v12 =	vld [tilespmem:s2+$0x1B730]  }
0x22b: {  	[tilespmem:s2+$0x1B6D0] =	vst v7;
	v7 =	vmul.f32 v15, v10;
	v14 =	vld [tilespmem:s2+$0x1B740]  }
0x22c: {  	[tilespmem:s2+$0x1B6E0] =	vst v8;
	v8 =	vmul.f32 v9, v10;
	v9 =	vld [tilespmem:s2+$0x1B750]  }
0x22d: {  	[tilespmem:s2+$0x1B6F0] =	vst v7;
	v7 =	vmul.f32 v13, v10;
	v13 =	vld [tilespmem:s2+$0x1B760]  }
0x22e: {  	[tilespmem:s2+$0x1B700] =	vst v8;
	v8 =	vmul.f32 v11, v10;
	v11 =	vbroadcast v1, $0x9;
	v15 =	vld [tilespmem:s2+$0x1B770]  }
0x22f: {  	[tilespmem:s2+$0x1B710] =	vst v7;
	v7 =	vmul.f32 v12, v10;
	v10 =	vld [tilespmem:s2+$0x1B780]  }
0x230: {  	[tilespmem:s2+$0x1B720] =	vst v8;
	v8 =	vmul.f32 v14, v11;
	v12 =	vld [tilespmem:s2+$0x1B790]  }
0x231: {  	[tilespmem:s2+$0x1B730] =	vst v7;
	v7 =	vmul.f32 v9, v11;
	v9 =	vld [tilespmem:s2+$0x1B7A0]  }
0x232: {  	[tilespmem:s2+$0x1B740] =	vst v8;
	v8 =	vmul.f32 v13, v11;
	v13 =	vld [tilespmem:s2+$0x1B7B0]  }
0x233: {  	[tilespmem:s2+$0x1B750] =	vst v7;
	v7 =	vmul.f32 v15, v11;
	v14 =	vld [tilespmem:s2+$0x1B7C0]  }
0x234: {  	[tilespmem:s2+$0x1B760] =	vst v8;
	v8 =	vmul.f32 v10, v11;
	v10 =	vld [tilespmem:s2+$0x1B7D0]  }
0x235: {  	[tilespmem:s2+$0x1B770] =	vst v7;
	v7 =	vmul.f32 v12, v11;
	v12 =	vld [tilespmem:s2+$0x1B7E0]  }
0x236: {  	[tilespmem:s2+$0x1B780] =	vst v8;
	v8 =	vmul.f32 v9, v11;
	v9 =	vld [tilespmem:s2+$0x1B7F0]  }
0x237: {  	[tilespmem:s2+$0x1B790] =	vst v7;
	v7 =	vmul.f32 v13, v11;
	v11 =	vld [tilespmem:s2+$0x1B800]  }
0x238: {  	[tilespmem:s2+$0x1B7A0] =	vst v8;
	v8 =	vmul.f32 v14, v4;
	v13 =	vld [tilespmem:s2+$0x1B810]  }
0x239: {  	[tilespmem:s2+$0x1B7B0] =	vst v7;
	v7 =	vmul.f32 v10, v4;
	v10 =	vld [tilespmem:s2+$0x1B820]  }
0x23a: {  	v14 =	vld [tilespmem:s2+$0x1B2C0];
	[tilespmem:s2+$0x1B7C0] =	vst v8;
	v8 =	vmul.f32 v12, v4  }
0x23b: {  	v12 =	vld [tilespmem:s2+$0x1B2D0];
	[tilespmem:s2+$0x1B7D0] =	vst v7;
	v7 =	vmul.f32 v9, v4  }
0x23c: {  	v9 =	vld [tilespmem:s2+$0x1B300];
	[tilespmem:s2+$0x1B7E0] =	vst v8;
	v8 =	vmul.f32 v11, v4  }
0x23d: {  	v11 =	vld [tilespmem:s2+$0x1B310];
	[tilespmem:s2+$0x1B7F0] =	vst v7;
	v7 =	vmul.f32 v13, v4  }
0x23e: {  	[tilespmem:s2+$0x1B800] =	vst v8;
	v8 =	vmul.f32 v10, v4;
	v10 =	vbroadcast v1, $0xB;
	v13 =	vld [tilespmem:s2+$0x1B860]  }
0x23f: {  	v4 =	vbroadcast v1, $0xF;
	v14 =	vmul.f32 v2, v14;
	[tilespmem:s2+$0x1B810] =	vst v7;
	v7 =	vld [tilespmem:s2+$0x1B870]  }
0x240: {  	v12 =	vmul.f32 v12, v2;
	[tilespmem:s2+$0x1B820] =	vst v8;
	v5 =	vmul.f32 v5, v10;
	v8 =	vld [tilespmem:s2+$0x1B880]  }
0x241: {  	v6 =	vmul.f32 v6, v10;
	[tilespmem:s2+$0x1B2C0] =	vst v14;
	v9 =	vmul.f32 v9, v2;
	v14 =	vld [tilespmem:s2+$0x1B890]  }
0x242: {  	v3 =	vmul.f32 v3, v4;
	v11 =	vmul.f32 v11, v2;
	[tilespmem:s2+$0x1B840] =	vst v5;
	v2 =	vld [tilespmem:s2+$0x1B8A0]  }
0x243: {  	[tilespmem:s2+$0x1B850] =	vst v6;
	v5 =	vmul.f32 v13, v10;
	v6 =	vld [tilespmem:s2+$0x1B8B0]  }
0x244: {  	v7 =	vmul.f32 v7, v10;
	v13 =	vld [tilespmem:s2+$0x1B8C0];
	[tilespmem:s2+$0x1BA90] =	vst v3  }
0x245: {  	[tilespmem:s2+$0x1B2D0] =	vst v12;
	v3 =	vmul.f32 v8, v10;
	v8 =	vld [tilespmem:s2+$0x1B8D0]  }
0x246: {  	[tilespmem:s2+$0x1B300] =	vst v9;
	v9 =	vmul.f32 v14, v10;
	v12 =	vld [tilespmem:s2+$0x1B8E0]  }
0x247: {  	v14 =	vbroadcast v1, $0xC;
	[tilespmem:s2+$0x1B860] =	vst v5;
	v5 =	vmul.f32 v2, v10;
	v15 =	vld [tilespmem:s2+$0x1B8F0]  }
0x248: {  	[tilespmem:s2+$0x1B890] =	vst v9;
	v6 =	vmul.f32 v6, v10;
	v9 =	vld [tilespmem:s2+$0x1B900]  }
0x249: {  	[tilespmem:s2+$0x1B870] =	vst v7;
	v2 =	vmul.f32 v13, v14;
	v7 =	vld [tilespmem:s2+$0x1B910]  }
0x24a: {  	[tilespmem:s2+$0x1B880] =	vst v3;
	v3 =	vmul.f32 v8, v14;
	v8 =	vld [tilespmem:s2+$0x1B920]  }
0x24b: {  	[tilespmem:s2+$0x1B8C0] =	vst v2;
	v2 =	vmul.f32 v12, v14;
	v10 =	vld [tilespmem:s2+$0x1B930]  }
0x24c: {  	[tilespmem:s2+$0x1B8D0] =	vst v3;
	v3 =	vld [tilespmem:s2+$0x1B940]  }
0x24d: {  	[tilespmem:s2+$0x1B310] =	vst v11;
	v9 =	vmul.f32 v9, v14;
	v11 =	vld [tilespmem:s2+$0x1B950]  }
0x24e: {  	[tilespmem:s2+$0x1B8A0] =	vst v5;
	v5 =	vmul.f32 v7, v14;
	v7 =	vld [tilespmem:s2+$0x1B960]  }
0x24f: {  	[tilespmem:s2+$0x1B900] =	vst v9;
	v8 =	vmul.f32 v8, v14;
	v9 =	vbroadcast v1, $0xD;
	v12 =	vld [tilespmem:s2+$0x1B970]  }
0x250: {  	[tilespmem:s2+$0x1B910] =	vst v5;
	v5 =	vmul.f32 v10, v14;
	v10 =	vld [tilespmem:s2+$0x1B980]  }
0x251: {  	[tilespmem:s2+$0x1B920] =	vst v8;
	v3 =	vmul.f32 v3, v9;
	v8 =	vld [tilespmem:s2+$0x1B990]  }
0x252: {  	[tilespmem:s2+$0x1B930] =	vst v5;
	v5 =	vmul.f32 v11, v9;
	v11 =	vld [tilespmem:s2+$0x1B9A0]  }
0x253: {  	[tilespmem:s2+$0x1B940] =	vst v3;
	v3 =	vmul.f32 v7, v9;
	v7 =	vld [tilespmem:s2+$0x1B9B0]  }
0x254: {  	[tilespmem:s2+$0x1B950] =	vst v5;
	v5 =	vmul.f32 v12, v9;
	v12 =	vld [tilespmem:s2+$0x1B9C0]  }
0x255: {  	[tilespmem:s2+$0x1B960] =	vst v3;
	v3 =	vmul.f32 v10, v9;
	v10 =	vld [tilespmem:s2+$0x1B9D0]  }
0x256: {  	[tilespmem:s2+$0x1B970] =	vst v5;
	v5 =	vmul.f32 v8, v9;
	v8 =	vld [tilespmem:s2+$0x1B9E0]  }
0x257: {  	v1 =	vbroadcast v1, $0xE;
	[tilespmem:s2+$0x1B8B0] =	vst v6;
	v6 =	vmul.f32 v11, v9;
	v11 =	vld [tilespmem:s2+$0x1B9F0]  }
0x258: {  	[tilespmem:s2+$0x1B990] =	vst v5;
	v5 =	vmul.f32 v7, v9;
	v7 =	vld [tilespmem:s2+$0x1BA00]  }
0x259: {  	[tilespmem:s2+$0x1B9A0] =	vst v6;
	v6 =	vmul.f32 v12, v1;
	v9 =	vld [tilespmem:s2+$0x1BA10]  }
0x25a: {  	[tilespmem:s2+$0x1B9B0] =	vst v5;
	v5 =	vmul.f32 v10, v1;
	v10 =	vld [tilespmem:s2+$0x1BA20]  }
0x25b: {  	[tilespmem:s2+$0x1B9C0] =	vst v6;
	v6 =	vmul.f32 v8, v1;
	v8 =	vld [tilespmem:s2+$0x1BA30]  }
0x25c: {  	[tilespmem:s2+$0x1B9D0] =	vst v5;
	v5 =	vmul.f32 v11, v1;
	v11 =	vld [tilespmem:s2+$0x1BA40]  }
0x25d: {  	[tilespmem:s2+$0x1B9E0] =	vst v6;
	v6 =	vmul.f32 v7, v1;
	v7 =	vld [tilespmem:s2+$0x1BA50]  }
0x25e: {  	[tilespmem:s2+$0x1B9F0] =	vst v5;
	v5 =	vmul.f32 v9, v1;
	v9 =	vld [tilespmem:s2+$0x1BA60]  }
0x25f: {  	[tilespmem:s2+$0x1BA00] =	vst v6;
	v6 =	vmul.f32 v10, v1;
	v10 =	vld [tilespmem:s2+$0x1BA70]  }
0x260: {  	[tilespmem:s2+$0x1B980] =	vst v3;
	v1 =	vmul.f32 v8, v1;
	v3 =	vld [tilespmem:s2+$0x1BA80]  }
0x261: {  	[tilespmem:s2+$0x1BA20] =	vst v6;
	v6 =	vmul.f32 v11, v4;
	v8 =	vld [tilespmem:s2+$0x1BAA0]  }
0x262: {  	[tilespmem:s2+$0x1BA30] =	vst v1;
	v1 =	vmul.f32 v7, v4;
	v7 =	vld [tilespmem:s2+$0x1BAB0]  }
0x263: {  	[tilespmem:s2+$0x1BA40] =	vst v6;
	v6 =	vmul.f32 v9, v4  }
0x264: {  	[tilespmem:s2+$0x1BA50] =	vst v1;
	v1 =	vmul.f32 v10, v4  }
0x265: {  	v9 =	vmul.f32 v15, v14;
	[tilespmem:s2+$0x1BA60] =	vst v6  }
0x266: {  	[tilespmem:s2+$0x1BA70] =	vst v1;
	v1 =	vmul.f32 v3, v4  }
.Ltmp1:
0x267: {  	[tilespmem:s2+$0x1B8F0] =	vst v9;
	v3 =	vmul.f32 v7, v4;
	(pc) =	sbr.rel @p0 .LBB2_5-.Ltmp1, $4  }
0x268: {  	[tilespmem:s2+$0x1BA80] =	vst v1  }
0x269: {  	v1 =	vmul.f32 v8, v4;
	[tilespmem:s2+$0x1BAB0] =	vst v3  }
0x26a: {  	[tilespmem:s2+$0x1BA10] =	vst v5  }
0x26b: {  	[tilespmem:s2+$0x1BAA0] =	vst v1  }
0x26c: {  	[tilespmem:s2+$0x1B8E0] =	vst v2  }
0x26d: {  	s29 =	sadd.s32 $0x1, s29;
	_ =	swait.ge [sflag:s26], $0x50  }
0x26e: {  	p0 =	sne.s32 s29, $0x3E;
	[sflag:s26] =	ssyncset.done $0x0  }
.Ltmp2:
0x26f: {  	[sflag:s26] =	ssyncadd.s32 $0xFFFFFFB0;
	(pc) =	sbr.rel @p0 .LBB2_2-.Ltmp2, $4  }
0x270: {  	[spmem:s5] =	stream.indirect.scatter.add.f32 [tilespmem:s22], [sflag:$0x5], $0x80, s21, s19, $0xb8;
	[tilespmem:$0x1DAC0] =	vst v63  }
0x271: {  	_ =	swait.ge [sflag:s15], $0x2800  }
0x272: {  	[sflag:s15] =	ssyncset.done $0x0  }
0x273: {  	[sflag:s15] =	ssyncadd.s32 $0xFFFFD800  }
0x274: {  	_ =	swait.ge [sflag:s23], $0x2800  }
0x275: {  	s0 =	simm.s32 $0x0;
	[sflag:s23] =	ssyncset.done $0x0  }
0x276: {  	s2 =	simm.s32 $0x0;
	s0 =	sand.u32 $0x3FFFFFF0, s0;
	[sflag:s23] =	ssyncadd.s32 $0xFFFFD800  }
0x277: {  	s2 =	sand.u32 $0x3FFFF800, s2;
	v0 =	vld [tilespmem:s0+$0x189D0]  }
0x278: {  	v6 =	vld [tilespmem:s2+$0x18B80]  }
0x279: {  	v2 =	vld [tilespmem:s2+$0x18AE0]  }
0x27a: {  	v3 =	vld [tilespmem:s2+$0x18AF0]  }
0x27b: {  	v9 =	vld [tilespmem:s2+$0x18B20]  }
0x27c: {  	v10 =	vld [tilespmem:s2+$0x18B30];
	v1 =	vbroadcast v0, $0x0  }
0x27d: {  	v11 =	vld [tilespmem:s2+$0x18B40]  }
0x27e: {  	v12 =	vld [tilespmem:s2+$0x18B50];
	v2 =	vmul.f32 v2, v1  }
0x27f: {  	v13 =	vld [tilespmem:s2+$0x18B60];
	v3 =	vmul.f32 v3, v1  }
0x280: {  	v8 =	vld [tilespmem:s2+$0x18B70];
	v28 =	vbroadcast v0, $0x1;
	v27 =	vmul.f32 v9, v1;
	[tilespmem:s2+$0x18AE0] =	vst v2  }
0x281: {  	v7 =	vld [tilespmem:s2+$0x18B90];
	v10 =	vmul.f32 v10, v1;
	[tilespmem:s2+$0x18AF0] =	vst v3  }
0x282: {  	v5 =	vld [tilespmem:s2+$0x19030];
	v11 =	vmul.f32 v11, v28;
	[tilespmem:s2+$0x18B20] =	vst v27  }
0x283: {  	v30 =	vld [tilespmem:s2+$0x18BB0];
	v12 =	vmul.f32 v12, v28;
	[tilespmem:s2+$0x18B30] =	vst v10  }
0x284: {  	v31 =	vld [tilespmem:s2+$0x18BC0];
	v13 =	vmul.f32 v13, v28;
	[tilespmem:s2+$0x18B40] =	vst v11  }
0x285: {  	v32 =	vld [tilespmem:s2+$0x18BD0];
	v8 =	vmul.f32 v8, v28;
	[tilespmem:s2+$0x18B50] =	vst v12  }
0x286: {  	v29 =	vld [tilespmem:s2+$0x18BA0];
	v6 =	vmul.f32 v6, v28;
	[tilespmem:s2+$0x18B60] =	vst v13  }
0x287: {  	v33 =	vld [tilespmem:s2+$0x18BE0];
	v14 =	vbroadcast v0, $0x2;
	v7 =	vmul.f32 v7, v28;
	[tilespmem:s2+$0x18B70] =	vst v8  }
0x288: {  	v34 =	vld [tilespmem:s2+$0x18BF0];
	v9 =	vmul.f32 v30, v28;
	[tilespmem:s2+$0x18B80] =	vst v6  }
0x289: {  	v35 =	vld [tilespmem:s2+$0x18C00];
	v4 =	vbroadcast v0, $0xA;
	v37 =	vmul.f32 v31, v14;
	[tilespmem:s2+$0x18B90] =	vst v7  }
0x28a: {  	v36 =	vld [tilespmem:s2+$0x18C10];
	v39 =	vmul.f32 v32, v14;
	[tilespmem:s2+$0x18BB0] =	vst v9  }
0x28b: {  	v38 =	vld [tilespmem:s2+$0x18C20];
	v2 =	vmul.f32 v5, v4;
	[tilespmem:s2+$0x18BC0] =	vst v37  }
0x28c: {  	v40 =	vld [tilespmem:s2+$0x18C30];
	v10 =	vmul.f32 v29, v28;
	[tilespmem:s2+$0x18BD0] =	vst v39  }
0x28d: {  	v41 =	vld [tilespmem:s2+$0x18C40];
	v8 =	vmul.f32 v33, v14;
	[tilespmem:s2+$0x19030] =	vst v2  }
0x28e: {  	v42 =	vld [tilespmem:s2+$0x18C50];
	v6 =	vmul.f32 v34, v14;
	[tilespmem:s2+$0x18BA0] =	vst v10  }
0x28f: {  	v43 =	vld [tilespmem:s2+$0x18C60];
	v7 =	vmul.f32 v35, v14;
	[tilespmem:s2+$0x18BE0] =	vst v8  }
0x290: {  	v44 =	vld [tilespmem:s2+$0x18C70];
	v46 =	vbroadcast v0, $0x3;
	v9 =	vmul.f32 v38, v14;
	[tilespmem:s2+$0x18BF0] =	vst v6  }
0x291: {  	v45 =	vld [tilespmem:s2+$0x18C80];
	v11 =	vmul.f32 v40, v14;
	[tilespmem:s2+$0x18C00] =	vst v7  }
0x292: {  	v47 =	vld [tilespmem:s2+$0x18C90];
	v12 =	vmul.f32 v41, v46;
	[tilespmem:s2+$0x18C20] =	vst v9  }
0x293: {  	v48 =	vld [tilespmem:s2+$0x18CA0];
	v10 =	vmul.f32 v36, v14;
	[tilespmem:s2+$0x18C30] =	vst v11  }
0x294: {  	v49 =	vld [tilespmem:s2+$0x18CB0];
	v8 =	vmul.f32 v42, v46;
	[tilespmem:s2+$0x18C40] =	vst v12  }
0x295: {  	v50 =	vld [tilespmem:s2+$0x18CC0];
	v6 =	vmul.f32 v43, v46;
	[tilespmem:s2+$0x18C10] =	vst v10  }
0x296: {  	v51 =	vld [tilespmem:s2+$0x18CD0];
	v7 =	vmul.f32 v44, v46;
	[tilespmem:s2+$0x18C50] =	vst v8  }
0x297: {  	v52 =	vld [tilespmem:s2+$0x18CE0];
	v9 =	vmul.f32 v47, v46;
	[tilespmem:s2+$0x18C60] =	vst v6  }
0x298: {  	v53 =	vld [tilespmem:s2+$0x18CF0];
	v11 =	vmul.f32 v48, v46;
	[tilespmem:s2+$0x18C70] =	vst v7  }
0x299: {  	v54 =	vld [tilespmem:s2+$0x18D00];
	v55 =	vbroadcast v0, $0x4;
	v12 =	vmul.f32 v49, v46;
	[tilespmem:s2+$0x18C90] =	vst v9  }
0x29a: {  	v56 =	vld [tilespmem:s2+$0x18D10];
	v10 =	vmul.f32 v45, v46;
	[tilespmem:s2+$0x18CA0] =	vst v11  }
0x29b: {  	v57 =	vld [tilespmem:s2+$0x18D20];
	v8 =	vmul.f32 v50, v55;
	[tilespmem:s2+$0x18CB0] =	vst v12  }
0x29c: {  	v58 =	vld [tilespmem:s2+$0x18D30];
	v6 =	vmul.f32 v51, v55;
	[tilespmem:s2+$0x18C80] =	vst v10  }
0x29d: {  	v59 =	vld [tilespmem:s2+$0x18D40];
	v7 =	vmul.f32 v52, v55;
	[tilespmem:s2+$0x18CC0] =	vst v8  }
0x29e: {  	v60 =	vld [tilespmem:s2+$0x18D50];
	v9 =	vmul.f32 v54, v55;
	[tilespmem:s2+$0x18CD0] =	vst v6  }
0x29f: {  	v61 =	vld [tilespmem:s2+$0x18D60];
	v11 =	vmul.f32 v56, v55;
	[tilespmem:s2+$0x18CE0] =	vst v7  }
0x2a0: {  	v62 =	vld [tilespmem:s2+$0x18D70];
	v12 =	vmul.f32 v57, v55;
	[tilespmem:s2+$0x18D00] =	vst v9  }
0x2a1: {  	v63 =	vld [tilespmem:s2+$0x18D80];
	v16 =	vbroadcast v0, $0x5;
	v10 =	vmul.f32 v53, v55;
	[tilespmem:s2+$0x18D10] =	vst v11  }
0x2a2: {  	v17 =	vld [tilespmem:s2+$0x18D90];
	v8 =	vmul.f32 v58, v55;
	[tilespmem:s2+$0x18D20] =	vst v12  }
0x2a3: {  	v18 =	vld [tilespmem:s2+$0x18DA0];
	v6 =	vmul.f32 v59, v16;
	[tilespmem:s2+$0x18CF0] =	vst v10  }
0x2a4: {  	v19 =	vld [tilespmem:s2+$0x18DB0];
	v7 =	vmul.f32 v60, v16;
	[tilespmem:s2+$0x18D30] =	vst v8  }
0x2a5: {  	v20 =	vld [tilespmem:s2+$0x18DC0];
	v9 =	vmul.f32 v62, v16;
	[tilespmem:s2+$0x18D40] =	vst v6  }
0x2a6: {  	v21 =	vld [tilespmem:s2+$0x18DD0];
	v11 =	vmul.f32 v63, v16;
	[tilespmem:s2+$0x18D50] =	vst v7  }
0x2a7: {  	v22 =	vld [tilespmem:s2+$0x18DE0];
	v12 =	vmul.f32 v17, v16;
	[tilespmem:s2+$0x18D70] =	vst v9  }
0x2a8: {  	v23 =	vld [tilespmem:s2+$0x18DF0];
	v10 =	vmul.f32 v61, v16;
	[tilespmem:s2+$0x18D80] =	vst v11  }
0x2a9: {  	v24 =	vld [tilespmem:s2+$0x18E00];
	v25 =	vbroadcast v0, $0x6;
	v8 =	vmul.f32 v18, v16;
	[tilespmem:s2+$0x18D90] =	vst v12  }
0x2aa: {  	v56 =	vld [tilespmem:s2+$0x18FC0];
	v6 =	vmul.f32 v19, v16;
	[tilespmem:s2+$0x18D60] =	vst v10  }
0x2ab: {  	v26 =	vld [tilespmem:s2+$0x18E10];
	v7 =	vmul.f32 v20, v25;
	[tilespmem:s2+$0x18DA0] =	vst v8  }
0x2ac: {  	v30 =	vld [tilespmem:s2+$0x18E50];
	v9 =	vmul.f32 v22, v25;
	[tilespmem:s2+$0x18DB0] =	vst v6  }
0x2ad: {  	v27 =	vld [tilespmem:s2+$0x18E20];
	v11 =	vmul.f32 v23, v25;
	[tilespmem:s2+$0x18DC0] =	vst v7  }
0x2ae: {  	v28 =	vld [tilespmem:s2+$0x18E30];
	v12 =	vmul.f32 v24, v25;
	[tilespmem:s2+$0x18DE0] =	vst v9  }
0x2af: {  	v31 =	vld [tilespmem:s2+$0x18E60];
	v62 =	vmul.f32 v56, v4;
	[tilespmem:s2+$0x18DF0] =	vst v11  }
0x2b0: {  	v32 =	vld [tilespmem:s2+$0x18E70];
	v10 =	vmul.f32 v21, v25;
	[tilespmem:s2+$0x18E00] =	vst v12  }
0x2b1: {  	v3 =	vld [tilespmem:s2+$0x19040];
	v8 =	vmul.f32 v26, v25;
	[tilespmem:s2+$0x18FC0] =	vst v62  }
0x2b2: {  	v5 =	vld [tilespmem:s2+$0x19050];
	v34 =	vbroadcast v0, $0x7;
	v6 =	vmul.f32 v27, v25;
	[tilespmem:s2+$0x18DD0] =	vst v10  }
0x2b3: {  	v29 =	vld [tilespmem:s2+$0x18E40];
	v7 =	vmul.f32 v28, v25;
	[tilespmem:s2+$0x18E10] =	vst v8  }
0x2b4: {  	v60 =	vld [tilespmem:s2+$0x19000];
	v9 =	vmul.f32 v30, v34;
	[tilespmem:s2+$0x18E20] =	vst v6  }
0x2b5: {  	v33 =	vld [tilespmem:s2+$0x18E80];
	v24 =	vbroadcast v0, $0xB;
	v11 =	vmul.f32 v31, v34;
	[tilespmem:s2+$0x18E30] =	vst v7  }
0x2b6: {  	v35 =	vld [tilespmem:s2+$0x18E90];
	v12 =	vmul.f32 v32, v34;
	[tilespmem:s2+$0x18E50] =	vst v9  }
0x2b7: {  	v38 =	vld [tilespmem:s2+$0x18EC0];
	v3 =	vmul.f32 v3, v24;
	[tilespmem:s2+$0x18E60] =	vst v11  }
0x2b8: {  	v36 =	vld [tilespmem:s2+$0x18EA0];
	v5 =	vmul.f32 v5, v24;
	[tilespmem:s2+$0x18E70] =	vst v12  }
0x2b9: {  	v2 =	vld [tilespmem:s2+$0x19290];
	v19 =	vmul.f32 v60, v4;
	[tilespmem:s2+$0x19040] =	vst v3  }
0x2ba: {  	v39 =	vld [tilespmem:s2+$0x18ED0];
	v10 =	vmul.f32 v29, v34;
	[tilespmem:s2+$0x19050] =	vst v5  }
0x2bb: {  	v40 =	vld [tilespmem:s2+$0x18EE0];
	v8 =	vmul.f32 v33, v34;
	[tilespmem:s2+$0x19000] =	vst v19  }
0x2bc: {  	v43 =	vbroadcast v0, $0x8;
	v61 =	vld [tilespmem:s2+$0x19010];
	v6 =	vmul.f32 v35, v34;
	[tilespmem:s2+$0x18E40] =	vst v10  }
0x2bd: {  	v16 =	vld [tilespmem:s2+$0x18AC0];
	v7 =	vmul.f32 v36, v34;
	[tilespmem:s2+$0x18E80] =	vst v8  }
0x2be: {  	v37 =	vld [tilespmem:s2+$0x18EB0];
	v9 =	vmul.f32 v38, v43;
	[tilespmem:s2+$0x18E90] =	vst v6  }
0x2bf: {  	v41 =	vld [tilespmem:s2+$0x18EF0];
	v11 =	vmul.f32 v39, v43;
	[tilespmem:s2+$0x18EA0] =	vst v7  }
0x2c0: {  	v42 =	vld [tilespmem:s2+$0x18F00];
	v12 =	vmul.f32 v40, v43;
	[tilespmem:s2+$0x18EC0] =	vst v9  }
0x2c1: {  	v44 =	vld [tilespmem:s2+$0x18F10];
	v21 =	vmul.f32 v61, v4;
	[tilespmem:s2+$0x18ED0] =	vst v11  }
0x2c2: {  	v46 =	vld [tilespmem:s2+$0x18F30];
	v25 =	vmul.f32 v1, v16;
	[tilespmem:s2+$0x18EE0] =	vst v12  }
0x2c3: {  	v47 =	vld [tilespmem:s2+$0x18F40];
	v10 =	vmul.f32 v37, v34;
	[tilespmem:s2+$0x19010] =	vst v21  }
0x2c4: {  	v48 =	vld [tilespmem:s2+$0x18F50];
	v8 =	vmul.f32 v41, v43;
	[tilespmem:s2+$0x18AC0] =	vst v25  }
0x2c5: {  	v6 =	vmul.f32 v42, v43;
	[tilespmem:s2+$0x18EB0] =	vst v10  }
0x2c6: {  	v52 =	vbroadcast v0, $0x9;
	v27 =	vld [tilespmem:s2+$0x19090];
	v7 =	vmul.f32 v44, v43;
	[tilespmem:s2+$0x18EF0] =	vst v8  }
0x2c7: {  	v30 =	vld [tilespmem:s2+$0x190C0];
	v9 =	vmul.f32 v46, v43;
	[tilespmem:s2+$0x18F00] =	vst v6  }
0x2c8: {  	v28 =	vld [tilespmem:s2+$0x190A0];
	v3 =	vbroadcast v0, $0xF;
	v11 =	vmul.f32 v47, v52;
	[tilespmem:s2+$0x18F10] =	vst v7  }
0x2c9: {  	v45 =	vld [tilespmem:s2+$0x18F20];
	v12 =	vmul.f32 v48, v52;
	[tilespmem:s2+$0x18F30] =	vst v9  }
0x2ca: {  	v49 =	vld [tilespmem:s2+$0x18F60];
	v35 =	vbroadcast v0, $0xC;
	v2 =	vmul.f32 v2, v3;
	[tilespmem:s2+$0x18F40] =	vst v11  }
0x2cb: {  	v50 =	vld [tilespmem:s2+$0x18F70];
	v32 =	vmul.f32 v27, v24;
	[tilespmem:s2+$0x18F50] =	vst v12  }
0x2cc: {  	v51 =	vld [tilespmem:s2+$0x18F80];
	v14 =	vmul.f32 v30, v35;
	[tilespmem:s2+$0x19290] =	vst v2  }
0x2cd: {  	v54 =	vld [tilespmem:s2+$0x18FA0];
	v40 =	vmul.f32 v28, v24;
	[tilespmem:s2+$0x19090] =	vst v32  }
0x2ce: {  	v55 =	vld [tilespmem:s2+$0x18FB0];
	v10 =	vmul.f32 v45, v43;
	[tilespmem:s2+$0x190C0] =	vst v14  }
0x2cf: {  	v18 =	vld [tilespmem:s2+$0x18B00];
	v8 =	vmul.f32 v49, v52;
	[tilespmem:s2+$0x190A0] =	vst v40  }
0x2d0: {  	v38 =	vld [tilespmem:s2+$0x19130];
	v6 =	vmul.f32 v50, v52;
	[tilespmem:s2+$0x18F20] =	vst v10  }
0x2d1: {  	v29 =	vld [tilespmem:s2+$0x190B0];
	v7 =	vmul.f32 v51, v52;
	[tilespmem:s2+$0x18F60] =	vst v8  }
0x2d2: {  	v33 =	vld [tilespmem:s2+$0x190F0];
	v9 =	vmul.f32 v54, v52;
	[tilespmem:s2+$0x18F70] =	vst v6  }
0x2d3: {  	v53 =	vld [tilespmem:s2+$0x18F90];
	v11 =	vmul.f32 v55, v52;
	[tilespmem:s2+$0x18F80] =	vst v7  }
0x2d4: {  	v57 =	vld [tilespmem:s2+$0x18FD0];
	v2 =	vmul.f32 v18, v1;
	[tilespmem:s2+$0x18FA0] =	vst v9  }
0x2d5: {  	v58 =	vld [tilespmem:s2+$0x18FE0];
	v14 =	vmul.f32 v38, v35;
	[tilespmem:s2+$0x18FB0] =	vst v11  }
0x2d6: {  	v59 =	vld [tilespmem:s2+$0x18FF0];
	v5 =	vmul.f32 v29, v24;
	[tilespmem:s2+$0x18B00] =	vst v2  }
0x2d7: {  	v63 =	vld [tilespmem:s2+$0x19020];
	v62 =	vmul.f32 v33, v35;
	[tilespmem:s2+$0x19130] =	vst v14  }
0x2d8: {  	v17 =	vld [tilespmem:s2+$0x18AD0];
	v10 =	vmul.f32 v53, v52;
	[tilespmem:s2+$0x190B0] =	vst v5  }
0x2d9: {  	v20 =	vld [tilespmem:s2+$0x18B10];
	v8 =	vmul.f32 v57, v4;
	[tilespmem:s2+$0x190F0] =	vst v62  }
0x2da: {  	v61 =	vld [tilespmem:s2+$0x192B0];
	v6 =	vmul.f32 v58, v4;
	[tilespmem:s2+$0x18F90] =	vst v10  }
0x2db: {  	v46 =	vld [tilespmem:s2+$0x191A0];
	v7 =	vmul.f32 v59, v4;
	[tilespmem:s2+$0x18FD0] =	vst v8  }
0x2dc: {  	v22 =	vld [tilespmem:s2+$0x19060];
	v4 =	vmul.f32 v63, v4;
	[tilespmem:s2+$0x18FE0] =	vst v6  }
0x2dd: {  	v23 =	vld [tilespmem:s2+$0x19070];
	v11 =	vmul.f32 v17, v1;
	[tilespmem:s2+$0x18FF0] =	vst v7  }
0x2de: {  	v26 =	vld [tilespmem:s2+$0x19080];
	v44 =	vbroadcast v0, $0xD;
	v1 =	vmul.f32 v20, v1;
	[tilespmem:s2+$0x19020] =	vst v4  }
0x2df: {  	v31 =	vld [tilespmem:s2+$0x190D0];
	v63 =	vmul.f32 v61, v3;
	[tilespmem:s2+$0x18AD0] =	vst v11  }
0x2e0: {  	v34 =	vld [tilespmem:s2+$0x19100];
	v51 =	vmul.f32 v46, v44;
	[tilespmem:s2+$0x18B10] =	vst v1  }
0x2e1: {  	v41 =	vld [tilespmem:s2+$0x19160];
	v6 =	vmul.f32 v22, v24;
	[tilespmem:s2+$0x192B0] =	vst v63  }
0x2e2: {  	v7 =	vmul.f32 v23, v24;
	v1 =	vld [tilespmem:s2+$0x19150];
	[tilespmem:s2+$0x191A0] =	vst v51  }
0x2e3: {  	v49 =	vld [tilespmem:s2+$0x191E0];
	v4 =	vmul.f32 v26, v24;
	[tilespmem:s2+$0x19060] =	vst v6  }
0x2e4: {  	v50 =	vld [tilespmem:s2+$0x191F0];
	v8 =	vmul.f32 v31, v35;
	[tilespmem:s2+$0x19070] =	vst v7  }
0x2e5: {  	v36 =	vld [tilespmem:s2+$0x19110];
	v11 =	vmul.f32 v34, v35;
	[tilespmem:s2+$0x19080] =	vst v4  }
0x2e6: {  	v37 =	vld [tilespmem:s2+$0x19120];
	v0 =	vbroadcast v0, $0xE;
	v10 =	vmul.f32 v41, v44;
	[tilespmem:s2+$0x190D0] =	vst v8  }
0x2e7: {  	v39 =	vld [tilespmem:s2+$0x19140];
	[tilespmem:s2+$0x19100] =	vst v11;
	v1 =	vmul.f32 v1, v44  }
0x2e8: {  	v42 =	vld [tilespmem:s2+$0x19170];
	v9 =	vmul.f32 v49, v0;
	[tilespmem:s2+$0x19160] =	vst v10  }
0x2e9: {  	v5 =	vmul.f32 v50, v0;
	[tilespmem:s2+$0x19150] =	vst v1;
	v1 =	vld [tilespmem:s2+$0x191C0]  }
0x2ea: {  	v48 =	vld [tilespmem:s2+$0x191D0];
	v7 =	vmul.f32 v36, v35;
	[tilespmem:s2+$0x191E0] =	vst v9  }
0x2eb: {  	v57 =	vld [tilespmem:s2+$0x19260];
	v4 =	vmul.f32 v37, v35;
	[tilespmem:s2+$0x191F0] =	vst v5  }
0x2ec: {  	v45 =	vld [tilespmem:s2+$0x19190];
	v8 =	vmul.f32 v39, v44;
	[tilespmem:s2+$0x19110] =	vst v7  }
0x2ed: {  	v47 =	vld [tilespmem:s2+$0x191B0];
	v11 =	vmul.f32 v42, v44;
	[tilespmem:s2+$0x19120] =	vst v4  }
0x2ee: {  	v43 =	vld [tilespmem:s2+$0x19180];
	[tilespmem:s2+$0x19140] =	vst v8;
	v1 =	vmul.f32 v1, v0  }
0x2ef: {  	v55 =	vld [tilespmem:s2+$0x19240];
	v10 =	vmul.f32 v48, v0;
	[tilespmem:s2+$0x19170] =	vst v11  }
0x2f0: {  	v5 =	vmul.f32 v57, v3;
	[tilespmem:s2+$0x191C0] =	vst v1;
	v1 =	vld [tilespmem:s2+$0x19230]  }
0x2f1: {  	v52 =	vld [tilespmem:s2+$0x19200];
	v4 =	vmul.f32 v45, v44;
	[tilespmem:s2+$0x191D0] =	vst v10  }
0x2f2: {  	v56 =	vld [tilespmem:s2+$0x19250];
	v8 =	vmul.f32 v47, v44;
	[tilespmem:s2+$0x19260] =	vst v5  }
0x2f3: {  	v54 =	vld [tilespmem:s2+$0x19220];
	v7 =	vmul.f32 v43, v44;
	[tilespmem:s2+$0x19190] =	vst v4  }
0x2f4: {  	v58 =	vld [tilespmem:s2+$0x19270];
	v10 =	vmul.f32 v55, v3;
	[tilespmem:s2+$0x191B0] =	vst v8  }
0x2f5: {  	v53 =	vld [tilespmem:s2+$0x19210];
	[tilespmem:s2+$0x19180] =	vst v7;
	v1 =	vmul.f32 v1, v0  }
0x2f6: {  	v59 =	vld [tilespmem:s2+$0x19280];
	v4 =	vmul.f32 v52, v0;
	[tilespmem:s2+$0x19240] =	vst v10  }
0x2f7: {  	v60 =	vld [tilespmem:s2+$0x192A0];
	[tilespmem:s2+$0x19230] =	vst v1;
	v1 =	vmul.f32 v56, v3  }
0x2f8: {  	v8 =	vmul.f32 v54, v0;
	[tilespmem:s2+$0x19200] =	vst v4  }
0x2f9: {  	v2 =	vld [tilespmem:s2+$0x190E0];
	[tilespmem:s2+$0x19250] =	vst v1;
	v1 =	vmul.f32 v58, v3  }
0x2fa: {  	[tilespmem:s2+$0x19220] =	vst v8;
	v0 =	vmul.f32 v53, v0  }
0x2fb: {  	[tilespmem:s2+$0x19270] =	vst v1;
	v1 =	vmul.f32 v59, v3  }
0x2fc: {  	[tilespmem:s2+$0x19210] =	vst v0;
	v3 =	vmul.f32 v60, v3  }
0x2fd: {  	[tilespmem:s2+$0x19280] =	vst v1  }
0x2fe: {  	s0 =	simm.s32 $0x1;
	v1 =	vmul.f32 v2, v35;
	[tilespmem:s2+$0x192A0] =	vst v3  }
.LBB2_8:
0x2ff: {  	s17 =	sshll.u32 s0, $0x4  }
0x300: {  	p0 =	sne.s32 s0, $0x4;
	[tilespmem:s2+$0x190E0] =	vst v1;
	s2 =	smov.u32 s0;
	s0 =	sadd.s32 $0x1, s0  }
0x301: {  	s17 =	sand.u32 $0x3FFFFFF0, s17  }
0x302: {  	s2 =	sshll.u32 s2, $0xB;
	v0 =	vld [tilespmem:s17+$0x189D0]  }
0x303: {  	s2 =	sand.u32 $0x3FFFF800, s2  }
0x304: {  	v7 =	vld [tilespmem:s2+$0x18B80]  }
0x305: {  	v8 =	vld [tilespmem:s2+$0x18B90]  }
0x306: {  	v9 =	vld [tilespmem:s2+$0x18B70]  }
0x307: {  	v1 =	vbroadcast v0, $0x0;
	v2 =	vld [tilespmem:s2+$0x18AE0];
	v6 =	vbroadcast v0, $0x4  }
0x308: {  	v4 =	vld [tilespmem:s2+$0x18AF0]  }
0x309: {  	v5 =	vld [tilespmem:s2+$0x19030]  }
0x30a: {  	v10 =	vld [tilespmem:s2+$0x18B20]  }
0x30b: {  	v11 =	vld [tilespmem:s2+$0x18B30]  }
0x30c: {  	v3 =	vbroadcast v0, $0xA;
	v2 =	vmul.f32 v2, v1;
	v12 =	vld [tilespmem:s2+$0x18B40]  }
0x30d: {  	v4 =	vmul.f32 v4, v1;
	v13 =	vld [tilespmem:s2+$0x18B50]  }
0x30e: {  	[tilespmem:s2+$0x18AE0] =	vst v2;
	v14 =	vld [tilespmem:s2+$0x18B60];
	v2 =	vmul.f32 v5, v3  }
0x30f: {  	[tilespmem:s2+$0x18AF0] =	vst v4;
	v5 =	vmul.f32 v10, v1;
	v10 =	vbroadcast v0, $0x1;
	v4 =	vld [tilespmem:s2+$0x19040]  }
0x310: {  	v11 =	vmul.f32 v11, v1;
	[tilespmem:s2+$0x19030] =	vst v2;
	v2 =	vld [tilespmem:s2+$0x19290]  }
0x311: {  	[tilespmem:s2+$0x18B20] =	vst v5;
	v12 =	vmul.f32 v12, v10;
	v5 =	vld [tilespmem:s2+$0x19050]  }
0x312: {  	[tilespmem:s2+$0x18B30] =	vst v11;
	v11 =	vmul.f32 v13, v10;
	v13 =	vld [tilespmem:s2+$0x18BA0]  }
0x313: {  	[tilespmem:s2+$0x18B40] =	vst v12;
	v12 =	vmul.f32 v14, v10;
	v14 =	vld [tilespmem:s2+$0x18BB0]  }
0x314: {  	v9 =	vmul.f32 v9, v10;
	[tilespmem:s2+$0x18B50] =	vst v11;
	v11 =	vld [tilespmem:s2+$0x18BC0]  }
0x315: {  	v7 =	vmul.f32 v7, v10;
	[tilespmem:s2+$0x18B60] =	vst v12;
	v12 =	vld [tilespmem:s2+$0x18BD0]  }
0x316: {  	v8 =	vmul.f32 v8, v10;
	[tilespmem:s2+$0x18B70] =	vst v9;
	v9 =	vld [tilespmem:s2+$0x18BE0]  }
0x317: {  	[tilespmem:s2+$0x18B80] =	vst v7;
	v7 =	vmul.f32 v13, v10;
	v13 =	vbroadcast v0, $0x2;
	v15 =	vld [tilespmem:s2+$0x18BF0]  }
0x318: {  	[tilespmem:s2+$0x18B90] =	vst v8;
	v8 =	vmul.f32 v14, v10;
	v10 =	vld [tilespmem:s2+$0x18C00]  }
0x319: {  	[tilespmem:s2+$0x18BA0] =	vst v7;
	v7 =	vmul.f32 v11, v13;
	v11 =	vld [tilespmem:s2+$0x18C10]  }
0x31a: {  	[tilespmem:s2+$0x18BB0] =	vst v8;
	v8 =	vmul.f32 v12, v13;
	v12 =	vld [tilespmem:s2+$0x18C20]  }
0x31b: {  	[tilespmem:s2+$0x18BC0] =	vst v7;
	v7 =	vmul.f32 v9, v13;
	v9 =	vld [tilespmem:s2+$0x18C30]  }
0x31c: {  	[tilespmem:s2+$0x18BD0] =	vst v8;
	v8 =	vmul.f32 v15, v13;
	v14 =	vld [tilespmem:s2+$0x18C40]  }
0x31d: {  	[tilespmem:s2+$0x18BE0] =	vst v7;
	v7 =	vmul.f32 v10, v13;
	v10 =	vld [tilespmem:s2+$0x18C50]  }
0x31e: {  	[tilespmem:s2+$0x18BF0] =	vst v8;
	v8 =	vmul.f32 v11, v13;
	v11 =	vld [tilespmem:s2+$0x18C60]  }
0x31f: {  	[tilespmem:s2+$0x18C00] =	vst v7;
	v7 =	vmul.f32 v12, v13;
	v12 =	vbroadcast v0, $0x3;
	v15 =	vld [tilespmem:s2+$0x18C70]  }
0x320: {  	[tilespmem:s2+$0x18C10] =	vst v8;
	v8 =	vmul.f32 v9, v13;
	v9 =	vld [tilespmem:s2+$0x18C80]  }
0x321: {  	[tilespmem:s2+$0x18C20] =	vst v7;
	v7 =	vmul.f32 v14, v12;
	v13 =	vld [tilespmem:s2+$0x18C90]  }
0x322: {  	[tilespmem:s2+$0x18C30] =	vst v8;
	v8 =	vmul.f32 v10, v12;
	v10 =	vld [tilespmem:s2+$0x18CA0]  }
0x323: {  	[tilespmem:s2+$0x18C40] =	vst v7;
	v7 =	vmul.f32 v11, v12;
	v11 =	vld [tilespmem:s2+$0x18CB0]  }
0x324: {  	[tilespmem:s2+$0x18C50] =	vst v8;
	v8 =	vmul.f32 v15, v12;
	v14 =	vld [tilespmem:s2+$0x18CC0]  }
0x325: {  	[tilespmem:s2+$0x18C60] =	vst v7;
	v7 =	vmul.f32 v9, v12;
	v9 =	vld [tilespmem:s2+$0x18CD0]  }
0x326: {  	[tilespmem:s2+$0x18C70] =	vst v8;
	v8 =	vmul.f32 v13, v12;
	v13 =	vld [tilespmem:s2+$0x18CE0]  }
0x327: {  	[tilespmem:s2+$0x18C80] =	vst v7;
	v7 =	vmul.f32 v10, v12;
	v10 =	vld [tilespmem:s2+$0x18CF0]  }
0x328: {  	[tilespmem:s2+$0x18C90] =	vst v8;
	v8 =	vmul.f32 v11, v12;
	v11 =	vld [tilespmem:s2+$0x18D00]  }
0x329: {  	[tilespmem:s2+$0x18CA0] =	vst v7;
	v7 =	vmul.f32 v14, v6;
	v12 =	vld [tilespmem:s2+$0x18D10]  }
0x32a: {  	[tilespmem:s2+$0x18CB0] =	vst v8;
	v8 =	vmul.f32 v9, v6;
	v9 =	vld [tilespmem:s2+$0x18D20]  }
0x32b: {  	[tilespmem:s2+$0x18CC0] =	vst v7;
	v7 =	vmul.f32 v13, v6;
	v13 =	vld [tilespmem:s2+$0x18D30]  }
0x32c: {  	[tilespmem:s2+$0x18CD0] =	vst v8;
	v8 =	vmul.f32 v10, v6;
	v10 =	vld [tilespmem:s2+$0x18D40]  }
0x32d: {  	[tilespmem:s2+$0x18CE0] =	vst v7;
	v7 =	vmul.f32 v11, v6;
	v11 =	vld [tilespmem:s2+$0x18D50]  }
0x32e: {  	[tilespmem:s2+$0x18CF0] =	vst v8;
	v8 =	vmul.f32 v12, v6;
	v12 =	vld [tilespmem:s2+$0x18D60]  }
0x32f: {  	[tilespmem:s2+$0x18D00] =	vst v7;
	v7 =	vmul.f32 v9, v6;
	v9 =	vbroadcast v0, $0x5;
	v14 =	vld [tilespmem:s2+$0x18D70]  }
0x330: {  	[tilespmem:s2+$0x18D10] =	vst v8;
	v6 =	vmul.f32 v13, v6;
	v8 =	vld [tilespmem:s2+$0x18D80]  }
0x331: {  	[tilespmem:s2+$0x18D20] =	vst v7;
	v7 =	vmul.f32 v10, v9;
	v10 =	vld [tilespmem:s2+$0x18D90]  }
0x332: {  	[tilespmem:s2+$0x18D30] =	vst v6;
	v6 =	vmul.f32 v11, v9;
	v11 =	vld [tilespmem:s2+$0x18DA0]  }
0x333: {  	[tilespmem:s2+$0x18D40] =	vst v7;
	v7 =	vmul.f32 v12, v9;
	v12 =	vld [tilespmem:s2+$0x18DB0]  }
0x334: {  	[tilespmem:s2+$0x18D50] =	vst v6;
	v6 =	vmul.f32 v14, v9;
	v13 =	vld [tilespmem:s2+$0x18DC0]  }
0x335: {  	[tilespmem:s2+$0x18D60] =	vst v7;
	v7 =	vmul.f32 v8, v9;
	v8 =	vld [tilespmem:s2+$0x18DD0]  }
0x336: {  	[tilespmem:s2+$0x18D70] =	vst v6;
	v6 =	vmul.f32 v10, v9;
	v10 =	vld [tilespmem:s2+$0x18DE0]  }
0x337: {  	[tilespmem:s2+$0x18D80] =	vst v7;
	v7 =	vmul.f32 v11, v9;
	v11 =	vbroadcast v0, $0x6;
	v14 =	vld [tilespmem:s2+$0x18DF0]  }
0x338: {  	[tilespmem:s2+$0x18D90] =	vst v6;
	v6 =	vmul.f32 v12, v9;
	v9 =	vld [tilespmem:s2+$0x18E00]  }
0x339: {  	[tilespmem:s2+$0x18DA0] =	vst v7;
	v7 =	vmul.f32 v13, v11;
	v12 =	vld [tilespmem:s2+$0x18E10]  }
0x33a: {  	[tilespmem:s2+$0x18DB0] =	vst v6;
	v6 =	vmul.f32 v8, v11;
	v8 =	vld [tilespmem:s2+$0x18E20]  }
0x33b: {  	[tilespmem:s2+$0x18DC0] =	vst v7;
	v7 =	vmul.f32 v10, v11;
	v10 =	vld [tilespmem:s2+$0x18E30]  }
0x33c: {  	[tilespmem:s2+$0x18DD0] =	vst v6;
	v6 =	vmul.f32 v14, v11;
	v13 =	vld [tilespmem:s2+$0x18E40]  }
0x33d: {  	[tilespmem:s2+$0x18DE0] =	vst v7;
	v7 =	vmul.f32 v9, v11;
	v9 =	vld [tilespmem:s2+$0x18E50]  }
0x33e: {  	[tilespmem:s2+$0x18DF0] =	vst v6;
	v6 =	vmul.f32 v12, v11;
	v12 =	vld [tilespmem:s2+$0x18E60]  }
0x33f: {  	[tilespmem:s2+$0x18E00] =	vst v7;
	v7 =	vmul.f32 v8, v11;
	v8 =	vbroadcast v0, $0x7;
	v14 =	vld [tilespmem:s2+$0x18E70]  }
0x340: {  	[tilespmem:s2+$0x18E10] =	vst v6;
	v6 =	vmul.f32 v10, v11;
	v10 =	vld [tilespmem:s2+$0x18E80]  }
0x341: {  	[tilespmem:s2+$0x18E20] =	vst v7;
	v7 =	vmul.f32 v13, v8;
	v11 =	vld [tilespmem:s2+$0x18E90]  }
0x342: {  	[tilespmem:s2+$0x18E30] =	vst v6;
	v6 =	vmul.f32 v9, v8;
	v9 =	vld [tilespmem:s2+$0x18EA0]  }
0x343: {  	[tilespmem:s2+$0x18E40] =	vst v7;
	v7 =	vmul.f32 v12, v8;
	v12 =	vld [tilespmem:s2+$0x18EB0]  }
0x344: {  	[tilespmem:s2+$0x18E50] =	vst v6;
	v6 =	vmul.f32 v14, v8;
	v13 =	vld [tilespmem:s2+$0x18EC0]  }
0x345: {  	[tilespmem:s2+$0x18E60] =	vst v7;
	v7 =	vmul.f32 v10, v8;
	v10 =	vld [tilespmem:s2+$0x18ED0]  }
0x346: {  	[tilespmem:s2+$0x18E70] =	vst v6;
	v6 =	vmul.f32 v11, v8;
	v11 =	vld [tilespmem:s2+$0x18EE0]  }
0x347: {  	[tilespmem:s2+$0x18E80] =	vst v7;
	v7 =	vmul.f32 v9, v8;
	v9 =	vbroadcast v0, $0x8;
	v14 =	vld [tilespmem:s2+$0x18EF0]  }
0x348: {  	[tilespmem:s2+$0x18E90] =	vst v6;
	v6 =	vmul.f32 v12, v8;
	v8 =	vld [tilespmem:s2+$0x18F00]  }
0x349: {  	[tilespmem:s2+$0x18EA0] =	vst v7;
	v7 =	vmul.f32 v13, v9;
	v12 =	vld [tilespmem:s2+$0x18F10]  }
0x34a: {  	[tilespmem:s2+$0x18EB0] =	vst v6;
	v6 =	vmul.f32 v10, v9;
	v10 =	vld [tilespmem:s2+$0x18F20]  }
0x34b: {  	[tilespmem:s2+$0x18EC0] =	vst v7;
	v7 =	vmul.f32 v11, v9;
	v11 =	vld [tilespmem:s2+$0x18F30]  }
0x34c: {  	[tilespmem:s2+$0x18ED0] =	vst v6;
	v6 =	vmul.f32 v14, v9;
	v13 =	vld [tilespmem:s2+$0x18F40]  }
0x34d: {  	[tilespmem:s2+$0x18EE0] =	vst v7;
	v7 =	vmul.f32 v8, v9;
	v8 =	vld [tilespmem:s2+$0x18F50]  }
0x34e: {  	[tilespmem:s2+$0x18EF0] =	vst v6;
	v6 =	vmul.f32 v12, v9;
	v12 =	vld [tilespmem:s2+$0x18F60]  }
0x34f: {  	[tilespmem:s2+$0x18F00] =	vst v7;
	v7 =	vmul.f32 v10, v9;
	v10 =	vbroadcast v0, $0x9;
	v14 =	vld [tilespmem:s2+$0x18F70]  }
0x350: {  	[tilespmem:s2+$0x18F10] =	vst v6;
	v6 =	vmul.f32 v11, v9;
	v9 =	vld [tilespmem:s2+$0x18F80]  }
0x351: {  	[tilespmem:s2+$0x18F20] =	vst v7;
	v7 =	vmul.f32 v13, v10;
	v11 =	vld [tilespmem:s2+$0x18F90]  }
0x352: {  	[tilespmem:s2+$0x18F30] =	vst v6;
	v6 =	vmul.f32 v8, v10;
	v8 =	vld [tilespmem:s2+$0x18FA0]  }
0x353: {  	[tilespmem:s2+$0x18F40] =	vst v7;
	v7 =	vmul.f32 v12, v10;
	v12 =	vld [tilespmem:s2+$0x18FB0]  }
0x354: {  	[tilespmem:s2+$0x18F50] =	vst v6;
	v6 =	vmul.f32 v14, v10;
	v13 =	vld [tilespmem:s2+$0x18FC0]  }
0x355: {  	[tilespmem:s2+$0x18F60] =	vst v7;
	v7 =	vmul.f32 v9, v10;
	v9 =	vld [tilespmem:s2+$0x18FD0]  }
0x356: {  	[tilespmem:s2+$0x18F70] =	vst v6;
	v6 =	vmul.f32 v11, v10;
	v11 =	vld [tilespmem:s2+$0x18FE0]  }
0x357: {  	[tilespmem:s2+$0x18F80] =	vst v7;
	v7 =	vmul.f32 v8, v10;
	v8 =	vld [tilespmem:s2+$0x18FF0]  }
0x358: {  	[tilespmem:s2+$0x18F90] =	vst v6;
	v6 =	vmul.f32 v12, v10;
	v10 =	vld [tilespmem:s2+$0x19000]  }
0x359: {  	[tilespmem:s2+$0x18FA0] =	vst v7;
	v7 =	vmul.f32 v13, v3;
	v12 =	vld [tilespmem:s2+$0x19010]  }
0x35a: {  	[tilespmem:s2+$0x18FB0] =	vst v6;
	v6 =	vmul.f32 v9, v3;
	v9 =	vld [tilespmem:s2+$0x19020]  }
0x35b: {  	v13 =	vld [tilespmem:s2+$0x18AC0];
	[tilespmem:s2+$0x18FC0] =	vst v7;
	v7 =	vmul.f32 v11, v3  }
0x35c: {  	v11 =	vld [tilespmem:s2+$0x18AD0];
	[tilespmem:s2+$0x18FD0] =	vst v6;
	v6 =	vmul.f32 v8, v3  }
0x35d: {  	v8 =	vld [tilespmem:s2+$0x18B00];
	[tilespmem:s2+$0x18FE0] =	vst v7;
	v7 =	vmul.f32 v10, v3  }
0x35e: {  	v10 =	vld [tilespmem:s2+$0x18B10];
	[tilespmem:s2+$0x18FF0] =	vst v6;
	v6 =	vmul.f32 v12, v3  }
0x35f: {  	[tilespmem:s2+$0x19000] =	vst v7;
	v7 =	vmul.f32 v9, v3;
	v9 =	vbroadcast v0, $0xB;
	v12 =	vld [tilespmem:s2+$0x19060]  }
0x360: {  	v3 =	vbroadcast v0, $0xF;
	v13 =	vmul.f32 v1, v13;
	[tilespmem:s2+$0x19010] =	vst v6;
	v6 =	vld [tilespmem:s2+$0x19070]  }
0x361: {  	v11 =	vmul.f32 v11, v1;
	[tilespmem:s2+$0x19020] =	vst v7;
	v4 =	vmul.f32 v4, v9;
	v7 =	vld [tilespmem:s2+$0x19080]  }
0x362: {  	v5 =	vmul.f32 v5, v9;
	[tilespmem:s2+$0x18AC0] =	vst v13;
	v8 =	vmul.f32 v8, v1;
	v13 =	vld [tilespmem:s2+$0x19090]  }
0x363: {  	v2 =	vmul.f32 v2, v3;
	v10 =	vmul.f32 v10, v1;
	[tilespmem:s2+$0x19040] =	vst v4;
	v1 =	vld [tilespmem:s2+$0x190A0]  }
0x364: {  	[tilespmem:s2+$0x19050] =	vst v5;
	v4 =	vmul.f32 v12, v9;
	v5 =	vld [tilespmem:s2+$0x190B0]  }
0x365: {  	v6 =	vmul.f32 v6, v9;
	v12 =	vld [tilespmem:s2+$0x190C0];
	[tilespmem:s2+$0x19290] =	vst v2  }
0x366: {  	[tilespmem:s2+$0x18AD0] =	vst v11;
	v2 =	vmul.f32 v7, v9;
	v7 =	vld [tilespmem:s2+$0x190D0]  }
0x367: {  	[tilespmem:s2+$0x18B00] =	vst v8;
	v8 =	vmul.f32 v13, v9;
	v11 =	vld [tilespmem:s2+$0x190E0]  }
0x368: {  	v13 =	vbroadcast v0, $0xC;
	[tilespmem:s2+$0x19060] =	vst v4;
	v4 =	vmul.f32 v1, v9;
	v14 =	vld [tilespmem:s2+$0x190F0]  }
0x369: {  	[tilespmem:s2+$0x19090] =	vst v8;
	v5 =	vmul.f32 v5, v9;
	v8 =	vld [tilespmem:s2+$0x19100]  }
0x36a: {  	[tilespmem:s2+$0x19070] =	vst v6;
	v1 =	vmul.f32 v12, v13;
	v6 =	vld [tilespmem:s2+$0x19110]  }
0x36b: {  	[tilespmem:s2+$0x19080] =	vst v2;
	v2 =	vmul.f32 v7, v13;
	v7 =	vld [tilespmem:s2+$0x19120]  }
0x36c: {  	[tilespmem:s2+$0x190C0] =	vst v1;
	v1 =	vmul.f32 v11, v13;
	v9 =	vld [tilespmem:s2+$0x19130]  }
0x36d: {  	[tilespmem:s2+$0x190D0] =	vst v2;
	v2 =	vld [tilespmem:s2+$0x19140]  }
0x36e: {  	[tilespmem:s2+$0x18B10] =	vst v10;
	v8 =	vmul.f32 v8, v13;
	v10 =	vld [tilespmem:s2+$0x19150]  }
0x36f: {  	[tilespmem:s2+$0x190A0] =	vst v4;
	v4 =	vmul.f32 v6, v13;
	v6 =	vld [tilespmem:s2+$0x19160]  }
0x370: {  	[tilespmem:s2+$0x19100] =	vst v8;
	v7 =	vmul.f32 v7, v13;
	v8 =	vbroadcast v0, $0xD;
	v11 =	vld [tilespmem:s2+$0x19170]  }
0x371: {  	[tilespmem:s2+$0x19110] =	vst v4;
	v4 =	vmul.f32 v9, v13;
	v9 =	vld [tilespmem:s2+$0x19180]  }
0x372: {  	[tilespmem:s2+$0x19120] =	vst v7;
	v2 =	vmul.f32 v2, v8;
	v7 =	vld [tilespmem:s2+$0x19190]  }
0x373: {  	[tilespmem:s2+$0x19130] =	vst v4;
	v4 =	vmul.f32 v10, v8;
	v10 =	vld [tilespmem:s2+$0x191A0]  }
0x374: {  	[tilespmem:s2+$0x19140] =	vst v2;
	v2 =	vmul.f32 v6, v8;
	v6 =	vld [tilespmem:s2+$0x191B0]  }
0x375: {  	[tilespmem:s2+$0x19150] =	vst v4;
	v4 =	vmul.f32 v11, v8;
	v11 =	vld [tilespmem:s2+$0x191C0]  }
0x376: {  	[tilespmem:s2+$0x19160] =	vst v2;
	v2 =	vmul.f32 v9, v8;
	v9 =	vld [tilespmem:s2+$0x191D0]  }
0x377: {  	[tilespmem:s2+$0x19170] =	vst v4;
	v4 =	vmul.f32 v7, v8;
	v7 =	vld [tilespmem:s2+$0x191E0]  }
0x378: {  	v0 =	vbroadcast v0, $0xE;
	[tilespmem:s2+$0x190B0] =	vst v5;
	v5 =	vmul.f32 v10, v8;
	v10 =	vld [tilespmem:s2+$0x191F0]  }
0x379: {  	[tilespmem:s2+$0x19190] =	vst v4;
	v4 =	vmul.f32 v6, v8;
	v6 =	vld [tilespmem:s2+$0x19200]  }
0x37a: {  	[tilespmem:s2+$0x191A0] =	vst v5;
	v5 =	vmul.f32 v11, v0;
	v8 =	vld [tilespmem:s2+$0x19210]  }
0x37b: {  	[tilespmem:s2+$0x191B0] =	vst v4;
	v4 =	vmul.f32 v9, v0;
	v9 =	vld [tilespmem:s2+$0x19220]  }
0x37c: {  	[tilespmem:s2+$0x191C0] =	vst v5;
	v5 =	vmul.f32 v7, v0;
	v7 =	vld [tilespmem:s2+$0x19230]  }
0x37d: {  	[tilespmem:s2+$0x191D0] =	vst v4;
	v4 =	vmul.f32 v10, v0;
	v10 =	vld [tilespmem:s2+$0x19240]  }
0x37e: {  	[tilespmem:s2+$0x191E0] =	vst v5;
	v5 =	vmul.f32 v6, v0;
	v6 =	vld [tilespmem:s2+$0x19250]  }
0x37f: {  	[tilespmem:s2+$0x191F0] =	vst v4;
	v4 =	vmul.f32 v8, v0;
	v8 =	vld [tilespmem:s2+$0x19260]  }
0x380: {  	[tilespmem:s2+$0x19200] =	vst v5;
	v5 =	vmul.f32 v9, v0;
	v9 =	vld [tilespmem:s2+$0x19270]  }
0x381: {  	[tilespmem:s2+$0x19180] =	vst v2;
	v0 =	vmul.f32 v7, v0;
	v2 =	vld [tilespmem:s2+$0x19280]  }
0x382: {  	[tilespmem:s2+$0x19220] =	vst v5;
	v5 =	vmul.f32 v10, v3;
	v7 =	vld [tilespmem:s2+$0x192A0]  }
0x383: {  	[tilespmem:s2+$0x19230] =	vst v0;
	v0 =	vmul.f32 v6, v3;
	v6 =	vld [tilespmem:s2+$0x192B0]  }
0x384: {  	[tilespmem:s2+$0x19240] =	vst v5;
	v5 =	vmul.f32 v8, v3  }
0x385: {  	[tilespmem:s2+$0x19250] =	vst v0;
	v0 =	vmul.f32 v9, v3  }
0x386: {  	v8 =	vmul.f32 v14, v13;
	[tilespmem:s2+$0x19260] =	vst v5  }
0x387: {  	[tilespmem:s2+$0x19270] =	vst v0;
	v0 =	vmul.f32 v2, v3  }
.Ltmp3:
0x388: {  	[tilespmem:s2+$0x190F0] =	vst v8;
	v2 =	vmul.f32 v6, v3;
	(pc) =	sbr.rel @p0 .LBB2_8-.Ltmp3, $4  }
0x389: {  	[tilespmem:s2+$0x19280] =	vst v0  }
0x38a: {  	v0 =	vmul.f32 v7, v3;
	[tilespmem:s2+$0x192B0] =	vst v2  }
0x38b: {  	[tilespmem:s2+$0x19210] =	vst v4  }
0x38c: {  	[tilespmem:s2+$0x192A0] =	vst v0  }
0x38d: {  	[tilespmem:s2+$0x190E0] =	vst v1  }
0x38e: {  	_ =	swait.ge [sflag:s24], $0x50  }
0x38f: {  	[sflag:s24] =	ssyncset.done $0x0  }
0x390: {  	[sflag:s24] =	ssyncadd.s32 $0xFFFFFFB0  }
0x391: {  	[spmem:s5] =	stream.indirect.scatter.add.f32 [tilespmem:s20], [sflag:$0x5], $0x80, s18, s19, $0xb8;
	[tilespmem:$0x1DAC0] =	vst v63  }
0x392: {  	_ =	swait.ge [sflag:s15], $0x2800  }
0x393: {  	s28 =	sadd.s32 $0x1, s28;
	[sflag:s15] =	ssyncset.done $0x0  }
0x394: {  	p0 =	sne.s32 s28, s13;
	[sflag:s15] =	ssyncadd.s32 $0xFFFFD800  }
.Ltmp4:
0x395: {  	[bflag:$0x0] =	sbarrier.arrive $0xFFFF;
	(pc) =	sbr.rel @p0 .LBB2_1-.Ltmp4, $4  }
0x396: {  	[hbm:s12], [sflag:s8] =	dma.local [spmem:s14], $0x2780  }
0x397: {  	_ =	swait.ge [sflag:s15], $0x2780  }
0x398: {  	[sflag:s15] =	ssyncset.done $0x0  }
0x399: {  	[sflag:s15] =	ssyncadd.s32 $0xFFFFD880  }
0x39a: {  	_ =	sfence.sel $0x180000  }
0x39b: {  	[bflag:$0x0] =	sbarrier.arrive $0xFFFF  }
0x39c: {  	_ =	strace $0x90000047  }
0x39d: {  	s0 =	stileid.u32;
	[bflag:$0x2] =	sbarrier.arrive $0xFFFF  }
0x39e: {  	p0 =	sne.s32 s0, $0x0;
	s0 =	rddreg [dreg:$0x5]  }
0x39f: {  	s0 =	sadd.s32 @!p0 $0x100000, s0  }
0x3a0: {  	[sflag:s0] =	ssyncadd.tile.s32 @!p0 $0x1;
	_ =	shalt  }
.Lfunc_end2:
_tile_overlayer_lowered:
.L_overlay_start_2:
0x3a1: {  	(tag) =	ssettag $0x2  }
0x3a2: {  	s0 =	rddreg [dreg:$0x0];
	s2 =	stileid.u32  }
0x3a3: {  	s1 =	rddreg [dreg:$0x1];
	p0 =	sne.s32 s2, $0x0  }
0x3a4: {  	s3 =	rddreg [dreg:$0x2];
	[bflag:$0x3] =	sbarrier.arrive $0xFFFF;
	s2 =	simm.s32 @!p0 $0x1C05  }
0x3a5: {  	[timem:s3], [sflag:s2] =	dma.local @!p0 [hbm:s0], s1  }
0x3a6: {  	s0 =	simm.s32 @!p0 $0x5  }
0x3a7: {  	_ =	swait.ge @!p0 [sflag:s0], s1  }
0x3a8: {  	s1 =	ssub.s32 @!p0 $0x0, s1;
	[sflag:s0] =	ssyncset.done @!p0 $0x0  }
0x3a9: {  	[sflag:s0] =	ssyncadd.s32 @!p0 s1  }
0x3aa: {  	[bflag:$0x3] =	sbarrier.arrive $0xFFFF  }
0x3ab: {  	_ =	shalt  }

</sc_bundles>
